<compile_context>
chip_gen: v7x
topology: tpu7x:2x2x1
jax: 0.10.2.dev20260603
libtpu: 0.0.44.dev20260713+nightly
codegen_flags: <defaults>
</compile_context>

<pallas_src>
import functools

import jax
import jax.numpy as jnp
import numpy as np
from jax import lax
from jax.experimental import pallas as pl
from jax.experimental.pallas import tpu as pltpu
from jax.experimental.pallas import tpu_sc as plsc

NUM_LODS = 16
FEATURE_DIM = 2
TABLE_SIZE = 2 ** 19
MIN_RES = 16
MAX_RES = 512
P1 = 2654435761
P2 = 805459861
MASK = TABLE_SIZE - 1

L = 16
NW = 32
CHUNK = 256
NGROUP = CHUNK // L
BLK = 16


def _resolutions():
    b = np.exp((np.log(MAX_RES) - np.log(MIN_RES)) / (NUM_LODS - 1))
    return [int(np.floor(MIN_RES * (b ** l))) for l in range(NUM_LODS)]


_RES_BCAST = np.broadcast_to(
    np.array(_resolutions(), np.float32)[:, None], (NUM_LODS, L)).copy()
_LOFS_BCAST = np.broadcast_to(
    (np.arange(NUM_LODS, dtype=np.int32) * TABLE_SIZE)[:, None],
    (NUM_LODS, L)).copy()

_OFFS = [(i, j, k) for i in (0, 1) for j in (0, 1) for k in (0, 1)]


def _encoder_body(n_points, coords_hbm, tables_hbm, resb_hbm, lofs_hbm,
                  out_hbm, cx, cy, cz, acc, resv, lofsv, sem0, sem1,
                  semo, *cbufs):
    idxb = (cbufs[0:8], cbufs[8:16])
    rows = (cbufs[16:24], cbufs[24:32])
    wb = (cbufs[32], cbufs[33])
    wofs = (cbufs[34], cbufs[35])
    sems = (sem0, sem1)
    per_worker = n_points // NW
    n_chunks = per_worker // CHUNK
    wid = lax.axis_index("s") * 2 + lax.axis_index("c")
    base = wid * per_worker

    pltpu.sync_copy(resb_hbm, resv)
    pltpu.sync_copy(lofs_hbm, lofsv)

    iota = lax.iota(jnp.int32, L)
    fiota = iota.astype(jnp.float32) * 0.0
    onef = fiota + 1.0

    def idx_phase(lvl, p):
        res = resv[lvl, :]
        lofs = lofsv[lvl, :]

        def idx_group(g, _):
            p0 = g * L
            fx = cx[pl.ds(p0, L)] * res
            fy = cy[pl.ds(p0, L)] * res
            fz = cz[pl.ds(p0, L)] * res
            px = fx.astype(jnp.int32)
            py = fy.astype(jnp.int32)
            pz = fz.astype(jnp.int32)
            rx = fx - px.astype(jnp.float32)
            ry = fy - py.astype(jnp.float32)
            rz = fz - pz.astype(jnp.float32)
            a0 = px.astype(jnp.uint32)
            a1 = py.astype(jnp.uint32) * jnp.uint32(P1)
            a2 = pz.astype(jnp.uint32) * jnp.uint32(P2)
            wx = (onef - rx, rx)
            wy = (onef - ry, ry)
            wz = (onef - rz, rz)
            ha = (a0, a0 + jnp.uint32(1))
            hb = (a1, a1 + jnp.uint32(P1))
            hc = (a2, a2 + jnp.uint32(P2))
            for ci, (i, j, k) in enumerate(_OFFS):
                h = ha[i] ^ hb[j] ^ hc[k]
                row = (h & jnp.uint32(MASK)).astype(jnp.int32) + lofs
                idxb[p][ci][pl.ds(p0, L)] = lax.shift_right_logical(row, 3)
                wofs[p][ci, pl.ds(p0, L)] = lax.shift_left(row & 7, 1)
                wb[p][ci, pl.ds(p0, L)] = wx[i] * wy[j] * wz[k]
            return 0

        lax.fori_loop(0, NGROUP, idx_group, 0)

    def fire(p):
        for ci in range(8):
            pltpu.async_copy(tables_hbm.at[idxb[p][ci]], rows[p][ci],
                             sems[p])

    def drain(p):
        for ci in range(8):
            pltpu.make_async_copy(tables_hbm.at[idxb[p][ci]], rows[p][ci],
                                  sems[p]).wait()

    def comb_phase(lvl, p):
        fo = (lax.shift_right_logical(lvl, 2) * 2048
              + ((2 * lvl) & 7) * 128)

        def comb_group(g, _):
            p0 = g * L
            pv = p0 + iota
            acc0 = fiota
            acc1 = fiota
            for ci in range(8):
                lov = wofs[p][ci, pl.ds(p0, L)]
                f0 = plsc.load_gather(rows[p][ci], [pv, lov])
                f1 = plsc.load_gather(rows[p][ci], [pv, lov + 1])
                w = wb[p][ci, pl.ds(p0, L)]
                acc0 = acc0 + w * f0
                acc1 = acc1 + w * f1
            q = fo + (p0 & 127) + lax.shift_right_logical(p0, 7) * 1024
            acc[pl.ds(q, L)] = acc0
            acc[pl.ds(q + 128, L)] = acc1
            return 0

        lax.fori_loop(0, NGROUP, comb_group, 0)

    def chunk_body(ch, _):
        cbase = base + ch * CHUNK
        cb = lax.shift_right_logical(cbase, 9)
        cst = lax.shift_right_logical(cbase, 7) & 3
        strip = ((lax.shift_right_logical(cb, 3) * 4 + cst) * 1024
                 + (cb & 7) * 128)
        plane = n_points
        for sb in range(2):
            src = strip + sb * 1024
            pltpu.sync_copy(coords_hbm.at[pl.ds(src, 128)],
                            cx.at[pl.ds(sb * 128, 128)])
            pltpu.sync_copy(coords_hbm.at[pl.ds(plane + src, 128)],
                            cy.at[pl.ds(sb * 128, 128)])
            pltpu.sync_copy(coords_hbm.at[pl.ds(2 * plane + src, 128)],
                            cz.at[pl.ds(sb * 128, 128)])

        idx_phase(0, 0)
        fire(0)
        idx_phase(1, 1)
        fire(1)

        @pl.when(ch > 0)
        def _():
            drain_out(base + (ch - 1) * CHUNK)

        def pair_body(k, _):
            l0 = 2 * k
            drain(0)
            comb_phase(l0, 0)
            idx_phase(l0 + 2, 0)
            fire(0)
            drain(1)
            comb_phase(l0 + 1, 1)
            idx_phase(l0 + 3, 1)
            fire(1)
            return 0

        lax.fori_loop(0, (NUM_LODS - 2) // 2, pair_body, 0)
        drain(0)
        comb_phase(NUM_LODS - 2, 0)
        drain(1)
        comb_phase(NUM_LODS - 1, 1)
        b = lax.shift_right_logical(cbase, 9)
        st = lax.shift_right_logical(cbase, 7) & 3
        for ft in range(4):
            for sb in range(2):
                pltpu.async_copy(
                    acc.at[pl.ds(ft * 2048 + sb * 1024, 1024)],
                    out_hbm.at[pl.ds(
                        ((b * 4 + ft) * 4 + st + sb) * 1024, 1024)],
                    semo)
        return 0

    def drain_out(cbase):
        b = lax.shift_right_logical(cbase, 9)
        st = lax.shift_right_logical(cbase, 7) & 3
        for ft in range(4):
            for sb in range(2):
                pltpu.make_async_copy(
                    acc.at[pl.ds(ft * 2048 + sb * 1024, 1024)],
                    out_hbm.at[pl.ds(
                        ((b * 4 + ft) * 4 + st + sb) * 1024, 1024)],
                    semo).wait()

    lax.fori_loop(0, n_chunks, chunk_body, 0)
    drain_out(base + (n_chunks - 1) * CHUNK)


def _relayout_body(t_nat, t_out, stage, outbuf):
    wid = lax.axis_index("s") * 2 + lax.axis_index("c")
    base = wid * 2048
    iota = lax.iota(jnp.int32, L)

    def chunk(c, _):
        gbase = (base + c * 64) * 256
        pltpu.sync_copy(t_nat.at[pl.ds(gbase, 16384)], stage)

        def group(g, _):
            o = g * 256
            for s in range(8):
                f0 = stage[pl.ds(o + s * 16, L)]
                f1 = stage[pl.ds(o + 128 + s * 16, L)]
                oi = o + 32 * s + 2 * iota
                plsc.store_scatter(outbuf, [oi], f0)
                plsc.store_scatter(outbuf, [oi + 1], f1)
            return 0

        lax.fori_loop(0, 64, group, 0)
        pltpu.sync_copy(outbuf, t_out.at[pl.ds(gbase, 16384)])
        return 0

    lax.fori_loop(0, 32, chunk, 0)


def kernel(coords, tables):
    batch, num_samples, _ = coords.shape
    n = batch * num_samples
    coords_flat = (coords.transpose(2, 0, 1)
                   .reshape(3, batch // 8, 8, num_samples // 128, 128)
                   .transpose(0, 1, 3, 2, 4)
                   .reshape(n * 3))
    n_elems = NUM_LODS * TABLE_SIZE * FEATURE_DIM
    n_blocks = n_elems // BLK
    resb = jnp.asarray(_RES_BCAST)
    lofs = jnp.asarray(_LOFS_BCAST)

    mesh = plsc.VectorSubcoreMesh(core_axis_name="c", subcore_axis_name="s")

    t_nat = tables.reshape(NUM_LODS, TABLE_SIZE // 128, 128, FEATURE_DIM)
    t_nat = t_nat.transpose(0, 1, 3, 2).reshape(n_elems)
    relayout = pl.kernel(
        _relayout_body,
        out_type=jax.ShapeDtypeStruct((n_elems,), jnp.float32),
        mesh=mesh,
        compiler_params=pltpu.CompilerParams(
            needs_layout_passes=False, use_tc_tiling_on_sc=False),
        scratch_types=[
            pltpu.VMEM((16384,), jnp.float32),
            pltpu.VMEM((16384,), jnp.float32),
        ],
    )
    tables_blk = relayout(t_nat).reshape(n_blocks, BLK)
    run = pl.kernel(
        functools.partial(_encoder_body, n),
        out_type=jax.ShapeDtypeStruct((n * 2 * NUM_LODS,), jnp.float32),
        mesh=mesh,
        compiler_params=pltpu.CompilerParams(
            needs_layout_passes=False, use_tc_tiling_on_sc=False),
        scratch_types=[
            pltpu.VMEM((CHUNK,), jnp.float32),
            pltpu.VMEM((CHUNK,), jnp.float32),
            pltpu.VMEM((CHUNK,), jnp.float32),
            pltpu.VMEM((CHUNK * 2 * NUM_LODS,), jnp.float32),
            pltpu.VMEM((NUM_LODS, L), jnp.float32),
            pltpu.VMEM((NUM_LODS, L), jnp.int32),
            pltpu.SemaphoreType.DMA,
            pltpu.SemaphoreType.DMA,
            pltpu.SemaphoreType.DMA,
        ] + [pltpu.VMEM((CHUNK,), jnp.int32) for _ in range(16)]
          + [pltpu.VMEM((CHUNK, BLK), jnp.float32) for _ in range(16)]
          + [pltpu.VMEM((8, CHUNK), jnp.float32) for _ in range(2)]
          + [pltpu.VMEM((8, CHUNK), jnp.int32) for _ in range(2)],
    )
    out = run(coords_flat, tables_blk, resb, lofs)
    out5 = out.reshape(batch, 4, num_samples // 128, 8, 128)
    return out5.transpose(0, 2, 4, 1, 3).reshape(
        batch, num_samples, 2 * NUM_LODS)

# --- scband reference (transcript-rebuilt; emitter-appended) ---
"""Pipeline reference for scband-encoder-35759897706853 (READ-ONLY COPY).

The authoritative reference and input builder live on the scoring server;
editing this copy changes nothing except your own understanding.
"""

import jax, jax.numpy as jnp
import numpy as np

NUM_LODS = 16
FEATURE_DIM = 2
TABLE_SIZE = 2 ** 19
MIN_RES = 16
MAX_RES = 512
PRIMES = np.array([1, 2654435761, 805459861], dtype=np.uint32)
OFFSETS = np.array([[i, j, k] for i in (0, 1) for j in (0, 1) for k in (0, 1)], dtype=np.int32)


def _resolutions():
    b = np.exp((np.log(MAX_RES) - np.log(MIN_RES)) / (NUM_LODS - 1))
    return [int(np.floor(MIN_RES * (b ** l))) for l in range(NUM_LODS)]


def _hash(corners):
    c = corners.astype(jnp.uint32)
    h = (c[..., 0] * jnp.uint32(int(PRIMES[0]))) ^ (c[..., 1] * jnp.uint32(int(PRIMES[1]))) ^ (c[..., 2] * jnp.uint32(int(PRIMES[2])))
    return (h % jnp.uint32(TABLE_SIZE)).astype(jnp.int32)


def _interpolate(flat_coords, tables):
    # flat_coords: [N, 3] in [0, 1); tables: [L, T, F]
    feats = []
    for l, res in enumerate(_resolutions()):
        x = flat_coords * jnp.float32(res)
        pos = jnp.floor(x)
        frac = x - pos
        pos_i = pos.astype(jnp.int32)
        corners = pos_i[:, None, :] + OFFSETS[None, :, :]  # [N, 8, 3]
        idx = _hash(corners)  # [N, 8]
        f = jnp.take(tables[l], idx, axis=0)  # [N, 8, F]
        w = jnp.where(OFFSETS[None, :, :] == 1, frac[:, None, :], 1.0 - frac[:, None, :]).prod(axis=-1)  # [N, 8]
        feats.append((f * w[..., None]).sum(axis=1))
    return jnp.concatenate(feats, axis=-1)


def setup_inputs(seed: int = 0) -> dict:
    key = jax.random.key(seed)
    k1, k2 = jax.random.split(key)
    coords = jax.random.uniform(k1, (1024, 512, 3), dtype=jnp.float32)
    tables = jax.random.uniform(k2, (NUM_LODS, TABLE_SIZE, FEATURE_DIM), minval=-1e-4, maxval=1e-4, dtype=jnp.float32)
    return {"coords": coords, "tables": tables}


def reference(coords, tables):
    batch, num_samples, _ = coords.shape
    flat = coords.reshape(-1, 3)
    latents = _interpolate(flat, tables)
    return latents.reshape(batch, num_samples, NUM_LODS * FEATURE_DIM)

if __name__ == "__main__":
    import jax
    _d = setup_inputs()
    print(jax.jit(kernel)(*tuple(_d.values())))

</pallas_src>

<mosaic_0001>
#map = affine_map<(d0, d1) -> (0)>
module attributes {stable_mosaic.version = 14 : i64} {
  func.func @_relayout_body(%arg0: i32, %arg1: i32, %arg2: memref<16777216xf32, #tpu.memory_space<hbm>>, %arg3: memref<16777216xf32, #tpu.memory_space<hbm>>, %arg4: memref<16384xf32, #tpu.memory_space<vmem>>, %arg5: memref<16384xf32, #tpu.memory_space<vmem>>) attributes {dimension_semantics = [#tpu.dimension_semantics<core_parallel>, #tpu.dimension_semantics<subcore_parallel>], iteration_bounds = array<i64: 2, 16>, scalar_prefetch = 0 : i64, scratch_operands = 2 : i64, tpu.core_type = #tpu.core_type<sc_vector_subcore>, window_params = [{transform_indices = #map}, {transform_indices = #map}]} {
    %mul3A = arith.constant 2 : i32
    %mul3A_0 = arith.muli %arg1, %mul3A : i32
    %add3A = arith.addi %mul3A_0, %arg0 : i32
    %mul3A_1 = arith.constant 2048 : i32
    %mul3A_2 = arith.muli %add3A, %mul3A_1 : i32
    %iota3A = tpu.iota {dimensions = array<i32: 0>} : vector<16xi32>
    %scan3A = arith.constant 0 : i32
    %scan3A_3 = arith.constant 0 : i32
    %scan3A_4 = arith.constant 32 : i32
    %scan3A_5 = arith.addi %scan3A_3, %scan3A_4 : i32
    %scan3A_6 = arith.constant 1 : i32
    %scan3A_7 = scf.for %scan3A_9 = %scan3A_3 to %scan3A_5 step %scan3A_6 iter_args(%scan3A_10 = %scan3A) -> (i32)  : i32 {
      %mul3A_11 = arith.constant 64 : i32
      %mul3A_12 = arith.muli %scan3A_9, %mul3A_11 : i32
      %add3A_13 = arith.addi %mul3A_2, %mul3A_12 : i32
      %mul3A_14 = arith.constant 256 : i32
      %mul3A_15 = arith.muli %add3A_13, %mul3A_14 : i32
      "tpu.region"() ({
        %run_scoped3A = tpu.sem_alloc : memref<!tpu.dma_semaphore, #tpu.memory_space<semaphore_mem>>
        %dma_start3A = tpu.memref_slice %arg2[%mul3A_15] : memref<16777216xf32, #tpu.memory_space<hbm>> -> memref<16384xf32, #tpu.memory_space<hbm>>
        %dma_start3A_24 = tpu.memref_slice %arg2[%mul3A_15] : memref<16777216xf32, #tpu.memory_space<hbm>> -> memref<16384xf32, #tpu.memory_space<hbm>>
        tpu.enqueue_dma source(%dma_start3A_24 : memref<16384xf32, #tpu.memory_space<hbm>>) target(%arg4 : memref<16384xf32, #tpu.memory_space<vmem>>) target_semaphore(%run_scoped3A : memref<!tpu.dma_semaphore, #tpu.memory_space<semaphore_mem>>)
        %dma_wait3A = tpu.memref_slice %arg2[%mul3A_15] : memref<16777216xf32, #tpu.memory_space<hbm>> -> memref<16384xf32, #tpu.memory_space<hbm>>
        %dma_wait3A_25 = tpu.memref_slice %arg2[%mul3A_15] : memref<16777216xf32, #tpu.memory_space<hbm>> -> memref<16384xf32, #tpu.memory_space<hbm>>
        tpu.wait_dma2 semaphore(%run_scoped3A : memref<!tpu.dma_semaphore, #tpu.memory_space<semaphore_mem>>) src(%dma_wait3A_25 : memref<16384xf32, #tpu.memory_space<hbm>>) dst(%arg4 : memref<16384xf32, #tpu.memory_space<vmem>>)
        tpu.yield
      }) : () -> ()
      %scan3A_16 = arith.constant 0 : i32
      %scan3A_17 = arith.constant 0 : i32
      %scan3A_18 = arith.constant 64 : i32
      %scan3A_19 = arith.addi %scan3A_17, %scan3A_18 : i32
      %scan3A_20 = arith.constant 1 : i32
      %scan3A_21 = scf.for %scan3A_24 = %scan3A_17 to %scan3A_19 step %scan3A_20 iter_args(%scan3A_25 = %scan3A_16) -> (i32)  : i32 {
        %mul3A_26 = arith.constant 256 : i32
        %mul3A_27 = arith.muli %scan3A_24, %mul3A_26 : i32
        %add3A_28 = arith.constant 0 : i32
        %add3A_29 = arith.addi %mul3A_27, %add3A_28 : i32
        %get3A = arith.index_cast %add3A_29 : i32 to index
        %get3A_30 = tpu.vector_load %arg4[%get3A] {strides = array<i32>} : memref<16384xf32, #tpu.memory_space<vmem>>, vector<16xf32>,
        %add3A_31 = arith.constant 128 : i32
        %add3A_32 = arith.addi %mul3A_27, %add3A_31 : i32
        %add3A_33 = arith.constant 0 : i32
        %add3A_34 = arith.addi %add3A_32, %add3A_33 : i32
        %get3A_35 = arith.index_cast %add3A_34 : i32 to index
        %get3A_36 = tpu.vector_load %arg4[%get3A_35] {strides = array<i32>} : memref<16384xf32, #tpu.memory_space<vmem>>, vector<16xf32>,
        %add3A_37 = arith.constant 0 : i32
        %add3A_38 = arith.addi %mul3A_27, %add3A_37 : i32
        %mul3A_39 = arith.constant 2 : i32
        %mul3A_40 = vector.broadcast %mul3A_39 : i32 to vector<16xi32>
        %mul3A_41 = arith.muli %mul3A_40, %iota3A : vector<16xi32>
        %add3A_42 = vector.broadcast %add3A_38 : i32 to vector<16xi32>
        %add3A_43 = arith.addi %add3A_42, %mul3A_41 : vector<16xi32>
        tpu.vector_store_idx %arg5[%add3A_43], %get3A_30 : memref<16384xf32, #tpu.memory_space<vmem>>[vector<16xi32>], vector<16xf32>,
        %add3A_44 = arith.constant 1 : i32
        %add3A_45 = vector.broadcast %add3A_44 : i32 to vector<16xi32>
        %add3A_46 = arith.addi %add3A_43, %add3A_45 : vector<16xi32>
        tpu.vector_store_idx %arg5[%add3A_46], %get3A_36 : memref<16384xf32, #tpu.memory_space<vmem>>[vector<16xi32>], vector<16xf32>,
        %add3A_47 = arith.constant 16 : i32
        %add3A_48 = arith.addi %mul3A_27, %add3A_47 : i32
        %get3A_49 = arith.index_cast %add3A_48 : i32 to index
        %get3A_50 = tpu.vector_load %arg4[%get3A_49] {strides = array<i32>} : memref<16384xf32, #tpu.memory_space<vmem>>, vector<16xf32>,
        %add3A_51 = arith.constant 128 : i32
        %add3A_52 = arith.addi %mul3A_27, %add3A_51 : i32
        %add3A_53 = arith.constant 16 : i32
        %add3A_54 = arith.addi %add3A_52, %add3A_53 : i32
        %get3A_55 = arith.index_cast %add3A_54 : i32 to index
        %get3A_56 = tpu.vector_load %arg4[%get3A_55] {strides = array<i32>} : memref<16384xf32, #tpu.memory_space<vmem>>, vector<16xf32>,
        %add3A_57 = arith.constant 32 : i32
        %add3A_58 = arith.addi %mul3A_27, %add3A_57 : i32
        %mul3A_59 = arith.constant 2 : i32
        %mul3A_60 = vector.broadcast %mul3A_59 : i32 to vector<16xi32>
        %mul3A_61 = arith.muli %mul3A_60, %iota3A : vector<16xi32>
        %add3A_62 = vector.broadcast %add3A_58 : i32 to vector<16xi32>
        %add3A_63 = arith.addi %add3A_62, %mul3A_61 : vector<16xi32>
        tpu.vector_store_idx %arg5[%add3A_63], %get3A_50 : memref<16384xf32, #tpu.memory_space<vmem>>[vector<16xi32>], vector<16xf32>,
        %add3A_64 = arith.constant 1 : i32
        %add3A_65 = vector.broadcast %add3A_64 : i32 to vector<16xi32>
        %add3A_66 = arith.addi %add3A_63, %add3A_65 : vector<16xi32>
        tpu.vector_store_idx %arg5[%add3A_66], %get3A_56 : memref<16384xf32, #tpu.memory_space<vmem>>[vector<16xi32>], vector<16xf32>,
        %add3A_67 = arith.constant 32 : i32
        %add3A_68 = arith.addi %mul3A_27, %add3A_67 : i32
        %get3A_69 = arith.index_cast %add3A_68 : i32 to index
        %get3A_70 = tpu.vector_load %arg4[%get3A_69] {strides = array<i32>} : memref<16384xf32, #tpu.memory_space<vmem>>, vector<16xf32>,
        %add3A_71 = arith.constant 128 : i32
        %add3A_72 = arith.addi %mul3A_27, %add3A_71 : i32
        %add3A_73 = arith.constant 32 : i32
        %add3A_74 = arith.addi %add3A_72, %add3A_73 : i32
        %get3A_75 = arith.index_cast %add3A_74 : i32 to index
        %get3A_76 = tpu.vector_load %arg4[%get3A_75] {strides = array<i32>} : memref<16384xf32, #tpu.memory_space<vmem>>, vector<16xf32>,
        %add3A_77 = arith.constant 64 : i32
        %add3A_78 = arith.addi %mul3A_27, %add3A_77 : i32
        %mul3A_79 = arith.constant 2 : i32
        %mul3A_80 = vector.broadcast %mul3A_79 : i32 to vector<16xi32>
        %mul3A_81 = arith.muli %mul3A_80, %iota3A : vector<16xi32>
        %add3A_82 = vector.broadcast %add3A_78 : i32 to vector<16xi32>
        %add3A_83 = arith.addi %add3A_82, %mul3A_81 : vector<16xi32>
        tpu.vector_store_idx %arg5[%add3A_83], %get3A_70 : memref<16384xf32, #tpu.memory_space<vmem>>[vector<16xi32>], vector<16xf32>,
        %add3A_84 = arith.constant 1 : i32
        %add3A_85 = vector.broadcast %add3A_84 : i32 to vector<16xi32>
        %add3A_86 = arith.addi %add3A_83, %add3A_85 : vector<16xi32>
        tpu.vector_store_idx %arg5[%add3A_86], %get3A_76 : memref<16384xf32, #tpu.memory_space<vmem>>[vector<16xi32>], vector<16xf32>,
        %add3A_87 = arith.constant 48 : i32
        %add3A_88 = arith.addi %mul3A_27, %add3A_87 : i32
        %get3A_89 = arith.index_cast %add3A_88 : i32 to index
        %get3A_90 = tpu.vector_load %arg4[%get3A_89] {strides = array<i32>} : memref<16384xf32, #tpu.memory_space<vmem>>, vector<16xf32>,
        %add3A_91 = arith.constant 128 : i32
        %add3A_92 = arith.addi %mul3A_27, %add3A_91 : i32
        %add3A_93 = arith.constant 48 : i32
        %add3A_94 = arith.addi %add3A_92, %add3A_93 : i32
        %get3A_95 = arith.index_cast %add3A_94 : i32 to index
        %get3A_96 = tpu.vector_load %arg4[%get3A_95] {strides = array<i32>} : memref<16384xf32, #tpu.memory_space<vmem>>, vector<16xf32>,
        %add3A_97 = arith.constant 96 : i32
        %add3A_98 = arith.addi %mul3A_27, %add3A_97 : i32
        %mul3A_99 = arith.constant 2 : i32
        %mul3A_100 = vector.broadcast %mul3A_99 : i32 to vector<16xi32>
        %mul3A_101 = arith.muli %mul3A_100, %iota3A : vector<16xi32>
        %add3A_102 = vector.broadcast %add3A_98 : i32 to vector<16xi32>
        %add3A_103 = arith.addi %add3A_102, %mul3A_101 : vector<16xi32>
        tpu.vector_store_idx %arg5[%add3A_103], %get3A_90 : memref<16384xf32, #tpu.memory_space<vmem>>[vector<16xi32>], vector<16xf32>,
        %add3A_104 = arith.constant 1 : i32
        %add3A_105 = vector.broadcast %add3A_104 : i32 to vector<16xi32>
        %add3A_106 = arith.addi %add3A_103, %add3A_105 : vector<16xi32>
        tpu.vector_store_idx %arg5[%add3A_106], %get3A_96 : memref<16384xf32, #tpu.memory_space<vmem>>[vector<16xi32>], vector<16xf32>,
        %add3A_107 = arith.constant 64 : i32
        %add3A_108 = arith.addi %mul3A_27, %add3A_107 : i32
        %get3A_109 = arith.index_cast %add3A_108 : i32 to index
        %get3A_110 = tpu.vector_load %arg4[%get3A_109] {strides = array<i32>} : memref<16384xf32, #tpu.memory_space<vmem>>, vector<16xf32>,
        %add3A_111 = arith.constant 128 : i32
        %add3A_112 = arith.addi %mul3A_27, %add3A_111 : i32
        %add3A_113 = arith.constant 64 : i32
        %add3A_114 = arith.addi %add3A_112, %add3A_113 : i32
        %get3A_115 = arith.index_cast %add3A_114 : i32 to index
        %get3A_116 = tpu.vector_load %arg4[%get3A_115] {strides = array<i32>} : memref<16384xf32, #tpu.memory_space<vmem>>, vector<16xf32>,
        %add3A_117 = arith.constant 128 : i32
        %add3A_118 = arith.addi %mul3A_27, %add3A_117 : i32
        %mul3A_119 = arith.constant 2 : i32
        %mul3A_120 = vector.broadcast %mul3A_119 : i32 to vector<16xi32>
        %mul3A_121 = arith.muli %mul3A_120, %iota3A : vector<16xi32>
        %add3A_122 = vector.broadcast %add3A_118 : i32 to vector<16xi32>
        %add3A_123 = arith.addi %add3A_122, %mul3A_121 : vector<16xi32>
        tpu.vector_store_idx %arg5[%add3A_123], %get3A_110 : memref<16384xf32, #tpu.memory_space<vmem>>[vector<16xi32>], vector<16xf32>,
        %add3A_124 = arith.constant 1 : i32
        %add3A_125 = vector.broadcast %add3A_124 : i32 to vector<16xi32>
        %add3A_126 = arith.addi %add3A_123, %add3A_125 : vector<16xi32>
        tpu.vector_store_idx %arg5[%add3A_126], %get3A_116 : memref<16384xf32, #tpu.memory_space<vmem>>[vector<16xi32>], vector<16xf32>,
        %add3A_127 = arith.constant 80 : i32
        %add3A_128 = arith.addi %mul3A_27, %add3A_127 : i32
        %get3A_129 = arith.index_cast %add3A_128 : i32 to index
        %get3A_130 = tpu.vector_load %arg4[%get3A_129] {strides = array<i32>} : memref<16384xf32, #tpu.memory_space<vmem>>, vector<16xf32>,
        %add3A_131 = arith.constant 128 : i32
        %add3A_132 = arith.addi %mul3A_27, %add3A_131 : i32
        %add3A_133 = arith.constant 80 : i32
        %add3A_134 = arith.addi %add3A_132, %add3A_133 : i32
        %get3A_135 = arith.index_cast %add3A_134 : i32 to index
        %get3A_136 = tpu.vector_load %arg4[%get3A_135] {strides = array<i32>} : memref<16384xf32, #tpu.memory_space<vmem>>, vector<16xf32>,
        %add3A_137 = arith.constant 160 : i32
        %add3A_138 = arith.addi %mul3A_27, %add3A_137 : i32
        %mul3A_139 = arith.constant 2 : i32
        %mul3A_140 = vector.broadcast %mul3A_139 : i32 to vector<16xi32>
        %mul3A_141 = arith.muli %mul3A_140, %iota3A : vector<16xi32>
        %add3A_142 = vector.broadcast %add3A_138 : i32 to vector<16xi32>
        %add3A_143 = arith.addi %add3A_142, %mul3A_141 : vector<16xi32>
        tpu.vector_store_idx %arg5[%add3A_143], %get3A_130 : memref<16384xf32, #tpu.memory_space<vmem>>[vector<16xi32>], vector<16xf32>,
        %add3A_144 = arith.constant 1 : i32
        %add3A_145 = vector.broadcast %add3A_144 : i32 to vector<16xi32>
        %add3A_146 = arith.addi %add3A_143, %add3A_145 : vector<16xi32>
        tpu.vector_store_idx %arg5[%add3A_146], %get3A_136 : memref<16384xf32, #tpu.memory_space<vmem>>[vector<16xi32>], vector<16xf32>,
        %add3A_147 = arith.constant 96 : i32
        %add3A_148 = arith.addi %mul3A_27, %add3A_147 : i32
        %get3A_149 = arith.index_cast %add3A_148 : i32 to index
        %get3A_150 = tpu.vector_load %arg4[%get3A_149] {strides = array<i32>} : memref<16384xf32, #tpu.memory_space<vmem>>, vector<16xf32>,
        %add3A_151 = arith.constant 128 : i32
        %add3A_152 = arith.addi %mul3A_27, %add3A_151 : i32
        %add3A_153 = arith.constant 96 : i32
        %add3A_154 = arith.addi %add3A_152, %add3A_153 : i32
        %get3A_155 = arith.index_cast %add3A_154 : i32 to index
        %get3A_156 = tpu.vector_load %arg4[%get3A_155] {strides = array<i32>} : memref<16384xf32, #tpu.memory_space<vmem>>, vector<16xf32>,
        %add3A_157 = arith.constant 192 : i32
        %add3A_158 = arith.addi %mul3A_27, %add3A_157 : i32
        %mul3A_159 = arith.constant 2 : i32
        %mul3A_160 = vector.broadcast %mul3A_159 : i32 to vector<16xi32>
        %mul3A_161 = arith.muli %mul3A_160, %iota3A : vector<16xi32>
        %add3A_162 = vector.broadcast %add3A_158 : i32 to vector<16xi32>
        %add3A_163 = arith.addi %add3A_162, %mul3A_161 : vector<16xi32>
        tpu.vector_store_idx %arg5[%add3A_163], %get3A_150 : memref<16384xf32, #tpu.memory_space<vmem>>[vector<16xi32>], vector<16xf32>,
        %add3A_164 = arith.constant 1 : i32
        %add3A_165 = vector.broadcast %add3A_164 : i32 to vector<16xi32>
        %add3A_166 = arith.addi %add3A_163, %add3A_165 : vector<16xi32>
        tpu.vector_store_idx %arg5[%add3A_166], %get3A_156 : memref<16384xf32, #tpu.memory_space<vmem>>[vector<16xi32>], vector<16xf32>,
        %add3A_167 = arith.constant 112 : i32
        %add3A_168 = arith.addi %mul3A_27, %add3A_167 : i32
        %get3A_169 = arith.index_cast %add3A_168 : i32 to index
        %get3A_170 = tpu.vector_load %arg4[%get3A_169] {strides = array<i32>} : memref<16384xf32, #tpu.memory_space<vmem>>, vector<16xf32>,
        %add3A_171 = arith.constant 128 : i32
        %add3A_172 = arith.addi %mul3A_27, %add3A_171 : i32
        %add3A_173 = arith.constant 112 : i32
        %add3A_174 = arith.addi %add3A_172, %add3A_173 : i32
        %get3A_175 = arith.index_cast %add3A_174 : i32 to index
        %get3A_176 = tpu.vector_load %arg4[%get3A_175] {strides = array<i32>} : memref<16384xf32, #tpu.memory_space<vmem>>, vector<16xf32>,
        %add3A_177 = arith.constant 224 : i32
        %add3A_178 = arith.addi %mul3A_27, %add3A_177 : i32
        %mul3A_179 = arith.constant 2 : i32
        %mul3A_180 = vector.broadcast %mul3A_179 : i32 to vector<16xi32>
        %mul3A_181 = arith.muli %mul3A_180, %iota3A : vector<16xi32>
        %add3A_182 = vector.broadcast %add3A_178 : i32 to vector<16xi32>
        %add3A_183 = arith.addi %add3A_182, %mul3A_181 : vector<16xi32>
        tpu.vector_store_idx %arg5[%add3A_183], %get3A_170 : memref<16384xf32, #tpu.memory_space<vmem>>[vector<16xi32>], vector<16xf32>,
        %add3A_184 = arith.constant 1 : i32
        %add3A_185 = vector.broadcast %add3A_184 : i32 to vector<16xi32>
        %add3A_186 = arith.addi %add3A_183, %add3A_185 : vector<16xi32>
        tpu.vector_store_idx %arg5[%add3A_186], %get3A_176 : memref<16384xf32, #tpu.memory_space<vmem>>[vector<16xi32>], vector<16xf32>,
        %scan3A_187 = arith.constant 0 : i32
        scf.yield %scan3A_187 : i32
      }
      %scan3A_22 = arith.constant 64 : i32
      "tpu.region"() ({
        %run_scoped3A = tpu.sem_alloc : memref<!tpu.dma_semaphore, #tpu.memory_space<semaphore_mem>>
        %dma_start3A = tpu.memref_slice %arg3[%mul3A_15] : memref<16777216xf32, #tpu.memory_space<hbm>> -> memref<16384xf32, #tpu.memory_space<hbm>>
        %dma_start3A_24 = tpu.memref_slice %arg3[%mul3A_15] : memref<16777216xf32, #tpu.memory_space<hbm>> -> memref<16384xf32, #tpu.memory_space<hbm>>
        tpu.enqueue_dma source(%arg5 : memref<16384xf32, #tpu.memory_space<vmem>>) target(%dma_start3A_24 : memref<16384xf32, #tpu.memory_space<hbm>>) target_semaphore(%run_scoped3A : memref<!tpu.dma_semaphore, #tpu.memory_space<semaphore_mem>>)
        %dma_wait3A = tpu.memref_slice %arg3[%mul3A_15] : memref<16777216xf32, #tpu.memory_space<hbm>> -> memref<16384xf32, #tpu.memory_space<hbm>>
        %dma_wait3A_25 = tpu.memref_slice %arg3[%mul3A_15] : memref<16777216xf32, #tpu.memory_space<hbm>> -> memref<16384xf32, #tpu.memory_space<hbm>>
        tpu.wait_dma2 semaphore(%run_scoped3A : memref<!tpu.dma_semaphore, #tpu.memory_space<semaphore_mem>>) src(%arg5 : memref<16384xf32, #tpu.memory_space<vmem>>) dst(%dma_wait3A_25 : memref<16384xf32, #tpu.memory_space<hbm>>)
        tpu.yield
      }) : () -> ()
      %scan3A_23 = arith.constant 0 : i32
      scf.yield %scan3A_23 : i32
    }
    %scan3A_8 = arith.constant 32 : i32
    return
  }
}

#map = affine_map<(d0, d1) -> (0)>
#map1 = affine_map<(d0, d1) -> (0, 0)>
module attributes {stable_mosaic.version = 14 : i64} {
  func.func @_encoder_body(%arg0: i32, %arg1: i32, %arg2: memref<1572864xf32, #tpu.memory_space<hbm>>, %arg3: memref<1048576x16xf32, #tpu.memory_space<hbm>>, %arg4: memref<16x16xf32, #tpu.memory_space<hbm>>, %arg5: memref<16x16xi32, #tpu.memory_space<hbm>>, %arg6: memref<16777216xf32, #tpu.memory_space<hbm>>, %arg7: memref<256xf32, #tpu.memory_space<vmem>>, %arg8: memref<256xf32, #tpu.memory_space<vmem>>, %arg9: memref<256xf32, #tpu.memory_space<vmem>>, %arg10: memref<8192xf32, #tpu.memory_space<vmem>>, %arg11: memref<16x16xf32, #tpu.memory_space<vmem>>, %arg12: memref<16x16xi32, #tpu.memory_space<vmem>>, %arg13: memref<!tpu.dma_semaphore, #tpu.memory_space<semaphore_mem>>, %arg14: memref<!tpu.dma_semaphore, #tpu.memory_space<semaphore_mem>>, %arg15: memref<!tpu.dma_semaphore, #tpu.memory_space<semaphore_mem>>, %arg16: memref<256xi32, #tpu.memory_space<vmem>>, %arg17: memref<256xi32, #tpu.memory_space<vmem>>, %arg18: memref<256xi32, #tpu.memory_space<vmem>>, %arg19: memref<256xi32, #tpu.memory_space<vmem>>, %arg20: memref<256xi32, #tpu.memory_space<vmem>>, %arg21: memref<256xi32, #tpu.memory_space<vmem>>, %arg22: memref<256xi32, #tpu.memory_space<vmem>>, %arg23: memref<256xi32, #tpu.memory_space<vmem>>, %arg24: memref<256xi32, #tpu.memory_space<vmem>>, %arg25: memref<256xi32, #tpu.memory_space<vmem>>, %arg26: memref<256xi32, #tpu.memory_space<vmem>>, %arg27: memref<256xi32, #tpu.memory_space<vmem>>, %arg28: memref<256xi32, #tpu.memory_space<vmem>>, %arg29: memref<256xi32, #tpu.memory_space<vmem>>, %arg30: memref<256xi32, #tpu.memory_space<vmem>>, %arg31: memref<256xi32, #tpu.memory_space<vmem>>, %arg32: memref<256x16xf32, #tpu.memory_space<vmem>>, %arg33: memref<256x16xf32, #tpu.memory_space<vmem>>, %arg34: memref<256x16xf32, #tpu.memory_space<vmem>>, %arg35: memref<256x16xf32, #tpu.memory_space<vmem>>, %arg36: memref<256x16xf32, #tpu.memory_space<vmem>>, %arg37: memref<256x16xf32, #tpu.memory_space<vmem>>, %arg38: memref<256x16xf32, #tpu.memory_space<vmem>>, %arg39: memref<256x16xf32, #tpu.memory_space<vmem>>, %arg40: memref<256x16xf32, #tpu.memory_space<vmem>>, %arg41: memref<256x16xf32, #tpu.memory_space<vmem>>, %arg42: memref<256x16xf32, #tpu.memory_space<vmem>>, %arg43: memref<256x16xf32, #tpu.memory_space<vmem>>, %arg44: memref<256x16xf32, #tpu.memory_space<vmem>>, %arg45: memref<256x16xf32, #tpu.memory_space<vmem>>, %arg46: memref<256x16xf32, #tpu.memory_space<vmem>>, %arg47: memref<256x16xf32, #tpu.memory_space<vmem>>, %arg48: memref<8x256xf32, #tpu.memory_space<vmem>>, %arg49: memref<8x256xf32, #tpu.memory_space<vmem>>, %arg50: memref<8x256xi32, #tpu.memory_space<vmem>>, %arg51: memref<8x256xi32, #tpu.memory_space<vmem>>) attributes {dimension_semantics = [#tpu.dimension_semantics<core_parallel>, #tpu.dimension_semantics<subcore_parallel>], iteration_bounds = array<i64: 2, 16>, scalar_prefetch = 0 : i64, scratch_operands = 45 : i64, tpu.core_type = #tpu.core_type<sc_vector_subcore>, window_params = [{transform_indices = #map}, {transform_indices = #map1}, {transform_indices = #map1}, {transform_indices = #map1}, {transform_indices = #map}]} {
    %mul3A = arith.constant 2 : i32
    %mul3A_0 = arith.muli %arg1, %mul3A : i32
    %add3A = arith.addi %mul3A_0, %arg0 : i32
    %mul3A_1 = arith.constant 16384 : i32
    %mul3A_2 = arith.muli %add3A, %mul3A_1 : i32
    "tpu.region"() ({
      %run_scoped3A = tpu.sem_alloc : memref<!tpu.dma_semaphore, #tpu.memory_space<semaphore_mem>>
      tpu.enqueue_dma source(%arg4 : memref<16x16xf32, #tpu.memory_space<hbm>>) target(%arg11 : memref<16x16xf32, #tpu.memory_space<vmem>>) target_semaphore(%run_scoped3A : memref<!tpu.dma_semaphore, #tpu.memory_space<semaphore_mem>>)
      tpu.wait_dma2 semaphore(%run_scoped3A : memref<!tpu.dma_semaphore, #tpu.memory_space<semaphore_mem>>) src(%arg4 : memref<16x16xf32, #tpu.memory_space<hbm>>) dst(%arg11 : memref<16x16xf32, #tpu.memory_space<vmem>>)
      tpu.yield
    }) : () -> ()
    "tpu.region"() ({
      %run_scoped3A = tpu.sem_alloc : memref<!tpu.dma_semaphore, #tpu.memory_space<semaphore_mem>>
      tpu.enqueue_dma source(%arg5 : memref<16x16xi32, #tpu.memory_space<hbm>>) target(%arg12 : memref<16x16xi32, #tpu.memory_space<vmem>>) target_semaphore(%run_scoped3A : memref<!tpu.dma_semaphore, #tpu.memory_space<semaphore_mem>>)
      tpu.wait_dma2 semaphore(%run_scoped3A : memref<!tpu.dma_semaphore, #tpu.memory_space<semaphore_mem>>) src(%arg5 : memref<16x16xi32, #tpu.memory_space<hbm>>) dst(%arg12 : memref<16x16xi32, #tpu.memory_space<vmem>>)
      tpu.yield
    }) : () -> ()
    %iota3A = tpu.iota {dimensions = array<i32: 0>} : vector<16xi32>
    %convert_element_type3A = arith.sitofp %iota3A : vector<16xi32> to vector<16xf32>
    %mul3A_3 = arith.constant 0.000000e+00 : f32
    %mul3A_4 = vector.broadcast %mul3A_3 : f32 to vector<16xf32>
    %mul3A_5 = arith.mulf %convert_element_type3A, %mul3A_4 : vector<16xf32>
    %add3A_6 = arith.constant 1.000000e+00 : f32
    %add3A_7 = vector.broadcast %add3A_6 : f32 to vector<16xf32>
    %add3A_8 = arith.addf %mul3A_5, %add3A_7 : vector<16xf32>
    %scan3A = arith.constant 0 : i32
    %scan3A_9 = arith.constant 0 : i32
    %scan3A_10 = arith.constant 64 : i32
    %scan3A_11 = arith.addi %scan3A_9, %scan3A_10 : i32
    %scan3A_12 = arith.constant 1 : i32
    %scan3A_13 = scf.for %scan3A_156 = %scan3A_9 to %scan3A_11 step %scan3A_12 iter_args(%scan3A_157 = %scan3A) -> (i32)  : i32 {
      %mul3A_158 = arith.constant 256 : i32
      %mul3A_159 = arith.muli %scan3A_156, %mul3A_158 : i32
      %add3A_160 = arith.addi %mul3A_2, %mul3A_159 : i32
      %shift_right_logical3A_161 = arith.constant 9 : i32
      %shift_right_logical3A_162 = arith.shrui %add3A_160, %shift_right_logical3A_161 : i32
      %shift_right_logical3A_163 = arith.constant 7 : i32
      %shift_right_logical3A_164 = arith.shrui %add3A_160, %shift_right_logical3A_163 : i32
      %and3A_165 = arith.constant 3 : i32
      %and3A_166 = arith.andi %shift_right_logical3A_164, %and3A_165 : i32
      %shift_right_logical3A_167 = arith.constant 3 : i32
      %shift_right_logical3A_168 = arith.shrui %shift_right_logical3A_162, %shift_right_logical3A_167 : i32
      %mul3A_169 = arith.constant 4 : i32
      %mul3A_170 = arith.muli %shift_right_logical3A_168, %mul3A_169 : i32
      %add3A_171 = arith.addi %mul3A_170, %and3A_166 : i32
      %mul3A_172 = arith.constant 1024 : i32
      %mul3A_173 = arith.muli %add3A_171, %mul3A_172 : i32
      %and3A_174 = arith.constant 7 : i32
      %and3A_175 = arith.andi %shift_right_logical3A_162, %and3A_174 : i32
      %mul3A_176 = arith.constant 128 : i32
      %mul3A_177 = arith.muli %and3A_175, %mul3A_176 : i32
      %add3A_178 = arith.addi %mul3A_173, %mul3A_177 : i32
      %add3A_179 = arith.constant 0 : i32
      %add3A_180 = arith.addi %add3A_178, %add3A_179 : i32
      "tpu.region"() ({
        %run_scoped3A = tpu.sem_alloc : memref<!tpu.dma_semaphore, #tpu.memory_space<semaphore_mem>>
        %dma_start3A_496 = arith.constant 0 : i32
        %dma_start3A_497 = tpu.memref_slice %arg7[%dma_start3A_496] : memref<256xf32, #tpu.memory_space<vmem>> -> memref<128xf32, #tpu.memory_space<vmem>>
        %dma_start3A_498 = tpu.memref_slice %arg2[%add3A_180] : memref<1572864xf32, #tpu.memory_space<hbm>> -> memref<128xf32, #tpu.memory_space<hbm>>
        %dma_start3A_499 = arith.constant 0 : i32
        %dma_start3A_500 = tpu.memref_slice %arg7[%dma_start3A_499] : memref<256xf32, #tpu.memory_space<vmem>> -> memref<128xf32, #tpu.memory_space<vmem>>
        %dma_start3A_501 = tpu.memref_slice %arg2[%add3A_180] : memref<1572864xf32, #tpu.memory_space<hbm>> -> memref<128xf32, #tpu.memory_space<hbm>>
        tpu.enqueue_dma source(%dma_start3A_501 : memref<128xf32, #tpu.memory_space<hbm>>) target(%dma_start3A_500 : memref<128xf32, #tpu.memory_space<vmem>>) target_semaphore(%run_scoped3A : memref<!tpu.dma_semaphore, #tpu.memory_space<semaphore_mem>>)
        %dma_wait3A_502 = arith.constant 0 : i32
        %dma_wait3A_503 = tpu.memref_slice %arg7[%dma_wait3A_502] : memref<256xf32, #tpu.memory_space<vmem>> -> memref<128xf32, #tpu.memory_space<vmem>>
        %dma_wait3A_504 = tpu.memref_slice %arg2[%add3A_180] : memref<1572864xf32, #tpu.memory_space<hbm>> -> memref<128xf32, #tpu.memory_space<hbm>>
        %dma_wait3A_505 = arith.constant 0 : i32
        %dma_wait3A_506 = tpu.memref_slice %arg7[%dma_wait3A_505] : memref<256xf32, #tpu.memory_space<vmem>> -> memref<128xf32, #tpu.memory_space<vmem>>
        %dma_wait3A_507 = tpu.memref_slice %arg2[%add3A_180] : memref<1572864xf32, #tpu.memory_space<hbm>> -> memref<128xf32, #tpu.memory_space<hbm>>
        tpu.wait_dma2 semaphore(%run_scoped3A : memref<!tpu.dma_semaphore, #tpu.memory_space<semaphore_mem>>) src(%dma_wait3A_507 : memref<128xf32, #tpu.memory_space<hbm>>) dst(%dma_wait3A_506 : memref<128xf32, #tpu.memory_space<vmem>>)
        tpu.yield
      }) : () -> ()
      %add3A_181 = arith.constant 524288 : i32
      %add3A_182 = arith.addi %add3A_181, %add3A_180 : i32
      "tpu.region"() ({
        %run_scoped3A = tpu.sem_alloc : memref<!tpu.dma_semaphore, #tpu.memory_space<semaphore_mem>>
        %dma_start3A_496 = arith.constant 0 : i32
        %dma_start3A_497 = tpu.memref_slice %arg8[%dma_start3A_496] : memref<256xf32, #tpu.memory_space<vmem>> -> memref<128xf32, #tpu.memory_space<vmem>>
        %dma_start3A_498 = tpu.memref_slice %arg2[%add3A_182] : memref<1572864xf32, #tpu.memory_space<hbm>> -> memref<128xf32, #tpu.memory_space<hbm>>
        %dma_start3A_499 = arith.constant 0 : i32
        %dma_start3A_500 = tpu.memref_slice %arg8[%dma_start3A_499] : memref<256xf32, #tpu.memory_space<vmem>> -> memref<128xf32, #tpu.memory_space<vmem>>
        %dma_start3A_501 = tpu.memref_slice %arg2[%add3A_182] : memref<1572864xf32, #tpu.memory_space<hbm>> -> memref<128xf32, #tpu.memory_space<hbm>>
        tpu.enqueue_dma source(%dma_start3A_501 : memref<128xf32, #tpu.memory_space<hbm>>) target(%dma_start3A_500 : memref<128xf32, #tpu.memory_space<vmem>>) target_semaphore(%run_scoped3A : memref<!tpu.dma_semaphore, #tpu.memory_space<semaphore_mem>>)
        %dma_wait3A_502 = arith.constant 0 : i32
        %dma_wait3A_503 = tpu.memref_slice %arg8[%dma_wait3A_502] : memref<256xf32, #tpu.memory_space<vmem>> -> memref<128xf32, #tpu.memory_space<vmem>>
        %dma_wait3A_504 = tpu.memref_slice %arg2[%add3A_182] : memref<1572864xf32, #tpu.memory_space<hbm>> -> memref<128xf32, #tpu.memory_space<hbm>>
        %dma_wait3A_505 = arith.constant 0 : i32
        %dma_wait3A_506 = tpu.memref_slice %arg8[%dma_wait3A_505] : memref<256xf32, #tpu.memory_space<vmem>> -> memref<128xf32, #tpu.memory_space<vmem>>
        %dma_wait3A_507 = tpu.memref_slice %arg2[%add3A_182] : memref<1572864xf32, #tpu.memory_space<hbm>> -> memref<128xf32, #tpu.memory_space<hbm>>
        tpu.wait_dma2 semaphore(%run_scoped3A : memref<!tpu.dma_semaphore, #tpu.memory_space<semaphore_mem>>) src(%dma_wait3A_507 : memref<128xf32, #tpu.memory_space<hbm>>) dst(%dma_wait3A_506 : memref<128xf32, #tpu.memory_space<vmem>>)
        tpu.yield
      }) : () -> ()
      %add3A_183 = arith.constant 1048576 : i32
      %add3A_184 = arith.addi %add3A_183, %add3A_180 : i32
      "tpu.region"() ({
        %run_scoped3A = tpu.sem_alloc : memref<!tpu.dma_semaphore, #tpu.memory_space<semaphore_mem>>
        %dma_start3A_496 = arith.constant 0 : i32
        %dma_start3A_497 = tpu.memref_slice %arg9[%dma_start3A_496] : memref<256xf32, #tpu.memory_space<vmem>> -> memref<128xf32, #tpu.memory_space<vmem>>
        %dma_start3A_498 = tpu.memref_slice %arg2[%add3A_184] : memref<1572864xf32, #tpu.memory_space<hbm>> -> memref<128xf32, #tpu.memory_space<hbm>>
        %dma_start3A_499 = arith.constant 0 : i32
        %dma_start3A_500 = tpu.memref_slice %arg9[%dma_start3A_499] : memref<256xf32, #tpu.memory_space<vmem>> -> memref<128xf32, #tpu.memory_space<vmem>>
        %dma_start3A_501 = tpu.memref_slice %arg2[%add3A_184] : memref<1572864xf32, #tpu.memory_space<hbm>> -> memref<128xf32, #tpu.memory_space<hbm>>
        tpu.enqueue_dma source(%dma_start3A_501 : memref<128xf32, #tpu.memory_space<hbm>>) target(%dma_start3A_500 : memref<128xf32, #tpu.memory_space<vmem>>) target_semaphore(%run_scoped3A : memref<!tpu.dma_semaphore, #tpu.memory_space<semaphore_mem>>)
        %dma_wait3A_502 = arith.constant 0 : i32
        %dma_wait3A_503 = tpu.memref_slice %arg9[%dma_wait3A_502] : memref<256xf32, #tpu.memory_space<vmem>> -> memref<128xf32, #tpu.memory_space<vmem>>
        %dma_wait3A_504 = tpu.memref_slice %arg2[%add3A_184] : memref<1572864xf32, #tpu.memory_space<hbm>> -> memref<128xf32, #tpu.memory_space<hbm>>
        %dma_wait3A_505 = arith.constant 0 : i32
        %dma_wait3A_506 = tpu.memref_slice %arg9[%dma_wait3A_505] : memref<256xf32, #tpu.memory_space<vmem>> -> memref<128xf32, #tpu.memory_space<vmem>>
        %dma_wait3A_507 = tpu.memref_slice %arg2[%add3A_184] : memref<1572864xf32, #tpu.memory_space<hbm>> -> memref<128xf32, #tpu.memory_space<hbm>>
        tpu.wait_dma2 semaphore(%run_scoped3A : memref<!tpu.dma_semaphore, #tpu.memory_space<semaphore_mem>>) src(%dma_wait3A_507 : memref<128xf32, #tpu.memory_space<hbm>>) dst(%dma_wait3A_506 : memref<128xf32, #tpu.memory_space<vmem>>)
        tpu.yield
      }) : () -> ()
      %add3A_185 = arith.constant 1024 : i32
      %add3A_186 = arith.addi %add3A_178, %add3A_185 : i32
      "tpu.region"() ({
        %run_scoped3A = tpu.sem_alloc : memref<!tpu.dma_semaphore, #tpu.memory_space<semaphore_mem>>
        %dma_start3A_496 = arith.constant 128 : i32
        %dma_start3A_497 = tpu.memref_slice %arg7[%dma_start3A_496] : memref<256xf32, #tpu.memory_space<vmem>> -> memref<128xf32, #tpu.memory_space<vmem>>
        %dma_start3A_498 = tpu.memref_slice %arg2[%add3A_186] : memref<1572864xf32, #tpu.memory_space<hbm>> -> memref<128xf32, #tpu.memory_space<hbm>>
        %dma_start3A_499 = arith.constant 128 : i32
        %dma_start3A_500 = tpu.memref_slice %arg7[%dma_start3A_499] : memref<256xf32, #tpu.memory_space<vmem>> -> memref<128xf32, #tpu.memory_space<vmem>>
        %dma_start3A_501 = tpu.memref_slice %arg2[%add3A_186] : memref<1572864xf32, #tpu.memory_space<hbm>> -> memref<128xf32, #tpu.memory_space<hbm>>
        tpu.enqueue_dma source(%dma_start3A_501 : memref<128xf32, #tpu.memory_space<hbm>>) target(%dma_start3A_500 : memref<128xf32, #tpu.memory_space<vmem>>) target_semaphore(%run_scoped3A : memref<!tpu.dma_semaphore, #tpu.memory_space<semaphore_mem>>)
        %dma_wait3A_502 = arith.constant 128 : i32
        %dma_wait3A_503 = tpu.memref_slice %arg7[%dma_wait3A_502] : memref<256xf32, #tpu.memory_space<vmem>> -> memref<128xf32, #tpu.memory_space<vmem>>
        %dma_wait3A_504 = tpu.memref_slice %arg2[%add3A_186] : memref<1572864xf32, #tpu.memory_space<hbm>> -> memref<128xf32, #tpu.memory_space<hbm>>
        %dma_wait3A_505 = arith.constant 128 : i32
        %dma_wait3A_506 = tpu.memref_slice %arg7[%dma_wait3A_505] : memref<256xf32, #tpu.memory_space<vmem>> -> memref<128xf32, #tpu.memory_space<vmem>>
        %dma_wait3A_507 = tpu.memref_slice %arg2[%add3A_186] : memref<1572864xf32, #tpu.memory_space<hbm>> -> memref<128xf32, #tpu.memory_space<hbm>>
        tpu.wait_dma2 semaphore(%run_scoped3A : memref<!tpu.dma_semaphore, #tpu.memory_space<semaphore_mem>>) src(%dma_wait3A_507 : memref<128xf32, #tpu.memory_space<hbm>>) dst(%dma_wait3A_506 : memref<128xf32, #tpu.memory_space<vmem>>)
        tpu.yield
      }) : () -> ()
      %add3A_187 = arith.constant 524288 : i32
      %add3A_188 = arith.addi %add3A_187, %add3A_186 : i32
      "tpu.region"() ({
        %run_scoped3A = tpu.sem_alloc : memref<!tpu.dma_semaphore, #tpu.memory_space<semaphore_mem>>
        %dma_start3A_496 = arith.constant 128 : i32
        %dma_start3A_497 = tpu.memref_slice %arg8[%dma_start3A_496] : memref<256xf32, #tpu.memory_space<vmem>> -> memref<128xf32, #tpu.memory_space<vmem>>
        %dma_start3A_498 = tpu.memref_slice %arg2[%add3A_188] : memref<1572864xf32, #tpu.memory_space<hbm>> -> memref<128xf32, #tpu.memory_space<hbm>>
        %dma_start3A_499 = arith.constant 128 : i32
        %dma_start3A_500 = tpu.memref_slice %arg8[%dma_start3A_499] : memref<256xf32, #tpu.memory_space<vmem>> -> memref<128xf32, #tpu.memory_space<vmem>>
        %dma_start3A_501 = tpu.memref_slice %arg2[%add3A_188] : memref<1572864xf32, #tpu.memory_space<hbm>> -> memref<128xf32, #tpu.memory_space<hbm>>
        tpu.enqueue_dma source(%dma_start3A_501 : memref<128xf32, #tpu.memory_space<hbm>>) target(%dma_start3A_500 : memref<128xf32, #tpu.memory_space<vmem>>) target_semaphore(%run_scoped3A : memref<!tpu.dma_semaphore, #tpu.memory_space<semaphore_mem>>)
        %dma_wait3A_502 = arith.constant 128 : i32
        %dma_wait3A_503 = tpu.memref_slice %arg8[%dma_wait3A_502] : memref<256xf32, #tpu.memory_space<vmem>> -> memref<128xf32, #tpu.memory_space<vmem>>
        %dma_wait3A_504 = tpu.memref_slice %arg2[%add3A_188] : memref<1572864xf32, #tpu.memory_space<hbm>> -> memref<128xf32, #tpu.memory_space<hbm>>
        %dma_wait3A_505 = arith.constant 128 : i32
        %dma_wait3A_506 = tpu.memref_slice %arg8[%dma_wait3A_505] : memref<256xf32, #tpu.memory_space<vmem>> -> memref<128xf32, #tpu.memory_space<vmem>>
        %dma_wait3A_507 = tpu.memref_slice %arg2[%add3A_188] : memref<1572864xf32, #tpu.memory_space<hbm>> -> memref<128xf32, #tpu.memory_space<hbm>>
        tpu.wait_dma2 semaphore(%run_scoped3A : memref<!tpu.dma_semaphore, #tpu.memory_space<semaphore_mem>>) src(%dma_wait3A_507 : memref<128xf32, #tpu.memory_space<hbm>>) dst(%dma_wait3A_506 : memref<128xf32, #tpu.memory_space<vmem>>)
        tpu.yield
      }) : () -> ()
      %add3A_189 = arith.constant 1048576 : i32
      %add3A_190 = arith.addi %add3A_189, %add3A_186 : i32
      "tpu.region"() ({
        %run_scoped3A = tpu.sem_alloc : memref<!tpu.dma_semaphore, #tpu.memory_space<semaphore_mem>>
        %dma_start3A_496 = arith.constant 128 : i32
        %dma_start3A_497 = tpu.memref_slice %arg9[%dma_start3A_496] : memref<256xf32, #tpu.memory_space<vmem>> -> memref<128xf32, #tpu.memory_space<vmem>>
        %dma_start3A_498 = tpu.memref_slice %arg2[%add3A_190] : memref<1572864xf32, #tpu.memory_space<hbm>> -> memref<128xf32, #tpu.memory_space<hbm>>
        %dma_start3A_499 = arith.constant 128 : i32
        %dma_start3A_500 = tpu.memref_slice %arg9[%dma_start3A_499] : memref<256xf32, #tpu.memory_space<vmem>> -> memref<128xf32, #tpu.memory_space<vmem>>
        %dma_start3A_501 = tpu.memref_slice %arg2[%add3A_190] : memref<1572864xf32, #tpu.memory_space<hbm>> -> memref<128xf32, #tpu.memory_space<hbm>>
        tpu.enqueue_dma source(%dma_start3A_501 : memref<128xf32, #tpu.memory_space<hbm>>) target(%dma_start3A_500 : memref<128xf32, #tpu.memory_space<vmem>>) target_semaphore(%run_scoped3A : memref<!tpu.dma_semaphore, #tpu.memory_space<semaphore_mem>>)
        %dma_wait3A_502 = arith.constant 128 : i32
        %dma_wait3A_503 = tpu.memref_slice %arg9[%dma_wait3A_502] : memref<256xf32, #tpu.memory_space<vmem>> -> memref<128xf32, #tpu.memory_space<vmem>>
        %dma_wait3A_504 = tpu.memref_slice %arg2[%add3A_190] : memref<1572864xf32, #tpu.memory_space<hbm>> -> memref<128xf32, #tpu.memory_space<hbm>>
        %dma_wait3A_505 = arith.constant 128 : i32
        %dma_wait3A_506 = tpu.memref_slice %arg9[%dma_wait3A_505] : memref<256xf32, #tpu.memory_space<vmem>> -> memref<128xf32, #tpu.memory_space<vmem>>
        %dma_wait3A_507 = tpu.memref_slice %arg2[%add3A_190] : memref<1572864xf32, #tpu.memory_space<hbm>> -> memref<128xf32, #tpu.memory_space<hbm>>
        tpu.wait_dma2 semaphore(%run_scoped3A : memref<!tpu.dma_semaphore, #tpu.memory_space<semaphore_mem>>) src(%dma_wait3A_507 : memref<128xf32, #tpu.memory_space<hbm>>) dst(%dma_wait3A_506 : memref<128xf32, #tpu.memory_space<vmem>>)
        tpu.yield
      }) : () -> ()
      %get3A = arith.constant 0 : i32
      %get3A_191 = arith.index_cast %get3A : i32 to index
      %get3A_192 = arith.constant 0 : index
      %get3A_193 = tpu.vector_load %arg11[%get3A_191, %get3A_192] {strides = array<i32>} : memref<16x16xf32, #tpu.memory_space<vmem>>, vector<16xf32>,
      %get3A_194 = arith.constant 0 : i32
      %get3A_195 = arith.index_cast %get3A_194 : i32 to index
      %get3A_196 = arith.constant 0 : index
      %get3A_197 = tpu.vector_load %arg12[%get3A_195, %get3A_196] {strides = array<i32>} : memref<16x16xi32, #tpu.memory_space<vmem>>, vector<16xi32>,
      %scan3A_198 = arith.constant 0 : i32
      %scan3A_199 = arith.constant 0 : i32
      %scan3A_200 = arith.constant 16 : i32
      %scan3A_201 = arith.addi %scan3A_199, %scan3A_200 : i32
      %scan3A_202 = arith.constant 1 : i32
      %scan3A_203 = scf.for %scan3A_496 = %scan3A_199 to %scan3A_201 step %scan3A_202 iter_args(%scan3A_497 = %scan3A_198) -> (i32)  : i32 {
        %mul3A_498 = arith.constant 16 : i32
        %mul3A_499 = arith.muli %scan3A_496, %mul3A_498 : i32
        %get3A_500 = arith.index_cast %mul3A_499 : i32 to index
        %get3A_501 = tpu.vector_load %arg7[%get3A_500] {strides = array<i32>} : memref<256xf32, #tpu.memory_space<vmem>>, vector<16xf32>,
        %mul3A_502 = arith.mulf %get3A_501, %get3A_193 : vector<16xf32>
        %get3A_503 = arith.index_cast %mul3A_499 : i32 to index
        %get3A_504 = tpu.vector_load %arg8[%get3A_503] {strides = array<i32>} : memref<256xf32, #tpu.memory_space<vmem>>, vector<16xf32>,
        %mul3A_505 = arith.mulf %get3A_504, %get3A_193 : vector<16xf32>
        %get3A_506 = arith.index_cast %mul3A_499 : i32 to index
        %get3A_507 = tpu.vector_load %arg9[%get3A_506] {strides = array<i32>} : memref<256xf32, #tpu.memory_space<vmem>>, vector<16xf32>,
        %mul3A_508 = arith.mulf %get3A_507, %get3A_193 : vector<16xf32>
        %convert_element_type3A_509 = arith.fptosi %mul3A_502 : vector<16xf32> to vector<16xi32>
        %convert_element_type3A_510 = arith.fptosi %mul3A_505 : vector<16xf32> to vector<16xi32>
        %convert_element_type3A_511 = arith.fptosi %mul3A_508 : vector<16xf32> to vector<16xi32>
        %convert_element_type3A_512 = arith.sitofp %convert_element_type3A_509 : vector<16xi32> to vector<16xf32>
        %sub3A = arith.subf %mul3A_502, %convert_element_type3A_512 : vector<16xf32>
        %convert_element_type3A_513 = arith.sitofp %convert_element_type3A_510 : vector<16xi32> to vector<16xf32>
        %sub3A_514 = arith.subf %mul3A_505, %convert_element_type3A_513 : vector<16xf32>
        %convert_element_type3A_515 = arith.sitofp %convert_element_type3A_511 : vector<16xi32> to vector<16xf32>
        %sub3A_516 = arith.subf %mul3A_508, %convert_element_type3A_515 : vector<16xf32>
        %mul3A_517 = arith.constant -1640531535 : i32
        %mul3A_518 = vector.broadcast %mul3A_517 : i32 to vector<16xi32>
        %mul3A_519 = arith.muli %convert_element_type3A_510, %mul3A_518 : vector<16xi32>
        %mul3A_520 = arith.constant 805459861 : i32
        %mul3A_521 = vector.broadcast %mul3A_520 : i32 to vector<16xi32>
        %mul3A_522 = arith.muli %convert_element_type3A_511, %mul3A_521 : vector<16xi32>
        %sub3A_523 = arith.subf %add3A_8, %sub3A : vector<16xf32>
        %sub3A_524 = arith.subf %add3A_8, %sub3A_514 : vector<16xf32>
        %sub3A_525 = arith.subf %add3A_8, %sub3A_516 : vector<16xf32>
        %add3A_526 = arith.constant 1 : i32
        %add3A_527 = vector.broadcast %add3A_526 : i32 to vector<16xi32>
        %add3A_528 = arith.addi %convert_element_type3A_509, %add3A_527 : vector<16xi32>
        %add3A_529 = arith.constant -1640531535 : i32
        %add3A_530 = vector.broadcast %add3A_529 : i32 to vector<16xi32>
        %add3A_531 = arith.addi %mul3A_519, %add3A_530 : vector<16xi32>
        %add3A_532 = arith.constant 805459861 : i32
        %add3A_533 = vector.broadcast %add3A_532 : i32 to vector<16xi32>
        %add3A_534 = arith.addi %mul3A_522, %add3A_533 : vector<16xi32>
        %xor3A = arith.xori %convert_element_type3A_509, %mul3A_519 : vector<16xi32>
        %xor3A_535 = arith.xori %xor3A, %mul3A_522 : vector<16xi32>
        %and3A_536 = arith.constant 524287 : i32
        %and3A_537 = vector.broadcast %and3A_536 : i32 to vector<16xi32>
        %and3A_538 = arith.andi %xor3A_535, %and3A_537 : vector<16xi32>
        %add3A_539 = arith.addi %and3A_538, %get3A_197 : vector<16xi32>
        %shift_right_logical3A_540 = arith.constant 3 : i32
        %shift_right_logical3A_541 = vector.broadcast %shift_right_logical3A_540 : i32 to vector<16xi32>
        %shift_right_logical3A_542 = arith.shrui %add3A_539, %shift_right_logical3A_541 : vector<16xi32>
        %swap3A = arith.index_cast %mul3A_499 : i32 to index
        %swap3A_543 = tpu.vector_load %arg16[%swap3A] {strides = array<i32>} : memref<256xi32, #tpu.memory_space<vmem>>, vector<16xi32>,
        tpu.vector_store %arg16[%swap3A], %shift_right_logical3A_542 {strides = array<i32>} : memref<256xi32, #tpu.memory_space<vmem>>, vector<16xi32>,
        %and3A_544 = arith.constant 7 : i32
        %and3A_545 = vector.broadcast %and3A_544 : i32 to vector<16xi32>
        %and3A_546 = arith.andi %add3A_539, %and3A_545 : vector<16xi32>
        %shift_left3A = arith.constant 1 : i32
        %shift_left3A_547 = vector.broadcast %shift_left3A : i32 to vector<16xi32>
        %shift_left3A_548 = arith.shli %and3A_546, %shift_left3A_547 : vector<16xi32>
        %swap3A_549 = arith.constant 0 : i32
        %swap3A_550 = arith.index_cast %swap3A_549 : i32 to index
        %swap3A_551 = arith.index_cast %mul3A_499 : i32 to index
        %swap3A_552 = tpu.vector_load %arg50[%swap3A_550, %swap3A_551] {strides = array<i32>} : memref<8x256xi32, #tpu.memory_space<vmem>>, vector<16xi32>,
        tpu.vector_store %arg50[%swap3A_550, %swap3A_551], %shift_left3A_548 {strides = array<i32>} : memref<8x256xi32, #tpu.memory_space<vmem>>, vector<16xi32>,
        %mul3A_553 = arith.mulf %sub3A_523, %sub3A_524 : vector<16xf32>
        %mul3A_554 = arith.mulf %mul3A_553, %sub3A_525 : vector<16xf32>
        %swap3A_555 = arith.constant 0 : i32
        %swap3A_556 = arith.index_cast %swap3A_555 : i32 to index
        %swap3A_557 = arith.index_cast %mul3A_499 : i32 to index
        %swap3A_558 = tpu.vector_load %arg48[%swap3A_556, %swap3A_557] {strides = array<i32>} : memref<8x256xf32, #tpu.memory_space<vmem>>, vector<16xf32>,
        tpu.vector_store %arg48[%swap3A_556, %swap3A_557], %mul3A_554 {strides = array<i32>} : memref<8x256xf32, #tpu.memory_space<vmem>>, vector<16xf32>,
        %xor3A_559 = arith.xori %convert_element_type3A_509, %mul3A_519 : vector<16xi32>
        %xor3A_560 = arith.xori %xor3A_559, %add3A_534 : vector<16xi32>
        %and3A_561 = arith.constant 524287 : i32
        %and3A_562 = vector.broadcast %and3A_561 : i32 to vector<16xi32>
        %and3A_563 = arith.andi %xor3A_560, %and3A_562 : vector<16xi32>
        %add3A_564 = arith.addi %and3A_563, %get3A_197 : vector<16xi32>
        %shift_right_logical3A_565 = arith.constant 3 : i32
        %shift_right_logical3A_566 = vector.broadcast %shift_right_logical3A_565 : i32 to vector<16xi32>
        %shift_right_logical3A_567 = arith.shrui %add3A_564, %shift_right_logical3A_566 : vector<16xi32>
        %swap3A_568 = arith.index_cast %mul3A_499 : i32 to index
        %swap3A_569 = tpu.vector_load %arg17[%swap3A_568] {strides = array<i32>} : memref<256xi32, #tpu.memory_space<vmem>>, vector<16xi32>,
        tpu.vector_store %arg17[%swap3A_568], %shift_right_logical3A_567 {strides = array<i32>} : memref<256xi32, #tpu.memory_space<vmem>>, vector<16xi32>,
        %and3A_570 = arith.constant 7 : i32
        %and3A_571 = vector.broadcast %and3A_570 : i32 to vector<16xi32>
        %and3A_572 = arith.andi %add3A_564, %and3A_571 : vector<16xi32>
        %shift_left3A_573 = arith.constant 1 : i32
        %shift_left3A_574 = vector.broadcast %shift_left3A_573 : i32 to vector<16xi32>
        %shift_left3A_575 = arith.shli %and3A_572, %shift_left3A_574 : vector<16xi32>
        %swap3A_576 = arith.constant 1 : i32
        %swap3A_577 = arith.index_cast %swap3A_576 : i32 to index
        %swap3A_578 = arith.index_cast %mul3A_499 : i32 to index
        %swap3A_579 = tpu.vector_load %arg50[%swap3A_577, %swap3A_578] {strides = array<i32>} : memref<8x256xi32, #tpu.memory_space<vmem>>, vector<16xi32>,
        tpu.vector_store %arg50[%swap3A_577, %swap3A_578], %shift_left3A_575 {strides = array<i32>} : memref<8x256xi32, #tpu.memory_space<vmem>>, vector<16xi32>,
        %mul3A_580 = arith.mulf %sub3A_523, %sub3A_524 : vector<16xf32>
        %mul3A_581 = arith.mulf %mul3A_580, %sub3A_516 : vector<16xf32>
        %swap3A_582 = arith.constant 1 : i32
        %swap3A_583 = arith.index_cast %swap3A_582 : i32 to index
        %swap3A_584 = arith.index_cast %mul3A_499 : i32 to index
        %swap3A_585 = tpu.vector_load %arg48[%swap3A_583, %swap3A_584] {strides = array<i32>} : memref<8x256xf32, #tpu.memory_space<vmem>>, vector<16xf32>,
        tpu.vector_store %arg48[%swap3A_583, %swap3A_584], %mul3A_581 {strides = array<i32>} : memref<8x256xf32, #tpu.memory_space<vmem>>, vector<16xf32>,
        %xor3A_586 = arith.xori %convert_element_type3A_509, %add3A_531 : vector<16xi32>
        %xor3A_587 = arith.xori %xor3A_586, %mul3A_522 : vector<16xi32>
        %and3A_588 = arith.constant 524287 : i32
        %and3A_589 = vector.broadcast %and3A_588 : i32 to vector<16xi32>
        %and3A_590 = arith.andi %xor3A_587, %and3A_589 : vector<16xi32>
        %add3A_591 = arith.addi %and3A_590, %get3A_197 : vector<16xi32>
        %shift_right_logical3A_592 = arith.constant 3 : i32
        %shift_right_logical3A_593 = vector.broadcast %shift_right_logical3A_592 : i32 to vector<16xi32>
        %shift_right_logical3A_594 = arith.shrui %add3A_591, %shift_right_logical3A_593 : vector<16xi32>
        %swap3A_595 = arith.index_cast %mul3A_499 : i32 to index
        %swap3A_596 = tpu.vector_load %arg18[%swap3A_595] {strides = array<i32>} : memref<256xi32, #tpu.memory_space<vmem>>, vector<16xi32>,
        tpu.vector_store %arg18[%swap3A_595], %shift_right_logical3A_594 {strides = array<i32>} : memref<256xi32, #tpu.memory_space<vmem>>, vector<16xi32>,
        %and3A_597 = arith.constant 7 : i32
        %and3A_598 = vector.broadcast %and3A_597 : i32 to vector<16xi32>
        %and3A_599 = arith.andi %add3A_591, %and3A_598 : vector<16xi32>
        %shift_left3A_600 = arith.constant 1 : i32
        %shift_left3A_601 = vector.broadcast %shift_left3A_600 : i32 to vector<16xi32>
        %shift_left3A_602 = arith.shli %and3A_599, %shift_left3A_601 : vector<16xi32>
        %swap3A_603 = arith.constant 2 : i32
        %swap3A_604 = arith.index_cast %swap3A_603 : i32 to index
        %swap3A_605 = arith.index_cast %mul3A_499 : i32 to index
        %swap3A_606 = tpu.vector_load %arg50[%swap3A_604, %swap3A_605] {strides = array<i32>} : memref<8x256xi32, #tpu.memory_space<vmem>>, vector<16xi32>,
        tpu.vector_store %arg50[%swap3A_604, %swap3A_605], %shift_left3A_602 {strides = array<i32>} : memref<8x256xi32, #tpu.memory_space<vmem>>, vector<16xi32>,
        %mul3A_607 = arith.mulf %sub3A_523, %sub3A_514 : vector<16xf32>
        %mul3A_608 = arith.mulf %mul3A_607, %sub3A_525 : vector<16xf32>
        %swap3A_609 = arith.constant 2 : i32
        %swap3A_610 = arith.index_cast %swap3A_609 : i32 to index
        %swap3A_611 = arith.index_cast %mul3A_499 : i32 to index
        %swap3A_612 = tpu.vector_load %arg48[%swap3A_610, %swap3A_611] {strides = array<i32>} : memref<8x256xf32, #tpu.memory_space<vmem>>, vector<16xf32>,
        tpu.vector_store %arg48[%swap3A_610, %swap3A_611], %mul3A_608 {strides = array<i32>} : memref<8x256xf32, #tpu.memory_space<vmem>>, vector<16xf32>,
        %xor3A_613 = arith.xori %convert_element_type3A_509, %add3A_531 : vector<16xi32>
        %xor3A_614 = arith.xori %xor3A_613, %add3A_534 : vector<16xi32>
        %and3A_615 = arith.constant 524287 : i32
        %and3A_616 = vector.broadcast %and3A_615 : i32 to vector<16xi32>
        %and3A_617 = arith.andi %xor3A_614, %and3A_616 : vector<16xi32>
        %add3A_618 = arith.addi %and3A_617, %get3A_197 : vector<16xi32>
        %shift_right_logical3A_619 = arith.constant 3 : i32
        %shift_right_logical3A_620 = vector.broadcast %shift_right_logical3A_619 : i32 to vector<16xi32>
        %shift_right_logical3A_621 = arith.shrui %add3A_618, %shift_right_logical3A_620 : vector<16xi32>
        %swap3A_622 = arith.index_cast %mul3A_499 : i32 to index
        %swap3A_623 = tpu.vector_load %arg19[%swap3A_622] {strides = array<i32>} : memref<256xi32, #tpu.memory_space<vmem>>, vector<16xi32>,
        tpu.vector_store %arg19[%swap3A_622], %shift_right_logical3A_621 {strides = array<i32>} : memref<256xi32, #tpu.memory_space<vmem>>, vector<16xi32>,
        %and3A_624 = arith.constant 7 : i32
        %and3A_625 = vector.broadcast %and3A_624 : i32 to vector<16xi32>
        %and3A_626 = arith.andi %add3A_618, %and3A_625 : vector<16xi32>
        %shift_left3A_627 = arith.constant 1 : i32
        %shift_left3A_628 = vector.broadcast %shift_left3A_627 : i32 to vector<16xi32>
        %shift_left3A_629 = arith.shli %and3A_626, %shift_left3A_628 : vector<16xi32>
        %swap3A_630 = arith.constant 3 : i32
        %swap3A_631 = arith.index_cast %swap3A_630 : i32 to index
        %swap3A_632 = arith.index_cast %mul3A_499 : i32 to index
        %swap3A_633 = tpu.vector_load %arg50[%swap3A_631, %swap3A_632] {strides = array<i32>} : memref<8x256xi32, #tpu.memory_space<vmem>>, vector<16xi32>,
        tpu.vector_store %arg50[%swap3A_631, %swap3A_632], %shift_left3A_629 {strides = array<i32>} : memref<8x256xi32, #tpu.memory_space<vmem>>, vector<16xi32>,
        %mul3A_634 = arith.mulf %sub3A_523, %sub3A_514 : vector<16xf32>
        %mul3A_635 = arith.mulf %mul3A_634, %sub3A_516 : vector<16xf32>
        %swap3A_636 = arith.constant 3 : i32
        %swap3A_637 = arith.index_cast %swap3A_636 : i32 to index
        %swap3A_638 = arith.index_cast %mul3A_499 : i32 to index
        %swap3A_639 = tpu.vector_load %arg48[%swap3A_637, %swap3A_638] {strides = array<i32>} : memref<8x256xf32, #tpu.memory_space<vmem>>, vector<16xf32>,
        tpu.vector_store %arg48[%swap3A_637, %swap3A_638], %mul3A_635 {strides = array<i32>} : memref<8x256xf32, #tpu.memory_space<vmem>>, vector<16xf32>,
        %xor3A_640 = arith.xori %add3A_528, %mul3A_519 : vector<16xi32>
        %xor3A_641 = arith.xori %xor3A_640, %mul3A_522 : vector<16xi32>
        %and3A_642 = arith.constant 524287 : i32
        %and3A_643 = vector.broadcast %and3A_642 : i32 to vector<16xi32>
        %and3A_644 = arith.andi %xor3A_641, %and3A_643 : vector<16xi32>
        %add3A_645 = arith.addi %and3A_644, %get3A_197 : vector<16xi32>
        %shift_right_logical3A_646 = arith.constant 3 : i32
        %shift_right_logical3A_647 = vector.broadcast %shift_right_logical3A_646 : i32 to vector<16xi32>
        %shift_right_logical3A_648 = arith.shrui %add3A_645, %shift_right_logical3A_647 : vector<16xi32>
        %swap3A_649 = arith.index_cast %mul3A_499 : i32 to index
        %swap3A_650 = tpu.vector_load %arg20[%swap3A_649] {strides = array<i32>} : memref<256xi32, #tpu.memory_space<vmem>>, vector<16xi32>,
        tpu.vector_store %arg20[%swap3A_649], %shift_right_logical3A_648 {strides = array<i32>} : memref<256xi32, #tpu.memory_space<vmem>>, vector<16xi32>,
        %and3A_651 = arith.constant 7 : i32
        %and3A_652 = vector.broadcast %and3A_651 : i32 to vector<16xi32>
        %and3A_653 = arith.andi %add3A_645, %and3A_652 : vector<16xi32>
        %shift_left3A_654 = arith.constant 1 : i32
        %shift_left3A_655 = vector.broadcast %shift_left3A_654 : i32 to vector<16xi32>
        %shift_left3A_656 = arith.shli %and3A_653, %shift_left3A_655 : vector<16xi32>
        %swap3A_657 = arith.constant 4 : i32
        %swap3A_658 = arith.index_cast %swap3A_657 : i32 to index
        %swap3A_659 = arith.index_cast %mul3A_499 : i32 to index
        %swap3A_660 = tpu.vector_load %arg50[%swap3A_658, %swap3A_659] {strides = array<i32>} : memref<8x256xi32, #tpu.memory_space<vmem>>, vector<16xi32>,
        tpu.vector_store %arg50[%swap3A_658, %swap3A_659], %shift_left3A_656 {strides = array<i32>} : memref<8x256xi32, #tpu.memory_space<vmem>>, vector<16xi32>,
        %mul3A_661 = arith.mulf %sub3A, %sub3A_524 : vector<16xf32>
        %mul3A_662 = arith.mulf %mul3A_661, %sub3A_525 : vector<16xf32>
        %swap3A_663 = arith.constant 4 : i32
        %swap3A_664 = arith.index_cast %swap3A_663 : i32 to index
        %swap3A_665 = arith.index_cast %mul3A_499 : i32 to index
        %swap3A_666 = tpu.vector_load %arg48[%swap3A_664, %swap3A_665] {strides = array<i32>} : memref<8x256xf32, #tpu.memory_space<vmem>>, vector<16xf32>,
        tpu.vector_store %arg48[%swap3A_664, %swap3A_665], %mul3A_662 {strides = array<i32>} : memref<8x256xf32, #tpu.memory_space<vmem>>, vector<16xf32>,
        %xor3A_667 = arith.xori %add3A_528, %mul3A_519 : vector<16xi32>
        %xor3A_668 = arith.xori %xor3A_667, %add3A_534 : vector<16xi32>
        %and3A_669 = arith.constant 524287 : i32
        %and3A_670 = vector.broadcast %and3A_669 : i32 to vector<16xi32>
        %and3A_671 = arith.andi %xor3A_668, %and3A_670 : vector<16xi32>
        %add3A_672 = arith.addi %and3A_671, %get3A_197 : vector<16xi32>
        %shift_right_logical3A_673 = arith.constant 3 : i32
        %shift_right_logical3A_674 = vector.broadcast %shift_right_logical3A_673 : i32 to vector<16xi32>
        %shift_right_logical3A_675 = arith.shrui %add3A_672, %shift_right_logical3A_674 : vector<16xi32>
        %swap3A_676 = arith.index_cast %mul3A_499 : i32 to index
        %swap3A_677 = tpu.vector_load %arg21[%swap3A_676] {strides = array<i32>} : memref<256xi32, #tpu.memory_space<vmem>>, vector<16xi32>,
        tpu.vector_store %arg21[%swap3A_676], %shift_right_logical3A_675 {strides = array<i32>} : memref<256xi32, #tpu.memory_space<vmem>>, vector<16xi32>,
        %and3A_678 = arith.constant 7 : i32
        %and3A_679 = vector.broadcast %and3A_678 : i32 to vector<16xi32>
        %and3A_680 = arith.andi %add3A_672, %and3A_679 : vector<16xi32>
        %shift_left3A_681 = arith.constant 1 : i32
        %shift_left3A_682 = vector.broadcast %shift_left3A_681 : i32 to vector<16xi32>
        %shift_left3A_683 = arith.shli %and3A_680, %shift_left3A_682 : vector<16xi32>
        %swap3A_684 = arith.constant 5 : i32
        %swap3A_685 = arith.index_cast %swap3A_684 : i32 to index
        %swap3A_686 = arith.index_cast %mul3A_499 : i32 to index
        %swap3A_687 = tpu.vector_load %arg50[%swap3A_685, %swap3A_686] {strides = array<i32>} : memref<8x256xi32, #tpu.memory_space<vmem>>, vector<16xi32>,
        tpu.vector_store %arg50[%swap3A_685, %swap3A_686], %shift_left3A_683 {strides = array<i32>} : memref<8x256xi32, #tpu.memory_space<vmem>>, vector<16xi32>,
        %mul3A_688 = arith.mulf %sub3A, %sub3A_524 : vector<16xf32>
        %mul3A_689 = arith.mulf %mul3A_688, %sub3A_516 : vector<16xf32>
        %swap3A_690 = arith.constant 5 : i32
        %swap3A_691 = arith.index_cast %swap3A_690 : i32 to index
        %swap3A_692 = arith.index_cast %mul3A_499 : i32 to index
        %swap3A_693 = tpu.vector_load %arg48[%swap3A_691, %swap3A_692] {strides = array<i32>} : memref<8x256xf32, #tpu.memory_space<vmem>>, vector<16xf32>,
        tpu.vector_store %arg48[%swap3A_691, %swap3A_692], %mul3A_689 {strides = array<i32>} : memref<8x256xf32, #tpu.memory_space<vmem>>, vector<16xf32>,
        %xor3A_694 = arith.xori %add3A_528, %add3A_531 : vector<16xi32>
        %xor3A_695 = arith.xori %xor3A_694, %mul3A_522 : vector<16xi32>
        %and3A_696 = arith.constant 524287 : i32
        %and3A_697 = vector.broadcast %and3A_696 : i32 to vector<16xi32>
        %and3A_698 = arith.andi %xor3A_695, %and3A_697 : vector<16xi32>
        %add3A_699 = arith.addi %and3A_698, %get3A_197 : vector<16xi32>
        %shift_right_logical3A_700 = arith.constant 3 : i32
        %shift_right_logical3A_701 = vector.broadcast %shift_right_logical3A_700 : i32 to vector<16xi32>
        %shift_right_logical3A_702 = arith.shrui %add3A_699, %shift_right_logical3A_701 : vector<16xi32>
        %swap3A_703 = arith.index_cast %mul3A_499 : i32 to index
        %swap3A_704 = tpu.vector_load %arg22[%swap3A_703] {strides = array<i32>} : memref<256xi32, #tpu.memory_space<vmem>>, vector<16xi32>,
        tpu.vector_store %arg22[%swap3A_703], %shift_right_logical3A_702 {strides = array<i32>} : memref<256xi32, #tpu.memory_space<vmem>>, vector<16xi32>,
        %and3A_705 = arith.constant 7 : i32
        %and3A_706 = vector.broadcast %and3A_705 : i32 to vector<16xi32>
        %and3A_707 = arith.andi %add3A_699, %and3A_706 : vector<16xi32>
        %shift_left3A_708 = arith.constant 1 : i32
        %shift_left3A_709 = vector.broadcast %shift_left3A_708 : i32 to vector<16xi32>
        %shift_left3A_710 = arith.shli %and3A_707, %shift_left3A_709 : vector<16xi32>
        %swap3A_711 = arith.constant 6 : i32
        %swap3A_712 = arith.index_cast %swap3A_711 : i32 to index
        %swap3A_713 = arith.index_cast %mul3A_499 : i32 to index
        %swap3A_714 = tpu.vector_load %arg50[%swap3A_712, %swap3A_713] {strides = array<i32>} : memref<8x256xi32, #tpu.memory_space<vmem>>, vector<16xi32>,
        tpu.vector_store %arg50[%swap3A_712, %swap3A_713], %shift_left3A_710 {strides = array<i32>} : memref<8x256xi32, #tpu.memory_space<vmem>>, vector<16xi32>,
        %mul3A_715 = arith.mulf %sub3A, %sub3A_514 : vector<16xf32>
        %mul3A_716 = arith.mulf %mul3A_715, %sub3A_525 : vector<16xf32>
        %swap3A_717 = arith.constant 6 : i32
        %swap3A_718 = arith.index_cast %swap3A_717 : i32 to index
        %swap3A_719 = arith.index_cast %mul3A_499 : i32 to index
        %swap3A_720 = tpu.vector_load %arg48[%swap3A_718, %swap3A_719] {strides = array<i32>} : memref<8x256xf32, #tpu.memory_space<vmem>>, vector<16xf32>,
        tpu.vector_store %arg48[%swap3A_718, %swap3A_719], %mul3A_716 {strides = array<i32>} : memref<8x256xf32, #tpu.memory_space<vmem>>, vector<16xf32>,
        %xor3A_721 = arith.xori %add3A_528, %add3A_531 : vector<16xi32>
        %xor3A_722 = arith.xori %xor3A_721, %add3A_534 : vector<16xi32>
        %and3A_723 = arith.constant 524287 : i32
        %and3A_724 = vector.broadcast %and3A_723 : i32 to vector<16xi32>
        %and3A_725 = arith.andi %xor3A_722, %and3A_724 : vector<16xi32>
        %add3A_726 = arith.addi %and3A_725, %get3A_197 : vector<16xi32>
        %shift_right_logical3A_727 = arith.constant 3 : i32
        %shift_right_logical3A_728 = vector.broadcast %shift_right_logical3A_727 : i32 to vector<16xi32>
        %shift_right_logical3A_729 = arith.shrui %add3A_726, %shift_right_logical3A_728 : vector<16xi32>
        %swap3A_730 = arith.index_cast %mul3A_499 : i32 to index
        %swap3A_731 = tpu.vector_load %arg23[%swap3A_730] {strides = array<i32>} : memref<256xi32, #tpu.memory_space<vmem>>, vector<16xi32>,
        tpu.vector_store %arg23[%swap3A_730], %shift_right_logical3A_729 {strides = array<i32>} : memref<256xi32, #tpu.memory_space<vmem>>, vector<16xi32>,
        %and3A_732 = arith.constant 7 : i32
        %and3A_733 = vector.broadcast %and3A_732 : i32 to vector<16xi32>
        %and3A_734 = arith.andi %add3A_726, %and3A_733 : vector<16xi32>
        %shift_left3A_735 = arith.constant 1 : i32
        %shift_left3A_736 = vector.broadcast %shift_left3A_735 : i32 to vector<16xi32>
        %shift_left3A_737 = arith.shli %and3A_734, %shift_left3A_736 : vector<16xi32>
        %swap3A_738 = arith.constant 7 : i32
        %swap3A_739 = arith.index_cast %swap3A_738 : i32 to index
        %swap3A_740 = arith.index_cast %mul3A_499 : i32 to index
        %swap3A_741 = tpu.vector_load %arg50[%swap3A_739, %swap3A_740] {strides = array<i32>} : memref<8x256xi32, #tpu.memory_space<vmem>>, vector<16xi32>,
        tpu.vector_store %arg50[%swap3A_739, %swap3A_740], %shift_left3A_737 {strides = array<i32>} : memref<8x256xi32, #tpu.memory_space<vmem>>, vector<16xi32>,
        %mul3A_742 = arith.mulf %sub3A, %sub3A_514 : vector<16xf32>
        %mul3A_743 = arith.mulf %mul3A_742, %sub3A_516 : vector<16xf32>
        %swap3A_744 = arith.constant 7 : i32
        %swap3A_745 = arith.index_cast %swap3A_744 : i32 to index
        %swap3A_746 = arith.index_cast %mul3A_499 : i32 to index
        %swap3A_747 = tpu.vector_load %arg48[%swap3A_745, %swap3A_746] {strides = array<i32>} : memref<8x256xf32, #tpu.memory_space<vmem>>, vector<16xf32>,
        tpu.vector_store %arg48[%swap3A_745, %swap3A_746], %mul3A_743 {strides = array<i32>} : memref<8x256xf32, #tpu.memory_space<vmem>>, vector<16xf32>,
        %scan3A_748 = arith.constant 0 : i32
        scf.yield %scan3A_748 : i32
      }
      %scan3A_204 = arith.constant 16 : i32
      %dma_start3A = arith.constant 0 : i32
      %dma_start3A_205 = arith.constant 0 : i32
      %dma_start3A_206 = tpu.memref_slice %arg3[%dma_start3A, %dma_start3A_205] : memref<1048576x16xf32, #tpu.memory_space<hbm>> -> memref<1048576x16xf32, #tpu.memory_space<hbm>>
      tpu.enqueue_indirect_dma source(%dma_start3A_206 : memref<1048576x16xf32, #tpu.memory_space<hbm>>) target(%arg32 : memref<256x16xf32, #tpu.memory_space<vmem>>) offsets(%arg16 : memref<256xi32, #tpu.memory_space<vmem>>) semaphore(%arg13 : memref<!tpu.dma_semaphore, #tpu.memory_space<semaphore_mem>>)
      %dma_start3A_207 = arith.constant 0 : i32
      %dma_start3A_208 = arith.constant 0 : i32
      %dma_start3A_209 = tpu.memref_slice %arg3[%dma_start3A_207, %dma_start3A_208] : memref<1048576x16xf32, #tpu.memory_space<hbm>> -> memref<1048576x16xf32, #tpu.memory_space<hbm>>
      tpu.enqueue_indirect_dma source(%dma_start3A_209 : memref<1048576x16xf32, #tpu.memory_space<hbm>>) target(%arg33 : memref<256x16xf32, #tpu.memory_space<vmem>>) offsets(%arg17 : memref<256xi32, #tpu.memory_space<vmem>>) semaphore(%arg13 : memref<!tpu.dma_semaphore, #tpu.memory_space<semaphore_mem>>)
      %dma_start3A_210 = arith.constant 0 : i32
      %dma_start3A_211 = arith.constant 0 : i32
      %dma_start3A_212 = tpu.memref_slice %arg3[%dma_start3A_210, %dma_start3A_211] : memref<1048576x16xf32, #tpu.memory_space<hbm>> -> memref<1048576x16xf32, #tpu.memory_space<hbm>>
      tpu.enqueue_indirect_dma source(%dma_start3A_212 : memref<1048576x16xf32, #tpu.memory_space<hbm>>) target(%arg34 : memref<256x16xf32, #tpu.memory_space<vmem>>) offsets(%arg18 : memref<256xi32, #tpu.memory_space<vmem>>) semaphore(%arg13 : memref<!tpu.dma_semaphore, #tpu.memory_space<semaphore_mem>>)
      %dma_start3A_213 = arith.constant 0 : i32
      %dma_start3A_214 = arith.constant 0 : i32
      %dma_start3A_215 = tpu.memref_slice %arg3[%dma_start3A_213, %dma_start3A_214] : memref<1048576x16xf32, #tpu.memory_space<hbm>> -> memref<1048576x16xf32, #tpu.memory_space<hbm>>
      tpu.enqueue_indirect_dma source(%dma_start3A_215 : memref<1048576x16xf32, #tpu.memory_space<hbm>>) target(%arg35 : memref<256x16xf32, #tpu.memory_space<vmem>>) offsets(%arg19 : memref<256xi32, #tpu.memory_space<vmem>>) semaphore(%arg13 : memref<!tpu.dma_semaphore, #tpu.memory_space<semaphore_mem>>)
      %dma_start3A_216 = arith.constant 0 : i32
      %dma_start3A_217 = arith.constant 0 : i32
      %dma_start3A_218 = tpu.memref_slice %arg3[%dma_start3A_216, %dma_start3A_217] : memref<1048576x16xf32, #tpu.memory_space<hbm>> -> memref<1048576x16xf32, #tpu.memory_space<hbm>>
      tpu.enqueue_indirect_dma source(%dma_start3A_218 : memref<1048576x16xf32, #tpu.memory_space<hbm>>) target(%arg36 : memref<256x16xf32, #tpu.memory_space<vmem>>) offsets(%arg20 : memref<256xi32, #tpu.memory_space<vmem>>) semaphore(%arg13 : memref<!tpu.dma_semaphore, #tpu.memory_space<semaphore_mem>>)
      %dma_start3A_219 = arith.constant 0 : i32
      %dma_start3A_220 = arith.constant 0 : i32
      %dma_start3A_221 = tpu.memref_slice %arg3[%dma_start3A_219, %dma_start3A_220] : memref<1048576x16xf32, #tpu.memory_space<hbm>> -> memref<1048576x16xf32, #tpu.memory_space<hbm>>
      tpu.enqueue_indirect_dma source(%dma_start3A_221 : memref<1048576x16xf32, #tpu.memory_space<hbm>>) target(%arg37 : memref<256x16xf32, #tpu.memory_space<vmem>>) offsets(%arg21 : memref<256xi32, #tpu.memory_space<vmem>>) semaphore(%arg13 : memref<!tpu.dma_semaphore, #tpu.memory_space<semaphore_mem>>)
      %dma_start3A_222 = arith.constant 0 : i32
      %dma_start3A_223 = arith.constant 0 : i32
      %dma_start3A_224 = tpu.memref_slice %arg3[%dma_start3A_222, %dma_start3A_223] : memref<1048576x16xf32, #tpu.memory_space<hbm>> -> memref<1048576x16xf32, #tpu.memory_space<hbm>>
      tpu.enqueue_indirect_dma source(%dma_start3A_224 : memref<1048576x16xf32, #tpu.memory_space<hbm>>) target(%arg38 : memref<256x16xf32, #tpu.memory_space<vmem>>) offsets(%arg22 : memref<256xi32, #tpu.memory_space<vmem>>) semaphore(%arg13 : memref<!tpu.dma_semaphore, #tpu.memory_space<semaphore_mem>>)
      %dma_start3A_225 = arith.constant 0 : i32
      %dma_start3A_226 = arith.constant 0 : i32
      %dma_start3A_227 = tpu.memref_slice %arg3[%dma_start3A_225, %dma_start3A_226] : memref<1048576x16xf32, #tpu.memory_space<hbm>> -> memref<1048576x16xf32, #tpu.memory_space<hbm>>
      tpu.enqueue_indirect_dma source(%dma_start3A_227 : memref<1048576x16xf32, #tpu.memory_space<hbm>>) target(%arg39 : memref<256x16xf32, #tpu.memory_space<vmem>>) offsets(%arg23 : memref<256xi32, #tpu.memory_space<vmem>>) semaphore(%arg13 : memref<!tpu.dma_semaphore, #tpu.memory_space<semaphore_mem>>)
      %get3A_228 = arith.constant 1 : i32
      %get3A_229 = arith.index_cast %get3A_228 : i32 to index
      %get3A_230 = arith.constant 0 : index
      %get3A_231 = tpu.vector_load %arg11[%get3A_229, %get3A_230] {strides = array<i32>} : memref<16x16xf32, #tpu.memory_space<vmem>>, vector<16xf32>,
      %get3A_232 = arith.constant 1 : i32
      %get3A_233 = arith.index_cast %get3A_232 : i32 to index
      %get3A_234 = arith.constant 0 : index
      %get3A_235 = tpu.vector_load %arg12[%get3A_233, %get3A_234] {strides = array<i32>} : memref<16x16xi32, #tpu.memory_space<vmem>>, vector<16xi32>,
      %scan3A_236 = arith.constant 0 : i32
      %scan3A_237 = arith.constant 0 : i32
      %scan3A_238 = arith.constant 16 : i32
      %scan3A_239 = arith.addi %scan3A_237, %scan3A_238 : i32
      %scan3A_240 = arith.constant 1 : i32
      %scan3A_241 = scf.for %scan3A_496 = %scan3A_237 to %scan3A_239 step %scan3A_240 iter_args(%scan3A_497 = %scan3A_236) -> (i32)  : i32 {
        %mul3A_498 = arith.constant 16 : i32
        %mul3A_499 = arith.muli %scan3A_496, %mul3A_498 : i32
        %get3A_500 = arith.index_cast %mul3A_499 : i32 to index
        %get3A_501 = tpu.vector_load %arg7[%get3A_500] {strides = array<i32>} : memref<256xf32, #tpu.memory_space<vmem>>, vector<16xf32>,
        %mul3A_502 = arith.mulf %get3A_501, %get3A_231 : vector<16xf32>
        %get3A_503 = arith.index_cast %mul3A_499 : i32 to index
        %get3A_504 = tpu.vector_load %arg8[%get3A_503] {strides = array<i32>} : memref<256xf32, #tpu.memory_space<vmem>>, vector<16xf32>,
        %mul3A_505 = arith.mulf %get3A_504, %get3A_231 : vector<16xf32>
        %get3A_506 = arith.index_cast %mul3A_499 : i32 to index
        %get3A_507 = tpu.vector_load %arg9[%get3A_506] {strides = array<i32>} : memref<256xf32, #tpu.memory_space<vmem>>, vector<16xf32>,
        %mul3A_508 = arith.mulf %get3A_507, %get3A_231 : vector<16xf32>
        %convert_element_type3A_509 = arith.fptosi %mul3A_502 : vector<16xf32> to vector<16xi32>
        %convert_element_type3A_510 = arith.fptosi %mul3A_505 : vector<16xf32> to vector<16xi32>
        %convert_element_type3A_511 = arith.fptosi %mul3A_508 : vector<16xf32> to vector<16xi32>
        %convert_element_type3A_512 = arith.sitofp %convert_element_type3A_509 : vector<16xi32> to vector<16xf32>
        %sub3A = arith.subf %mul3A_502, %convert_element_type3A_512 : vector<16xf32>
        %convert_element_type3A_513 = arith.sitofp %convert_element_type3A_510 : vector<16xi32> to vector<16xf32>
        %sub3A_514 = arith.subf %mul3A_505, %convert_element_type3A_513 : vector<16xf32>
        %convert_element_type3A_515 = arith.sitofp %convert_element_type3A_511 : vector<16xi32> to vector<16xf32>
        %sub3A_516 = arith.subf %mul3A_508, %convert_element_type3A_515 : vector<16xf32>
        %mul3A_517 = arith.constant -1640531535 : i32
        %mul3A_518 = vector.broadcast %mul3A_517 : i32 to vector<16xi32>
        %mul3A_519 = arith.muli %convert_element_type3A_510, %mul3A_518 : vector<16xi32>
        %mul3A_520 = arith.constant 805459861 : i32
        %mul3A_521 = vector.broadcast %mul3A_520 : i32 to vector<16xi32>
        %mul3A_522 = arith.muli %convert_element_type3A_511, %mul3A_521 : vector<16xi32>
        %sub3A_523 = arith.subf %add3A_8, %sub3A : vector<16xf32>
        %sub3A_524 = arith.subf %add3A_8, %sub3A_514 : vector<16xf32>
        %sub3A_525 = arith.subf %add3A_8, %sub3A_516 : vector<16xf32>
        %add3A_526 = arith.constant 1 : i32
        %add3A_527 = vector.broadcast %add3A_526 : i32 to vector<16xi32>
        %add3A_528 = arith.addi %convert_element_type3A_509, %add3A_527 : vector<16xi32>
        %add3A_529 = arith.constant -1640531535 : i32
        %add3A_530 = vector.broadcast %add3A_529 : i32 to vector<16xi32>
        %add3A_531 = arith.addi %mul3A_519, %add3A_530 : vector<16xi32>
        %add3A_532 = arith.constant 805459861 : i32
        %add3A_533 = vector.broadcast %add3A_532 : i32 to vector<16xi32>
        %add3A_534 = arith.addi %mul3A_522, %add3A_533 : vector<16xi32>
        %xor3A = arith.xori %convert_element_type3A_509, %mul3A_519 : vector<16xi32>
        %xor3A_535 = arith.xori %xor3A, %mul3A_522 : vector<16xi32>
        %and3A_536 = arith.constant 524287 : i32
        %and3A_537 = vector.broadcast %and3A_536 : i32 to vector<16xi32>
        %and3A_538 = arith.andi %xor3A_535, %and3A_537 : vector<16xi32>
        %add3A_539 = arith.addi %and3A_538, %get3A_235 : vector<16xi32>
        %shift_right_logical3A_540 = arith.constant 3 : i32
        %shift_right_logical3A_541 = vector.broadcast %shift_right_logical3A_540 : i32 to vector<16xi32>
        %shift_right_logical3A_542 = arith.shrui %add3A_539, %shift_right_logical3A_541 : vector<16xi32>
        %swap3A = arith.index_cast %mul3A_499 : i32 to index
        %swap3A_543 = tpu.vector_load %arg24[%swap3A] {strides = array<i32>} : memref<256xi32, #tpu.memory_space<vmem>>, vector<16xi32>,
        tpu.vector_store %arg24[%swap3A], %shift_right_logical3A_542 {strides = array<i32>} : memref<256xi32, #tpu.memory_space<vmem>>, vector<16xi32>,
        %and3A_544 = arith.constant 7 : i32
        %and3A_545 = vector.broadcast %and3A_544 : i32 to vector<16xi32>
        %and3A_546 = arith.andi %add3A_539, %and3A_545 : vector<16xi32>
        %shift_left3A = arith.constant 1 : i32
        %shift_left3A_547 = vector.broadcast %shift_left3A : i32 to vector<16xi32>
        %shift_left3A_548 = arith.shli %and3A_546, %shift_left3A_547 : vector<16xi32>
        %swap3A_549 = arith.constant 0 : i32
        %swap3A_550 = arith.index_cast %swap3A_549 : i32 to index
        %swap3A_551 = arith.index_cast %mul3A_499 : i32 to index
        %swap3A_552 = tpu.vector_load %arg51[%swap3A_550, %swap3A_551] {strides = array<i32>} : memref<8x256xi32, #tpu.memory_space<vmem>>, vector<16xi32>,
        tpu.vector_store %arg51[%swap3A_550, %swap3A_551], %shift_left3A_548 {strides = array<i32>} : memref<8x256xi32, #tpu.memory_space<vmem>>, vector<16xi32>,
        %mul3A_553 = arith.mulf %sub3A_523, %sub3A_524 : vector<16xf32>
        %mul3A_554 = arith.mulf %mul3A_553, %sub3A_525 : vector<16xf32>
        %swap3A_555 = arith.constant 0 : i32
        %swap3A_556 = arith.index_cast %swap3A_555 : i32 to index
        %swap3A_557 = arith.index_cast %mul3A_499 : i32 to index
        %swap3A_558 = tpu.vector_load %arg49[%swap3A_556, %swap3A_557] {strides = array<i32>} : memref<8x256xf32, #tpu.memory_space<vmem>>, vector<16xf32>,
        tpu.vector_store %arg49[%swap3A_556, %swap3A_557], %mul3A_554 {strides = array<i32>} : memref<8x256xf32, #tpu.memory_space<vmem>>, vector<16xf32>,
        %xor3A_559 = arith.xori %convert_element_type3A_509, %mul3A_519 : vector<16xi32>
        %xor3A_560 = arith.xori %xor3A_559, %add3A_534 : vector<16xi32>
        %and3A_561 = arith.constant 524287 : i32
        %and3A_562 = vector.broadcast %and3A_561 : i32 to vector<16xi32>
        %and3A_563 = arith.andi %xor3A_560, %and3A_562 : vector<16xi32>
        %add3A_564 = arith.addi %and3A_563, %get3A_235 : vector<16xi32>
        %shift_right_logical3A_565 = arith.constant 3 : i32
        %shift_right_logical3A_566 = vector.broadcast %shift_right_logical3A_565 : i32 to vector<16xi32>
        %shift_right_logical3A_567 = arith.shrui %add3A_564, %shift_right_logical3A_566 : vector<16xi32>
        %swap3A_568 = arith.index_cast %mul3A_499 : i32 to index
        %swap3A_569 = tpu.vector_load %arg25[%swap3A_568] {strides = array<i32>} : memref<256xi32, #tpu.memory_space<vmem>>, vector<16xi32>,
        tpu.vector_store %arg25[%swap3A_568], %shift_right_logical3A_567 {strides = array<i32>} : memref<256xi32, #tpu.memory_space<vmem>>, vector<16xi32>,
        %and3A_570 = arith.constant 7 : i32
        %and3A_571 = vector.broadcast %and3A_570 : i32 to vector<16xi32>
        %and3A_572 = arith.andi %add3A_564, %and3A_571 : vector<16xi32>
        %shift_left3A_573 = arith.constant 1 : i32
        %shift_left3A_574 = vector.broadcast %shift_left3A_573 : i32 to vector<16xi32>
        %shift_left3A_575 = arith.shli %and3A_572, %shift_left3A_574 : vector<16xi32>
        %swap3A_576 = arith.constant 1 : i32
        %swap3A_577 = arith.index_cast %swap3A_576 : i32 to index
        %swap3A_578 = arith.index_cast %mul3A_499 : i32 to index
        %swap3A_579 = tpu.vector_load %arg51[%swap3A_577, %swap3A_578] {strides = array<i32>} : memref<8x256xi32, #tpu.memory_space<vmem>>, vector<16xi32>,
        tpu.vector_store %arg51[%swap3A_577, %swap3A_578], %shift_left3A_575 {strides = array<i32>} : memref<8x256xi32, #tpu.memory_space<vmem>>, vector<16xi32>,
        %mul3A_580 = arith.mulf %sub3A_523, %sub3A_524 : vector<16xf32>
        %mul3A_581 = arith.mulf %mul3A_580, %sub3A_516 : vector<16xf32>
        %swap3A_582 = arith.constant 1 : i32
        %swap3A_583 = arith.index_cast %swap3A_582 : i32 to index
        %swap3A_584 = arith.index_cast %mul3A_499 : i32 to index
        %swap3A_585 = tpu.vector_load %arg49[%swap3A_583, %swap3A_584] {strides = array<i32>} : memref<8x256xf32, #tpu.memory_space<vmem>>, vector<16xf32>,
        tpu.vector_store %arg49[%swap3A_583, %swap3A_584], %mul3A_581 {strides = array<i32>} : memref<8x256xf32, #tpu.memory_space<vmem>>, vector<16xf32>,
        %xor3A_586 = arith.xori %convert_element_type3A_509, %add3A_531 : vector<16xi32>
        %xor3A_587 = arith.xori %xor3A_586, %mul3A_522 : vector<16xi32>
        %and3A_588 = arith.constant 524287 : i32
        %and3A_589 = vector.broadcast %and3A_588 : i32 to vector<16xi32>
        %and3A_590 = arith.andi %xor3A_587, %and3A_589 : vector<16xi32>
        %add3A_591 = arith.addi %and3A_590, %get3A_235 : vector<16xi32>
        %shift_right_logical3A_592 = arith.constant 3 : i32
        %shift_right_logical3A_593 = vector.broadcast %shift_right_logical3A_592 : i32 to vector<16xi32>
        %shift_right_logical3A_594 = arith.shrui %add3A_591, %shift_right_logical3A_593 : vector<16xi32>
        %swap3A_595 = arith.index_cast %mul3A_499 : i32 to index
        %swap3A_596 = tpu.vector_load %arg26[%swap3A_595] {strides = array<i32>} : memref<256xi32, #tpu.memory_space<vmem>>, vector<16xi32>,
        tpu.vector_store %arg26[%swap3A_595], %shift_right_logical3A_594 {strides = array<i32>} : memref<256xi32, #tpu.memory_space<vmem>>, vector<16xi32>,
        %and3A_597 = arith.constant 7 : i32
        %and3A_598 = vector.broadcast %and3A_597 : i32 to vector<16xi32>
        %and3A_599 = arith.andi %add3A_591, %and3A_598 : vector<16xi32>
        %shift_left3A_600 = arith.constant 1 : i32
        %shift_left3A_601 = vector.broadcast %shift_left3A_600 : i32 to vector<16xi32>
        %shift_left3A_602 = arith.shli %and3A_599, %shift_left3A_601 : vector<16xi32>
        %swap3A_603 = arith.constant 2 : i32
        %swap3A_604 = arith.index_cast %swap3A_603 : i32 to index
        %swap3A_605 = arith.index_cast %mul3A_499 : i32 to index
        %swap3A_606 = tpu.vector_load %arg51[%swap3A_604, %swap3A_605] {strides = array<i32>} : memref<8x256xi32, #tpu.memory_space<vmem>>, vector<16xi32>,
        tpu.vector_store %arg51[%swap3A_604, %swap3A_605], %shift_left3A_602 {strides = array<i32>} : memref<8x256xi32, #tpu.memory_space<vmem>>, vector<16xi32>,
        %mul3A_607 = arith.mulf %sub3A_523, %sub3A_514 : vector<16xf32>
        %mul3A_608 = arith.mulf %mul3A_607, %sub3A_525 : vector<16xf32>
        %swap3A_609 = arith.constant 2 : i32
        %swap3A_610 = arith.index_cast %swap3A_609 : i32 to index
        %swap3A_611 = arith.index_cast %mul3A_499 : i32 to index
        %swap3A_612 = tpu.vector_load %arg49[%swap3A_610, %swap3A_611] {strides = array<i32>} : memref<8x256xf32, #tpu.memory_space<vmem>>, vector<16xf32>,
        tpu.vector_store %arg49[%swap3A_610, %swap3A_611], %mul3A_608 {strides = array<i32>} : memref<8x256xf32, #tpu.memory_space<vmem>>, vector<16xf32>,
        %xor3A_613 = arith.xori %convert_element_type3A_509, %add3A_531 : vector<16xi32>
        %xor3A_614 = arith.xori %xor3A_613, %add3A_534 : vector<16xi32>
        %and3A_615 = arith.constant 524287 : i32
        %and3A_616 = vector.broadcast %and3A_615 : i32 to vector<16xi32>
        %and3A_617 = arith.andi %xor3A_614, %and3A_616 : vector<16xi32>
        %add3A_618 = arith.addi %and3A_617, %get3A_235 : vector<16xi32>
        %shift_right_logical3A_619 = arith.constant 3 : i32
        %shift_right_logical3A_620 = vector.broadcast %shift_right_logical3A_619 : i32 to vector<16xi32>
        %shift_right_logical3A_621 = arith.shrui %add3A_618, %shift_right_logical3A_620 : vector<16xi32>
        %swap3A_622 = arith.index_cast %mul3A_499 : i32 to index
        %swap3A_623 = tpu.vector_load %arg27[%swap3A_622] {strides = array<i32>} : memref<256xi32, #tpu.memory_space<vmem>>, vector<16xi32>,
        tpu.vector_store %arg27[%swap3A_622], %shift_right_logical3A_621 {strides = array<i32>} : memref<256xi32, #tpu.memory_space<vmem>>, vector<16xi32>,
        %and3A_624 = arith.constant 7 : i32
        %and3A_625 = vector.broadcast %and3A_624 : i32 to vector<16xi32>
        %and3A_626 = arith.andi %add3A_618, %and3A_625 : vector<16xi32>
        %shift_left3A_627 = arith.constant 1 : i32
        %shift_left3A_628 = vector.broadcast %shift_left3A_627 : i32 to vector<16xi32>
        %shift_left3A_629 = arith.shli %and3A_626, %shift_left3A_628 : vector<16xi32>
        %swap3A_630 = arith.constant 3 : i32
        %swap3A_631 = arith.index_cast %swap3A_630 : i32 to index
        %swap3A_632 = arith.index_cast %mul3A_499 : i32 to index
        %swap3A_633 = tpu.vector_load %arg51[%swap3A_631, %swap3A_632] {strides = array<i32>} : memref<8x256xi32, #tpu.memory_space<vmem>>, vector<16xi32>,
        tpu.vector_store %arg51[%swap3A_631, %swap3A_632], %shift_left3A_629 {strides = array<i32>} : memref<8x256xi32, #tpu.memory_space<vmem>>, vector<16xi32>,
        %mul3A_634 = arith.mulf %sub3A_523, %sub3A_514 : vector<16xf32>
        %mul3A_635 = arith.mulf %mul3A_634, %sub3A_516 : vector<16xf32>
        %swap3A_636 = arith.constant 3 : i32
        %swap3A_637 = arith.index_cast %swap3A_636 : i32 to index
        %swap3A_638 = arith.index_cast %mul3A_499 : i32 to index
        %swap3A_639 = tpu.vector_load %arg49[%swap3A_637, %swap3A_638] {strides = array<i32>} : memref<8x256xf32, #tpu.memory_space<vmem>>, vector<16xf32>,
        tpu.vector_store %arg49[%swap3A_637, %swap3A_638], %mul3A_635 {strides = array<i32>} : memref<8x256xf32, #tpu.memory_space<vmem>>, vector<16xf32>,
        %xor3A_640 = arith.xori %add3A_528, %mul3A_519 : vector<16xi32>
        %xor3A_641 = arith.xori %xor3A_640, %mul3A_522 : vector<16xi32>
        %and3A_642 = arith.constant 524287 : i32
        %and3A_643 = vector.broadcast %and3A_642 : i32 to vector<16xi32>
        %and3A_644 = arith.andi %xor3A_641, %and3A_643 : vector<16xi32>
        %add3A_645 = arith.addi %and3A_644, %get3A_235 : vector<16xi32>
        %shift_right_logical3A_646 = arith.constant 3 : i32
        %shift_right_logical3A_647 = vector.broadcast %shift_right_logical3A_646 : i32 to vector<16xi32>
        %shift_right_logical3A_648 = arith.shrui %add3A_645, %shift_right_logical3A_647 : vector<16xi32>
        %swap3A_649 = arith.index_cast %mul3A_499 : i32 to index
        %swap3A_650 = tpu.vector_load %arg28[%swap3A_649] {strides = array<i32>} : memref<256xi32, #tpu.memory_space<vmem>>, vector<16xi32>,
        tpu.vector_store %arg28[%swap3A_649], %shift_right_logical3A_648 {strides = array<i32>} : memref<256xi32, #tpu.memory_space<vmem>>, vector<16xi32>,
        %and3A_651 = arith.constant 7 : i32
        %and3A_652 = vector.broadcast %and3A_651 : i32 to vector<16xi32>
        %and3A_653 = arith.andi %add3A_645, %and3A_652 : vector<16xi32>
        %shift_left3A_654 = arith.constant 1 : i32
        %shift_left3A_655 = vector.broadcast %shift_left3A_654 : i32 to vector<16xi32>
        %shift_left3A_656 = arith.shli %and3A_653, %shift_left3A_655 : vector<16xi32>
        %swap3A_657 = arith.constant 4 : i32
        %swap3A_658 = arith.index_cast %swap3A_657 : i32 to index
        %swap3A_659 = arith.index_cast %mul3A_499 : i32 to index
        %swap3A_660 = tpu.vector_load %arg51[%swap3A_658, %swap3A_659] {strides = array<i32>} : memref<8x256xi32, #tpu.memory_space<vmem>>, vector<16xi32>,
        tpu.vector_store %arg51[%swap3A_658, %swap3A_659], %shift_left3A_656 {strides = array<i32>} : memref<8x256xi32, #tpu.memory_space<vmem>>, vector<16xi32>,
        %mul3A_661 = arith.mulf %sub3A, %sub3A_524 : vector<16xf32>
        %mul3A_662 = arith.mulf %mul3A_661, %sub3A_525 : vector<16xf32>
        %swap3A_663 = arith.constant 4 : i32
        %swap3A_664 = arith.index_cast %swap3A_663 : i32 to index
        %swap3A_665 = arith.index_cast %mul3A_499 : i32 to index
        %swap3A_666 = tpu.vector_load %arg49[%swap3A_664, %swap3A_665] {strides = array<i32>} : memref<8x256xf32, #tpu.memory_space<vmem>>, vector<16xf32>,
        tpu.vector_store %arg49[%swap3A_664, %swap3A_665], %mul3A_662 {strides = array<i32>} : memref<8x256xf32, #tpu.memory_space<vmem>>, vector<16xf32>,
        %xor3A_667 = arith.xori %add3A_528, %mul3A_519 : vector<16xi32>
        %xor3A_668 = arith.xori %xor3A_667, %add3A_534 : vector<16xi32>
        %and3A_669 = arith.constant 524287 : i32
        %and3A_670 = vector.broadcast %and3A_669 : i32 to vector<16xi32>
        %and3A_671 = arith.andi %xor3A_668, %and3A_670 : vector<16xi32>
        %add3A_672 = arith.addi %and3A_671, %get3A_235 : vector<16xi32>
        %shift_right_logical3A_673 = arith.constant 3 : i32
        %shift_right_logical3A_674 = vector.broadcast %shift_right_logical3A_673 : i32 to vector<16xi32>
        %shift_right_logical3A_675 = arith.shrui %add3A_672, %shift_right_logical3A_674 : vector<16xi32>
        %swap3A_676 = arith.index_cast %mul3A_499 : i32 to index
        %swap3A_677 = tpu.vector_load %arg29[%swap3A_676] {strides = array<i32>} : memref<256xi32, #tpu.memory_space<vmem>>, vector<16xi32>,
        tpu.vector_store %arg29[%swap3A_676], %shift_right_logical3A_675 {strides = array<i32>} : memref<256xi32, #tpu.memory_space<vmem>>, vector<16xi32>,
        %and3A_678 = arith.constant 7 : i32
        %and3A_679 = vector.broadcast %and3A_678 : i32 to vector<16xi32>
        %and3A_680 = arith.andi %add3A_672, %and3A_679 : vector<16xi32>
        %shift_left3A_681 = arith.constant 1 : i32
        %shift_left3A_682 = vector.broadcast %shift_left3A_681 : i32 to vector<16xi32>
        %shift_left3A_683 = arith.shli %and3A_680, %shift_left3A_682 : vector<16xi32>
        %swap3A_684 = arith.constant 5 : i32
        %swap3A_685 = arith.index_cast %swap3A_684 : i32 to index
        %swap3A_686 = arith.index_cast %mul3A_499 : i32 to index
        %swap3A_687 = tpu.vector_load %arg51[%swap3A_685, %swap3A_686] {strides = array<i32>} : memref<8x256xi32, #tpu.memory_space<vmem>>, vector<16xi32>,
        tpu.vector_store %arg51[%swap3A_685, %swap3A_686], %shift_left3A_683 {strides = array<i32>} : memref<8x256xi32, #tpu.memory_space<vmem>>, vector<16xi32>,
        %mul3A_688 = arith.mulf %sub3A, %sub3A_524 : vector<16xf32>
        %mul3A_689 = arith.mulf %mul3A_688, %sub3A_516 : vector<16xf32>
        %swap3A_690 = arith.constant 5 : i32
        %swap3A_691 = arith.index_cast %swap3A_690 : i32 to index
        %swap3A_692 = arith.index_cast %mul3A_499 : i32 to index
        %swap3A_693 = tpu.vector_load %arg49[%swap3A_691, %swap3A_692] {strides = array<i32>} : memref<8x256xf32, #tpu.memory_space<vmem>>, vector<16xf32>,
        tpu.vector_store %arg49[%swap3A_691, %swap3A_692], %mul3A_689 {strides = array<i32>} : memref<8x256xf32, #tpu.memory_space<vmem>>, vector<16xf32>,
        %xor3A_694 = arith.xori %add3A_528, %add3A_531 : vector<16xi32>
        %xor3A_695 = arith.xori %xor3A_694, %mul3A_522 : vector<16xi32>
        %and3A_696 = arith.constant 524287 : i32
        %and3A_697 = vector.broadcast %and3A_696 : i32 to vector<16xi32>
        %and3A_698 = arith.andi %xor3A_695, %and3A_697 : vector<16xi32>
        %add3A_699 = arith.addi %and3A_698, %get3A_235 : vector<16xi32>
        %shift_right_logical3A_700 = arith.constant 3 : i32
        %shift_right_logical3A_701 = vector.broadcast %shift_right_logical3A_700 : i32 to vector<16xi32>
        %shift_right_logical3A_702 = arith.shrui %add3A_699, %shift_right_logical3A_701 : vector<16xi32>
        %swap3A_703 = arith.index_cast %mul3A_499 : i32 to index
        %swap3A_704 = tpu.vector_load %arg30[%swap3A_703] {strides = array<i32>} : memref<256xi32, #tpu.memory_space<vmem>>, vector<16xi32>,
        tpu.vector_store %arg30[%swap3A_703], %shift_right_logical3A_702 {strides = array<i32>} : memref<256xi32, #tpu.memory_space<vmem>>, vector<16xi32>,
        %and3A_705 = arith.constant 7 : i32
        %and3A_706 = vector.broadcast %and3A_705 : i32 to vector<16xi32>
        %and3A_707 = arith.andi %add3A_699, %and3A_706 : vector<16xi32>
        %shift_left3A_708 = arith.constant 1 : i32
        %shift_left3A_709 = vector.broadcast %shift_left3A_708 : i32 to vector<16xi32>
        %shift_left3A_710 = arith.shli %and3A_707, %shift_left3A_709 : vector<16xi32>
        %swap3A_711 = arith.constant 6 : i32
        %swap3A_712 = arith.index_cast %swap3A_711 : i32 to index
        %swap3A_713 = arith.index_cast %mul3A_499 : i32 to index
        %swap3A_714 = tpu.vector_load %arg51[%swap3A_712, %swap3A_713] {strides = array<i32>} : memref<8x256xi32, #tpu.memory_space<vmem>>, vector<16xi32>,
        tpu.vector_store %arg51[%swap3A_712, %swap3A_713], %shift_left3A_710 {strides = array<i32>} : memref<8x256xi32, #tpu.memory_space<vmem>>, vector<16xi32>,
        %mul3A_715 = arith.mulf %sub3A, %sub3A_514 : vector<16xf32>
        %mul3A_716 = arith.mulf %mul3A_715, %sub3A_525 : vector<16xf32>
        %swap3A_717 = arith.constant 6 : i32
        %swap3A_718 = arith.index_cast %swap3A_717 : i32 to index
        %swap3A_719 = arith.index_cast %mul3A_499 : i32 to index
        %swap3A_720 = tpu.vector_load %arg49[%swap3A_718, %swap3A_719] {strides = array<i32>} : memref<8x256xf32, #tpu.memory_space<vmem>>, vector<16xf32>,
        tpu.vector_store %arg49[%swap3A_718, %swap3A_719], %mul3A_716 {strides = array<i32>} : memref<8x256xf32, #tpu.memory_space<vmem>>, vector<16xf32>,
        %xor3A_721 = arith.xori %add3A_528, %add3A_531 : vector<16xi32>
        %xor3A_722 = arith.xori %xor3A_721, %add3A_534 : vector<16xi32>
        %and3A_723 = arith.constant 524287 : i32
        %and3A_724 = vector.broadcast %and3A_723 : i32 to vector<16xi32>
        %and3A_725 = arith.andi %xor3A_722, %and3A_724 : vector<16xi32>
        %add3A_726 = arith.addi %and3A_725, %get3A_235 : vector<16xi32>
        %shift_right_logical3A_727 = arith.constant 3 : i32
        %shift_right_logical3A_728 = vector.broadcast %shift_right_logical3A_727 : i32 to vector<16xi32>
        %shift_right_logical3A_729 = arith.shrui %add3A_726, %shift_right_logical3A_728 : vector<16xi32>
        %swap3A_730 = arith.index_cast %mul3A_499 : i32 to index
        %swap3A_731 = tpu.vector_load %arg31[%swap3A_730] {strides = array<i32>} : memref<256xi32, #tpu.memory_space<vmem>>, vector<16xi32>,
        tpu.vector_store %arg31[%swap3A_730], %shift_right_logical3A_729 {strides = array<i32>} : memref<256xi32, #tpu.memory_space<vmem>>, vector<16xi32>,
        %and3A_732 = arith.constant 7 : i32
        %and3A_733 = vector.broadcast %and3A_732 : i32 to vector<16xi32>
        %and3A_734 = arith.andi %add3A_726, %and3A_733 : vector<16xi32>
        %shift_left3A_735 = arith.constant 1 : i32
        %shift_left3A_736 = vector.broadcast %shift_left3A_735 : i32 to vector<16xi32>
        %shift_left3A_737 = arith.shli %and3A_734, %shift_left3A_736 : vector<16xi32>
        %swap3A_738 = arith.constant 7 : i32
        %swap3A_739 = arith.index_cast %swap3A_738 : i32 to index
        %swap3A_740 = arith.index_cast %mul3A_499 : i32 to index
        %swap3A_741 = tpu.vector_load %arg51[%swap3A_739, %swap3A_740] {strides = array<i32>} : memref<8x256xi32, #tpu.memory_space<vmem>>, vector<16xi32>,
        tpu.vector_store %arg51[%swap3A_739, %swap3A_740], %shift_left3A_737 {strides = array<i32>} : memref<8x256xi32, #tpu.memory_space<vmem>>, vector<16xi32>,
        %mul3A_742 = arith.mulf %sub3A, %sub3A_514 : vector<16xf32>
        %mul3A_743 = arith.mulf %mul3A_742, %sub3A_516 : vector<16xf32>
        %swap3A_744 = arith.constant 7 : i32
        %swap3A_745 = arith.index_cast %swap3A_744 : i32 to index
        %swap3A_746 = arith.index_cast %mul3A_499 : i32 to index
        %swap3A_747 = tpu.vector_load %arg49[%swap3A_745, %swap3A_746] {strides = array<i32>} : memref<8x256xf32, #tpu.memory_space<vmem>>, vector<16xf32>,
        tpu.vector_store %arg49[%swap3A_745, %swap3A_746], %mul3A_743 {strides = array<i32>} : memref<8x256xf32, #tpu.memory_space<vmem>>, vector<16xf32>,
        %scan3A_748 = arith.constant 0 : i32
        scf.yield %scan3A_748 : i32
      }
      %scan3A_242 = arith.constant 16 : i32
      %dma_start3A_243 = arith.constant 0 : i32
      %dma_start3A_244 = arith.constant 0 : i32
      %dma_start3A_245 = tpu.memref_slice %arg3[%dma_start3A_243, %dma_start3A_244] : memref<1048576x16xf32, #tpu.memory_space<hbm>> -> memref<1048576x16xf32, #tpu.memory_space<hbm>>
      tpu.enqueue_indirect_dma source(%dma_start3A_245 : memref<1048576x16xf32, #tpu.memory_space<hbm>>) target(%arg40 : memref<256x16xf32, #tpu.memory_space<vmem>>) offsets(%arg24 : memref<256xi32, #tpu.memory_space<vmem>>) semaphore(%arg14 : memref<!tpu.dma_semaphore, #tpu.memory_space<semaphore_mem>>)
      %dma_start3A_246 = arith.constant 0 : i32
      %dma_start3A_247 = arith.constant 0 : i32
      %dma_start3A_248 = tpu.memref_slice %arg3[%dma_start3A_246, %dma_start3A_247] : memref<1048576x16xf32, #tpu.memory_space<hbm>> -> memref<1048576x16xf32, #tpu.memory_space<hbm>>
      tpu.enqueue_indirect_dma source(%dma_start3A_248 : memref<1048576x16xf32, #tpu.memory_space<hbm>>) target(%arg41 : memref<256x16xf32, #tpu.memory_space<vmem>>) offsets(%arg25 : memref<256xi32, #tpu.memory_space<vmem>>) semaphore(%arg14 : memref<!tpu.dma_semaphore, #tpu.memory_space<semaphore_mem>>)
      %dma_start3A_249 = arith.constant 0 : i32
      %dma_start3A_250 = arith.constant 0 : i32
      %dma_start3A_251 = tpu.memref_slice %arg3[%dma_start3A_249, %dma_start3A_250] : memref<1048576x16xf32, #tpu.memory_space<hbm>> -> memref<1048576x16xf32, #tpu.memory_space<hbm>>
      tpu.enqueue_indirect_dma source(%dma_start3A_251 : memref<1048576x16xf32, #tpu.memory_space<hbm>>) target(%arg42 : memref<256x16xf32, #tpu.memory_space<vmem>>) offsets(%arg26 : memref<256xi32, #tpu.memory_space<vmem>>) semaphore(%arg14 : memref<!tpu.dma_semaphore, #tpu.memory_space<semaphore_mem>>)
      %dma_start3A_252 = arith.constant 0 : i32
      %dma_start3A_253 = arith.constant 0 : i32
      %dma_start3A_254 = tpu.memref_slice %arg3[%dma_start3A_252, %dma_start3A_253] : memref<1048576x16xf32, #tpu.memory_space<hbm>> -> memref<1048576x16xf32, #tpu.memory_space<hbm>>
      tpu.enqueue_indirect_dma source(%dma_start3A_254 : memref<1048576x16xf32, #tpu.memory_space<hbm>>) target(%arg43 : memref<256x16xf32, #tpu.memory_space<vmem>>) offsets(%arg27 : memref<256xi32, #tpu.memory_space<vmem>>) semaphore(%arg14 : memref<!tpu.dma_semaphore, #tpu.memory_space<semaphore_mem>>)
      %dma_start3A_255 = arith.constant 0 : i32
      %dma_start3A_256 = arith.constant 0 : i32
      %dma_start3A_257 = tpu.memref_slice %arg3[%dma_start3A_255, %dma_start3A_256] : memref<1048576x16xf32, #tpu.memory_space<hbm>> -> memref<1048576x16xf32, #tpu.memory_space<hbm>>
      tpu.enqueue_indirect_dma source(%dma_start3A_257 : memref<1048576x16xf32, #tpu.memory_space<hbm>>) target(%arg44 : memref<256x16xf32, #tpu.memory_space<vmem>>) offsets(%arg28 : memref<256xi32, #tpu.memory_space<vmem>>) semaphore(%arg14 : memref<!tpu.dma_semaphore, #tpu.memory_space<semaphore_mem>>)
      %dma_start3A_258 = arith.constant 0 : i32
      %dma_start3A_259 = arith.constant 0 : i32
      %dma_start3A_260 = tpu.memref_slice %arg3[%dma_start3A_258, %dma_start3A_259] : memref<1048576x16xf32, #tpu.memory_space<hbm>> -> memref<1048576x16xf32, #tpu.memory_space<hbm>>
      tpu.enqueue_indirect_dma source(%dma_start3A_260 : memref<1048576x16xf32, #tpu.memory_space<hbm>>) target(%arg45 : memref<256x16xf32, #tpu.memory_space<vmem>>) offsets(%arg29 : memref<256xi32, #tpu.memory_space<vmem>>) semaphore(%arg14 : memref<!tpu.dma_semaphore, #tpu.memory_space<semaphore_mem>>)
      %dma_start3A_261 = arith.constant 0 : i32
      %dma_start3A_262 = arith.constant 0 : i32
      %dma_start3A_263 = tpu.memref_slice %arg3[%dma_start3A_261, %dma_start3A_262] : memref<1048576x16xf32, #tpu.memory_space<hbm>> -> memref<1048576x16xf32, #tpu.memory_space<hbm>>
      tpu.enqueue_indirect_dma source(%dma_start3A_263 : memref<1048576x16xf32, #tpu.memory_space<hbm>>) target(%arg46 : memref<256x16xf32, #tpu.memory_space<vmem>>) offsets(%arg30 : memref<256xi32, #tpu.memory_space<vmem>>) semaphore(%arg14 : memref<!tpu.dma_semaphore, #tpu.memory_space<semaphore_mem>>)
      %dma_start3A_264 = arith.constant 0 : i32
      %dma_start3A_265 = arith.constant 0 : i32
      %dma_start3A_266 = tpu.memref_slice %arg3[%dma_start3A_264, %dma_start3A_265] : memref<1048576x16xf32, #tpu.memory_space<hbm>> -> memref<1048576x16xf32, #tpu.memory_space<hbm>>
      tpu.enqueue_indirect_dma source(%dma_start3A_266 : memref<1048576x16xf32, #tpu.memory_space<hbm>>) target(%arg47 : memref<256x16xf32, #tpu.memory_space<vmem>>) offsets(%arg31 : memref<256xi32, #tpu.memory_space<vmem>>) semaphore(%arg14 : memref<!tpu.dma_semaphore, #tpu.memory_space<semaphore_mem>>)
      %gt3A = arith.constant 0 : i32
      %gt3A_267 = arith.cmpi sgt, %scan3A_156, %gt3A : i32
      %convert_element_type3A_268 = arith.extui %gt3A_267 : i1 to i32
      %cond3A = arith.constant 0 : i32
      %cond3A_269 = arith.cmpi ne, %convert_element_type3A_268, %cond3A : i32
      scf.if %cond3A_269 {
        %sub3A = arith.constant 1 : i32
        %sub3A_496 = arith.subi %scan3A_156, %sub3A : i32
        %mul3A_497 = arith.constant 256 : i32
        %mul3A_498 = arith.muli %sub3A_496, %mul3A_497 : i32
        %add3A_499 = arith.addi %mul3A_2, %mul3A_498 : i32
        %shift_right_logical3A_500 = arith.constant 9 : i32
        %shift_right_logical3A_501 = arith.shrui %add3A_499, %shift_right_logical3A_500 : i32
        %shift_right_logical3A_502 = arith.constant 7 : i32
        %shift_right_logical3A_503 = arith.shrui %add3A_499, %shift_right_logical3A_502 : i32
        %and3A_504 = arith.constant 3 : i32
        %and3A_505 = arith.andi %shift_right_logical3A_503, %and3A_504 : i32
        %mul3A_506 = arith.constant 4 : i32
        %mul3A_507 = arith.muli %shift_right_logical3A_501, %mul3A_506 : i32
        %add3A_508 = arith.constant 0 : i32
        %add3A_509 = arith.addi %mul3A_507, %add3A_508 : i32
        %mul3A_510 = arith.constant 4 : i32
        %mul3A_511 = arith.muli %add3A_509, %mul3A_510 : i32
        %add3A_512 = arith.addi %mul3A_511, %and3A_505 : i32
        %add3A_513 = arith.constant 0 : i32
        %add3A_514 = arith.addi %add3A_512, %add3A_513 : i32
        %mul3A_515 = arith.constant 1024 : i32
        %mul3A_516 = arith.muli %add3A_514, %mul3A_515 : i32
        %dma_wait3A_517 = arith.constant 0 : i32
        %dma_wait3A_518 = tpu.memref_slice %arg10[%dma_wait3A_517] : memref<8192xf32, #tpu.memory_space<vmem>> -> memref<1024xf32, #tpu.memory_space<vmem>>
        %dma_wait3A_519 = tpu.memref_slice %arg6[%mul3A_516] : memref<16777216xf32, #tpu.memory_space<hbm>> -> memref<1024xf32, #tpu.memory_space<hbm>>
        %dma_wait3A_520 = tpu.memref_slice %arg6[%mul3A_516] : memref<16777216xf32, #tpu.memory_space<hbm>> -> memref<1024xf32, #tpu.memory_space<hbm>>
        %dma_wait3A_521 = arith.constant 0 : i32
        %dma_wait3A_522 = tpu.memref_slice %arg10[%dma_wait3A_521] : memref<8192xf32, #tpu.memory_space<vmem>> -> memref<1024xf32, #tpu.memory_space<vmem>>
        tpu.wait_dma2 semaphore(%arg15 : memref<!tpu.dma_semaphore, #tpu.memory_space<semaphore_mem>>) src(%dma_wait3A_522 : memref<1024xf32, #tpu.memory_space<vmem>>) dst(%dma_wait3A_520 : memref<1024xf32, #tpu.memory_space<hbm>>)
        %mul3A_523 = arith.constant 4 : i32
        %mul3A_524 = arith.muli %shift_right_logical3A_501, %mul3A_523 : i32
        %add3A_525 = arith.constant 0 : i32
        %add3A_526 = arith.addi %mul3A_524, %add3A_525 : i32
        %mul3A_527 = arith.constant 4 : i32
        %mul3A_528 = arith.muli %add3A_526, %mul3A_527 : i32
        %add3A_529 = arith.addi %mul3A_528, %and3A_505 : i32
        %add3A_530 = arith.constant 1 : i32
        %add3A_531 = arith.addi %add3A_529, %add3A_530 : i32
        %mul3A_532 = arith.constant 1024 : i32
        %mul3A_533 = arith.muli %add3A_531, %mul3A_532 : i32
        %dma_wait3A_534 = arith.constant 1024 : i32
        %dma_wait3A_535 = tpu.memref_slice %arg10[%dma_wait3A_534] : memref<8192xf32, #tpu.memory_space<vmem>> -> memref<1024xf32, #tpu.memory_space<vmem>>
        %dma_wait3A_536 = tpu.memref_slice %arg6[%mul3A_533] : memref<16777216xf32, #tpu.memory_space<hbm>> -> memref<1024xf32, #tpu.memory_space<hbm>>
        %dma_wait3A_537 = tpu.memref_slice %arg6[%mul3A_533] : memref<16777216xf32, #tpu.memory_space<hbm>> -> memref<1024xf32, #tpu.memory_space<hbm>>
        %dma_wait3A_538 = arith.constant 1024 : i32
        %dma_wait3A_539 = tpu.memref_slice %arg10[%dma_wait3A_538] : memref<8192xf32, #tpu.memory_space<vmem>> -> memref<1024xf32, #tpu.memory_space<vmem>>
        tpu.wait_dma2 semaphore(%arg15 : memref<!tpu.dma_semaphore, #tpu.memory_space<semaphore_mem>>) src(%dma_wait3A_539 : memref<1024xf32, #tpu.memory_space<vmem>>) dst(%dma_wait3A_537 : memref<1024xf32, #tpu.memory_space<hbm>>)
        %mul3A_540 = arith.constant 4 : i32
        %mul3A_541 = arith.muli %shift_right_logical3A_501, %mul3A_540 : i32
        %add3A_542 = arith.constant 1 : i32
        %add3A_543 = arith.addi %mul3A_541, %add3A_542 : i32
        %mul3A_544 = arith.constant 4 : i32
        %mul3A_545 = arith.muli %add3A_543, %mul3A_544 : i32
        %add3A_546 = arith.addi %mul3A_545, %and3A_505 : i32
        %add3A_547 = arith.constant 0 : i32
        %add3A_548 = arith.addi %add3A_546, %add3A_547 : i32
        %mul3A_549 = arith.constant 1024 : i32
        %mul3A_550 = arith.muli %add3A_548, %mul3A_549 : i32
        %dma_wait3A_551 = arith.constant 2048 : i32
        %dma_wait3A_552 = tpu.memref_slice %arg10[%dma_wait3A_551] : memref<8192xf32, #tpu.memory_space<vmem>> -> memref<1024xf32, #tpu.memory_space<vmem>>
        %dma_wait3A_553 = tpu.memref_slice %arg6[%mul3A_550] : memref<16777216xf32, #tpu.memory_space<hbm>> -> memref<1024xf32, #tpu.memory_space<hbm>>
        %dma_wait3A_554 = tpu.memref_slice %arg6[%mul3A_550] : memref<16777216xf32, #tpu.memory_space<hbm>> -> memref<1024xf32, #tpu.memory_space<hbm>>
        %dma_wait3A_555 = arith.constant 2048 : i32
        %dma_wait3A_556 = tpu.memref_slice %arg10[%dma_wait3A_555] : memref<8192xf32, #tpu.memory_space<vmem>> -> memref<1024xf32, #tpu.memory_space<vmem>>
        tpu.wait_dma2 semaphore(%arg15 : memref<!tpu.dma_semaphore, #tpu.memory_space<semaphore_mem>>) src(%dma_wait3A_556 : memref<1024xf32, #tpu.memory_space<vmem>>) dst(%dma_wait3A_554 : memref<1024xf32, #tpu.memory_space<hbm>>)
        %mul3A_557 = arith.constant 4 : i32
        %mul3A_558 = arith.muli %shift_right_logical3A_501, %mul3A_557 : i32
        %add3A_559 = arith.constant 1 : i32
        %add3A_560 = arith.addi %mul3A_558, %add3A_559 : i32
        %mul3A_561 = arith.constant 4 : i32
        %mul3A_562 = arith.muli %add3A_560, %mul3A_561 : i32
        %add3A_563 = arith.addi %mul3A_562, %and3A_505 : i32
        %add3A_564 = arith.constant 1 : i32
        %add3A_565 = arith.addi %add3A_563, %add3A_564 : i32
        %mul3A_566 = arith.constant 1024 : i32
        %mul3A_567 = arith.muli %add3A_565, %mul3A_566 : i32
        %dma_wait3A_568 = arith.constant 3072 : i32
        %dma_wait3A_569 = tpu.memref_slice %arg10[%dma_wait3A_568] : memref<8192xf32, #tpu.memory_space<vmem>> -> memref<1024xf32, #tpu.memory_space<vmem>>
        %dma_wait3A_570 = tpu.memref_slice %arg6[%mul3A_567] : memref<16777216xf32, #tpu.memory_space<hbm>> -> memref<1024xf32, #tpu.memory_space<hbm>>
        %dma_wait3A_571 = tpu.memref_slice %arg6[%mul3A_567] : memref<16777216xf32, #tpu.memory_space<hbm>> -> memref<1024xf32, #tpu.memory_space<hbm>>
        %dma_wait3A_572 = arith.constant 3072 : i32
        %dma_wait3A_573 = tpu.memref_slice %arg10[%dma_wait3A_572] : memref<8192xf32, #tpu.memory_space<vmem>> -> memref<1024xf32, #tpu.memory_space<vmem>>
        tpu.wait_dma2 semaphore(%arg15 : memref<!tpu.dma_semaphore, #tpu.memory_space<semaphore_mem>>) src(%dma_wait3A_573 : memref<1024xf32, #tpu.memory_space<vmem>>) dst(%dma_wait3A_571 : memref<1024xf32, #tpu.memory_space<hbm>>)
        %mul3A_574 = arith.constant 4 : i32
        %mul3A_575 = arith.muli %shift_right_logical3A_501, %mul3A_574 : i32
        %add3A_576 = arith.constant 2 : i32
        %add3A_577 = arith.addi %mul3A_575, %add3A_576 : i32
        %mul3A_578 = arith.constant 4 : i32
        %mul3A_579 = arith.muli %add3A_577, %mul3A_578 : i32
        %add3A_580 = arith.addi %mul3A_579, %and3A_505 : i32
        %add3A_581 = arith.constant 0 : i32
        %add3A_582 = arith.addi %add3A_580, %add3A_581 : i32
        %mul3A_583 = arith.constant 1024 : i32
        %mul3A_584 = arith.muli %add3A_582, %mul3A_583 : i32
        %dma_wait3A_585 = arith.constant 4096 : i32
        %dma_wait3A_586 = tpu.memref_slice %arg10[%dma_wait3A_585] : memref<8192xf32, #tpu.memory_space<vmem>> -> memref<1024xf32, #tpu.memory_space<vmem>>
        %dma_wait3A_587 = tpu.memref_slice %arg6[%mul3A_584] : memref<16777216xf32, #tpu.memory_space<hbm>> -> memref<1024xf32, #tpu.memory_space<hbm>>
        %dma_wait3A_588 = tpu.memref_slice %arg6[%mul3A_584] : memref<16777216xf32, #tpu.memory_space<hbm>> -> memref<1024xf32, #tpu.memory_space<hbm>>
        %dma_wait3A_589 = arith.constant 4096 : i32
        %dma_wait3A_590 = tpu.memref_slice %arg10[%dma_wait3A_589] : memref<8192xf32, #tpu.memory_space<vmem>> -> memref<1024xf32, #tpu.memory_space<vmem>>
        tpu.wait_dma2 semaphore(%arg15 : memref<!tpu.dma_semaphore, #tpu.memory_space<semaphore_mem>>) src(%dma_wait3A_590 : memref<1024xf32, #tpu.memory_space<vmem>>) dst(%dma_wait3A_588 : memref<1024xf32, #tpu.memory_space<hbm>>)
        %mul3A_591 = arith.constant 4 : i32
        %mul3A_592 = arith.muli %shift_right_logical3A_501, %mul3A_591 : i32
        %add3A_593 = arith.constant 2 : i32
        %add3A_594 = arith.addi %mul3A_592, %add3A_593 : i32
        %mul3A_595 = arith.constant 4 : i32
        %mul3A_596 = arith.muli %add3A_594, %mul3A_595 : i32
        %add3A_597 = arith.addi %mul3A_596, %and3A_505 : i32
        %add3A_598 = arith.constant 1 : i32
        %add3A_599 = arith.addi %add3A_597, %add3A_598 : i32
        %mul3A_600 = arith.constant 1024 : i32
        %mul3A_601 = arith.muli %add3A_599, %mul3A_600 : i32
        %dma_wait3A_602 = arith.constant 5120 : i32
        %dma_wait3A_603 = tpu.memref_slice %arg10[%dma_wait3A_602] : memref<8192xf32, #tpu.memory_space<vmem>> -> memref<1024xf32, #tpu.memory_space<vmem>>
        %dma_wait3A_604 = tpu.memref_slice %arg6[%mul3A_601] : memref<16777216xf32, #tpu.memory_space<hbm>> -> memref<1024xf32, #tpu.memory_space<hbm>>
        %dma_wait3A_605 = tpu.memref_slice %arg6[%mul3A_601] : memref<16777216xf32, #tpu.memory_space<hbm>> -> memref<1024xf32, #tpu.memory_space<hbm>>
        %dma_wait3A_606 = arith.constant 5120 : i32
        %dma_wait3A_607 = tpu.memref_slice %arg10[%dma_wait3A_606] : memref<8192xf32, #tpu.memory_space<vmem>> -> memref<1024xf32, #tpu.memory_space<vmem>>
        tpu.wait_dma2 semaphore(%arg15 : memref<!tpu.dma_semaphore, #tpu.memory_space<semaphore_mem>>) src(%dma_wait3A_607 : memref<1024xf32, #tpu.memory_space<vmem>>) dst(%dma_wait3A_605 : memref<1024xf32, #tpu.memory_space<hbm>>)
        %mul3A_608 = arith.constant 4 : i32
        %mul3A_609 = arith.muli %shift_right_logical3A_501, %mul3A_608 : i32
        %add3A_610 = arith.constant 3 : i32
        %add3A_611 = arith.addi %mul3A_609, %add3A_610 : i32
        %mul3A_612 = arith.constant 4 : i32
        %mul3A_613 = arith.muli %add3A_611, %mul3A_612 : i32
        %add3A_614 = arith.addi %mul3A_613, %and3A_505 : i32
        %add3A_615 = arith.constant 0 : i32
        %add3A_616 = arith.addi %add3A_614, %add3A_615 : i32
        %mul3A_617 = arith.constant 1024 : i32
        %mul3A_618 = arith.muli %add3A_616, %mul3A_617 : i32
        %dma_wait3A_619 = arith.constant 6144 : i32
        %dma_wait3A_620 = tpu.memref_slice %arg10[%dma_wait3A_619] : memref<8192xf32, #tpu.memory_space<vmem>> -> memref<1024xf32, #tpu.memory_space<vmem>>
        %dma_wait3A_621 = tpu.memref_slice %arg6[%mul3A_618] : memref<16777216xf32, #tpu.memory_space<hbm>> -> memref<1024xf32, #tpu.memory_space<hbm>>
        %dma_wait3A_622 = tpu.memref_slice %arg6[%mul3A_618] : memref<16777216xf32, #tpu.memory_space<hbm>> -> memref<1024xf32, #tpu.memory_space<hbm>>
        %dma_wait3A_623 = arith.constant 6144 : i32
        %dma_wait3A_624 = tpu.memref_slice %arg10[%dma_wait3A_623] : memref<8192xf32, #tpu.memory_space<vmem>> -> memref<1024xf32, #tpu.memory_space<vmem>>
        tpu.wait_dma2 semaphore(%arg15 : memref<!tpu.dma_semaphore, #tpu.memory_space<semaphore_mem>>) src(%dma_wait3A_624 : memref<1024xf32, #tpu.memory_space<vmem>>) dst(%dma_wait3A_622 : memref<1024xf32, #tpu.memory_space<hbm>>)
        %mul3A_625 = arith.constant 4 : i32
        %mul3A_626 = arith.muli %shift_right_logical3A_501, %mul3A_625 : i32
        %add3A_627 = arith.constant 3 : i32
        %add3A_628 = arith.addi %mul3A_626, %add3A_627 : i32
        %mul3A_629 = arith.constant 4 : i32
        %mul3A_630 = arith.muli %add3A_628, %mul3A_629 : i32
        %add3A_631 = arith.addi %mul3A_630, %and3A_505 : i32
        %add3A_632 = arith.constant 1 : i32
        %add3A_633 = arith.addi %add3A_631, %add3A_632 : i32
        %mul3A_634 = arith.constant 1024 : i32
        %mul3A_635 = arith.muli %add3A_633, %mul3A_634 : i32
        %dma_wait3A_636 = arith.constant 7168 : i32
        %dma_wait3A_637 = tpu.memref_slice %arg10[%dma_wait3A_636] : memref<8192xf32, #tpu.memory_space<vmem>> -> memref<1024xf32, #tpu.memory_space<vmem>>
        %dma_wait3A_638 = tpu.memref_slice %arg6[%mul3A_635] : memref<16777216xf32, #tpu.memory_space<hbm>> -> memref<1024xf32, #tpu.memory_space<hbm>>
        %dma_wait3A_639 = tpu.memref_slice %arg6[%mul3A_635] : memref<16777216xf32, #tpu.memory_space<hbm>> -> memref<1024xf32, #tpu.memory_space<hbm>>
        %dma_wait3A_640 = arith.constant 7168 : i32
        %dma_wait3A_641 = tpu.memref_slice %arg10[%dma_wait3A_640] : memref<8192xf32, #tpu.memory_space<vmem>> -> memref<1024xf32, #tpu.memory_space<vmem>>
        tpu.wait_dma2 semaphore(%arg15 : memref<!tpu.dma_semaphore, #tpu.memory_space<semaphore_mem>>) src(%dma_wait3A_641 : memref<1024xf32, #tpu.memory_space<vmem>>) dst(%dma_wait3A_639 : memref<1024xf32, #tpu.memory_space<hbm>>)
      } else {
      }
      %scan3A_270 = arith.constant 0 : i32
      %scan3A_271 = arith.constant 0 : i32
      %scan3A_272 = arith.constant 7 : i32
      %scan3A_273 = arith.addi %scan3A_271, %scan3A_272 : i32
      %scan3A_274 = arith.constant 1 : i32
      %scan3A_275 = scf.for %scan3A_496 = %scan3A_271 to %scan3A_273 step %scan3A_274 iter_args(%scan3A_497 = %scan3A_270) -> (i32)  : i32 {
        %mul3A_498 = arith.constant 2 : i32
        %mul3A_499 = arith.muli %mul3A_498, %scan3A_496 : i32
        %dma_wait3A_500 = arith.constant 0 : i32
        %dma_wait3A_501 = arith.constant 0 : i32
        %dma_wait3A_502 = tpu.memref_slice %arg3[%dma_wait3A_500, %dma_wait3A_501] : memref<1048576x16xf32, #tpu.memory_space<hbm>> -> memref<1048576x16xf32, #tpu.memory_space<hbm>>
        tpu.wait_indirect_dma semaphore(%arg13 : memref<!tpu.dma_semaphore, #tpu.memory_space<semaphore_mem>>) src(%dma_wait3A_502 : memref<1048576x16xf32, #tpu.memory_space<hbm>>) dst(%arg32 : memref<256x16xf32, #tpu.memory_space<vmem>>)
        %dma_wait3A_503 = arith.constant 0 : i32
        %dma_wait3A_504 = arith.constant 0 : i32
        %dma_wait3A_505 = tpu.memref_slice %arg3[%dma_wait3A_503, %dma_wait3A_504] : memref<1048576x16xf32, #tpu.memory_space<hbm>> -> memref<1048576x16xf32, #tpu.memory_space<hbm>>
        tpu.wait_indirect_dma semaphore(%arg13 : memref<!tpu.dma_semaphore, #tpu.memory_space<semaphore_mem>>) src(%dma_wait3A_505 : memref<1048576x16xf32, #tpu.memory_space<hbm>>) dst(%arg33 : memref<256x16xf32, #tpu.memory_space<vmem>>)
        %dma_wait3A_506 = arith.constant 0 : i32
        %dma_wait3A_507 = arith.constant 0 : i32
        %dma_wait3A_508 = tpu.memref_slice %arg3[%dma_wait3A_506, %dma_wait3A_507] : memref<1048576x16xf32, #tpu.memory_space<hbm>> -> memref<1048576x16xf32, #tpu.memory_space<hbm>>
        tpu.wait_indirect_dma semaphore(%arg13 : memref<!tpu.dma_semaphore, #tpu.memory_space<semaphore_mem>>) src(%dma_wait3A_508 : memref<1048576x16xf32, #tpu.memory_space<hbm>>) dst(%arg34 : memref<256x16xf32, #tpu.memory_space<vmem>>)
        %dma_wait3A_509 = arith.constant 0 : i32
        %dma_wait3A_510 = arith.constant 0 : i32
        %dma_wait3A_511 = tpu.memref_slice %arg3[%dma_wait3A_509, %dma_wait3A_510] : memref<1048576x16xf32, #tpu.memory_space<hbm>> -> memref<1048576x16xf32, #tpu.memory_space<hbm>>
        tpu.wait_indirect_dma semaphore(%arg13 : memref<!tpu.dma_semaphore, #tpu.memory_space<semaphore_mem>>) src(%dma_wait3A_511 : memref<1048576x16xf32, #tpu.memory_space<hbm>>) dst(%arg35 : memref<256x16xf32, #tpu.memory_space<vmem>>)
        %dma_wait3A_512 = arith.constant 0 : i32
        %dma_wait3A_513 = arith.constant 0 : i32
        %dma_wait3A_514 = tpu.memref_slice %arg3[%dma_wait3A_512, %dma_wait3A_513] : memref<1048576x16xf32, #tpu.memory_space<hbm>> -> memref<1048576x16xf32, #tpu.memory_space<hbm>>
        tpu.wait_indirect_dma semaphore(%arg13 : memref<!tpu.dma_semaphore, #tpu.memory_space<semaphore_mem>>) src(%dma_wait3A_514 : memref<1048576x16xf32, #tpu.memory_space<hbm>>) dst(%arg36 : memref<256x16xf32, #tpu.memory_space<vmem>>)
        %dma_wait3A_515 = arith.constant 0 : i32
        %dma_wait3A_516 = arith.constant 0 : i32
        %dma_wait3A_517 = tpu.memref_slice %arg3[%dma_wait3A_515, %dma_wait3A_516] : memref<1048576x16xf32, #tpu.memory_space<hbm>> -> memref<1048576x16xf32, #tpu.memory_space<hbm>>
        tpu.wait_indirect_dma semaphore(%arg13 : memref<!tpu.dma_semaphore, #tpu.memory_space<semaphore_mem>>) src(%dma_wait3A_517 : memref<1048576x16xf32, #tpu.memory_space<hbm>>) dst(%arg37 : memref<256x16xf32, #tpu.memory_space<vmem>>)
        %dma_wait3A_518 = arith.constant 0 : i32
        %dma_wait3A_519 = arith.constant 0 : i32
        %dma_wait3A_520 = tpu.memref_slice %arg3[%dma_wait3A_518, %dma_wait3A_519] : memref<1048576x16xf32, #tpu.memory_space<hbm>> -> memref<1048576x16xf32, #tpu.memory_space<hbm>>
        tpu.wait_indirect_dma semaphore(%arg13 : memref<!tpu.dma_semaphore, #tpu.memory_space<semaphore_mem>>) src(%dma_wait3A_520 : memref<1048576x16xf32, #tpu.memory_space<hbm>>) dst(%arg38 : memref<256x16xf32, #tpu.memory_space<vmem>>)
        %dma_wait3A_521 = arith.constant 0 : i32
        %dma_wait3A_522 = arith.constant 0 : i32
        %dma_wait3A_523 = tpu.memref_slice %arg3[%dma_wait3A_521, %dma_wait3A_522] : memref<1048576x16xf32, #tpu.memory_space<hbm>> -> memref<1048576x16xf32, #tpu.memory_space<hbm>>
        tpu.wait_indirect_dma semaphore(%arg13 : memref<!tpu.dma_semaphore, #tpu.memory_space<semaphore_mem>>) src(%dma_wait3A_523 : memref<1048576x16xf32, #tpu.memory_space<hbm>>) dst(%arg39 : memref<256x16xf32, #tpu.memory_space<vmem>>)
        %shift_right_logical3A_524 = arith.constant 2 : i32
        %shift_right_logical3A_525 = arith.shrui %mul3A_499, %shift_right_logical3A_524 : i32
        %mul3A_526 = arith.constant 2048 : i32
        %mul3A_527 = arith.muli %shift_right_logical3A_525, %mul3A_526 : i32
        %mul3A_528 = arith.constant 2 : i32
        %mul3A_529 = arith.muli %mul3A_528, %mul3A_499 : i32
        %and3A_530 = arith.constant 7 : i32
        %and3A_531 = arith.andi %mul3A_529, %and3A_530 : i32
        %mul3A_532 = arith.constant 128 : i32
        %mul3A_533 = arith.muli %and3A_531, %mul3A_532 : i32
        %add3A_534 = arith.addi %mul3A_527, %mul3A_533 : i32
        %scan3A_535 = arith.constant 0 : i32
        %scan3A_536 = arith.constant 0 : i32
        %scan3A_537 = arith.constant 16 : i32
        %scan3A_538 = arith.addi %scan3A_536, %scan3A_537 : i32
        %scan3A_539 = arith.constant 1 : i32
        %scan3A_540 = scf.for %scan3A_665 = %scan3A_536 to %scan3A_538 step %scan3A_539 iter_args(%scan3A_666 = %scan3A_535) -> (i32)  : i32 {
          %mul3A_667 = arith.constant 16 : i32
          %mul3A_668 = arith.muli %scan3A_665, %mul3A_667 : i32
          %add3A_669 = vector.broadcast %mul3A_668 : i32 to vector<16xi32>
          %add3A_670 = arith.addi %add3A_669, %iota3A : vector<16xi32>
          %get3A_671 = arith.constant 0 : i32
          %get3A_672 = arith.index_cast %get3A_671 : i32 to index
          %get3A_673 = arith.index_cast %mul3A_668 : i32 to index
          %get3A_674 = tpu.vector_load %arg50[%get3A_672, %get3A_673] {strides = array<i32>} : memref<8x256xi32, #tpu.memory_space<vmem>>, vector<16xi32>,
          %gather3A = tpu.vector_load_idx %arg32[%add3A_670, %get3A_674] : memref<256x16xf32, #tpu.memory_space<vmem>>[vector<16xi32>, vector<16xi32>], vector<16xf32>,
          %add3A_675 = arith.constant 1 : i32
          %add3A_676 = vector.broadcast %add3A_675 : i32 to vector<16xi32>
          %add3A_677 = arith.addi %get3A_674, %add3A_676 : vector<16xi32>
          %gather3A_678 = tpu.vector_load_idx %arg32[%add3A_670, %add3A_677] : memref<256x16xf32, #tpu.memory_space<vmem>>[vector<16xi32>, vector<16xi32>], vector<16xf32>,
          %get3A_679 = arith.constant 0 : i32
          %get3A_680 = arith.index_cast %get3A_679 : i32 to index
          %get3A_681 = arith.index_cast %mul3A_668 : i32 to index
          %get3A_682 = tpu.vector_load %arg48[%get3A_680, %get3A_681] {strides = array<i32>} : memref<8x256xf32, #tpu.memory_space<vmem>>, vector<16xf32>,
          %mul3A_683 = arith.mulf %get3A_682, %gather3A : vector<16xf32>
          %add3A_684 = arith.addf %mul3A_5, %mul3A_683 : vector<16xf32>
          %mul3A_685 = arith.mulf %get3A_682, %gather3A_678 : vector<16xf32>
          %add3A_686 = arith.addf %mul3A_5, %mul3A_685 : vector<16xf32>
          %get3A_687 = arith.constant 1 : i32
          %get3A_688 = arith.index_cast %get3A_687 : i32 to index
          %get3A_689 = arith.index_cast %mul3A_668 : i32 to index
          %get3A_690 = tpu.vector_load %arg50[%get3A_688, %get3A_689] {strides = array<i32>} : memref<8x256xi32, #tpu.memory_space<vmem>>, vector<16xi32>,
          %gather3A_691 = tpu.vector_load_idx %arg33[%add3A_670, %get3A_690] : memref<256x16xf32, #tpu.memory_space<vmem>>[vector<16xi32>, vector<16xi32>], vector<16xf32>,
          %add3A_692 = arith.constant 1 : i32
          %add3A_693 = vector.broadcast %add3A_692 : i32 to vector<16xi32>
          %add3A_694 = arith.addi %get3A_690, %add3A_693 : vector<16xi32>
          %gather3A_695 = tpu.vector_load_idx %arg33[%add3A_670, %add3A_694] : memref<256x16xf32, #tpu.memory_space<vmem>>[vector<16xi32>, vector<16xi32>], vector<16xf32>,
          %get3A_696 = arith.constant 1 : i32
          %get3A_697 = arith.index_cast %get3A_696 : i32 to index
          %get3A_698 = arith.index_cast %mul3A_668 : i32 to index
          %get3A_699 = tpu.vector_load %arg48[%get3A_697, %get3A_698] {strides = array<i32>} : memref<8x256xf32, #tpu.memory_space<vmem>>, vector<16xf32>,
          %mul3A_700 = arith.mulf %get3A_699, %gather3A_691 : vector<16xf32>
          %add3A_701 = arith.addf %add3A_684, %mul3A_700 : vector<16xf32>
          %mul3A_702 = arith.mulf %get3A_699, %gather3A_695 : vector<16xf32>
          %add3A_703 = arith.addf %add3A_686, %mul3A_702 : vector<16xf32>
          %get3A_704 = arith.constant 2 : i32
          %get3A_705 = arith.index_cast %get3A_704 : i32 to index
          %get3A_706 = arith.index_cast %mul3A_668 : i32 to index
          %get3A_707 = tpu.vector_load %arg50[%get3A_705, %get3A_706] {strides = array<i32>} : memref<8x256xi32, #tpu.memory_space<vmem>>, vector<16xi32>,
          %gather3A_708 = tpu.vector_load_idx %arg34[%add3A_670, %get3A_707] : memref<256x16xf32, #tpu.memory_space<vmem>>[vector<16xi32>, vector<16xi32>], vector<16xf32>,
          %add3A_709 = arith.constant 1 : i32
          %add3A_710 = vector.broadcast %add3A_709 : i32 to vector<16xi32>
          %add3A_711 = arith.addi %get3A_707, %add3A_710 : vector<16xi32>
          %gather3A_712 = tpu.vector_load_idx %arg34[%add3A_670, %add3A_711] : memref<256x16xf32, #tpu.memory_space<vmem>>[vector<16xi32>, vector<16xi32>], vector<16xf32>,
          %get3A_713 = arith.constant 2 : i32
          %get3A_714 = arith.index_cast %get3A_713 : i32 to index
          %get3A_715 = arith.index_cast %mul3A_668 : i32 to index
          %get3A_716 = tpu.vector_load %arg48[%get3A_714, %get3A_715] {strides = array<i32>} : memref<8x256xf32, #tpu.memory_space<vmem>>, vector<16xf32>,
          %mul3A_717 = arith.mulf %get3A_716, %gather3A_708 : vector<16xf32>
          %add3A_718 = arith.addf %add3A_701, %mul3A_717 : vector<16xf32>
          %mul3A_719 = arith.mulf %get3A_716, %gather3A_712 : vector<16xf32>
          %add3A_720 = arith.addf %add3A_703, %mul3A_719 : vector<16xf32>
          %get3A_721 = arith.constant 3 : i32
          %get3A_722 = arith.index_cast %get3A_721 : i32 to index
          %get3A_723 = arith.index_cast %mul3A_668 : i32 to index
          %get3A_724 = tpu.vector_load %arg50[%get3A_722, %get3A_723] {strides = array<i32>} : memref<8x256xi32, #tpu.memory_space<vmem>>, vector<16xi32>,
          %gather3A_725 = tpu.vector_load_idx %arg35[%add3A_670, %get3A_724] : memref<256x16xf32, #tpu.memory_space<vmem>>[vector<16xi32>, vector<16xi32>], vector<16xf32>,
          %add3A_726 = arith.constant 1 : i32
          %add3A_727 = vector.broadcast %add3A_726 : i32 to vector<16xi32>
          %add3A_728 = arith.addi %get3A_724, %add3A_727 : vector<16xi32>
          %gather3A_729 = tpu.vector_load_idx %arg35[%add3A_670, %add3A_728] : memref<256x16xf32, #tpu.memory_space<vmem>>[vector<16xi32>, vector<16xi32>], vector<16xf32>,
          %get3A_730 = arith.constant 3 : i32
          %get3A_731 = arith.index_cast %get3A_730 : i32 to index
          %get3A_732 = arith.index_cast %mul3A_668 : i32 to index
          %get3A_733 = tpu.vector_load %arg48[%get3A_731, %get3A_732] {strides = array<i32>} : memref<8x256xf32, #tpu.memory_space<vmem>>, vector<16xf32>,
          %mul3A_734 = arith.mulf %get3A_733, %gather3A_725 : vector<16xf32>
          %add3A_735 = arith.addf %add3A_718, %mul3A_734 : vector<16xf32>
          %mul3A_736 = arith.mulf %get3A_733, %gather3A_729 : vector<16xf32>
          %add3A_737 = arith.addf %add3A_720, %mul3A_736 : vector<16xf32>
          %get3A_738 = arith.constant 4 : i32
          %get3A_739 = arith.index_cast %get3A_738 : i32 to index
          %get3A_740 = arith.index_cast %mul3A_668 : i32 to index
          %get3A_741 = tpu.vector_load %arg50[%get3A_739, %get3A_740] {strides = array<i32>} : memref<8x256xi32, #tpu.memory_space<vmem>>, vector<16xi32>,
          %gather3A_742 = tpu.vector_load_idx %arg36[%add3A_670, %get3A_741] : memref<256x16xf32, #tpu.memory_space<vmem>>[vector<16xi32>, vector<16xi32>], vector<16xf32>,
          %add3A_743 = arith.constant 1 : i32
          %add3A_744 = vector.broadcast %add3A_743 : i32 to vector<16xi32>
          %add3A_745 = arith.addi %get3A_741, %add3A_744 : vector<16xi32>
          %gather3A_746 = tpu.vector_load_idx %arg36[%add3A_670, %add3A_745] : memref<256x16xf32, #tpu.memory_space<vmem>>[vector<16xi32>, vector<16xi32>], vector<16xf32>,
          %get3A_747 = arith.constant 4 : i32
          %get3A_748 = arith.index_cast %get3A_747 : i32 to index
          %get3A_749 = arith.index_cast %mul3A_668 : i32 to index
          %get3A_750 = tpu.vector_load %arg48[%get3A_748, %get3A_749] {strides = array<i32>} : memref<8x256xf32, #tpu.memory_space<vmem>>, vector<16xf32>,
          %mul3A_751 = arith.mulf %get3A_750, %gather3A_742 : vector<16xf32>
          %add3A_752 = arith.addf %add3A_735, %mul3A_751 : vector<16xf32>
          %mul3A_753 = arith.mulf %get3A_750, %gather3A_746 : vector<16xf32>
          %add3A_754 = arith.addf %add3A_737, %mul3A_753 : vector<16xf32>
          %get3A_755 = arith.constant 5 : i32
          %get3A_756 = arith.index_cast %get3A_755 : i32 to index
          %get3A_757 = arith.index_cast %mul3A_668 : i32 to index
          %get3A_758 = tpu.vector_load %arg50[%get3A_756, %get3A_757] {strides = array<i32>} : memref<8x256xi32, #tpu.memory_space<vmem>>, vector<16xi32>,
          %gather3A_759 = tpu.vector_load_idx %arg37[%add3A_670, %get3A_758] : memref<256x16xf32, #tpu.memory_space<vmem>>[vector<16xi32>, vector<16xi32>], vector<16xf32>,
          %add3A_760 = arith.constant 1 : i32
          %add3A_761 = vector.broadcast %add3A_760 : i32 to vector<16xi32>
          %add3A_762 = arith.addi %get3A_758, %add3A_761 : vector<16xi32>
          %gather3A_763 = tpu.vector_load_idx %arg37[%add3A_670, %add3A_762] : memref<256x16xf32, #tpu.memory_space<vmem>>[vector<16xi32>, vector<16xi32>], vector<16xf32>,
          %get3A_764 = arith.constant 5 : i32
          %get3A_765 = arith.index_cast %get3A_764 : i32 to index
          %get3A_766 = arith.index_cast %mul3A_668 : i32 to index
          %get3A_767 = tpu.vector_load %arg48[%get3A_765, %get3A_766] {strides = array<i32>} : memref<8x256xf32, #tpu.memory_space<vmem>>, vector<16xf32>,
          %mul3A_768 = arith.mulf %get3A_767, %gather3A_759 : vector<16xf32>
          %add3A_769 = arith.addf %add3A_752, %mul3A_768 : vector<16xf32>
          %mul3A_770 = arith.mulf %get3A_767, %gather3A_763 : vector<16xf32>
          %add3A_771 = arith.addf %add3A_754, %mul3A_770 : vector<16xf32>
          %get3A_772 = arith.constant 6 : i32
          %get3A_773 = arith.index_cast %get3A_772 : i32 to index
          %get3A_774 = arith.index_cast %mul3A_668 : i32 to index
          %get3A_775 = tpu.vector_load %arg50[%get3A_773, %get3A_774] {strides = array<i32>} : memref<8x256xi32, #tpu.memory_space<vmem>>, vector<16xi32>,
          %gather3A_776 = tpu.vector_load_idx %arg38[%add3A_670, %get3A_775] : memref<256x16xf32, #tpu.memory_space<vmem>>[vector<16xi32>, vector<16xi32>], vector<16xf32>,
          %add3A_777 = arith.constant 1 : i32
          %add3A_778 = vector.broadcast %add3A_777 : i32 to vector<16xi32>
          %add3A_779 = arith.addi %get3A_775, %add3A_778 : vector<16xi32>
          %gather3A_780 = tpu.vector_load_idx %arg38[%add3A_670, %add3A_779] : memref<256x16xf32, #tpu.memory_space<vmem>>[vector<16xi32>, vector<16xi32>], vector<16xf32>,
          %get3A_781 = arith.constant 6 : i32
          %get3A_782 = arith.index_cast %get3A_781 : i32 to index
          %get3A_783 = arith.index_cast %mul3A_668 : i32 to index
          %get3A_784 = tpu.vector_load %arg48[%get3A_782, %get3A_783] {strides = array<i32>} : memref<8x256xf32, #tpu.memory_space<vmem>>, vector<16xf32>,
          %mul3A_785 = arith.mulf %get3A_784, %gather3A_776 : vector<16xf32>
          %add3A_786 = arith.addf %add3A_769, %mul3A_785 : vector<16xf32>
          %mul3A_787 = arith.mulf %get3A_784, %gather3A_780 : vector<16xf32>
          %add3A_788 = arith.addf %add3A_771, %mul3A_787 : vector<16xf32>
          %get3A_789 = arith.constant 7 : i32
          %get3A_790 = arith.index_cast %get3A_789 : i32 to index
          %get3A_791 = arith.index_cast %mul3A_668 : i32 to index
          %get3A_792 = tpu.vector_load %arg50[%get3A_790, %get3A_791] {strides = array<i32>} : memref<8x256xi32, #tpu.memory_space<vmem>>, vector<16xi32>,
          %gather3A_793 = tpu.vector_load_idx %arg39[%add3A_670, %get3A_792] : memref<256x16xf32, #tpu.memory_space<vmem>>[vector<16xi32>, vector<16xi32>], vector<16xf32>,
          %add3A_794 = arith.constant 1 : i32
          %add3A_795 = vector.broadcast %add3A_794 : i32 to vector<16xi32>
          %add3A_796 = arith.addi %get3A_792, %add3A_795 : vector<16xi32>
          %gather3A_797 = tpu.vector_load_idx %arg39[%add3A_670, %add3A_796] : memref<256x16xf32, #tpu.memory_space<vmem>>[vector<16xi32>, vector<16xi32>], vector<16xf32>,
          %get3A_798 = arith.constant 7 : i32
          %get3A_799 = arith.index_cast %get3A_798 : i32 to index
          %get3A_800 = arith.index_cast %mul3A_668 : i32 to index
          %get3A_801 = tpu.vector_load %arg48[%get3A_799, %get3A_800] {strides = array<i32>} : memref<8x256xf32, #tpu.memory_space<vmem>>, vector<16xf32>,
          %mul3A_802 = arith.mulf %get3A_801, %gather3A_793 : vector<16xf32>
          %add3A_803 = arith.addf %add3A_786, %mul3A_802 : vector<16xf32>
          %mul3A_804 = arith.mulf %get3A_801, %gather3A_797 : vector<16xf32>
          %add3A_805 = arith.addf %add3A_788, %mul3A_804 : vector<16xf32>
          %and3A_806 = arith.constant 127 : i32
          %and3A_807 = arith.andi %mul3A_668, %and3A_806 : i32
          %add3A_808 = arith.addi %add3A_534, %and3A_807 : i32
          %shift_right_logical3A_809 = arith.constant 7 : i32
          %shift_right_logical3A_810 = arith.shrui %mul3A_668, %shift_right_logical3A_809 : i32
          %mul3A_811 = arith.constant 1024 : i32
          %mul3A_812 = arith.muli %shift_right_logical3A_810, %mul3A_811 : i32
          %add3A_813 = arith.addi %add3A_808, %mul3A_812 : i32
          %swap3A = arith.index_cast %add3A_813 : i32 to index
          %swap3A_814 = tpu.vector_load %arg10[%swap3A] {strides = array<i32>} : memref<8192xf32, #tpu.memory_space<vmem>>, vector<16xf32>,
          tpu.vector_store %arg10[%swap3A], %add3A_803 {strides = array<i32>} : memref<8192xf32, #tpu.memory_space<vmem>>, vector<16xf32>,
          %add3A_815 = arith.constant 128 : i32
          %add3A_816 = arith.addi %add3A_813, %add3A_815 : i32
          %swap3A_817 = arith.index_cast %add3A_816 : i32 to index
          %swap3A_818 = tpu.vector_load %arg10[%swap3A_817] {strides = array<i32>} : memref<8192xf32, #tpu.memory_space<vmem>>, vector<16xf32>,
          tpu.vector_store %arg10[%swap3A_817], %add3A_805 {strides = array<i32>} : memref<8192xf32, #tpu.memory_space<vmem>>, vector<16xf32>,
          %scan3A_819 = arith.constant 0 : i32
          scf.yield %scan3A_819 : i32
        }
        %scan3A_541 = arith.constant 16 : i32
        %add3A_542 = arith.constant 2 : i32
        %add3A_543 = arith.addi %mul3A_499, %add3A_542 : i32
        %get3A_544 = arith.index_cast %add3A_543 : i32 to index
        %get3A_545 = arith.constant 0 : index
        %get3A_546 = tpu.vector_load %arg11[%get3A_544, %get3A_545] {strides = array<i32>} : memref<16x16xf32, #tpu.memory_space<vmem>>, vector<16xf32>,
        %get3A_547 = arith.index_cast %add3A_543 : i32 to index
        %get3A_548 = arith.constant 0 : index
        %get3A_549 = tpu.vector_load %arg12[%get3A_547, %get3A_548] {strides = array<i32>} : memref<16x16xi32, #tpu.memory_space<vmem>>, vector<16xi32>,
        %scan3A_550 = arith.constant 0 : i32
        %scan3A_551 = arith.constant 0 : i32
        %scan3A_552 = arith.constant 16 : i32
        %scan3A_553 = arith.addi %scan3A_551, %scan3A_552 : i32
        %scan3A_554 = arith.constant 1 : i32
        %scan3A_555 = scf.for %scan3A_665 = %scan3A_551 to %scan3A_553 step %scan3A_554 iter_args(%scan3A_666 = %scan3A_550) -> (i32)  : i32 {
          %mul3A_667 = arith.constant 16 : i32
          %mul3A_668 = arith.muli %scan3A_665, %mul3A_667 : i32
          %get3A_669 = arith.index_cast %mul3A_668 : i32 to index
          %get3A_670 = tpu.vector_load %arg7[%get3A_669] {strides = array<i32>} : memref<256xf32, #tpu.memory_space<vmem>>, vector<16xf32>,
          %mul3A_671 = arith.mulf %get3A_670, %get3A_546 : vector<16xf32>
          %get3A_672 = arith.index_cast %mul3A_668 : i32 to index
          %get3A_673 = tpu.vector_load %arg8[%get3A_672] {strides = array<i32>} : memref<256xf32, #tpu.memory_space<vmem>>, vector<16xf32>,
          %mul3A_674 = arith.mulf %get3A_673, %get3A_546 : vector<16xf32>
          %get3A_675 = arith.index_cast %mul3A_668 : i32 to index
          %get3A_676 = tpu.vector_load %arg9[%get3A_675] {strides = array<i32>} : memref<256xf32, #tpu.memory_space<vmem>>, vector<16xf32>,
          %mul3A_677 = arith.mulf %get3A_676, %get3A_546 : vector<16xf32>
          %convert_element_type3A_678 = arith.fptosi %mul3A_671 : vector<16xf32> to vector<16xi32>
          %convert_element_type3A_679 = arith.fptosi %mul3A_674 : vector<16xf32> to vector<16xi32>
          %convert_element_type3A_680 = arith.fptosi %mul3A_677 : vector<16xf32> to vector<16xi32>
          %convert_element_type3A_681 = arith.sitofp %convert_element_type3A_678 : vector<16xi32> to vector<16xf32>
          %sub3A = arith.subf %mul3A_671, %convert_element_type3A_681 : vector<16xf32>
          %convert_element_type3A_682 = arith.sitofp %convert_element_type3A_679 : vector<16xi32> to vector<16xf32>
          %sub3A_683 = arith.subf %mul3A_674, %convert_element_type3A_682 : vector<16xf32>
          %convert_element_type3A_684 = arith.sitofp %convert_element_type3A_680 : vector<16xi32> to vector<16xf32>
          %sub3A_685 = arith.subf %mul3A_677, %convert_element_type3A_684 : vector<16xf32>
          %mul3A_686 = arith.constant -1640531535 : i32
          %mul3A_687 = vector.broadcast %mul3A_686 : i32 to vector<16xi32>
          %mul3A_688 = arith.muli %convert_element_type3A_679, %mul3A_687 : vector<16xi32>
          %mul3A_689 = arith.constant 805459861 : i32
          %mul3A_690 = vector.broadcast %mul3A_689 : i32 to vector<16xi32>
          %mul3A_691 = arith.muli %convert_element_type3A_680, %mul3A_690 : vector<16xi32>
          %sub3A_692 = arith.subf %add3A_8, %sub3A : vector<16xf32>
          %sub3A_693 = arith.subf %add3A_8, %sub3A_683 : vector<16xf32>
          %sub3A_694 = arith.subf %add3A_8, %sub3A_685 : vector<16xf32>
          %add3A_695 = arith.constant 1 : i32
          %add3A_696 = vector.broadcast %add3A_695 : i32 to vector<16xi32>
          %add3A_697 = arith.addi %convert_element_type3A_678, %add3A_696 : vector<16xi32>
          %add3A_698 = arith.constant -1640531535 : i32
          %add3A_699 = vector.broadcast %add3A_698 : i32 to vector<16xi32>
          %add3A_700 = arith.addi %mul3A_688, %add3A_699 : vector<16xi32>
          %add3A_701 = arith.constant 805459861 : i32
          %add3A_702 = vector.broadcast %add3A_701 : i32 to vector<16xi32>
          %add3A_703 = arith.addi %mul3A_691, %add3A_702 : vector<16xi32>
          %xor3A = arith.xori %convert_element_type3A_678, %mul3A_688 : vector<16xi32>
          %xor3A_704 = arith.xori %xor3A, %mul3A_691 : vector<16xi32>
          %and3A_705 = arith.constant 524287 : i32
          %and3A_706 = vector.broadcast %and3A_705 : i32 to vector<16xi32>
          %and3A_707 = arith.andi %xor3A_704, %and3A_706 : vector<16xi32>
          %add3A_708 = arith.addi %and3A_707, %get3A_549 : vector<16xi32>
          %shift_right_logical3A_709 = arith.constant 3 : i32
          %shift_right_logical3A_710 = vector.broadcast %shift_right_logical3A_709 : i32 to vector<16xi32>
          %shift_right_logical3A_711 = arith.shrui %add3A_708, %shift_right_logical3A_710 : vector<16xi32>
          %swap3A = arith.index_cast %mul3A_668 : i32 to index
          %swap3A_712 = tpu.vector_load %arg16[%swap3A] {strides = array<i32>} : memref<256xi32, #tpu.memory_space<vmem>>, vector<16xi32>,
          tpu.vector_store %arg16[%swap3A], %shift_right_logical3A_711 {strides = array<i32>} : memref<256xi32, #tpu.memory_space<vmem>>, vector<16xi32>,
          %and3A_713 = arith.constant 7 : i32
          %and3A_714 = vector.broadcast %and3A_713 : i32 to vector<16xi32>
          %and3A_715 = arith.andi %add3A_708, %and3A_714 : vector<16xi32>
          %shift_left3A = arith.constant 1 : i32
          %shift_left3A_716 = vector.broadcast %shift_left3A : i32 to vector<16xi32>
          %shift_left3A_717 = arith.shli %and3A_715, %shift_left3A_716 : vector<16xi32>
          %swap3A_718 = arith.constant 0 : i32
          %swap3A_719 = arith.index_cast %swap3A_718 : i32 to index
          %swap3A_720 = arith.index_cast %mul3A_668 : i32 to index
          %swap3A_721 = tpu.vector_load %arg50[%swap3A_719, %swap3A_720] {strides = array<i32>} : memref<8x256xi32, #tpu.memory_space<vmem>>, vector<16xi32>,
          tpu.vector_store %arg50[%swap3A_719, %swap3A_720], %shift_left3A_717 {strides = array<i32>} : memref<8x256xi32, #tpu.memory_space<vmem>>, vector<16xi32>,
          %mul3A_722 = arith.mulf %sub3A_692, %sub3A_693 : vector<16xf32>
          %mul3A_723 = arith.mulf %mul3A_722, %sub3A_694 : vector<16xf32>
          %swap3A_724 = arith.constant 0 : i32
          %swap3A_725 = arith.index_cast %swap3A_724 : i32 to index
          %swap3A_726 = arith.index_cast %mul3A_668 : i32 to index
          %swap3A_727 = tpu.vector_load %arg48[%swap3A_725, %swap3A_726] {strides = array<i32>} : memref<8x256xf32, #tpu.memory_space<vmem>>, vector<16xf32>,
          tpu.vector_store %arg48[%swap3A_725, %swap3A_726], %mul3A_723 {strides = array<i32>} : memref<8x256xf32, #tpu.memory_space<vmem>>, vector<16xf32>,
          %xor3A_728 = arith.xori %convert_element_type3A_678, %mul3A_688 : vector<16xi32>
          %xor3A_729 = arith.xori %xor3A_728, %add3A_703 : vector<16xi32>
          %and3A_730 = arith.constant 524287 : i32
          %and3A_731 = vector.broadcast %and3A_730 : i32 to vector<16xi32>
          %and3A_732 = arith.andi %xor3A_729, %and3A_731 : vector<16xi32>
          %add3A_733 = arith.addi %and3A_732, %get3A_549 : vector<16xi32>
          %shift_right_logical3A_734 = arith.constant 3 : i32
          %shift_right_logical3A_735 = vector.broadcast %shift_right_logical3A_734 : i32 to vector<16xi32>
          %shift_right_logical3A_736 = arith.shrui %add3A_733, %shift_right_logical3A_735 : vector<16xi32>
          %swap3A_737 = arith.index_cast %mul3A_668 : i32 to index
          %swap3A_738 = tpu.vector_load %arg17[%swap3A_737] {strides = array<i32>} : memref<256xi32, #tpu.memory_space<vmem>>, vector<16xi32>,
          tpu.vector_store %arg17[%swap3A_737], %shift_right_logical3A_736 {strides = array<i32>} : memref<256xi32, #tpu.memory_space<vmem>>, vector<16xi32>,
          %and3A_739 = arith.constant 7 : i32
          %and3A_740 = vector.broadcast %and3A_739 : i32 to vector<16xi32>
          %and3A_741 = arith.andi %add3A_733, %and3A_740 : vector<16xi32>
          %shift_left3A_742 = arith.constant 1 : i32
          %shift_left3A_743 = vector.broadcast %shift_left3A_742 : i32 to vector<16xi32>
          %shift_left3A_744 = arith.shli %and3A_741, %shift_left3A_743 : vector<16xi32>
          %swap3A_745 = arith.constant 1 : i32
          %swap3A_746 = arith.index_cast %swap3A_745 : i32 to index
          %swap3A_747 = arith.index_cast %mul3A_668 : i32 to index
          %swap3A_748 = tpu.vector_load %arg50[%swap3A_746, %swap3A_747] {strides = array<i32>} : memref<8x256xi32, #tpu.memory_space<vmem>>, vector<16xi32>,
          tpu.vector_store %arg50[%swap3A_746, %swap3A_747], %shift_left3A_744 {strides = array<i32>} : memref<8x256xi32, #tpu.memory_space<vmem>>, vector<16xi32>,
          %mul3A_749 = arith.mulf %sub3A_692, %sub3A_693 : vector<16xf32>
          %mul3A_750 = arith.mulf %mul3A_749, %sub3A_685 : vector<16xf32>
          %swap3A_751 = arith.constant 1 : i32
          %swap3A_752 = arith.index_cast %swap3A_751 : i32 to index
          %swap3A_753 = arith.index_cast %mul3A_668 : i32 to index
          %swap3A_754 = tpu.vector_load %arg48[%swap3A_752, %swap3A_753] {strides = array<i32>} : memref<8x256xf32, #tpu.memory_space<vmem>>, vector<16xf32>,
          tpu.vector_store %arg48[%swap3A_752, %swap3A_753], %mul3A_750 {strides = array<i32>} : memref<8x256xf32, #tpu.memory_space<vmem>>, vector<16xf32>,
          %xor3A_755 = arith.xori %convert_element_type3A_678, %add3A_700 : vector<16xi32>
          %xor3A_756 = arith.xori %xor3A_755, %mul3A_691 : vector<16xi32>
          %and3A_757 = arith.constant 524287 : i32
          %and3A_758 = vector.broadcast %and3A_757 : i32 to vector<16xi32>
          %and3A_759 = arith.andi %xor3A_756, %and3A_758 : vector<16xi32>
          %add3A_760 = arith.addi %and3A_759, %get3A_549 : vector<16xi32>
          %shift_right_logical3A_761 = arith.constant 3 : i32
          %shift_right_logical3A_762 = vector.broadcast %shift_right_logical3A_761 : i32 to vector<16xi32>
          %shift_right_logical3A_763 = arith.shrui %add3A_760, %shift_right_logical3A_762 : vector<16xi32>
          %swap3A_764 = arith.index_cast %mul3A_668 : i32 to index
          %swap3A_765 = tpu.vector_load %arg18[%swap3A_764] {strides = array<i32>} : memref<256xi32, #tpu.memory_space<vmem>>, vector<16xi32>,
          tpu.vector_store %arg18[%swap3A_764], %shift_right_logical3A_763 {strides = array<i32>} : memref<256xi32, #tpu.memory_space<vmem>>, vector<16xi32>,
          %and3A_766 = arith.constant 7 : i32
          %and3A_767 = vector.broadcast %and3A_766 : i32 to vector<16xi32>
          %and3A_768 = arith.andi %add3A_760, %and3A_767 : vector<16xi32>
          %shift_left3A_769 = arith.constant 1 : i32
          %shift_left3A_770 = vector.broadcast %shift_left3A_769 : i32 to vector<16xi32>
          %shift_left3A_771 = arith.shli %and3A_768, %shift_left3A_770 : vector<16xi32>
          %swap3A_772 = arith.constant 2 : i32
          %swap3A_773 = arith.index_cast %swap3A_772 : i32 to index
          %swap3A_774 = arith.index_cast %mul3A_668 : i32 to index
          %swap3A_775 = tpu.vector_load %arg50[%swap3A_773, %swap3A_774] {strides = array<i32>} : memref<8x256xi32, #tpu.memory_space<vmem>>, vector<16xi32>,
          tpu.vector_store %arg50[%swap3A_773, %swap3A_774], %shift_left3A_771 {strides = array<i32>} : memref<8x256xi32, #tpu.memory_space<vmem>>, vector<16xi32>,
          %mul3A_776 = arith.mulf %sub3A_692, %sub3A_683 : vector<16xf32>
          %mul3A_777 = arith.mulf %mul3A_776, %sub3A_694 : vector<16xf32>
          %swap3A_778 = arith.constant 2 : i32
          %swap3A_779 = arith.index_cast %swap3A_778 : i32 to index
          %swap3A_780 = arith.index_cast %mul3A_668 : i32 to index
          %swap3A_781 = tpu.vector_load %arg48[%swap3A_779, %swap3A_780] {strides = array<i32>} : memref<8x256xf32, #tpu.memory_space<vmem>>, vector<16xf32>,
          tpu.vector_store %arg48[%swap3A_779, %swap3A_780], %mul3A_777 {strides = array<i32>} : memref<8x256xf32, #tpu.memory_space<vmem>>, vector<16xf32>,
          %xor3A_782 = arith.xori %convert_element_type3A_678, %add3A_700 : vector<16xi32>
          %xor3A_783 = arith.xori %xor3A_782, %add3A_703 : vector<16xi32>
          %and3A_784 = arith.constant 524287 : i32
          %and3A_785 = vector.broadcast %and3A_784 : i32 to vector<16xi32>
          %and3A_786 = arith.andi %xor3A_783, %and3A_785 : vector<16xi32>
          %add3A_787 = arith.addi %and3A_786, %get3A_549 : vector<16xi32>
          %shift_right_logical3A_788 = arith.constant 3 : i32
          %shift_right_logical3A_789 = vector.broadcast %shift_right_logical3A_788 : i32 to vector<16xi32>
          %shift_right_logical3A_790 = arith.shrui %add3A_787, %shift_right_logical3A_789 : vector<16xi32>
          %swap3A_791 = arith.index_cast %mul3A_668 : i32 to index
          %swap3A_792 = tpu.vector_load %arg19[%swap3A_791] {strides = array<i32>} : memref<256xi32, #tpu.memory_space<vmem>>, vector<16xi32>,
          tpu.vector_store %arg19[%swap3A_791], %shift_right_logical3A_790 {strides = array<i32>} : memref<256xi32, #tpu.memory_space<vmem>>, vector<16xi32>,
          %and3A_793 = arith.constant 7 : i32
          %and3A_794 = vector.broadcast %and3A_793 : i32 to vector<16xi32>
          %and3A_795 = arith.andi %add3A_787, %and3A_794 : vector<16xi32>
          %shift_left3A_796 = arith.constant 1 : i32
          %shift_left3A_797 = vector.broadcast %shift_left3A_796 : i32 to vector<16xi32>
          %shift_left3A_798 = arith.shli %and3A_795, %shift_left3A_797 : vector<16xi32>
          %swap3A_799 = arith.constant 3 : i32
          %swap3A_800 = arith.index_cast %swap3A_799 : i32 to index
          %swap3A_801 = arith.index_cast %mul3A_668 : i32 to index
          %swap3A_802 = tpu.vector_load %arg50[%swap3A_800, %swap3A_801] {strides = array<i32>} : memref<8x256xi32, #tpu.memory_space<vmem>>, vector<16xi32>,
          tpu.vector_store %arg50[%swap3A_800, %swap3A_801], %shift_left3A_798 {strides = array<i32>} : memref<8x256xi32, #tpu.memory_space<vmem>>, vector<16xi32>,
          %mul3A_803 = arith.mulf %sub3A_692, %sub3A_683 : vector<16xf32>
          %mul3A_804 = arith.mulf %mul3A_803, %sub3A_685 : vector<16xf32>
          %swap3A_805 = arith.constant 3 : i32
          %swap3A_806 = arith.index_cast %swap3A_805 : i32 to index
          %swap3A_807 = arith.index_cast %mul3A_668 : i32 to index
          %swap3A_808 = tpu.vector_load %arg48[%swap3A_806, %swap3A_807] {strides = array<i32>} : memref<8x256xf32, #tpu.memory_space<vmem>>, vector<16xf32>,
          tpu.vector_store %arg48[%swap3A_806, %swap3A_807], %mul3A_804 {strides = array<i32>} : memref<8x256xf32, #tpu.memory_space<vmem>>, vector<16xf32>,
          %xor3A_809 = arith.xori %add3A_697, %mul3A_688 : vector<16xi32>
          %xor3A_810 = arith.xori %xor3A_809, %mul3A_691 : vector<16xi32>
          %and3A_811 = arith.constant 524287 : i32
          %and3A_812 = vector.broadcast %and3A_811 : i32 to vector<16xi32>
          %and3A_813 = arith.andi %xor3A_810, %and3A_812 : vector<16xi32>
          %add3A_814 = arith.addi %and3A_813, %get3A_549 : vector<16xi32>
          %shift_right_logical3A_815 = arith.constant 3 : i32
          %shift_right_logical3A_816 = vector.broadcast %shift_right_logical3A_815 : i32 to vector<16xi32>
          %shift_right_logical3A_817 = arith.shrui %add3A_814, %shift_right_logical3A_816 : vector<16xi32>
          %swap3A_818 = arith.index_cast %mul3A_668 : i32 to index
          %swap3A_819 = tpu.vector_load %arg20[%swap3A_818] {strides = array<i32>} : memref<256xi32, #tpu.memory_space<vmem>>, vector<16xi32>,
          tpu.vector_store %arg20[%swap3A_818], %shift_right_logical3A_817 {strides = array<i32>} : memref<256xi32, #tpu.memory_space<vmem>>, vector<16xi32>,
          %and3A_820 = arith.constant 7 : i32
          %and3A_821 = vector.broadcast %and3A_820 : i32 to vector<16xi32>
          %and3A_822 = arith.andi %add3A_814, %and3A_821 : vector<16xi32>
          %shift_left3A_823 = arith.constant 1 : i32
          %shift_left3A_824 = vector.broadcast %shift_left3A_823 : i32 to vector<16xi32>
          %shift_left3A_825 = arith.shli %and3A_822, %shift_left3A_824 : vector<16xi32>
          %swap3A_826 = arith.constant 4 : i32
          %swap3A_827 = arith.index_cast %swap3A_826 : i32 to index
          %swap3A_828 = arith.index_cast %mul3A_668 : i32 to index
          %swap3A_829 = tpu.vector_load %arg50[%swap3A_827, %swap3A_828] {strides = array<i32>} : memref<8x256xi32, #tpu.memory_space<vmem>>, vector<16xi32>,
          tpu.vector_store %arg50[%swap3A_827, %swap3A_828], %shift_left3A_825 {strides = array<i32>} : memref<8x256xi32, #tpu.memory_space<vmem>>, vector<16xi32>,
          %mul3A_830 = arith.mulf %sub3A, %sub3A_693 : vector<16xf32>
          %mul3A_831 = arith.mulf %mul3A_830, %sub3A_694 : vector<16xf32>
          %swap3A_832 = arith.constant 4 : i32
          %swap3A_833 = arith.index_cast %swap3A_832 : i32 to index
          %swap3A_834 = arith.index_cast %mul3A_668 : i32 to index
          %swap3A_835 = tpu.vector_load %arg48[%swap3A_833, %swap3A_834] {strides = array<i32>} : memref<8x256xf32, #tpu.memory_space<vmem>>, vector<16xf32>,
          tpu.vector_store %arg48[%swap3A_833, %swap3A_834], %mul3A_831 {strides = array<i32>} : memref<8x256xf32, #tpu.memory_space<vmem>>, vector<16xf32>,
          %xor3A_836 = arith.xori %add3A_697, %mul3A_688 : vector<16xi32>
          %xor3A_837 = arith.xori %xor3A_836, %add3A_703 : vector<16xi32>
          %and3A_838 = arith.constant 524287 : i32
          %and3A_839 = vector.broadcast %and3A_838 : i32 to vector<16xi32>
          %and3A_840 = arith.andi %xor3A_837, %and3A_839 : vector<16xi32>
          %add3A_841 = arith.addi %and3A_840, %get3A_549 : vector<16xi32>
          %shift_right_logical3A_842 = arith.constant 3 : i32
          %shift_right_logical3A_843 = vector.broadcast %shift_right_logical3A_842 : i32 to vector<16xi32>
          %shift_right_logical3A_844 = arith.shrui %add3A_841, %shift_right_logical3A_843 : vector<16xi32>
          %swap3A_845 = arith.index_cast %mul3A_668 : i32 to index
          %swap3A_846 = tpu.vector_load %arg21[%swap3A_845] {strides = array<i32>} : memref<256xi32, #tpu.memory_space<vmem>>, vector<16xi32>,
          tpu.vector_store %arg21[%swap3A_845], %shift_right_logical3A_844 {strides = array<i32>} : memref<256xi32, #tpu.memory_space<vmem>>, vector<16xi32>,
          %and3A_847 = arith.constant 7 : i32
          %and3A_848 = vector.broadcast %and3A_847 : i32 to vector<16xi32>
          %and3A_849 = arith.andi %add3A_841, %and3A_848 : vector<16xi32>
          %shift_left3A_850 = arith.constant 1 : i32
          %shift_left3A_851 = vector.broadcast %shift_left3A_850 : i32 to vector<16xi32>
          %shift_left3A_852 = arith.shli %and3A_849, %shift_left3A_851 : vector<16xi32>
          %swap3A_853 = arith.constant 5 : i32
          %swap3A_854 = arith.index_cast %swap3A_853 : i32 to index
          %swap3A_855 = arith.index_cast %mul3A_668 : i32 to index
          %swap3A_856 = tpu.vector_load %arg50[%swap3A_854, %swap3A_855] {strides = array<i32>} : memref<8x256xi32, #tpu.memory_space<vmem>>, vector<16xi32>,
          tpu.vector_store %arg50[%swap3A_854, %swap3A_855], %shift_left3A_852 {strides = array<i32>} : memref<8x256xi32, #tpu.memory_space<vmem>>, vector<16xi32>,
          %mul3A_857 = arith.mulf %sub3A, %sub3A_693 : vector<16xf32>
          %mul3A_858 = arith.mulf %mul3A_857, %sub3A_685 : vector<16xf32>
          %swap3A_859 = arith.constant 5 : i32
          %swap3A_860 = arith.index_cast %swap3A_859 : i32 to index
          %swap3A_861 = arith.index_cast %mul3A_668 : i32 to index
          %swap3A_862 = tpu.vector_load %arg48[%swap3A_860, %swap3A_861] {strides = array<i32>} : memref<8x256xf32, #tpu.memory_space<vmem>>, vector<16xf32>,
          tpu.vector_store %arg48[%swap3A_860, %swap3A_861], %mul3A_858 {strides = array<i32>} : memref<8x256xf32, #tpu.memory_space<vmem>>, vector<16xf32>,
          %xor3A_863 = arith.xori %add3A_697, %add3A_700 : vector<16xi32>
          %xor3A_864 = arith.xori %xor3A_863, %mul3A_691 : vector<16xi32>
          %and3A_865 = arith.constant 524287 : i32
          %and3A_866 = vector.broadcast %and3A_865 : i32 to vector<16xi32>
          %and3A_867 = arith.andi %xor3A_864, %and3A_866 : vector<16xi32>
          %add3A_868 = arith.addi %and3A_867, %get3A_549 : vector<16xi32>
          %shift_right_logical3A_869 = arith.constant 3 : i32
          %shift_right_logical3A_870 = vector.broadcast %shift_right_logical3A_869 : i32 to vector<16xi32>
          %shift_right_logical3A_871 = arith.shrui %add3A_868, %shift_right_logical3A_870 : vector<16xi32>
          %swap3A_872 = arith.index_cast %mul3A_668 : i32 to index
          %swap3A_873 = tpu.vector_load %arg22[%swap3A_872] {strides = array<i32>} : memref<256xi32, #tpu.memory_space<vmem>>, vector<16xi32>,
          tpu.vector_store %arg22[%swap3A_872], %shift_right_logical3A_871 {strides = array<i32>} : memref<256xi32, #tpu.memory_space<vmem>>, vector<16xi32>,
          %and3A_874 = arith.constant 7 : i32
          %and3A_875 = vector.broadcast %and3A_874 : i32 to vector<16xi32>
          %and3A_876 = arith.andi %add3A_868, %and3A_875 : vector<16xi32>
          %shift_left3A_877 = arith.constant 1 : i32
          %shift_left3A_878 = vector.broadcast %shift_left3A_877 : i32 to vector<16xi32>
          %shift_left3A_879 = arith.shli %and3A_876, %shift_left3A_878 : vector<16xi32>
          %swap3A_880 = arith.constant 6 : i32
          %swap3A_881 = arith.index_cast %swap3A_880 : i32 to index
          %swap3A_882 = arith.index_cast %mul3A_668 : i32 to index
          %swap3A_883 = tpu.vector_load %arg50[%swap3A_881, %swap3A_882] {strides = array<i32>} : memref<8x256xi32, #tpu.memory_space<vmem>>, vector<16xi32>,
          tpu.vector_store %arg50[%swap3A_881, %swap3A_882], %shift_left3A_879 {strides = array<i32>} : memref<8x256xi32, #tpu.memory_space<vmem>>, vector<16xi32>,
          %mul3A_884 = arith.mulf %sub3A, %sub3A_683 : vector<16xf32>
          %mul3A_885 = arith.mulf %mul3A_884, %sub3A_694 : vector<16xf32>
          %swap3A_886 = arith.constant 6 : i32
          %swap3A_887 = arith.index_cast %swap3A_886 : i32 to index
          %swap3A_888 = arith.index_cast %mul3A_668 : i32 to index
          %swap3A_889 = tpu.vector_load %arg48[%swap3A_887, %swap3A_888] {strides = array<i32>} : memref<8x256xf32, #tpu.memory_space<vmem>>, vector<16xf32>,
          tpu.vector_store %arg48[%swap3A_887, %swap3A_888], %mul3A_885 {strides = array<i32>} : memref<8x256xf32, #tpu.memory_space<vmem>>, vector<16xf32>,
          %xor3A_890 = arith.xori %add3A_697, %add3A_700 : vector<16xi32>
          %xor3A_891 = arith.xori %xor3A_890, %add3A_703 : vector<16xi32>
          %and3A_892 = arith.constant 524287 : i32
          %and3A_893 = vector.broadcast %and3A_892 : i32 to vector<16xi32>
          %and3A_894 = arith.andi %xor3A_891, %and3A_893 : vector<16xi32>
          %add3A_895 = arith.addi %and3A_894, %get3A_549 : vector<16xi32>
          %shift_right_logical3A_896 = arith.constant 3 : i32
          %shift_right_logical3A_897 = vector.broadcast %shift_right_logical3A_896 : i32 to vector<16xi32>
          %shift_right_logical3A_898 = arith.shrui %add3A_895, %shift_right_logical3A_897 : vector<16xi32>
          %swap3A_899 = arith.index_cast %mul3A_668 : i32 to index
          %swap3A_900 = tpu.vector_load %arg23[%swap3A_899] {strides = array<i32>} : memref<256xi32, #tpu.memory_space<vmem>>, vector<16xi32>,
          tpu.vector_store %arg23[%swap3A_899], %shift_right_logical3A_898 {strides = array<i32>} : memref<256xi32, #tpu.memory_space<vmem>>, vector<16xi32>,
          %and3A_901 = arith.constant 7 : i32
          %and3A_902 = vector.broadcast %and3A_901 : i32 to vector<16xi32>
          %and3A_903 = arith.andi %add3A_895, %and3A_902 : vector<16xi32>
          %shift_left3A_904 = arith.constant 1 : i32
          %shift_left3A_905 = vector.broadcast %shift_left3A_904 : i32 to vector<16xi32>
          %shift_left3A_906 = arith.shli %and3A_903, %shift_left3A_905 : vector<16xi32>
          %swap3A_907 = arith.constant 7 : i32
          %swap3A_908 = arith.index_cast %swap3A_907 : i32 to index
          %swap3A_909 = arith.index_cast %mul3A_668 : i32 to index
          %swap3A_910 = tpu.vector_load %arg50[%swap3A_908, %swap3A_909] {strides = array<i32>} : memref<8x256xi32, #tpu.memory_space<vmem>>, vector<16xi32>,
          tpu.vector_store %arg50[%swap3A_908, %swap3A_909], %shift_left3A_906 {strides = array<i32>} : memref<8x256xi32, #tpu.memory_space<vmem>>, vector<16xi32>,
          %mul3A_911 = arith.mulf %sub3A, %sub3A_683 : vector<16xf32>
          %mul3A_912 = arith.mulf %mul3A_911, %sub3A_685 : vector<16xf32>
          %swap3A_913 = arith.constant 7 : i32
          %swap3A_914 = arith.index_cast %swap3A_913 : i32 to index
          %swap3A_915 = arith.index_cast %mul3A_668 : i32 to index
          %swap3A_916 = tpu.vector_load %arg48[%swap3A_914, %swap3A_915] {strides = array<i32>} : memref<8x256xf32, #tpu.memory_space<vmem>>, vector<16xf32>,
          tpu.vector_store %arg48[%swap3A_914, %swap3A_915], %mul3A_912 {strides = array<i32>} : memref<8x256xf32, #tpu.memory_space<vmem>>, vector<16xf32>,
          %scan3A_917 = arith.constant 0 : i32
          scf.yield %scan3A_917 : i32
        }
        %scan3A_556 = arith.constant 16 : i32
        %dma_start3A_557 = arith.constant 0 : i32
        %dma_start3A_558 = arith.constant 0 : i32
        %dma_start3A_559 = tpu.memref_slice %arg3[%dma_start3A_557, %dma_start3A_558] : memref<1048576x16xf32, #tpu.memory_space<hbm>> -> memref<1048576x16xf32, #tpu.memory_space<hbm>>
        tpu.enqueue_indirect_dma source(%dma_start3A_559 : memref<1048576x16xf32, #tpu.memory_space<hbm>>) target(%arg32 : memref<256x16xf32, #tpu.memory_space<vmem>>) offsets(%arg16 : memref<256xi32, #tpu.memory_space<vmem>>) semaphore(%arg13 : memref<!tpu.dma_semaphore, #tpu.memory_space<semaphore_mem>>)
        %dma_start3A_560 = arith.constant 0 : i32
        %dma_start3A_561 = arith.constant 0 : i32
        %dma_start3A_562 = tpu.memref_slice %arg3[%dma_start3A_560, %dma_start3A_561] : memref<1048576x16xf32, #tpu.memory_space<hbm>> -> memref<1048576x16xf32, #tpu.memory_space<hbm>>
        tpu.enqueue_indirect_dma source(%dma_start3A_562 : memref<1048576x16xf32, #tpu.memory_space<hbm>>) target(%arg33 : memref<256x16xf32, #tpu.memory_space<vmem>>) offsets(%arg17 : memref<256xi32, #tpu.memory_space<vmem>>) semaphore(%arg13 : memref<!tpu.dma_semaphore, #tpu.memory_space<semaphore_mem>>)
        %dma_start3A_563 = arith.constant 0 : i32
        %dma_start3A_564 = arith.constant 0 : i32
        %dma_start3A_565 = tpu.memref_slice %arg3[%dma_start3A_563, %dma_start3A_564] : memref<1048576x16xf32, #tpu.memory_space<hbm>> -> memref<1048576x16xf32, #tpu.memory_space<hbm>>
        tpu.enqueue_indirect_dma source(%dma_start3A_565 : memref<1048576x16xf32, #tpu.memory_space<hbm>>) target(%arg34 : memref<256x16xf32, #tpu.memory_space<vmem>>) offsets(%arg18 : memref<256xi32, #tpu.memory_space<vmem>>) semaphore(%arg13 : memref<!tpu.dma_semaphore, #tpu.memory_space<semaphore_mem>>)
        %dma_start3A_566 = arith.constant 0 : i32
        %dma_start3A_567 = arith.constant 0 : i32
        %dma_start3A_568 = tpu.memref_slice %arg3[%dma_start3A_566, %dma_start3A_567] : memref<1048576x16xf32, #tpu.memory_space<hbm>> -> memref<1048576x16xf32, #tpu.memory_space<hbm>>
        tpu.enqueue_indirect_dma source(%dma_start3A_568 : memref<1048576x16xf32, #tpu.memory_space<hbm>>) target(%arg35 : memref<256x16xf32, #tpu.memory_space<vmem>>) offsets(%arg19 : memref<256xi32, #tpu.memory_space<vmem>>) semaphore(%arg13 : memref<!tpu.dma_semaphore, #tpu.memory_space<semaphore_mem>>)
        %dma_start3A_569 = arith.constant 0 : i32
        %dma_start3A_570 = arith.constant 0 : i32
        %dma_start3A_571 = tpu.memref_slice %arg3[%dma_start3A_569, %dma_start3A_570] : memref<1048576x16xf32, #tpu.memory_space<hbm>> -> memref<1048576x16xf32, #tpu.memory_space<hbm>>
        tpu.enqueue_indirect_dma source(%dma_start3A_571 : memref<1048576x16xf32, #tpu.memory_space<hbm>>) target(%arg36 : memref<256x16xf32, #tpu.memory_space<vmem>>) offsets(%arg20 : memref<256xi32, #tpu.memory_space<vmem>>) semaphore(%arg13 : memref<!tpu.dma_semaphore, #tpu.memory_space<semaphore_mem>>)
        %dma_start3A_572 = arith.constant 0 : i32
        %dma_start3A_573 = arith.constant 0 : i32
        %dma_start3A_574 = tpu.memref_slice %arg3[%dma_start3A_572, %dma_start3A_573] : memref<1048576x16xf32, #tpu.memory_space<hbm>> -> memref<1048576x16xf32, #tpu.memory_space<hbm>>
        tpu.enqueue_indirect_dma source(%dma_start3A_574 : memref<1048576x16xf32, #tpu.memory_space<hbm>>) target(%arg37 : memref<256x16xf32, #tpu.memory_space<vmem>>) offsets(%arg21 : memref<256xi32, #tpu.memory_space<vmem>>) semaphore(%arg13 : memref<!tpu.dma_semaphore, #tpu.memory_space<semaphore_mem>>)
        %dma_start3A_575 = arith.constant 0 : i32
        %dma_start3A_576 = arith.constant 0 : i32
        %dma_start3A_577 = tpu.memref_slice %arg3[%dma_start3A_575, %dma_start3A_576] : memref<1048576x16xf32, #tpu.memory_space<hbm>> -> memref<1048576x16xf32, #tpu.memory_space<hbm>>
        tpu.enqueue_indirect_dma source(%dma_start3A_577 : memref<1048576x16xf32, #tpu.memory_space<hbm>>) target(%arg38 : memref<256x16xf32, #tpu.memory_space<vmem>>) offsets(%arg22 : memref<256xi32, #tpu.memory_space<vmem>>) semaphore(%arg13 : memref<!tpu.dma_semaphore, #tpu.memory_space<semaphore_mem>>)
        %dma_start3A_578 = arith.constant 0 : i32
        %dma_start3A_579 = arith.constant 0 : i32
        %dma_start3A_580 = tpu.memref_slice %arg3[%dma_start3A_578, %dma_start3A_579] : memref<1048576x16xf32, #tpu.memory_space<hbm>> -> memref<1048576x16xf32, #tpu.memory_space<hbm>>
        tpu.enqueue_indirect_dma source(%dma_start3A_580 : memref<1048576x16xf32, #tpu.memory_space<hbm>>) target(%arg39 : memref<256x16xf32, #tpu.memory_space<vmem>>) offsets(%arg23 : memref<256xi32, #tpu.memory_space<vmem>>) semaphore(%arg13 : memref<!tpu.dma_semaphore, #tpu.memory_space<semaphore_mem>>)
        %dma_wait3A_581 = arith.constant 0 : i32
        %dma_wait3A_582 = arith.constant 0 : i32
        %dma_wait3A_583 = tpu.memref_slice %arg3[%dma_wait3A_581, %dma_wait3A_582] : memref<1048576x16xf32, #tpu.memory_space<hbm>> -> memref<1048576x16xf32, #tpu.memory_space<hbm>>
        tpu.wait_indirect_dma semaphore(%arg14 : memref<!tpu.dma_semaphore, #tpu.memory_space<semaphore_mem>>) src(%dma_wait3A_583 : memref<1048576x16xf32, #tpu.memory_space<hbm>>) dst(%arg40 : memref<256x16xf32, #tpu.memory_space<vmem>>)
        %dma_wait3A_584 = arith.constant 0 : i32
        %dma_wait3A_585 = arith.constant 0 : i32
        %dma_wait3A_586 = tpu.memref_slice %arg3[%dma_wait3A_584, %dma_wait3A_585] : memref<1048576x16xf32, #tpu.memory_space<hbm>> -> memref<1048576x16xf32, #tpu.memory_space<hbm>>
        tpu.wait_indirect_dma semaphore(%arg14 : memref<!tpu.dma_semaphore, #tpu.memory_space<semaphore_mem>>) src(%dma_wait3A_586 : memref<1048576x16xf32, #tpu.memory_space<hbm>>) dst(%arg41 : memref<256x16xf32, #tpu.memory_space<vmem>>)
        %dma_wait3A_587 = arith.constant 0 : i32
        %dma_wait3A_588 = arith.constant 0 : i32
        %dma_wait3A_589 = tpu.memref_slice %arg3[%dma_wait3A_587, %dma_wait3A_588] : memref<1048576x16xf32, #tpu.memory_space<hbm>> -> memref<1048576x16xf32, #tpu.memory_space<hbm>>
        tpu.wait_indirect_dma semaphore(%arg14 : memref<!tpu.dma_semaphore, #tpu.memory_space<semaphore_mem>>) src(%dma_wait3A_589 : memref<1048576x16xf32, #tpu.memory_space<hbm>>) dst(%arg42 : memref<256x16xf32, #tpu.memory_space<vmem>>)
        %dma_wait3A_590 = arith.constant 0 : i32
        %dma_wait3A_591 = arith.constant 0 : i32
        %dma_wait3A_592 = tpu.memref_slice %arg3[%dma_wait3A_590, %dma_wait3A_591] : memref<1048576x16xf32, #tpu.memory_space<hbm>> -> memref<1048576x16xf32, #tpu.memory_space<hbm>>
        tpu.wait_indirect_dma semaphore(%arg14 : memref<!tpu.dma_semaphore, #tpu.memory_space<semaphore_mem>>) src(%dma_wait3A_592 : memref<1048576x16xf32, #tpu.memory_space<hbm>>) dst(%arg43 : memref<256x16xf32, #tpu.memory_space<vmem>>)
        %dma_wait3A_593 = arith.constant 0 : i32
        %dma_wait3A_594 = arith.constant 0 : i32
        %dma_wait3A_595 = tpu.memref_slice %arg3[%dma_wait3A_593, %dma_wait3A_594] : memref<1048576x16xf32, #tpu.memory_space<hbm>> -> memref<1048576x16xf32, #tpu.memory_space<hbm>>
        tpu.wait_indirect_dma semaphore(%arg14 : memref<!tpu.dma_semaphore, #tpu.memory_space<semaphore_mem>>) src(%dma_wait3A_595 : memref<1048576x16xf32, #tpu.memory_space<hbm>>) dst(%arg44 : memref<256x16xf32, #tpu.memory_space<vmem>>)
        %dma_wait3A_596 = arith.constant 0 : i32
        %dma_wait3A_597 = arith.constant 0 : i32
        %dma_wait3A_598 = tpu.memref_slice %arg3[%dma_wait3A_596, %dma_wait3A_597] : memref<1048576x16xf32, #tpu.memory_space<hbm>> -> memref<1048576x16xf32, #tpu.memory_space<hbm>>
        tpu.wait_indirect_dma semaphore(%arg14 : memref<!tpu.dma_semaphore, #tpu.memory_space<semaphore_mem>>) src(%dma_wait3A_598 : memref<1048576x16xf32, #tpu.memory_space<hbm>>) dst(%arg45 : memref<256x16xf32, #tpu.memory_space<vmem>>)
        %dma_wait3A_599 = arith.constant 0 : i32
        %dma_wait3A_600 = arith.constant 0 : i32
        %dma_wait3A_601 = tpu.memref_slice %arg3[%dma_wait3A_599, %dma_wait3A_600] : memref<1048576x16xf32, #tpu.memory_space<hbm>> -> memref<1048576x16xf32, #tpu.memory_space<hbm>>
        tpu.wait_indirect_dma semaphore(%arg14 : memref<!tpu.dma_semaphore, #tpu.memory_space<semaphore_mem>>) src(%dma_wait3A_601 : memref<1048576x16xf32, #tpu.memory_space<hbm>>) dst(%arg46 : memref<256x16xf32, #tpu.memory_space<vmem>>)
        %dma_wait3A_602 = arith.constant 0 : i32
        %dma_wait3A_603 = arith.constant 0 : i32
        %dma_wait3A_604 = tpu.memref_slice %arg3[%dma_wait3A_602, %dma_wait3A_603] : memref<1048576x16xf32, #tpu.memory_space<hbm>> -> memref<1048576x16xf32, #tpu.memory_space<hbm>>
        tpu.wait_indirect_dma semaphore(%arg14 : memref<!tpu.dma_semaphore, #tpu.memory_space<semaphore_mem>>) src(%dma_wait3A_604 : memref<1048576x16xf32, #tpu.memory_space<hbm>>) dst(%arg47 : memref<256x16xf32, #tpu.memory_space<vmem>>)
        %add3A_605 = arith.constant 1 : i32
        %add3A_606 = arith.addi %mul3A_499, %add3A_605 : i32
        %shift_right_logical3A_607 = arith.constant 2 : i32
        %shift_right_logical3A_608 = arith.shrui %add3A_606, %shift_right_logical3A_607 : i32
        %mul3A_609 = arith.constant 2048 : i32
        %mul3A_610 = arith.muli %shift_right_logical3A_608, %mul3A_609 : i32
        %mul3A_611 = arith.constant 2 : i32
        %mul3A_612 = arith.muli %mul3A_611, %add3A_606 : i32
        %and3A_613 = arith.constant 7 : i32
        %and3A_614 = arith.andi %mul3A_612, %and3A_613 : i32
        %mul3A_615 = arith.constant 128 : i32
        %mul3A_616 = arith.muli %and3A_614, %mul3A_615 : i32
        %add3A_617 = arith.addi %mul3A_610, %mul3A_616 : i32
        %scan3A_618 = arith.constant 0 : i32
        %scan3A_619 = arith.constant 0 : i32
        %scan3A_620 = arith.constant 16 : i32
        %scan3A_621 = arith.addi %scan3A_619, %scan3A_620 : i32
        %scan3A_622 = arith.constant 1 : i32
        %scan3A_623 = scf.for %scan3A_665 = %scan3A_619 to %scan3A_621 step %scan3A_622 iter_args(%scan3A_666 = %scan3A_618) -> (i32)  : i32 {
          %mul3A_667 = arith.constant 16 : i32
          %mul3A_668 = arith.muli %scan3A_665, %mul3A_667 : i32
          %add3A_669 = vector.broadcast %mul3A_668 : i32 to vector<16xi32>
          %add3A_670 = arith.addi %add3A_669, %iota3A : vector<16xi32>
          %get3A_671 = arith.constant 0 : i32
          %get3A_672 = arith.index_cast %get3A_671 : i32 to index
          %get3A_673 = arith.index_cast %mul3A_668 : i32 to index
          %get3A_674 = tpu.vector_load %arg51[%get3A_672, %get3A_673] {strides = array<i32>} : memref<8x256xi32, #tpu.memory_space<vmem>>, vector<16xi32>,
          %gather3A = tpu.vector_load_idx %arg40[%add3A_670, %get3A_674] : memref<256x16xf32, #tpu.memory_space<vmem>>[vector<16xi32>, vector<16xi32>], vector<16xf32>,
          %add3A_675 = arith.constant 1 : i32
          %add3A_676 = vector.broadcast %add3A_675 : i32 to vector<16xi32>
          %add3A_677 = arith.addi %get3A_674, %add3A_676 : vector<16xi32>
          %gather3A_678 = tpu.vector_load_idx %arg40[%add3A_670, %add3A_677] : memref<256x16xf32, #tpu.memory_space<vmem>>[vector<16xi32>, vector<16xi32>], vector<16xf32>,
          %get3A_679 = arith.constant 0 : i32
          %get3A_680 = arith.index_cast %get3A_679 : i32 to index
          %get3A_681 = arith.index_cast %mul3A_668 : i32 to index
          %get3A_682 = tpu.vector_load %arg49[%get3A_680, %get3A_681] {strides = array<i32>} : memref<8x256xf32, #tpu.memory_space<vmem>>, vector<16xf32>,
          %mul3A_683 = arith.mulf %get3A_682, %gather3A : vector<16xf32>
          %add3A_684 = arith.addf %mul3A_5, %mul3A_683 : vector<16xf32>
          %mul3A_685 = arith.mulf %get3A_682, %gather3A_678 : vector<16xf32>
          %add3A_686 = arith.addf %mul3A_5, %mul3A_685 : vector<16xf32>
          %get3A_687 = arith.constant 1 : i32
          %get3A_688 = arith.index_cast %get3A_687 : i32 to index
          %get3A_689 = arith.index_cast %mul3A_668 : i32 to index
          %get3A_690 = tpu.vector_load %arg51[%get3A_688, %get3A_689] {strides = array<i32>} : memref<8x256xi32, #tpu.memory_space<vmem>>, vector<16xi32>,
          %gather3A_691 = tpu.vector_load_idx %arg41[%add3A_670, %get3A_690] : memref<256x16xf32, #tpu.memory_space<vmem>>[vector<16xi32>, vector<16xi32>], vector<16xf32>,
          %add3A_692 = arith.constant 1 : i32
          %add3A_693 = vector.broadcast %add3A_692 : i32 to vector<16xi32>
          %add3A_694 = arith.addi %get3A_690, %add3A_693 : vector<16xi32>
          %gather3A_695 = tpu.vector_load_idx %arg41[%add3A_670, %add3A_694] : memref<256x16xf32, #tpu.memory_space<vmem>>[vector<16xi32>, vector<16xi32>], vector<16xf32>,
          %get3A_696 = arith.constant 1 : i32
          %get3A_697 = arith.index_cast %get3A_696 : i32 to index
          %get3A_698 = arith.index_cast %mul3A_668 : i32 to index
          %get3A_699 = tpu.vector_load %arg49[%get3A_697, %get3A_698] {strides = array<i32>} : memref<8x256xf32, #tpu.memory_space<vmem>>, vector<16xf32>,
          %mul3A_700 = arith.mulf %get3A_699, %gather3A_691 : vector<16xf32>
          %add3A_701 = arith.addf %add3A_684, %mul3A_700 : vector<16xf32>
          %mul3A_702 = arith.mulf %get3A_699, %gather3A_695 : vector<16xf32>
          %add3A_703 = arith.addf %add3A_686, %mul3A_702 : vector<16xf32>
          %get3A_704 = arith.constant 2 : i32
          %get3A_705 = arith.index_cast %get3A_704 : i32 to index
          %get3A_706 = arith.index_cast %mul3A_668 : i32 to index
          %get3A_707 = tpu.vector_load %arg51[%get3A_705, %get3A_706] {strides = array<i32>} : memref<8x256xi32, #tpu.memory_space<vmem>>, vector<16xi32>,
          %gather3A_708 = tpu.vector_load_idx %arg42[%add3A_670, %get3A_707] : memref<256x16xf32, #tpu.memory_space<vmem>>[vector<16xi32>, vector<16xi32>], vector<16xf32>,
          %add3A_709 = arith.constant 1 : i32
          %add3A_710 = vector.broadcast %add3A_709 : i32 to vector<16xi32>
          %add3A_711 = arith.addi %get3A_707, %add3A_710 : vector<16xi32>
          %gather3A_712 = tpu.vector_load_idx %arg42[%add3A_670, %add3A_711] : memref<256x16xf32, #tpu.memory_space<vmem>>[vector<16xi32>, vector<16xi32>], vector<16xf32>,
          %get3A_713 = arith.constant 2 : i32
          %get3A_714 = arith.index_cast %get3A_713 : i32 to index
          %get3A_715 = arith.index_cast %mul3A_668 : i32 to index
          %get3A_716 = tpu.vector_load %arg49[%get3A_714, %get3A_715] {strides = array<i32>} : memref<8x256xf32, #tpu.memory_space<vmem>>, vector<16xf32>,
          %mul3A_717 = arith.mulf %get3A_716, %gather3A_708 : vector<16xf32>
          %add3A_718 = arith.addf %add3A_701, %mul3A_717 : vector<16xf32>
          %mul3A_719 = arith.mulf %get3A_716, %gather3A_712 : vector<16xf32>
          %add3A_720 = arith.addf %add3A_703, %mul3A_719 : vector<16xf32>
          %get3A_721 = arith.constant 3 : i32
          %get3A_722 = arith.index_cast %get3A_721 : i32 to index
          %get3A_723 = arith.index_cast %mul3A_668 : i32 to index
          %get3A_724 = tpu.vector_load %arg51[%get3A_722, %get3A_723] {strides = array<i32>} : memref<8x256xi32, #tpu.memory_space<vmem>>, vector<16xi32>,
          %gather3A_725 = tpu.vector_load_idx %arg43[%add3A_670, %get3A_724] : memref<256x16xf32, #tpu.memory_space<vmem>>[vector<16xi32>, vector<16xi32>], vector<16xf32>,
          %add3A_726 = arith.constant 1 : i32
          %add3A_727 = vector.broadcast %add3A_726 : i32 to vector<16xi32>
          %add3A_728 = arith.addi %get3A_724, %add3A_727 : vector<16xi32>
          %gather3A_729 = tpu.vector_load_idx %arg43[%add3A_670, %add3A_728] : memref<256x16xf32, #tpu.memory_space<vmem>>[vector<16xi32>, vector<16xi32>], vector<16xf32>,
          %get3A_730 = arith.constant 3 : i32
          %get3A_731 = arith.index_cast %get3A_730 : i32 to index
          %get3A_732 = arith.index_cast %mul3A_668 : i32 to index
          %get3A_733 = tpu.vector_load %arg49[%get3A_731, %get3A_732] {strides = array<i32>} : memref<8x256xf32, #tpu.memory_space<vmem>>, vector<16xf32>,
          %mul3A_734 = arith.mulf %get3A_733, %gather3A_725 : vector<16xf32>
          %add3A_735 = arith.addf %add3A_718, %mul3A_734 : vector<16xf32>
          %mul3A_736 = arith.mulf %get3A_733, %gather3A_729 : vector<16xf32>
          %add3A_737 = arith.addf %add3A_720, %mul3A_736 : vector<16xf32>
          %get3A_738 = arith.constant 4 : i32
          %get3A_739 = arith.index_cast %get3A_738 : i32 to index
          %get3A_740 = arith.index_cast %mul3A_668 : i32 to index
          %get3A_741 = tpu.vector_load %arg51[%get3A_739, %get3A_740] {strides = array<i32>} : memref<8x256xi32, #tpu.memory_space<vmem>>, vector<16xi32>,
          %gather3A_742 = tpu.vector_load_idx %arg44[%add3A_670, %get3A_741] : memref<256x16xf32, #tpu.memory_space<vmem>>[vector<16xi32>, vector<16xi32>], vector<16xf32>,
          %add3A_743 = arith.constant 1 : i32
          %add3A_744 = vector.broadcast %add3A_743 : i32 to vector<16xi32>
          %add3A_745 = arith.addi %get3A_741, %add3A_744 : vector<16xi32>
          %gather3A_746 = tpu.vector_load_idx %arg44[%add3A_670, %add3A_745] : memref<256x16xf32, #tpu.memory_space<vmem>>[vector<16xi32>, vector<16xi32>], vector<16xf32>,
          %get3A_747 = arith.constant 4 : i32
          %get3A_748 = arith.index_cast %get3A_747 : i32 to index
          %get3A_749 = arith.index_cast %mul3A_668 : i32 to index
          %get3A_750 = tpu.vector_load %arg49[%get3A_748, %get3A_749] {strides = array<i32>} : memref<8x256xf32, #tpu.memory_space<vmem>>, vector<16xf32>,
          %mul3A_751 = arith.mulf %get3A_750, %gather3A_742 : vector<16xf32>
          %add3A_752 = arith.addf %add3A_735, %mul3A_751 : vector<16xf32>
          %mul3A_753 = arith.mulf %get3A_750, %gather3A_746 : vector<16xf32>
          %add3A_754 = arith.addf %add3A_737, %mul3A_753 : vector<16xf32>
          %get3A_755 = arith.constant 5 : i32
          %get3A_756 = arith.index_cast %get3A_755 : i32 to index
          %get3A_757 = arith.index_cast %mul3A_668 : i32 to index
          %get3A_758 = tpu.vector_load %arg51[%get3A_756, %get3A_757] {strides = array<i32>} : memref<8x256xi32, #tpu.memory_space<vmem>>, vector<16xi32>,
          %gather3A_759 = tpu.vector_load_idx %arg45[%add3A_670, %get3A_758] : memref<256x16xf32, #tpu.memory_space<vmem>>[vector<16xi32>, vector<16xi32>], vector<16xf32>,
          %add3A_760 = arith.constant 1 : i32
          %add3A_761 = vector.broadcast %add3A_760 : i32 to vector<16xi32>
          %add3A_762 = arith.addi %get3A_758, %add3A_761 : vector<16xi32>
          %gather3A_763 = tpu.vector_load_idx %arg45[%add3A_670, %add3A_762] : memref<256x16xf32, #tpu.memory_space<vmem>>[vector<16xi32>, vector<16xi32>], vector<16xf32>,
          %get3A_764 = arith.constant 5 : i32
          %get3A_765 = arith.index_cast %get3A_764 : i32 to index
          %get3A_766 = arith.index_cast %mul3A_668 : i32 to index
          %get3A_767 = tpu.vector_load %arg49[%get3A_765, %get3A_766] {strides = array<i32>} : memref<8x256xf32, #tpu.memory_space<vmem>>, vector<16xf32>,
          %mul3A_768 = arith.mulf %get3A_767, %gather3A_759 : vector<16xf32>
          %add3A_769 = arith.addf %add3A_752, %mul3A_768 : vector<16xf32>
          %mul3A_770 = arith.mulf %get3A_767, %gather3A_763 : vector<16xf32>
          %add3A_771 = arith.addf %add3A_754, %mul3A_770 : vector<16xf32>
          %get3A_772 = arith.constant 6 : i32
          %get3A_773 = arith.index_cast %get3A_772 : i32 to index
          %get3A_774 = arith.index_cast %mul3A_668 : i32 to index
          %get3A_775 = tpu.vector_load %arg51[%get3A_773, %get3A_774] {strides = array<i32>} : memref<8x256xi32, #tpu.memory_space<vmem>>, vector<16xi32>,
          %gather3A_776 = tpu.vector_load_idx %arg46[%add3A_670, %get3A_775] : memref<256x16xf32, #tpu.memory_space<vmem>>[vector<16xi32>, vector<16xi32>], vector<16xf32>,
          %add3A_777 = arith.constant 1 : i32
          %add3A_778 = vector.broadcast %add3A_777 : i32 to vector<16xi32>
          %add3A_779 = arith.addi %get3A_775, %add3A_778 : vector<16xi32>
          %gather3A_780 = tpu.vector_load_idx %arg46[%add3A_670, %add3A_779] : memref<256x16xf32, #tpu.memory_space<vmem>>[vector<16xi32>, vector<16xi32>], vector<16xf32>,
          %get3A_781 = arith.constant 6 : i32
          %get3A_782 = arith.index_cast %get3A_781 : i32 to index
          %get3A_783 = arith.index_cast %mul3A_668 : i32 to index
          %get3A_784 = tpu.vector_load %arg49[%get3A_782, %get3A_783] {strides = array<i32>} : memref<8x256xf32, #tpu.memory_space<vmem>>, vector<16xf32>,
          %mul3A_785 = arith.mulf %get3A_784, %gather3A_776 : vector<16xf32>
          %add3A_786 = arith.addf %add3A_769, %mul3A_785 : vector<16xf32>
          %mul3A_787 = arith.mulf %get3A_784, %gather3A_780 : vector<16xf32>
          %add3A_788 = arith.addf %add3A_771, %mul3A_787 : vector<16xf32>
          %get3A_789 = arith.constant 7 : i32
          %get3A_790 = arith.index_cast %get3A_789 : i32 to index
          %get3A_791 = arith.index_cast %mul3A_668 : i32 to index
          %get3A_792 = tpu.vector_load %arg51[%get3A_790, %get3A_791] {strides = array<i32>} : memref<8x256xi32, #tpu.memory_space<vmem>>, vector<16xi32>,
          %gather3A_793 = tpu.vector_load_idx %arg47[%add3A_670, %get3A_792] : memref<256x16xf32, #tpu.memory_space<vmem>>[vector<16xi32>, vector<16xi32>], vector<16xf32>,
          %add3A_794 = arith.constant 1 : i32
          %add3A_795 = vector.broadcast %add3A_794 : i32 to vector<16xi32>
          %add3A_796 = arith.addi %get3A_792, %add3A_795 : vector<16xi32>
          %gather3A_797 = tpu.vector_load_idx %arg47[%add3A_670, %add3A_796] : memref<256x16xf32, #tpu.memory_space<vmem>>[vector<16xi32>, vector<16xi32>], vector<16xf32>,
          %get3A_798 = arith.constant 7 : i32
          %get3A_799 = arith.index_cast %get3A_798 : i32 to index
          %get3A_800 = arith.index_cast %mul3A_668 : i32 to index
          %get3A_801 = tpu.vector_load %arg49[%get3A_799, %get3A_800] {strides = array<i32>} : memref<8x256xf32, #tpu.memory_space<vmem>>, vector<16xf32>,
          %mul3A_802 = arith.mulf %get3A_801, %gather3A_793 : vector<16xf32>
          %add3A_803 = arith.addf %add3A_786, %mul3A_802 : vector<16xf32>
          %mul3A_804 = arith.mulf %get3A_801, %gather3A_797 : vector<16xf32>
          %add3A_805 = arith.addf %add3A_788, %mul3A_804 : vector<16xf32>
          %and3A_806 = arith.constant 127 : i32
          %and3A_807 = arith.andi %mul3A_668, %and3A_806 : i32
          %add3A_808 = arith.addi %add3A_617, %and3A_807 : i32
          %shift_right_logical3A_809 = arith.constant 7 : i32
          %shift_right_logical3A_810 = arith.shrui %mul3A_668, %shift_right_logical3A_809 : i32
          %mul3A_811 = arith.constant 1024 : i32
          %mul3A_812 = arith.muli %shift_right_logical3A_810, %mul3A_811 : i32
          %add3A_813 = arith.addi %add3A_808, %mul3A_812 : i32
          %swap3A = arith.index_cast %add3A_813 : i32 to index
          %swap3A_814 = tpu.vector_load %arg10[%swap3A] {strides = array<i32>} : memref<8192xf32, #tpu.memory_space<vmem>>, vector<16xf32>,
          tpu.vector_store %arg10[%swap3A], %add3A_803 {strides = array<i32>} : memref<8192xf32, #tpu.memory_space<vmem>>, vector<16xf32>,
          %add3A_815 = arith.constant 128 : i32
          %add3A_816 = arith.addi %add3A_813, %add3A_815 : i32
          %swap3A_817 = arith.index_cast %add3A_816 : i32 to index
          %swap3A_818 = tpu.vector_load %arg10[%swap3A_817] {strides = array<i32>} : memref<8192xf32, #tpu.memory_space<vmem>>, vector<16xf32>,
          tpu.vector_store %arg10[%swap3A_817], %add3A_805 {strides = array<i32>} : memref<8192xf32, #tpu.memory_space<vmem>>, vector<16xf32>,
          %scan3A_819 = arith.constant 0 : i32
          scf.yield %scan3A_819 : i32
        }
        %scan3A_624 = arith.constant 16 : i32
        %add3A_625 = arith.constant 3 : i32
        %add3A_626 = arith.addi %mul3A_499, %add3A_625 : i32
        %get3A_627 = arith.index_cast %add3A_626 : i32 to index
        %get3A_628 = arith.constant 0 : index
        %get3A_629 = tpu.vector_load %arg11[%get3A_627, %get3A_628] {strides = array<i32>} : memref<16x16xf32, #tpu.memory_space<vmem>>, vector<16xf32>,
        %get3A_630 = arith.index_cast %add3A_626 : i32 to index
        %get3A_631 = arith.constant 0 : index
        %get3A_632 = tpu.vector_load %arg12[%get3A_630, %get3A_631] {strides = array<i32>} : memref<16x16xi32, #tpu.memory_space<vmem>>, vector<16xi32>,
        %scan3A_633 = arith.constant 0 : i32
        %scan3A_634 = arith.constant 0 : i32
        %scan3A_635 = arith.constant 16 : i32
        %scan3A_636 = arith.addi %scan3A_634, %scan3A_635 : i32
        %scan3A_637 = arith.constant 1 : i32
        %scan3A_638 = scf.for %scan3A_665 = %scan3A_634 to %scan3A_636 step %scan3A_637 iter_args(%scan3A_666 = %scan3A_633) -> (i32)  : i32 {
          %mul3A_667 = arith.constant 16 : i32
          %mul3A_668 = arith.muli %scan3A_665, %mul3A_667 : i32
          %get3A_669 = arith.index_cast %mul3A_668 : i32 to index
          %get3A_670 = tpu.vector_load %arg7[%get3A_669] {strides = array<i32>} : memref<256xf32, #tpu.memory_space<vmem>>, vector<16xf32>,
          %mul3A_671 = arith.mulf %get3A_670, %get3A_629 : vector<16xf32>
          %get3A_672 = arith.index_cast %mul3A_668 : i32 to index
          %get3A_673 = tpu.vector_load %arg8[%get3A_672] {strides = array<i32>} : memref<256xf32, #tpu.memory_space<vmem>>, vector<16xf32>,
          %mul3A_674 = arith.mulf %get3A_673, %get3A_629 : vector<16xf32>
          %get3A_675 = arith.index_cast %mul3A_668 : i32 to index
          %get3A_676 = tpu.vector_load %arg9[%get3A_675] {strides = array<i32>} : memref<256xf32, #tpu.memory_space<vmem>>, vector<16xf32>,
          %mul3A_677 = arith.mulf %get3A_676, %get3A_629 : vector<16xf32>
          %convert_element_type3A_678 = arith.fptosi %mul3A_671 : vector<16xf32> to vector<16xi32>
          %convert_element_type3A_679 = arith.fptosi %mul3A_674 : vector<16xf32> to vector<16xi32>
          %convert_element_type3A_680 = arith.fptosi %mul3A_677 : vector<16xf32> to vector<16xi32>
          %convert_element_type3A_681 = arith.sitofp %convert_element_type3A_678 : vector<16xi32> to vector<16xf32>
          %sub3A = arith.subf %mul3A_671, %convert_element_type3A_681 : vector<16xf32>
          %convert_element_type3A_682 = arith.sitofp %convert_element_type3A_679 : vector<16xi32> to vector<16xf32>
          %sub3A_683 = arith.subf %mul3A_674, %convert_element_type3A_682 : vector<16xf32>
          %convert_element_type3A_684 = arith.sitofp %convert_element_type3A_680 : vector<16xi32> to vector<16xf32>
          %sub3A_685 = arith.subf %mul3A_677, %convert_element_type3A_684 : vector<16xf32>
          %mul3A_686 = arith.constant -1640531535 : i32
          %mul3A_687 = vector.broadcast %mul3A_686 : i32 to vector<16xi32>
          %mul3A_688 = arith.muli %convert_element_type3A_679, %mul3A_687 : vector<16xi32>
          %mul3A_689 = arith.constant 805459861 : i32
          %mul3A_690 = vector.broadcast %mul3A_689 : i32 to vector<16xi32>
          %mul3A_691 = arith.muli %convert_element_type3A_680, %mul3A_690 : vector<16xi32>
          %sub3A_692 = arith.subf %add3A_8, %sub3A : vector<16xf32>
          %sub3A_693 = arith.subf %add3A_8, %sub3A_683 : vector<16xf32>
          %sub3A_694 = arith.subf %add3A_8, %sub3A_685 : vector<16xf32>
          %add3A_695 = arith.constant 1 : i32
          %add3A_696 = vector.broadcast %add3A_695 : i32 to vector<16xi32>
          %add3A_697 = arith.addi %convert_element_type3A_678, %add3A_696 : vector<16xi32>
          %add3A_698 = arith.constant -1640531535 : i32
          %add3A_699 = vector.broadcast %add3A_698 : i32 to vector<16xi32>
          %add3A_700 = arith.addi %mul3A_688, %add3A_699 : vector<16xi32>
          %add3A_701 = arith.constant 805459861 : i32
          %add3A_702 = vector.broadcast %add3A_701 : i32 to vector<16xi32>
          %add3A_703 = arith.addi %mul3A_691, %add3A_702 : vector<16xi32>
          %xor3A = arith.xori %convert_element_type3A_678, %mul3A_688 : vector<16xi32>
          %xor3A_704 = arith.xori %xor3A, %mul3A_691 : vector<16xi32>
          %and3A_705 = arith.constant 524287 : i32
          %and3A_706 = vector.broadcast %and3A_705 : i32 to vector<16xi32>
          %and3A_707 = arith.andi %xor3A_704, %and3A_706 : vector<16xi32>
          %add3A_708 = arith.addi %and3A_707, %get3A_632 : vector<16xi32>
          %shift_right_logical3A_709 = arith.constant 3 : i32
          %shift_right_logical3A_710 = vector.broadcast %shift_right_logical3A_709 : i32 to vector<16xi32>
          %shift_right_logical3A_711 = arith.shrui %add3A_708, %shift_right_logical3A_710 : vector<16xi32>
          %swap3A = arith.index_cast %mul3A_668 : i32 to index
          %swap3A_712 = tpu.vector_load %arg24[%swap3A] {strides = array<i32>} : memref<256xi32, #tpu.memory_space<vmem>>, vector<16xi32>,
          tpu.vector_store %arg24[%swap3A], %shift_right_logical3A_711 {strides = array<i32>} : memref<256xi32, #tpu.memory_space<vmem>>, vector<16xi32>,
          %and3A_713 = arith.constant 7 : i32
          %and3A_714 = vector.broadcast %and3A_713 : i32 to vector<16xi32>
          %and3A_715 = arith.andi %add3A_708, %and3A_714 : vector<16xi32>
          %shift_left3A = arith.constant 1 : i32
          %shift_left3A_716 = vector.broadcast %shift_left3A : i32 to vector<16xi32>
          %shift_left3A_717 = arith.shli %and3A_715, %shift_left3A_716 : vector<16xi32>
          %swap3A_718 = arith.constant 0 : i32
          %swap3A_719 = arith.index_cast %swap3A_718 : i32 to index
          %swap3A_720 = arith.index_cast %mul3A_668 : i32 to index
          %swap3A_721 = tpu.vector_load %arg51[%swap3A_719, %swap3A_720] {strides = array<i32>} : memref<8x256xi32, #tpu.memory_space<vmem>>, vector<16xi32>,
          tpu.vector_store %arg51[%swap3A_719, %swap3A_720], %shift_left3A_717 {strides = array<i32>} : memref<8x256xi32, #tpu.memory_space<vmem>>, vector<16xi32>,
          %mul3A_722 = arith.mulf %sub3A_692, %sub3A_693 : vector<16xf32>
          %mul3A_723 = arith.mulf %mul3A_722, %sub3A_694 : vector<16xf32>
          %swap3A_724 = arith.constant 0 : i32
          %swap3A_725 = arith.index_cast %swap3A_724 : i32 to index
          %swap3A_726 = arith.index_cast %mul3A_668 : i32 to index
          %swap3A_727 = tpu.vector_load %arg49[%swap3A_725, %swap3A_726] {strides = array<i32>} : memref<8x256xf32, #tpu.memory_space<vmem>>, vector<16xf32>,
          tpu.vector_store %arg49[%swap3A_725, %swap3A_726], %mul3A_723 {strides = array<i32>} : memref<8x256xf32, #tpu.memory_space<vmem>>, vector<16xf32>,
          %xor3A_728 = arith.xori %convert_element_type3A_678, %mul3A_688 : vector<16xi32>
          %xor3A_729 = arith.xori %xor3A_728, %add3A_703 : vector<16xi32>
          %and3A_730 = arith.constant 524287 : i32
          %and3A_731 = vector.broadcast %and3A_730 : i32 to vector<16xi32>
          %and3A_732 = arith.andi %xor3A_729, %and3A_731 : vector<16xi32>
          %add3A_733 = arith.addi %and3A_732, %get3A_632 : vector<16xi32>
          %shift_right_logical3A_734 = arith.constant 3 : i32
          %shift_right_logical3A_735 = vector.broadcast %shift_right_logical3A_734 : i32 to vector<16xi32>
          %shift_right_logical3A_736 = arith.shrui %add3A_733, %shift_right_logical3A_735 : vector<16xi32>
          %swap3A_737 = arith.index_cast %mul3A_668 : i32 to index
          %swap3A_738 = tpu.vector_load %arg25[%swap3A_737] {strides = array<i32>} : memref<256xi32, #tpu.memory_space<vmem>>, vector<16xi32>,
          tpu.vector_store %arg25[%swap3A_737], %shift_right_logical3A_736 {strides = array<i32>} : memref<256xi32, #tpu.memory_space<vmem>>, vector<16xi32>,
          %and3A_739 = arith.constant 7 : i32
          %and3A_740 = vector.broadcast %and3A_739 : i32 to vector<16xi32>
          %and3A_741 = arith.andi %add3A_733, %and3A_740 : vector<16xi32>
          %shift_left3A_742 = arith.constant 1 : i32
          %shift_left3A_743 = vector.broadcast %shift_left3A_742 : i32 to vector<16xi32>
          %shift_left3A_744 = arith.shli %and3A_741, %shift_left3A_743 : vector<16xi32>
          %swap3A_745 = arith.constant 1 : i32
          %swap3A_746 = arith.index_cast %swap3A_745 : i32 to index
          %swap3A_747 = arith.index_cast %mul3A_668 : i32 to index
          %swap3A_748 = tpu.vector_load %arg51[%swap3A_746, %swap3A_747] {strides = array<i32>} : memref<8x256xi32, #tpu.memory_space<vmem>>, vector<16xi32>,
          tpu.vector_store %arg51[%swap3A_746, %swap3A_747], %shift_left3A_744 {strides = array<i32>} : memref<8x256xi32, #tpu.memory_space<vmem>>, vector<16xi32>,
          %mul3A_749 = arith.mulf %sub3A_692, %sub3A_693 : vector<16xf32>
          %mul3A_750 = arith.mulf %mul3A_749, %sub3A_685 : vector<16xf32>
          %swap3A_751 = arith.constant 1 : i32
          %swap3A_752 = arith.index_cast %swap3A_751 : i32 to index
          %swap3A_753 = arith.index_cast %mul3A_668 : i32 to index
          %swap3A_754 = tpu.vector_load %arg49[%swap3A_752, %swap3A_753] {strides = array<i32>} : memref<8x256xf32, #tpu.memory_space<vmem>>, vector<16xf32>,
          tpu.vector_store %arg49[%swap3A_752, %swap3A_753], %mul3A_750 {strides = array<i32>} : memref<8x256xf32, #tpu.memory_space<vmem>>, vector<16xf32>,
          %xor3A_755 = arith.xori %convert_element_type3A_678, %add3A_700 : vector<16xi32>
          %xor3A_756 = arith.xori %xor3A_755, %mul3A_691 : vector<16xi32>
          %and3A_757 = arith.constant 524287 : i32
          %and3A_758 = vector.broadcast %and3A_757 : i32 to vector<16xi32>
          %and3A_759 = arith.andi %xor3A_756, %and3A_758 : vector<16xi32>
          %add3A_760 = arith.addi %and3A_759, %get3A_632 : vector<16xi32>
          %shift_right_logical3A_761 = arith.constant 3 : i32
          %shift_right_logical3A_762 = vector.broadcast %shift_right_logical3A_761 : i32 to vector<16xi32>
          %shift_right_logical3A_763 = arith.shrui %add3A_760, %shift_right_logical3A_762 : vector<16xi32>
          %swap3A_764 = arith.index_cast %mul3A_668 : i32 to index
          %swap3A_765 = tpu.vector_load %arg26[%swap3A_764] {strides = array<i32>} : memref<256xi32, #tpu.memory_space<vmem>>, vector<16xi32>,
          tpu.vector_store %arg26[%swap3A_764], %shift_right_logical3A_763 {strides = array<i32>} : memref<256xi32, #tpu.memory_space<vmem>>, vector<16xi32>,
          %and3A_766 = arith.constant 7 : i32
          %and3A_767 = vector.broadcast %and3A_766 : i32 to vector<16xi32>
          %and3A_768 = arith.andi %add3A_760, %and3A_767 : vector<16xi32>
          %shift_left3A_769 = arith.constant 1 : i32
          %shift_left3A_770 = vector.broadcast %shift_left3A_769 : i32 to vector<16xi32>
          %shift_left3A_771 = arith.shli %and3A_768, %shift_left3A_770 : vector<16xi32>
          %swap3A_772 = arith.constant 2 : i32
          %swap3A_773 = arith.index_cast %swap3A_772 : i32 to index
          %swap3A_774 = arith.index_cast %mul3A_668 : i32 to index
          %swap3A_775 = tpu.vector_load %arg51[%swap3A_773, %swap3A_774] {strides = array<i32>} : memref<8x256xi32, #tpu.memory_space<vmem>>, vector<16xi32>,
          tpu.vector_store %arg51[%swap3A_773, %swap3A_774], %shift_left3A_771 {strides = array<i32>} : memref<8x256xi32, #tpu.memory_space<vmem>>, vector<16xi32>,
          %mul3A_776 = arith.mulf %sub3A_692, %sub3A_683 : vector<16xf32>
          %mul3A_777 = arith.mulf %mul3A_776, %sub3A_694 : vector<16xf32>
          %swap3A_778 = arith.constant 2 : i32
          %swap3A_779 = arith.index_cast %swap3A_778 : i32 to index
          %swap3A_780 = arith.index_cast %mul3A_668 : i32 to index
          %swap3A_781 = tpu.vector_load %arg49[%swap3A_779, %swap3A_780] {strides = array<i32>} : memref<8x256xf32, #tpu.memory_space<vmem>>, vector<16xf32>,
          tpu.vector_store %arg49[%swap3A_779, %swap3A_780], %mul3A_777 {strides = array<i32>} : memref<8x256xf32, #tpu.memory_space<vmem>>, vector<16xf32>,
          %xor3A_782 = arith.xori %convert_element_type3A_678, %add3A_700 : vector<16xi32>
          %xor3A_783 = arith.xori %xor3A_782, %add3A_703 : vector<16xi32>
          %and3A_784 = arith.constant 524287 : i32
          %and3A_785 = vector.broadcast %and3A_784 : i32 to vector<16xi32>
          %and3A_786 = arith.andi %xor3A_783, %and3A_785 : vector<16xi32>
          %add3A_787 = arith.addi %and3A_786, %get3A_632 : vector<16xi32>
          %shift_right_logical3A_788 = arith.constant 3 : i32
          %shift_right_logical3A_789 = vector.broadcast %shift_right_logical3A_788 : i32 to vector<16xi32>
          %shift_right_logical3A_790 = arith.shrui %add3A_787, %shift_right_logical3A_789 : vector<16xi32>
          %swap3A_791 = arith.index_cast %mul3A_668 : i32 to index
          %swap3A_792 = tpu.vector_load %arg27[%swap3A_791] {strides = array<i32>} : memref<256xi32, #tpu.memory_space<vmem>>, vector<16xi32>,
          tpu.vector_store %arg27[%swap3A_791], %shift_right_logical3A_790 {strides = array<i32>} : memref<256xi32, #tpu.memory_space<vmem>>, vector<16xi32>,
          %and3A_793 = arith.constant 7 : i32
          %and3A_794 = vector.broadcast %and3A_793 : i32 to vector<16xi32>
          %and3A_795 = arith.andi %add3A_787, %and3A_794 : vector<16xi32>
          %shift_left3A_796 = arith.constant 1 : i32
          %shift_left3A_797 = vector.broadcast %shift_left3A_796 : i32 to vector<16xi32>
          %shift_left3A_798 = arith.shli %and3A_795, %shift_left3A_797 : vector<16xi32>
          %swap3A_799 = arith.constant 3 : i32
          %swap3A_800 = arith.index_cast %swap3A_799 : i32 to index
          %swap3A_801 = arith.index_cast %mul3A_668 : i32 to index
          %swap3A_802 = tpu.vector_load %arg51[%swap3A_800, %swap3A_801] {strides = array<i32>} : memref<8x256xi32, #tpu.memory_space<vmem>>, vector<16xi32>,
          tpu.vector_store %arg51[%swap3A_800, %swap3A_801], %shift_left3A_798 {strides = array<i32>} : memref<8x256xi32, #tpu.memory_space<vmem>>, vector<16xi32>,
          %mul3A_803 = arith.mulf %sub3A_692, %sub3A_683 : vector<16xf32>
          %mul3A_804 = arith.mulf %mul3A_803, %sub3A_685 : vector<16xf32>
          %swap3A_805 = arith.constant 3 : i32
          %swap3A_806 = arith.index_cast %swap3A_805 : i32 to index
          %swap3A_807 = arith.index_cast %mul3A_668 : i32 to index
          %swap3A_808 = tpu.vector_load %arg49[%swap3A_806, %swap3A_807] {strides = array<i32>} : memref<8x256xf32, #tpu.memory_space<vmem>>, vector<16xf32>,
          tpu.vector_store %arg49[%swap3A_806, %swap3A_807], %mul3A_804 {strides = array<i32>} : memref<8x256xf32, #tpu.memory_space<vmem>>, vector<16xf32>,
          %xor3A_809 = arith.xori %add3A_697, %mul3A_688 : vector<16xi32>
          %xor3A_810 = arith.xori %xor3A_809, %mul3A_691 : vector<16xi32>
          %and3A_811 = arith.constant 524287 : i32
          %and3A_812 = vector.broadcast %and3A_811 : i32 to vector<16xi32>
          %and3A_813 = arith.andi %xor3A_810, %and3A_812 : vector<16xi32>
          %add3A_814 = arith.addi %and3A_813, %get3A_632 : vector<16xi32>
          %shift_right_logical3A_815 = arith.constant 3 : i32
          %shift_right_logical3A_816 = vector.broadcast %shift_right_logical3A_815 : i32 to vector<16xi32>
          %shift_right_logical3A_817 = arith.shrui %add3A_814, %shift_right_logical3A_816 : vector<16xi32>
          %swap3A_818 = arith.index_cast %mul3A_668 : i32 to index
          %swap3A_819 = tpu.vector_load %arg28[%swap3A_818] {strides = array<i32>} : memref<256xi32, #tpu.memory_space<vmem>>, vector<16xi32>,
          tpu.vector_store %arg28[%swap3A_818], %shift_right_logical3A_817 {strides = array<i32>} : memref<256xi32, #tpu.memory_space<vmem>>, vector<16xi32>,
          %and3A_820 = arith.constant 7 : i32
          %and3A_821 = vector.broadcast %and3A_820 : i32 to vector<16xi32>
          %and3A_822 = arith.andi %add3A_814, %and3A_821 : vector<16xi32>
          %shift_left3A_823 = arith.constant 1 : i32
          %shift_left3A_824 = vector.broadcast %shift_left3A_823 : i32 to vector<16xi32>
          %shift_left3A_825 = arith.shli %and3A_822, %shift_left3A_824 : vector<16xi32>
          %swap3A_826 = arith.constant 4 : i32
          %swap3A_827 = arith.index_cast %swap3A_826 : i32 to index
          %swap3A_828 = arith.index_cast %mul3A_668 : i32 to index
          %swap3A_829 = tpu.vector_load %arg51[%swap3A_827, %swap3A_828] {strides = array<i32>} : memref<8x256xi32, #tpu.memory_space<vmem>>, vector<16xi32>,
          tpu.vector_store %arg51[%swap3A_827, %swap3A_828], %shift_left3A_825 {strides = array<i32>} : memref<8x256xi32, #tpu.memory_space<vmem>>, vector<16xi32>,
          %mul3A_830 = arith.mulf %sub3A, %sub3A_693 : vector<16xf32>
          %mul3A_831 = arith.mulf %mul3A_830, %sub3A_694 : vector<16xf32>
          %swap3A_832 = arith.constant 4 : i32
          %swap3A_833 = arith.index_cast %swap3A_832 : i32 to index
          %swap3A_834 = arith.index_cast %mul3A_668 : i32 to index
          %swap3A_835 = tpu.vector_load %arg49[%swap3A_833, %swap3A_834] {strides = array<i32>} : memref<8x256xf32, #tpu.memory_space<vmem>>, vector<16xf32>,
          tpu.vector_store %arg49[%swap3A_833, %swap3A_834], %mul3A_831 {strides = array<i32>} : memref<8x256xf32, #tpu.memory_space<vmem>>, vector<16xf32>,
          %xor3A_836 = arith.xori %add3A_697, %mul3A_688 : vector<16xi32>
          %xor3A_837 = arith.xori %xor3A_836, %add3A_703 : vector<16xi32>
          %and3A_838 = arith.constant 524287 : i32
          %and3A_839 = vector.broadcast %and3A_838 : i32 to vector<16xi32>
          %and3A_840 = arith.andi %xor3A_837, %and3A_839 : vector<16xi32>
          %add3A_841 = arith.addi %and3A_840, %get3A_632 : vector<16xi32>
          %shift_right_logical3A_842 = arith.constant 3 : i32
          %shift_right_logical3A_843 = vector.broadcast %shift_right_logical3A_842 : i32 to vector<16xi32>
          %shift_right_logical3A_844 = arith.shrui %add3A_841, %shift_right_logical3A_843 : vector<16xi32>
          %swap3A_845 = arith.index_cast %mul3A_668 : i32 to index
          %swap3A_846 = tpu.vector_load %arg29[%swap3A_845] {strides = array<i32>} : memref<256xi32, #tpu.memory_space<vmem>>, vector<16xi32>,
          tpu.vector_store %arg29[%swap3A_845], %shift_right_logical3A_844 {strides = array<i32>} : memref<256xi32, #tpu.memory_space<vmem>>, vector<16xi32>,
          %and3A_847 = arith.constant 7 : i32
          %and3A_848 = vector.broadcast %and3A_847 : i32 to vector<16xi32>
          %and3A_849 = arith.andi %add3A_841, %and3A_848 : vector<16xi32>
          %shift_left3A_850 = arith.constant 1 : i32
          %shift_left3A_851 = vector.broadcast %shift_left3A_850 : i32 to vector<16xi32>
          %shift_left3A_852 = arith.shli %and3A_849, %shift_left3A_851 : vector<16xi32>
          %swap3A_853 = arith.constant 5 : i32
          %swap3A_854 = arith.index_cast %swap3A_853 : i32 to index
          %swap3A_855 = arith.index_cast %mul3A_668 : i32 to index
          %swap3A_856 = tpu.vector_load %arg51[%swap3A_854, %swap3A_855] {strides = array<i32>} : memref<8x256xi32, #tpu.memory_space<vmem>>, vector<16xi32>,
          tpu.vector_store %arg51[%swap3A_854, %swap3A_855], %shift_left3A_852 {strides = array<i32>} : memref<8x256xi32, #tpu.memory_space<vmem>>, vector<16xi32>,
          %mul3A_857 = arith.mulf %sub3A, %sub3A_693 : vector<16xf32>
          %mul3A_858 = arith.mulf %mul3A_857, %sub3A_685 : vector<16xf32>
          %swap3A_859 = arith.constant 5 : i32
          %swap3A_860 = arith.index_cast %swap3A_859 : i32 to index
          %swap3A_861 = arith.index_cast %mul3A_668 : i32 to index
          %swap3A_862 = tpu.vector_load %arg49[%swap3A_860, %swap3A_861] {strides = array<i32>} : memref<8x256xf32, #tpu.memory_space<vmem>>, vector<16xf32>,
          tpu.vector_store %arg49[%swap3A_860, %swap3A_861], %mul3A_858 {strides = array<i32>} : memref<8x256xf32, #tpu.memory_space<vmem>>, vector<16xf32>,
          %xor3A_863 = arith.xori %add3A_697, %add3A_700 : vector<16xi32>
          %xor3A_864 = arith.xori %xor3A_863, %mul3A_691 : vector<16xi32>
          %and3A_865 = arith.constant 524287 : i32
          %and3A_866 = vector.broadcast %and3A_865 : i32 to vector<16xi32>
          %and3A_867 = arith.andi %xor3A_864, %and3A_866 : vector<16xi32>
          %add3A_868 = arith.addi %and3A_867, %get3A_632 : vector<16xi32>
          %shift_right_logical3A_869 = arith.constant 3 : i32
          %shift_right_logical3A_870 = vector.broadcast %shift_right_logical3A_869 : i32 to vector<16xi32>
          %shift_right_logical3A_871 = arith.shrui %add3A_868, %shift_right_logical3A_870 : vector<16xi32>
          %swap3A_872 = arith.index_cast %mul3A_668 : i32 to index
          %swap3A_873 = tpu.vector_load %arg30[%swap3A_872] {strides = array<i32>} : memref<256xi32, #tpu.memory_space<vmem>>, vector<16xi32>,
          tpu.vector_store %arg30[%swap3A_872], %shift_right_logical3A_871 {strides = array<i32>} : memref<256xi32, #tpu.memory_space<vmem>>, vector<16xi32>,
          %and3A_874 = arith.constant 7 : i32
          %and3A_875 = vector.broadcast %and3A_874 : i32 to vector<16xi32>
          %and3A_876 = arith.andi %add3A_868, %and3A_875 : vector<16xi32>
          %shift_left3A_877 = arith.constant 1 : i32
          %shift_left3A_878 = vector.broadcast %shift_left3A_877 : i32 to vector<16xi32>
          %shift_left3A_879 = arith.shli %and3A_876, %shift_left3A_878 : vector<16xi32>
          %swap3A_880 = arith.constant 6 : i32
          %swap3A_881 = arith.index_cast %swap3A_880 : i32 to index
          %swap3A_882 = arith.index_cast %mul3A_668 : i32 to index
          %swap3A_883 = tpu.vector_load %arg51[%swap3A_881, %swap3A_882] {strides = array<i32>} : memref<8x256xi32, #tpu.memory_space<vmem>>, vector<16xi32>,
          tpu.vector_store %arg51[%swap3A_881, %swap3A_882], %shift_left3A_879 {strides = array<i32>} : memref<8x256xi32, #tpu.memory_space<vmem>>, vector<16xi32>,
          %mul3A_884 = arith.mulf %sub3A, %sub3A_683 : vector<16xf32>
          %mul3A_885 = arith.mulf %mul3A_884, %sub3A_694 : vector<16xf32>
          %swap3A_886 = arith.constant 6 : i32
          %swap3A_887 = arith.index_cast %swap3A_886 : i32 to index
          %swap3A_888 = arith.index_cast %mul3A_668 : i32 to index
          %swap3A_889 = tpu.vector_load %arg49[%swap3A_887, %swap3A_888] {strides = array<i32>} : memref<8x256xf32, #tpu.memory_space<vmem>>, vector<16xf32>,
          tpu.vector_store %arg49[%swap3A_887, %swap3A_888], %mul3A_885 {strides = array<i32>} : memref<8x256xf32, #tpu.memory_space<vmem>>, vector<16xf32>,
          %xor3A_890 = arith.xori %add3A_697, %add3A_700 : vector<16xi32>
          %xor3A_891 = arith.xori %xor3A_890, %add3A_703 : vector<16xi32>
          %and3A_892 = arith.constant 524287 : i32
          %and3A_893 = vector.broadcast %and3A_892 : i32 to vector<16xi32>
          %and3A_894 = arith.andi %xor3A_891, %and3A_893 : vector<16xi32>
          %add3A_895 = arith.addi %and3A_894, %get3A_632 : vector<16xi32>
          %shift_right_logical3A_896 = arith.constant 3 : i32
          %shift_right_logical3A_897 = vector.broadcast %shift_right_logical3A_896 : i32 to vector<16xi32>
          %shift_right_logical3A_898 = arith.shrui %add3A_895, %shift_right_logical3A_897 : vector<16xi32>
          %swap3A_899 = arith.index_cast %mul3A_668 : i32 to index
          %swap3A_900 = tpu.vector_load %arg31[%swap3A_899] {strides = array<i32>} : memref<256xi32, #tpu.memory_space<vmem>>, vector<16xi32>,
          tpu.vector_store %arg31[%swap3A_899], %shift_right_logical3A_898 {strides = array<i32>} : memref<256xi32, #tpu.memory_space<vmem>>, vector<16xi32>,
          %and3A_901 = arith.constant 7 : i32
          %and3A_902 = vector.broadcast %and3A_901 : i32 to vector<16xi32>
          %and3A_903 = arith.andi %add3A_895, %and3A_902 : vector<16xi32>
          %shift_left3A_904 = arith.constant 1 : i32
          %shift_left3A_905 = vector.broadcast %shift_left3A_904 : i32 to vector<16xi32>
          %shift_left3A_906 = arith.shli %and3A_903, %shift_left3A_905 : vector<16xi32>
          %swap3A_907 = arith.constant 7 : i32
          %swap3A_908 = arith.index_cast %swap3A_907 : i32 to index
          %swap3A_909 = arith.index_cast %mul3A_668 : i32 to index
          %swap3A_910 = tpu.vector_load %arg51[%swap3A_908, %swap3A_909] {strides = array<i32>} : memref<8x256xi32, #tpu.memory_space<vmem>>, vector<16xi32>,
          tpu.vector_store %arg51[%swap3A_908, %swap3A_909], %shift_left3A_906 {strides = array<i32>} : memref<8x256xi32, #tpu.memory_space<vmem>>, vector<16xi32>,
          %mul3A_911 = arith.mulf %sub3A, %sub3A_683 : vector<16xf32>
          %mul3A_912 = arith.mulf %mul3A_911, %sub3A_685 : vector<16xf32>
          %swap3A_913 = arith.constant 7 : i32
          %swap3A_914 = arith.index_cast %swap3A_913 : i32 to index
          %swap3A_915 = arith.index_cast %mul3A_668 : i32 to index
          %swap3A_916 = tpu.vector_load %arg49[%swap3A_914, %swap3A_915] {strides = array<i32>} : memref<8x256xf32, #tpu.memory_space<vmem>>, vector<16xf32>,
          tpu.vector_store %arg49[%swap3A_914, %swap3A_915], %mul3A_912 {strides = array<i32>} : memref<8x256xf32, #tpu.memory_space<vmem>>, vector<16xf32>,
          %scan3A_917 = arith.constant 0 : i32
          scf.yield %scan3A_917 : i32
        }
        %scan3A_639 = arith.constant 16 : i32
        %dma_start3A_640 = arith.constant 0 : i32
        %dma_start3A_641 = arith.constant 0 : i32
        %dma_start3A_642 = tpu.memref_slice %arg3[%dma_start3A_640, %dma_start3A_641] : memref<1048576x16xf32, #tpu.memory_space<hbm>> -> memref<1048576x16xf32, #tpu.memory_space<hbm>>
        tpu.enqueue_indirect_dma source(%dma_start3A_642 : memref<1048576x16xf32, #tpu.memory_space<hbm>>) target(%arg40 : memref<256x16xf32, #tpu.memory_space<vmem>>) offsets(%arg24 : memref<256xi32, #tpu.memory_space<vmem>>) semaphore(%arg14 : memref<!tpu.dma_semaphore, #tpu.memory_space<semaphore_mem>>)
        %dma_start3A_643 = arith.constant 0 : i32
        %dma_start3A_644 = arith.constant 0 : i32
        %dma_start3A_645 = tpu.memref_slice %arg3[%dma_start3A_643, %dma_start3A_644] : memref<1048576x16xf32, #tpu.memory_space<hbm>> -> memref<1048576x16xf32, #tpu.memory_space<hbm>>
        tpu.enqueue_indirect_dma source(%dma_start3A_645 : memref<1048576x16xf32, #tpu.memory_space<hbm>>) target(%arg41 : memref<256x16xf32, #tpu.memory_space<vmem>>) offsets(%arg25 : memref<256xi32, #tpu.memory_space<vmem>>) semaphore(%arg14 : memref<!tpu.dma_semaphore, #tpu.memory_space<semaphore_mem>>)
        %dma_start3A_646 = arith.constant 0 : i32
        %dma_start3A_647 = arith.constant 0 : i32
        %dma_start3A_648 = tpu.memref_slice %arg3[%dma_start3A_646, %dma_start3A_647] : memref<1048576x16xf32, #tpu.memory_space<hbm>> -> memref<1048576x16xf32, #tpu.memory_space<hbm>>
        tpu.enqueue_indirect_dma source(%dma_start3A_648 : memref<1048576x16xf32, #tpu.memory_space<hbm>>) target(%arg42 : memref<256x16xf32, #tpu.memory_space<vmem>>) offsets(%arg26 : memref<256xi32, #tpu.memory_space<vmem>>) semaphore(%arg14 : memref<!tpu.dma_semaphore, #tpu.memory_space<semaphore_mem>>)
        %dma_start3A_649 = arith.constant 0 : i32
        %dma_start3A_650 = arith.constant 0 : i32
        %dma_start3A_651 = tpu.memref_slice %arg3[%dma_start3A_649, %dma_start3A_650] : memref<1048576x16xf32, #tpu.memory_space<hbm>> -> memref<1048576x16xf32, #tpu.memory_space<hbm>>
        tpu.enqueue_indirect_dma source(%dma_start3A_651 : memref<1048576x16xf32, #tpu.memory_space<hbm>>) target(%arg43 : memref<256x16xf32, #tpu.memory_space<vmem>>) offsets(%arg27 : memref<256xi32, #tpu.memory_space<vmem>>) semaphore(%arg14 : memref<!tpu.dma_semaphore, #tpu.memory_space<semaphore_mem>>)
        %dma_start3A_652 = arith.constant 0 : i32
        %dma_start3A_653 = arith.constant 0 : i32
        %dma_start3A_654 = tpu.memref_slice %arg3[%dma_start3A_652, %dma_start3A_653] : memref<1048576x16xf32, #tpu.memory_space<hbm>> -> memref<1048576x16xf32, #tpu.memory_space<hbm>>
        tpu.enqueue_indirect_dma source(%dma_start3A_654 : memref<1048576x16xf32, #tpu.memory_space<hbm>>) target(%arg44 : memref<256x16xf32, #tpu.memory_space<vmem>>) offsets(%arg28 : memref<256xi32, #tpu.memory_space<vmem>>) semaphore(%arg14 : memref<!tpu.dma_semaphore, #tpu.memory_space<semaphore_mem>>)
        %dma_start3A_655 = arith.constant 0 : i32
        %dma_start3A_656 = arith.constant 0 : i32
        %dma_start3A_657 = tpu.memref_slice %arg3[%dma_start3A_655, %dma_start3A_656] : memref<1048576x16xf32, #tpu.memory_space<hbm>> -> memref<1048576x16xf32, #tpu.memory_space<hbm>>
        tpu.enqueue_indirect_dma source(%dma_start3A_657 : memref<1048576x16xf32, #tpu.memory_space<hbm>>) target(%arg45 : memref<256x16xf32, #tpu.memory_space<vmem>>) offsets(%arg29 : memref<256xi32, #tpu.memory_space<vmem>>) semaphore(%arg14 : memref<!tpu.dma_semaphore, #tpu.memory_space<semaphore_mem>>)
        %dma_start3A_658 = arith.constant 0 : i32
        %dma_start3A_659 = arith.constant 0 : i32
        %dma_start3A_660 = tpu.memref_slice %arg3[%dma_start3A_658, %dma_start3A_659] : memref<1048576x16xf32, #tpu.memory_space<hbm>> -> memref<1048576x16xf32, #tpu.memory_space<hbm>>
        tpu.enqueue_indirect_dma source(%dma_start3A_660 : memref<1048576x16xf32, #tpu.memory_space<hbm>>) target(%arg46 : memref<256x16xf32, #tpu.memory_space<vmem>>) offsets(%arg30 : memref<256xi32, #tpu.memory_space<vmem>>) semaphore(%arg14 : memref<!tpu.dma_semaphore, #tpu.memory_space<semaphore_mem>>)
        %dma_start3A_661 = arith.constant 0 : i32
        %dma_start3A_662 = arith.constant 0 : i32
        %dma_start3A_663 = tpu.memref_slice %arg3[%dma_start3A_661, %dma_start3A_662] : memref<1048576x16xf32, #tpu.memory_space<hbm>> -> memref<1048576x16xf32, #tpu.memory_space<hbm>>
        tpu.enqueue_indirect_dma source(%dma_start3A_663 : memref<1048576x16xf32, #tpu.memory_space<hbm>>) target(%arg47 : memref<256x16xf32, #tpu.memory_space<vmem>>) offsets(%arg31 : memref<256xi32, #tpu.memory_space<vmem>>) semaphore(%arg14 : memref<!tpu.dma_semaphore, #tpu.memory_space<semaphore_mem>>)
        %scan3A_664 = arith.constant 0 : i32
        scf.yield %scan3A_664 : i32
      }
      %scan3A_276 = arith.constant 7 : i32
      %dma_wait3A_277 = arith.constant 0 : i32
      %dma_wait3A_278 = arith.constant 0 : i32
      %dma_wait3A_279 = tpu.memref_slice %arg3[%dma_wait3A_277, %dma_wait3A_278] : memref<1048576x16xf32, #tpu.memory_space<hbm>> -> memref<1048576x16xf32, #tpu.memory_space<hbm>>
      tpu.wait_indirect_dma semaphore(%arg13 : memref<!tpu.dma_semaphore, #tpu.memory_space<semaphore_mem>>) src(%dma_wait3A_279 : memref<1048576x16xf32, #tpu.memory_space<hbm>>) dst(%arg32 : memref<256x16xf32, #tpu.memory_space<vmem>>)
      %dma_wait3A_280 = arith.constant 0 : i32
      %dma_wait3A_281 = arith.constant 0 : i32
      %dma_wait3A_282 = tpu.memref_slice %arg3[%dma_wait3A_280, %dma_wait3A_281] : memref<1048576x16xf32, #tpu.memory_space<hbm>> -> memref<1048576x16xf32, #tpu.memory_space<hbm>>
      tpu.wait_indirect_dma semaphore(%arg13 : memref<!tpu.dma_semaphore, #tpu.memory_space<semaphore_mem>>) src(%dma_wait3A_282 : memref<1048576x16xf32, #tpu.memory_space<hbm>>) dst(%arg33 : memref<256x16xf32, #tpu.memory_space<vmem>>)
      %dma_wait3A_283 = arith.constant 0 : i32
      %dma_wait3A_284 = arith.constant 0 : i32
      %dma_wait3A_285 = tpu.memref_slice %arg3[%dma_wait3A_283, %dma_wait3A_284] : memref<1048576x16xf32, #tpu.memory_space<hbm>> -> memref<1048576x16xf32, #tpu.memory_space<hbm>>
      tpu.wait_indirect_dma semaphore(%arg13 : memref<!tpu.dma_semaphore, #tpu.memory_space<semaphore_mem>>) src(%dma_wait3A_285 : memref<1048576x16xf32, #tpu.memory_space<hbm>>) dst(%arg34 : memref<256x16xf32, #tpu.memory_space<vmem>>)
      %dma_wait3A_286 = arith.constant 0 : i32
      %dma_wait3A_287 = arith.constant 0 : i32
      %dma_wait3A_288 = tpu.memref_slice %arg3[%dma_wait3A_286, %dma_wait3A_287] : memref<1048576x16xf32, #tpu.memory_space<hbm>> -> memref<1048576x16xf32, #tpu.memory_space<hbm>>
      tpu.wait_indirect_dma semaphore(%arg13 : memref<!tpu.dma_semaphore, #tpu.memory_space<semaphore_mem>>) src(%dma_wait3A_288 : memref<1048576x16xf32, #tpu.memory_space<hbm>>) dst(%arg35 : memref<256x16xf32, #tpu.memory_space<vmem>>)
      %dma_wait3A_289 = arith.constant 0 : i32
      %dma_wait3A_290 = arith.constant 0 : i32
      %dma_wait3A_291 = tpu.memref_slice %arg3[%dma_wait3A_289, %dma_wait3A_290] : memref<1048576x16xf32, #tpu.memory_space<hbm>> -> memref<1048576x16xf32, #tpu.memory_space<hbm>>
      tpu.wait_indirect_dma semaphore(%arg13 : memref<!tpu.dma_semaphore, #tpu.memory_space<semaphore_mem>>) src(%dma_wait3A_291 : memref<1048576x16xf32, #tpu.memory_space<hbm>>) dst(%arg36 : memref<256x16xf32, #tpu.memory_space<vmem>>)
      %dma_wait3A_292 = arith.constant 0 : i32
      %dma_wait3A_293 = arith.constant 0 : i32
      %dma_wait3A_294 = tpu.memref_slice %arg3[%dma_wait3A_292, %dma_wait3A_293] : memref<1048576x16xf32, #tpu.memory_space<hbm>> -> memref<1048576x16xf32, #tpu.memory_space<hbm>>
      tpu.wait_indirect_dma semaphore(%arg13 : memref<!tpu.dma_semaphore, #tpu.memory_space<semaphore_mem>>) src(%dma_wait3A_294 : memref<1048576x16xf32, #tpu.memory_space<hbm>>) dst(%arg37 : memref<256x16xf32, #tpu.memory_space<vmem>>)
      %dma_wait3A_295 = arith.constant 0 : i32
      %dma_wait3A_296 = arith.constant 0 : i32
      %dma_wait3A_297 = tpu.memref_slice %arg3[%dma_wait3A_295, %dma_wait3A_296] : memref<1048576x16xf32, #tpu.memory_space<hbm>> -> memref<1048576x16xf32, #tpu.memory_space<hbm>>
      tpu.wait_indirect_dma semaphore(%arg13 : memref<!tpu.dma_semaphore, #tpu.memory_space<semaphore_mem>>) src(%dma_wait3A_297 : memref<1048576x16xf32, #tpu.memory_space<hbm>>) dst(%arg38 : memref<256x16xf32, #tpu.memory_space<vmem>>)
      %dma_wait3A_298 = arith.constant 0 : i32
      %dma_wait3A_299 = arith.constant 0 : i32
      %dma_wait3A_300 = tpu.memref_slice %arg3[%dma_wait3A_298, %dma_wait3A_299] : memref<1048576x16xf32, #tpu.memory_space<hbm>> -> memref<1048576x16xf32, #tpu.memory_space<hbm>>
      tpu.wait_indirect_dma semaphore(%arg13 : memref<!tpu.dma_semaphore, #tpu.memory_space<semaphore_mem>>) src(%dma_wait3A_300 : memref<1048576x16xf32, #tpu.memory_space<hbm>>) dst(%arg39 : memref<256x16xf32, #tpu.memory_space<vmem>>)
      %shift_right_logical3A_301 = arith.constant 14 : i32
      %shift_right_logical3A_302 = arith.constant 2 : i32
      %shift_right_logical3A_303 = arith.shrui %shift_right_logical3A_301, %shift_right_logical3A_302 : i32
      %mul3A_304 = arith.constant 2048 : i32
      %mul3A_305 = arith.muli %shift_right_logical3A_303, %mul3A_304 : i32
      %add3A_306 = arith.constant 512 : i32
      %add3A_307 = arith.addi %mul3A_305, %add3A_306 : i32
      %scan3A_308 = arith.constant 0 : i32
      %scan3A_309 = arith.constant 0 : i32
      %scan3A_310 = arith.constant 16 : i32
      %scan3A_311 = arith.addi %scan3A_309, %scan3A_310 : i32
      %scan3A_312 = arith.constant 1 : i32
      %scan3A_313 = scf.for %scan3A_496 = %scan3A_309 to %scan3A_311 step %scan3A_312 iter_args(%scan3A_497 = %scan3A_308) -> (i32)  : i32 {
        %mul3A_498 = arith.constant 16 : i32
        %mul3A_499 = arith.muli %scan3A_496, %mul3A_498 : i32
        %add3A_500 = vector.broadcast %mul3A_499 : i32 to vector<16xi32>
        %add3A_501 = arith.addi %add3A_500, %iota3A : vector<16xi32>
        %get3A_502 = arith.constant 0 : i32
        %get3A_503 = arith.index_cast %get3A_502 : i32 to index
        %get3A_504 = arith.index_cast %mul3A_499 : i32 to index
        %get3A_505 = tpu.vector_load %arg50[%get3A_503, %get3A_504] {strides = array<i32>} : memref<8x256xi32, #tpu.memory_space<vmem>>, vector<16xi32>,
        %gather3A = tpu.vector_load_idx %arg32[%add3A_501, %get3A_505] : memref<256x16xf32, #tpu.memory_space<vmem>>[vector<16xi32>, vector<16xi32>], vector<16xf32>,
        %add3A_506 = arith.constant 1 : i32
        %add3A_507 = vector.broadcast %add3A_506 : i32 to vector<16xi32>
        %add3A_508 = arith.addi %get3A_505, %add3A_507 : vector<16xi32>
        %gather3A_509 = tpu.vector_load_idx %arg32[%add3A_501, %add3A_508] : memref<256x16xf32, #tpu.memory_space<vmem>>[vector<16xi32>, vector<16xi32>], vector<16xf32>,
        %get3A_510 = arith.constant 0 : i32
        %get3A_511 = arith.index_cast %get3A_510 : i32 to index
        %get3A_512 = arith.index_cast %mul3A_499 : i32 to index
        %get3A_513 = tpu.vector_load %arg48[%get3A_511, %get3A_512] {strides = array<i32>} : memref<8x256xf32, #tpu.memory_space<vmem>>, vector<16xf32>,
        %mul3A_514 = arith.mulf %get3A_513, %gather3A : vector<16xf32>
        %add3A_515 = arith.addf %mul3A_5, %mul3A_514 : vector<16xf32>
        %mul3A_516 = arith.mulf %get3A_513, %gather3A_509 : vector<16xf32>
        %add3A_517 = arith.addf %mul3A_5, %mul3A_516 : vector<16xf32>
        %get3A_518 = arith.constant 1 : i32
        %get3A_519 = arith.index_cast %get3A_518 : i32 to index
        %get3A_520 = arith.index_cast %mul3A_499 : i32 to index
        %get3A_521 = tpu.vector_load %arg50[%get3A_519, %get3A_520] {strides = array<i32>} : memref<8x256xi32, #tpu.memory_space<vmem>>, vector<16xi32>,
        %gather3A_522 = tpu.vector_load_idx %arg33[%add3A_501, %get3A_521] : memref<256x16xf32, #tpu.memory_space<vmem>>[vector<16xi32>, vector<16xi32>], vector<16xf32>,
        %add3A_523 = arith.constant 1 : i32
        %add3A_524 = vector.broadcast %add3A_523 : i32 to vector<16xi32>
        %add3A_525 = arith.addi %get3A_521, %add3A_524 : vector<16xi32>
        %gather3A_526 = tpu.vector_load_idx %arg33[%add3A_501, %add3A_525] : memref<256x16xf32, #tpu.memory_space<vmem>>[vector<16xi32>, vector<16xi32>], vector<16xf32>,
        %get3A_527 = arith.constant 1 : i32
        %get3A_528 = arith.index_cast %get3A_527 : i32 to index
        %get3A_529 = arith.index_cast %mul3A_499 : i32 to index
        %get3A_530 = tpu.vector_load %arg48[%get3A_528, %get3A_529] {strides = array<i32>} : memref<8x256xf32, #tpu.memory_space<vmem>>, vector<16xf32>,
        %mul3A_531 = arith.mulf %get3A_530, %gather3A_522 : vector<16xf32>
        %add3A_532 = arith.addf %add3A_515, %mul3A_531 : vector<16xf32>
        %mul3A_533 = arith.mulf %get3A_530, %gather3A_526 : vector<16xf32>
        %add3A_534 = arith.addf %add3A_517, %mul3A_533 : vector<16xf32>
        %get3A_535 = arith.constant 2 : i32
        %get3A_536 = arith.index_cast %get3A_535 : i32 to index
        %get3A_537 = arith.index_cast %mul3A_499 : i32 to index
        %get3A_538 = tpu.vector_load %arg50[%get3A_536, %get3A_537] {strides = array<i32>} : memref<8x256xi32, #tpu.memory_space<vmem>>, vector<16xi32>,
        %gather3A_539 = tpu.vector_load_idx %arg34[%add3A_501, %get3A_538] : memref<256x16xf32, #tpu.memory_space<vmem>>[vector<16xi32>, vector<16xi32>], vector<16xf32>,
        %add3A_540 = arith.constant 1 : i32
        %add3A_541 = vector.broadcast %add3A_540 : i32 to vector<16xi32>
        %add3A_542 = arith.addi %get3A_538, %add3A_541 : vector<16xi32>
        %gather3A_543 = tpu.vector_load_idx %arg34[%add3A_501, %add3A_542] : memref<256x16xf32, #tpu.memory_space<vmem>>[vector<16xi32>, vector<16xi32>], vector<16xf32>,
        %get3A_544 = arith.constant 2 : i32
        %get3A_545 = arith.index_cast %get3A_544 : i32 to index
        %get3A_546 = arith.index_cast %mul3A_499 : i32 to index
        %get3A_547 = tpu.vector_load %arg48[%get3A_545, %get3A_546] {strides = array<i32>} : memref<8x256xf32, #tpu.memory_space<vmem>>, vector<16xf32>,
        %mul3A_548 = arith.mulf %get3A_547, %gather3A_539 : vector<16xf32>
        %add3A_549 = arith.addf %add3A_532, %mul3A_548 : vector<16xf32>
        %mul3A_550 = arith.mulf %get3A_547, %gather3A_543 : vector<16xf32>
        %add3A_551 = arith.addf %add3A_534, %mul3A_550 : vector<16xf32>
        %get3A_552 = arith.constant 3 : i32
        %get3A_553 = arith.index_cast %get3A_552 : i32 to index
        %get3A_554 = arith.index_cast %mul3A_499 : i32 to index
        %get3A_555 = tpu.vector_load %arg50[%get3A_553, %get3A_554] {strides = array<i32>} : memref<8x256xi32, #tpu.memory_space<vmem>>, vector<16xi32>,
        %gather3A_556 = tpu.vector_load_idx %arg35[%add3A_501, %get3A_555] : memref<256x16xf32, #tpu.memory_space<vmem>>[vector<16xi32>, vector<16xi32>], vector<16xf32>,
        %add3A_557 = arith.constant 1 : i32
        %add3A_558 = vector.broadcast %add3A_557 : i32 to vector<16xi32>
        %add3A_559 = arith.addi %get3A_555, %add3A_558 : vector<16xi32>
        %gather3A_560 = tpu.vector_load_idx %arg35[%add3A_501, %add3A_559] : memref<256x16xf32, #tpu.memory_space<vmem>>[vector<16xi32>, vector<16xi32>], vector<16xf32>,
        %get3A_561 = arith.constant 3 : i32
        %get3A_562 = arith.index_cast %get3A_561 : i32 to index
        %get3A_563 = arith.index_cast %mul3A_499 : i32 to index
        %get3A_564 = tpu.vector_load %arg48[%get3A_562, %get3A_563] {strides = array<i32>} : memref<8x256xf32, #tpu.memory_space<vmem>>, vector<16xf32>,
        %mul3A_565 = arith.mulf %get3A_564, %gather3A_556 : vector<16xf32>
        %add3A_566 = arith.addf %add3A_549, %mul3A_565 : vector<16xf32>
        %mul3A_567 = arith.mulf %get3A_564, %gather3A_560 : vector<16xf32>
        %add3A_568 = arith.addf %add3A_551, %mul3A_567 : vector<16xf32>
        %get3A_569 = arith.constant 4 : i32
        %get3A_570 = arith.index_cast %get3A_569 : i32 to index
        %get3A_571 = arith.index_cast %mul3A_499 : i32 to index
        %get3A_572 = tpu.vector_load %arg50[%get3A_570, %get3A_571] {strides = array<i32>} : memref<8x256xi32, #tpu.memory_space<vmem>>, vector<16xi32>,
        %gather3A_573 = tpu.vector_load_idx %arg36[%add3A_501, %get3A_572] : memref<256x16xf32, #tpu.memory_space<vmem>>[vector<16xi32>, vector<16xi32>], vector<16xf32>,
        %add3A_574 = arith.constant 1 : i32
        %add3A_575 = vector.broadcast %add3A_574 : i32 to vector<16xi32>
        %add3A_576 = arith.addi %get3A_572, %add3A_575 : vector<16xi32>
        %gather3A_577 = tpu.vector_load_idx %arg36[%add3A_501, %add3A_576] : memref<256x16xf32, #tpu.memory_space<vmem>>[vector<16xi32>, vector<16xi32>], vector<16xf32>,
        %get3A_578 = arith.constant 4 : i32
        %get3A_579 = arith.index_cast %get3A_578 : i32 to index
        %get3A_580 = arith.index_cast %mul3A_499 : i32 to index
        %get3A_581 = tpu.vector_load %arg48[%get3A_579, %get3A_580] {strides = array<i32>} : memref<8x256xf32, #tpu.memory_space<vmem>>, vector<16xf32>,
        %mul3A_582 = arith.mulf %get3A_581, %gather3A_573 : vector<16xf32>
        %add3A_583 = arith.addf %add3A_566, %mul3A_582 : vector<16xf32>
        %mul3A_584 = arith.mulf %get3A_581, %gather3A_577 : vector<16xf32>
        %add3A_585 = arith.addf %add3A_568, %mul3A_584 : vector<16xf32>
        %get3A_586 = arith.constant 5 : i32
        %get3A_587 = arith.index_cast %get3A_586 : i32 to index
        %get3A_588 = arith.index_cast %mul3A_499 : i32 to index
        %get3A_589 = tpu.vector_load %arg50[%get3A_587, %get3A_588] {strides = array<i32>} : memref<8x256xi32, #tpu.memory_space<vmem>>, vector<16xi32>,
        %gather3A_590 = tpu.vector_load_idx %arg37[%add3A_501, %get3A_589] : memref<256x16xf32, #tpu.memory_space<vmem>>[vector<16xi32>, vector<16xi32>], vector<16xf32>,
        %add3A_591 = arith.constant 1 : i32
        %add3A_592 = vector.broadcast %add3A_591 : i32 to vector<16xi32>
        %add3A_593 = arith.addi %get3A_589, %add3A_592 : vector<16xi32>
        %gather3A_594 = tpu.vector_load_idx %arg37[%add3A_501, %add3A_593] : memref<256x16xf32, #tpu.memory_space<vmem>>[vector<16xi32>, vector<16xi32>], vector<16xf32>,
        %get3A_595 = arith.constant 5 : i32
        %get3A_596 = arith.index_cast %get3A_595 : i32 to index
        %get3A_597 = arith.index_cast %mul3A_499 : i32 to index
        %get3A_598 = tpu.vector_load %arg48[%get3A_596, %get3A_597] {strides = array<i32>} : memref<8x256xf32, #tpu.memory_space<vmem>>, vector<16xf32>,
        %mul3A_599 = arith.mulf %get3A_598, %gather3A_590 : vector<16xf32>
        %add3A_600 = arith.addf %add3A_583, %mul3A_599 : vector<16xf32>
        %mul3A_601 = arith.mulf %get3A_598, %gather3A_594 : vector<16xf32>
        %add3A_602 = arith.addf %add3A_585, %mul3A_601 : vector<16xf32>
        %get3A_603 = arith.constant 6 : i32
        %get3A_604 = arith.index_cast %get3A_603 : i32 to index
        %get3A_605 = arith.index_cast %mul3A_499 : i32 to index
        %get3A_606 = tpu.vector_load %arg50[%get3A_604, %get3A_605] {strides = array<i32>} : memref<8x256xi32, #tpu.memory_space<vmem>>, vector<16xi32>,
        %gather3A_607 = tpu.vector_load_idx %arg38[%add3A_501, %get3A_606] : memref<256x16xf32, #tpu.memory_space<vmem>>[vector<16xi32>, vector<16xi32>], vector<16xf32>,
        %add3A_608 = arith.constant 1 : i32
        %add3A_609 = vector.broadcast %add3A_608 : i32 to vector<16xi32>
        %add3A_610 = arith.addi %get3A_606, %add3A_609 : vector<16xi32>
        %gather3A_611 = tpu.vector_load_idx %arg38[%add3A_501, %add3A_610] : memref<256x16xf32, #tpu.memory_space<vmem>>[vector<16xi32>, vector<16xi32>], vector<16xf32>,
        %get3A_612 = arith.constant 6 : i32
        %get3A_613 = arith.index_cast %get3A_612 : i32 to index
        %get3A_614 = arith.index_cast %mul3A_499 : i32 to index
        %get3A_615 = tpu.vector_load %arg48[%get3A_613, %get3A_614] {strides = array<i32>} : memref<8x256xf32, #tpu.memory_space<vmem>>, vector<16xf32>,
        %mul3A_616 = arith.mulf %get3A_615, %gather3A_607 : vector<16xf32>
        %add3A_617 = arith.addf %add3A_600, %mul3A_616 : vector<16xf32>
        %mul3A_618 = arith.mulf %get3A_615, %gather3A_611 : vector<16xf32>
        %add3A_619 = arith.addf %add3A_602, %mul3A_618 : vector<16xf32>
        %get3A_620 = arith.constant 7 : i32
        %get3A_621 = arith.index_cast %get3A_620 : i32 to index
        %get3A_622 = arith.index_cast %mul3A_499 : i32 to index
        %get3A_623 = tpu.vector_load %arg50[%get3A_621, %get3A_622] {strides = array<i32>} : memref<8x256xi32, #tpu.memory_space<vmem>>, vector<16xi32>,
        %gather3A_624 = tpu.vector_load_idx %arg39[%add3A_501, %get3A_623] : memref<256x16xf32, #tpu.memory_space<vmem>>[vector<16xi32>, vector<16xi32>], vector<16xf32>,
        %add3A_625 = arith.constant 1 : i32
        %add3A_626 = vector.broadcast %add3A_625 : i32 to vector<16xi32>
        %add3A_627 = arith.addi %get3A_623, %add3A_626 : vector<16xi32>
        %gather3A_628 = tpu.vector_load_idx %arg39[%add3A_501, %add3A_627] : memref<256x16xf32, #tpu.memory_space<vmem>>[vector<16xi32>, vector<16xi32>], vector<16xf32>,
        %get3A_629 = arith.constant 7 : i32
        %get3A_630 = arith.index_cast %get3A_629 : i32 to index
        %get3A_631 = arith.index_cast %mul3A_499 : i32 to index
        %get3A_632 = tpu.vector_load %arg48[%get3A_630, %get3A_631] {strides = array<i32>} : memref<8x256xf32, #tpu.memory_space<vmem>>, vector<16xf32>,
        %mul3A_633 = arith.mulf %get3A_632, %gather3A_624 : vector<16xf32>
        %add3A_634 = arith.addf %add3A_617, %mul3A_633 : vector<16xf32>
        %mul3A_635 = arith.mulf %get3A_632, %gather3A_628 : vector<16xf32>
        %add3A_636 = arith.addf %add3A_619, %mul3A_635 : vector<16xf32>
        %and3A_637 = arith.constant 127 : i32
        %and3A_638 = arith.andi %mul3A_499, %and3A_637 : i32
        %add3A_639 = arith.addi %add3A_307, %and3A_638 : i32
        %shift_right_logical3A_640 = arith.constant 7 : i32
        %shift_right_logical3A_641 = arith.shrui %mul3A_499, %shift_right_logical3A_640 : i32
        %mul3A_642 = arith.constant 1024 : i32
        %mul3A_643 = arith.muli %shift_right_logical3A_641, %mul3A_642 : i32
        %add3A_644 = arith.addi %add3A_639, %mul3A_643 : i32
        %swap3A = arith.index_cast %add3A_644 : i32 to index
        %swap3A_645 = tpu.vector_load %arg10[%swap3A] {strides = array<i32>} : memref<8192xf32, #tpu.memory_space<vmem>>, vector<16xf32>,
        tpu.vector_store %arg10[%swap3A], %add3A_634 {strides = array<i32>} : memref<8192xf32, #tpu.memory_space<vmem>>, vector<16xf32>,
        %add3A_646 = arith.constant 128 : i32
        %add3A_647 = arith.addi %add3A_644, %add3A_646 : i32
        %swap3A_648 = arith.index_cast %add3A_647 : i32 to index
        %swap3A_649 = tpu.vector_load %arg10[%swap3A_648] {strides = array<i32>} : memref<8192xf32, #tpu.memory_space<vmem>>, vector<16xf32>,
        tpu.vector_store %arg10[%swap3A_648], %add3A_636 {strides = array<i32>} : memref<8192xf32, #tpu.memory_space<vmem>>, vector<16xf32>,
        %scan3A_650 = arith.constant 0 : i32
        scf.yield %scan3A_650 : i32
      }
      %scan3A_314 = arith.constant 16 : i32
      %dma_wait3A_315 = arith.constant 0 : i32
      %dma_wait3A_316 = arith.constant 0 : i32
      %dma_wait3A_317 = tpu.memref_slice %arg3[%dma_wait3A_315, %dma_wait3A_316] : memref<1048576x16xf32, #tpu.memory_space<hbm>> -> memref<1048576x16xf32, #tpu.memory_space<hbm>>
      tpu.wait_indirect_dma semaphore(%arg14 : memref<!tpu.dma_semaphore, #tpu.memory_space<semaphore_mem>>) src(%dma_wait3A_317 : memref<1048576x16xf32, #tpu.memory_space<hbm>>) dst(%arg40 : memref<256x16xf32, #tpu.memory_space<vmem>>)
      %dma_wait3A_318 = arith.constant 0 : i32
      %dma_wait3A_319 = arith.constant 0 : i32
      %dma_wait3A_320 = tpu.memref_slice %arg3[%dma_wait3A_318, %dma_wait3A_319] : memref<1048576x16xf32, #tpu.memory_space<hbm>> -> memref<1048576x16xf32, #tpu.memory_space<hbm>>
      tpu.wait_indirect_dma semaphore(%arg14 : memref<!tpu.dma_semaphore, #tpu.memory_space<semaphore_mem>>) src(%dma_wait3A_320 : memref<1048576x16xf32, #tpu.memory_space<hbm>>) dst(%arg41 : memref<256x16xf32, #tpu.memory_space<vmem>>)
      %dma_wait3A_321 = arith.constant 0 : i32
      %dma_wait3A_322 = arith.constant 0 : i32
      %dma_wait3A_323 = tpu.memref_slice %arg3[%dma_wait3A_321, %dma_wait3A_322] : memref<1048576x16xf32, #tpu.memory_space<hbm>> -> memref<1048576x16xf32, #tpu.memory_space<hbm>>
      tpu.wait_indirect_dma semaphore(%arg14 : memref<!tpu.dma_semaphore, #tpu.memory_space<semaphore_mem>>) src(%dma_wait3A_323 : memref<1048576x16xf32, #tpu.memory_space<hbm>>) dst(%arg42 : memref<256x16xf32, #tpu.memory_space<vmem>>)
      %dma_wait3A_324 = arith.constant 0 : i32
      %dma_wait3A_325 = arith.constant 0 : i32
      %dma_wait3A_326 = tpu.memref_slice %arg3[%dma_wait3A_324, %dma_wait3A_325] : memref<1048576x16xf32, #tpu.memory_space<hbm>> -> memref<1048576x16xf32, #tpu.memory_space<hbm>>
      tpu.wait_indirect_dma semaphore(%arg14 : memref<!tpu.dma_semaphore, #tpu.memory_space<semaphore_mem>>) src(%dma_wait3A_326 : memref<1048576x16xf32, #tpu.memory_space<hbm>>) dst(%arg43 : memref<256x16xf32, #tpu.memory_space<vmem>>)
      %dma_wait3A_327 = arith.constant 0 : i32
      %dma_wait3A_328 = arith.constant 0 : i32
      %dma_wait3A_329 = tpu.memref_slice %arg3[%dma_wait3A_327, %dma_wait3A_328] : memref<1048576x16xf32, #tpu.memory_space<hbm>> -> memref<1048576x16xf32, #tpu.memory_space<hbm>>
      tpu.wait_indirect_dma semaphore(%arg14 : memref<!tpu.dma_semaphore, #tpu.memory_space<semaphore_mem>>) src(%dma_wait3A_329 : memref<1048576x16xf32, #tpu.memory_space<hbm>>) dst(%arg44 : memref<256x16xf32, #tpu.memory_space<vmem>>)
      %dma_wait3A_330 = arith.constant 0 : i32
      %dma_wait3A_331 = arith.constant 0 : i32
      %dma_wait3A_332 = tpu.memref_slice %arg3[%dma_wait3A_330, %dma_wait3A_331] : memref<1048576x16xf32, #tpu.memory_space<hbm>> -> memref<1048576x16xf32, #tpu.memory_space<hbm>>
      tpu.wait_indirect_dma semaphore(%arg14 : memref<!tpu.dma_semaphore, #tpu.memory_space<semaphore_mem>>) src(%dma_wait3A_332 : memref<1048576x16xf32, #tpu.memory_space<hbm>>) dst(%arg45 : memref<256x16xf32, #tpu.memory_space<vmem>>)
      %dma_wait3A_333 = arith.constant 0 : i32
      %dma_wait3A_334 = arith.constant 0 : i32
      %dma_wait3A_335 = tpu.memref_slice %arg3[%dma_wait3A_333, %dma_wait3A_334] : memref<1048576x16xf32, #tpu.memory_space<hbm>> -> memref<1048576x16xf32, #tpu.memory_space<hbm>>
      tpu.wait_indirect_dma semaphore(%arg14 : memref<!tpu.dma_semaphore, #tpu.memory_space<semaphore_mem>>) src(%dma_wait3A_335 : memref<1048576x16xf32, #tpu.memory_space<hbm>>) dst(%arg46 : memref<256x16xf32, #tpu.memory_space<vmem>>)
      %dma_wait3A_336 = arith.constant 0 : i32
      %dma_wait3A_337 = arith.constant 0 : i32
      %dma_wait3A_338 = tpu.memref_slice %arg3[%dma_wait3A_336, %dma_wait3A_337] : memref<1048576x16xf32, #tpu.memory_space<hbm>> -> memref<1048576x16xf32, #tpu.memory_space<hbm>>
      tpu.wait_indirect_dma semaphore(%arg14 : memref<!tpu.dma_semaphore, #tpu.memory_space<semaphore_mem>>) src(%dma_wait3A_338 : memref<1048576x16xf32, #tpu.memory_space<hbm>>) dst(%arg47 : memref<256x16xf32, #tpu.memory_space<vmem>>)
      %shift_right_logical3A_339 = arith.constant 15 : i32
      %shift_right_logical3A_340 = arith.constant 2 : i32
      %shift_right_logical3A_341 = arith.shrui %shift_right_logical3A_339, %shift_right_logical3A_340 : i32
      %mul3A_342 = arith.constant 2048 : i32
      %mul3A_343 = arith.muli %shift_right_logical3A_341, %mul3A_342 : i32
      %add3A_344 = arith.constant 768 : i32
      %add3A_345 = arith.addi %mul3A_343, %add3A_344 : i32
      %scan3A_346 = arith.constant 0 : i32
      %scan3A_347 = arith.constant 0 : i32
      %scan3A_348 = arith.constant 16 : i32
      %scan3A_349 = arith.addi %scan3A_347, %scan3A_348 : i32
      %scan3A_350 = arith.constant 1 : i32
      %scan3A_351 = scf.for %scan3A_496 = %scan3A_347 to %scan3A_349 step %scan3A_350 iter_args(%scan3A_497 = %scan3A_346) -> (i32)  : i32 {
        %mul3A_498 = arith.constant 16 : i32
        %mul3A_499 = arith.muli %scan3A_496, %mul3A_498 : i32
        %add3A_500 = vector.broadcast %mul3A_499 : i32 to vector<16xi32>
        %add3A_501 = arith.addi %add3A_500, %iota3A : vector<16xi32>
        %get3A_502 = arith.constant 0 : i32
        %get3A_503 = arith.index_cast %get3A_502 : i32 to index
        %get3A_504 = arith.index_cast %mul3A_499 : i32 to index
        %get3A_505 = tpu.vector_load %arg51[%get3A_503, %get3A_504] {strides = array<i32>} : memref<8x256xi32, #tpu.memory_space<vmem>>, vector<16xi32>,
        %gather3A = tpu.vector_load_idx %arg40[%add3A_501, %get3A_505] : memref<256x16xf32, #tpu.memory_space<vmem>>[vector<16xi32>, vector<16xi32>], vector<16xf32>,
        %add3A_506 = arith.constant 1 : i32
        %add3A_507 = vector.broadcast %add3A_506 : i32 to vector<16xi32>
        %add3A_508 = arith.addi %get3A_505, %add3A_507 : vector<16xi32>
        %gather3A_509 = tpu.vector_load_idx %arg40[%add3A_501, %add3A_508] : memref<256x16xf32, #tpu.memory_space<vmem>>[vector<16xi32>, vector<16xi32>], vector<16xf32>,
        %get3A_510 = arith.constant 0 : i32
        %get3A_511 = arith.index_cast %get3A_510 : i32 to index
        %get3A_512 = arith.index_cast %mul3A_499 : i32 to index
        %get3A_513 = tpu.vector_load %arg49[%get3A_511, %get3A_512] {strides = array<i32>} : memref<8x256xf32, #tpu.memory_space<vmem>>, vector<16xf32>,
        %mul3A_514 = arith.mulf %get3A_513, %gather3A : vector<16xf32>
        %add3A_515 = arith.addf %mul3A_5, %mul3A_514 : vector<16xf32>
        %mul3A_516 = arith.mulf %get3A_513, %gather3A_509 : vector<16xf32>
        %add3A_517 = arith.addf %mul3A_5, %mul3A_516 : vector<16xf32>
        %get3A_518 = arith.constant 1 : i32
        %get3A_519 = arith.index_cast %get3A_518 : i32 to index
        %get3A_520 = arith.index_cast %mul3A_499 : i32 to index
        %get3A_521 = tpu.vector_load %arg51[%get3A_519, %get3A_520] {strides = array<i32>} : memref<8x256xi32, #tpu.memory_space<vmem>>, vector<16xi32>,
        %gather3A_522 = tpu.vector_load_idx %arg41[%add3A_501, %get3A_521] : memref<256x16xf32, #tpu.memory_space<vmem>>[vector<16xi32>, vector<16xi32>], vector<16xf32>,
        %add3A_523 = arith.constant 1 : i32
        %add3A_524 = vector.broadcast %add3A_523 : i32 to vector<16xi32>
        %add3A_525 = arith.addi %get3A_521, %add3A_524 : vector<16xi32>
        %gather3A_526 = tpu.vector_load_idx %arg41[%add3A_501, %add3A_525] : memref<256x16xf32, #tpu.memory_space<vmem>>[vector<16xi32>, vector<16xi32>], vector<16xf32>,
        %get3A_527 = arith.constant 1 : i32
        %get3A_528 = arith.index_cast %get3A_527 : i32 to index
        %get3A_529 = arith.index_cast %mul3A_499 : i32 to index
        %get3A_530 = tpu.vector_load %arg49[%get3A_528, %get3A_529] {strides = array<i32>} : memref<8x256xf32, #tpu.memory_space<vmem>>, vector<16xf32>,
        %mul3A_531 = arith.mulf %get3A_530, %gather3A_522 : vector<16xf32>
        %add3A_532 = arith.addf %add3A_515, %mul3A_531 : vector<16xf32>
        %mul3A_533 = arith.mulf %get3A_530, %gather3A_526 : vector<16xf32>
        %add3A_534 = arith.addf %add3A_517, %mul3A_533 : vector<16xf32>
        %get3A_535 = arith.constant 2 : i32
        %get3A_536 = arith.index_cast %get3A_535 : i32 to index
        %get3A_537 = arith.index_cast %mul3A_499 : i32 to index
        %get3A_538 = tpu.vector_load %arg51[%get3A_536, %get3A_537] {strides = array<i32>} : memref<8x256xi32, #tpu.memory_space<vmem>>, vector<16xi32>,
        %gather3A_539 = tpu.vector_load_idx %arg42[%add3A_501, %get3A_538] : memref<256x16xf32, #tpu.memory_space<vmem>>[vector<16xi32>, vector<16xi32>], vector<16xf32>,
        %add3A_540 = arith.constant 1 : i32
        %add3A_541 = vector.broadcast %add3A_540 : i32 to vector<16xi32>
        %add3A_542 = arith.addi %get3A_538, %add3A_541 : vector<16xi32>
        %gather3A_543 = tpu.vector_load_idx %arg42[%add3A_501, %add3A_542] : memref<256x16xf32, #tpu.memory_space<vmem>>[vector<16xi32>, vector<16xi32>], vector<16xf32>,
        %get3A_544 = arith.constant 2 : i32
        %get3A_545 = arith.index_cast %get3A_544 : i32 to index
        %get3A_546 = arith.index_cast %mul3A_499 : i32 to index
        %get3A_547 = tpu.vector_load %arg49[%get3A_545, %get3A_546] {strides = array<i32>} : memref<8x256xf32, #tpu.memory_space<vmem>>, vector<16xf32>,
        %mul3A_548 = arith.mulf %get3A_547, %gather3A_539 : vector<16xf32>
        %add3A_549 = arith.addf %add3A_532, %mul3A_548 : vector<16xf32>
        %mul3A_550 = arith.mulf %get3A_547, %gather3A_543 : vector<16xf32>
        %add3A_551 = arith.addf %add3A_534, %mul3A_550 : vector<16xf32>
        %get3A_552 = arith.constant 3 : i32
        %get3A_553 = arith.index_cast %get3A_552 : i32 to index
        %get3A_554 = arith.index_cast %mul3A_499 : i32 to index
        %get3A_555 = tpu.vector_load %arg51[%get3A_553, %get3A_554] {strides = array<i32>} : memref<8x256xi32, #tpu.memory_space<vmem>>, vector<16xi32>,
        %gather3A_556 = tpu.vector_load_idx %arg43[%add3A_501, %get3A_555] : memref<256x16xf32, #tpu.memory_space<vmem>>[vector<16xi32>, vector<16xi32>], vector<16xf32>,
        %add3A_557 = arith.constant 1 : i32
        %add3A_558 = vector.broadcast %add3A_557 : i32 to vector<16xi32>
        %add3A_559 = arith.addi %get3A_555, %add3A_558 : vector<16xi32>
        %gather3A_560 = tpu.vector_load_idx %arg43[%add3A_501, %add3A_559] : memref<256x16xf32, #tpu.memory_space<vmem>>[vector<16xi32>, vector<16xi32>], vector<16xf32>,
        %get3A_561 = arith.constant 3 : i32
        %get3A_562 = arith.index_cast %get3A_561 : i32 to index
        %get3A_563 = arith.index_cast %mul3A_499 : i32 to index
        %get3A_564 = tpu.vector_load %arg49[%get3A_562, %get3A_563] {strides = array<i32>} : memref<8x256xf32, #tpu.memory_space<vmem>>, vector<16xf32>,
        %mul3A_565 = arith.mulf %get3A_564, %gather3A_556 : vector<16xf32>
        %add3A_566 = arith.addf %add3A_549, %mul3A_565 : vector<16xf32>
        %mul3A_567 = arith.mulf %get3A_564, %gather3A_560 : vector<16xf32>
        %add3A_568 = arith.addf %add3A_551, %mul3A_567 : vector<16xf32>
        %get3A_569 = arith.constant 4 : i32
        %get3A_570 = arith.index_cast %get3A_569 : i32 to index
        %get3A_571 = arith.index_cast %mul3A_499 : i32 to index
        %get3A_572 = tpu.vector_load %arg51[%get3A_570, %get3A_571] {strides = array<i32>} : memref<8x256xi32, #tpu.memory_space<vmem>>, vector<16xi32>,
        %gather3A_573 = tpu.vector_load_idx %arg44[%add3A_501, %get3A_572] : memref<256x16xf32, #tpu.memory_space<vmem>>[vector<16xi32>, vector<16xi32>], vector<16xf32>,
        %add3A_574 = arith.constant 1 : i32
        %add3A_575 = vector.broadcast %add3A_574 : i32 to vector<16xi32>
        %add3A_576 = arith.addi %get3A_572, %add3A_575 : vector<16xi32>
        %gather3A_577 = tpu.vector_load_idx %arg44[%add3A_501, %add3A_576] : memref<256x16xf32, #tpu.memory_space<vmem>>[vector<16xi32>, vector<16xi32>], vector<16xf32>,
        %get3A_578 = arith.constant 4 : i32
        %get3A_579 = arith.index_cast %get3A_578 : i32 to index
        %get3A_580 = arith.index_cast %mul3A_499 : i32 to index
        %get3A_581 = tpu.vector_load %arg49[%get3A_579, %get3A_580] {strides = array<i32>} : memref<8x256xf32, #tpu.memory_space<vmem>>, vector<16xf32>,
        %mul3A_582 = arith.mulf %get3A_581, %gather3A_573 : vector<16xf32>
        %add3A_583 = arith.addf %add3A_566, %mul3A_582 : vector<16xf32>
        %mul3A_584 = arith.mulf %get3A_581, %gather3A_577 : vector<16xf32>
        %add3A_585 = arith.addf %add3A_568, %mul3A_584 : vector<16xf32>
        %get3A_586 = arith.constant 5 : i32
        %get3A_587 = arith.index_cast %get3A_586 : i32 to index
        %get3A_588 = arith.index_cast %mul3A_499 : i32 to index
        %get3A_589 = tpu.vector_load %arg51[%get3A_587, %get3A_588] {strides = array<i32>} : memref<8x256xi32, #tpu.memory_space<vmem>>, vector<16xi32>,
        %gather3A_590 = tpu.vector_load_idx %arg45[%add3A_501, %get3A_589] : memref<256x16xf32, #tpu.memory_space<vmem>>[vector<16xi32>, vector<16xi32>], vector<16xf32>,
        %add3A_591 = arith.constant 1 : i32
        %add3A_592 = vector.broadcast %add3A_591 : i32 to vector<16xi32>
        %add3A_593 = arith.addi %get3A_589, %add3A_592 : vector<16xi32>
        %gather3A_594 = tpu.vector_load_idx %arg45[%add3A_501, %add3A_593] : memref<256x16xf32, #tpu.memory_space<vmem>>[vector<16xi32>, vector<16xi32>], vector<16xf32>,
        %get3A_595 = arith.constant 5 : i32
        %get3A_596 = arith.index_cast %get3A_595 : i32 to index
        %get3A_597 = arith.index_cast %mul3A_499 : i32 to index
        %get3A_598 = tpu.vector_load %arg49[%get3A_596, %get3A_597] {strides = array<i32>} : memref<8x256xf32, #tpu.memory_space<vmem>>, vector<16xf32>,
        %mul3A_599 = arith.mulf %get3A_598, %gather3A_590 : vector<16xf32>
        %add3A_600 = arith.addf %add3A_583, %mul3A_599 : vector<16xf32>
        %mul3A_601 = arith.mulf %get3A_598, %gather3A_594 : vector<16xf32>
        %add3A_602 = arith.addf %add3A_585, %mul3A_601 : vector<16xf32>
        %get3A_603 = arith.constant 6 : i32
        %get3A_604 = arith.index_cast %get3A_603 : i32 to index
        %get3A_605 = arith.index_cast %mul3A_499 : i32 to index
        %get3A_606 = tpu.vector_load %arg51[%get3A_604, %get3A_605] {strides = array<i32>} : memref<8x256xi32, #tpu.memory_space<vmem>>, vector<16xi32>,
        %gather3A_607 = tpu.vector_load_idx %arg46[%add3A_501, %get3A_606] : memref<256x16xf32, #tpu.memory_space<vmem>>[vector<16xi32>, vector<16xi32>], vector<16xf32>,
        %add3A_608 = arith.constant 1 : i32
        %add3A_609 = vector.broadcast %add3A_608 : i32 to vector<16xi32>
        %add3A_610 = arith.addi %get3A_606, %add3A_609 : vector<16xi32>
        %gather3A_611 = tpu.vector_load_idx %arg46[%add3A_501, %add3A_610] : memref<256x16xf32, #tpu.memory_space<vmem>>[vector<16xi32>, vector<16xi32>], vector<16xf32>,
        %get3A_612 = arith.constant 6 : i32
        %get3A_613 = arith.index_cast %get3A_612 : i32 to index
        %get3A_614 = arith.index_cast %mul3A_499 : i32 to index
        %get3A_615 = tpu.vector_load %arg49[%get3A_613, %get3A_614] {strides = array<i32>} : memref<8x256xf32, #tpu.memory_space<vmem>>, vector<16xf32>,
        %mul3A_616 = arith.mulf %get3A_615, %gather3A_607 : vector<16xf32>
        %add3A_617 = arith.addf %add3A_600, %mul3A_616 : vector<16xf32>
        %mul3A_618 = arith.mulf %get3A_615, %gather3A_611 : vector<16xf32>
        %add3A_619 = arith.addf %add3A_602, %mul3A_618 : vector<16xf32>
        %get3A_620 = arith.constant 7 : i32
        %get3A_621 = arith.index_cast %get3A_620 : i32 to index
        %get3A_622 = arith.index_cast %mul3A_499 : i32 to index
        %get3A_623 = tpu.vector_load %arg51[%get3A_621, %get3A_622] {strides = array<i32>} : memref<8x256xi32, #tpu.memory_space<vmem>>, vector<16xi32>,
        %gather3A_624 = tpu.vector_load_idx %arg47[%add3A_501, %get3A_623] : memref<256x16xf32, #tpu.memory_space<vmem>>[vector<16xi32>, vector<16xi32>], vector<16xf32>,
        %add3A_625 = arith.constant 1 : i32
        %add3A_626 = vector.broadcast %add3A_625 : i32 to vector<16xi32>
        %add3A_627 = arith.addi %get3A_623, %add3A_626 : vector<16xi32>
        %gather3A_628 = tpu.vector_load_idx %arg47[%add3A_501, %add3A_627] : memref<256x16xf32, #tpu.memory_space<vmem>>[vector<16xi32>, vector<16xi32>], vector<16xf32>,
        %get3A_629 = arith.constant 7 : i32
        %get3A_630 = arith.index_cast %get3A_629 : i32 to index
        %get3A_631 = arith.index_cast %mul3A_499 : i32 to index
        %get3A_632 = tpu.vector_load %arg49[%get3A_630, %get3A_631] {strides = array<i32>} : memref<8x256xf32, #tpu.memory_space<vmem>>, vector<16xf32>,
        %mul3A_633 = arith.mulf %get3A_632, %gather3A_624 : vector<16xf32>
        %add3A_634 = arith.addf %add3A_617, %mul3A_633 : vector<16xf32>
        %mul3A_635 = arith.mulf %get3A_632, %gather3A_628 : vector<16xf32>
        %add3A_636 = arith.addf %add3A_619, %mul3A_635 : vector<16xf32>
        %and3A_637 = arith.constant 127 : i32
        %and3A_638 = arith.andi %mul3A_499, %and3A_637 : i32
        %add3A_639 = arith.addi %add3A_345, %and3A_638 : i32
        %shift_right_logical3A_640 = arith.constant 7 : i32
        %shift_right_logical3A_641 = arith.shrui %mul3A_499, %shift_right_logical3A_640 : i32
        %mul3A_642 = arith.constant 1024 : i32
        %mul3A_643 = arith.muli %shift_right_logical3A_641, %mul3A_642 : i32
        %add3A_644 = arith.addi %add3A_639, %mul3A_643 : i32
        %swap3A = arith.index_cast %add3A_644 : i32 to index
        %swap3A_645 = tpu.vector_load %arg10[%swap3A] {strides = array<i32>} : memref<8192xf32, #tpu.memory_space<vmem>>, vector<16xf32>,
        tpu.vector_store %arg10[%swap3A], %add3A_634 {strides = array<i32>} : memref<8192xf32, #tpu.memory_space<vmem>>, vector<16xf32>,
        %add3A_646 = arith.constant 128 : i32
        %add3A_647 = arith.addi %add3A_644, %add3A_646 : i32
        %swap3A_648 = arith.index_cast %add3A_647 : i32 to index
        %swap3A_649 = tpu.vector_load %arg10[%swap3A_648] {strides = array<i32>} : memref<8192xf32, #tpu.memory_space<vmem>>, vector<16xf32>,
        tpu.vector_store %arg10[%swap3A_648], %add3A_636 {strides = array<i32>} : memref<8192xf32, #tpu.memory_space<vmem>>, vector<16xf32>,
        %scan3A_650 = arith.constant 0 : i32
        scf.yield %scan3A_650 : i32
      }
      %scan3A_352 = arith.constant 16 : i32
      %shift_right_logical3A_353 = arith.constant 9 : i32
      %shift_right_logical3A_354 = arith.shrui %add3A_160, %shift_right_logical3A_353 : i32
      %shift_right_logical3A_355 = arith.constant 7 : i32
      %shift_right_logical3A_356 = arith.shrui %add3A_160, %shift_right_logical3A_355 : i32
      %and3A_357 = arith.constant 3 : i32
      %and3A_358 = arith.andi %shift_right_logical3A_356, %and3A_357 : i32
      %mul3A_359 = arith.constant 4 : i32
      %mul3A_360 = arith.muli %shift_right_logical3A_354, %mul3A_359 : i32
      %add3A_361 = arith.constant 0 : i32
      %add3A_362 = arith.addi %mul3A_360, %add3A_361 : i32
      %mul3A_363 = arith.constant 4 : i32
      %mul3A_364 = arith.muli %add3A_362, %mul3A_363 : i32
      %add3A_365 = arith.addi %mul3A_364, %and3A_358 : i32
      %add3A_366 = arith.constant 0 : i32
      %add3A_367 = arith.addi %add3A_365, %add3A_366 : i32
      %mul3A_368 = arith.constant 1024 : i32
      %mul3A_369 = arith.muli %add3A_367, %mul3A_368 : i32
      %dma_start3A_370 = arith.constant 0 : i32
      %dma_start3A_371 = tpu.memref_slice %arg10[%dma_start3A_370] : memref<8192xf32, #tpu.memory_space<vmem>> -> memref<1024xf32, #tpu.memory_space<vmem>>
      %dma_start3A_372 = tpu.memref_slice %arg6[%mul3A_369] : memref<16777216xf32, #tpu.memory_space<hbm>> -> memref<1024xf32, #tpu.memory_space<hbm>>
      %dma_start3A_373 = tpu.memref_slice %arg6[%mul3A_369] : memref<16777216xf32, #tpu.memory_space<hbm>> -> memref<1024xf32, #tpu.memory_space<hbm>>
      %dma_start3A_374 = arith.constant 0 : i32
      %dma_start3A_375 = tpu.memref_slice %arg10[%dma_start3A_374] : memref<8192xf32, #tpu.memory_space<vmem>> -> memref<1024xf32, #tpu.memory_space<vmem>>
      tpu.enqueue_dma source(%dma_start3A_375 : memref<1024xf32, #tpu.memory_space<vmem>>) target(%dma_start3A_373 : memref<1024xf32, #tpu.memory_space<hbm>>) target_semaphore(%arg15 : memref<!tpu.dma_semaphore, #tpu.memory_space<semaphore_mem>>)
      %mul3A_376 = arith.constant 4 : i32
      %mul3A_377 = arith.muli %shift_right_logical3A_354, %mul3A_376 : i32
      %add3A_378 = arith.constant 0 : i32
      %add3A_379 = arith.addi %mul3A_377, %add3A_378 : i32
      %mul3A_380 = arith.constant 4 : i32
      %mul3A_381 = arith.muli %add3A_379, %mul3A_380 : i32
      %add3A_382 = arith.addi %mul3A_381, %and3A_358 : i32
      %add3A_383 = arith.constant 1 : i32
      %add3A_384 = arith.addi %add3A_382, %add3A_383 : i32
      %mul3A_385 = arith.constant 1024 : i32
      %mul3A_386 = arith.muli %add3A_384, %mul3A_385 : i32
      %dma_start3A_387 = arith.constant 1024 : i32
      %dma_start3A_388 = tpu.memref_slice %arg10[%dma_start3A_387] : memref<8192xf32, #tpu.memory_space<vmem>> -> memref<1024xf32, #tpu.memory_space<vmem>>
      %dma_start3A_389 = tpu.memref_slice %arg6[%mul3A_386] : memref<16777216xf32, #tpu.memory_space<hbm>> -> memref<1024xf32, #tpu.memory_space<hbm>>
      %dma_start3A_390 = tpu.memref_slice %arg6[%mul3A_386] : memref<16777216xf32, #tpu.memory_space<hbm>> -> memref<1024xf32, #tpu.memory_space<hbm>>
      %dma_start3A_391 = arith.constant 1024 : i32
      %dma_start3A_392 = tpu.memref_slice %arg10[%dma_start3A_391] : memref<8192xf32, #tpu.memory_space<vmem>> -> memref<1024xf32, #tpu.memory_space<vmem>>
      tpu.enqueue_dma source(%dma_start3A_392 : memref<1024xf32, #tpu.memory_space<vmem>>) target(%dma_start3A_390 : memref<1024xf32, #tpu.memory_space<hbm>>) target_semaphore(%arg15 : memref<!tpu.dma_semaphore, #tpu.memory_space<semaphore_mem>>)
      %mul3A_393 = arith.constant 4 : i32
      %mul3A_394 = arith.muli %shift_right_logical3A_354, %mul3A_393 : i32
      %add3A_395 = arith.constant 1 : i32
      %add3A_396 = arith.addi %mul3A_394, %add3A_395 : i32
      %mul3A_397 = arith.constant 4 : i32
      %mul3A_398 = arith.muli %add3A_396, %mul3A_397 : i32
      %add3A_399 = arith.addi %mul3A_398, %and3A_358 : i32
      %add3A_400 = arith.constant 0 : i32
      %add3A_401 = arith.addi %add3A_399, %add3A_400 : i32
      %mul3A_402 = arith.constant 1024 : i32
      %mul3A_403 = arith.muli %add3A_401, %mul3A_402 : i32
      %dma_start3A_404 = arith.constant 2048 : i32
      %dma_start3A_405 = tpu.memref_slice %arg10[%dma_start3A_404] : memref<8192xf32, #tpu.memory_space<vmem>> -> memref<1024xf32, #tpu.memory_space<vmem>>
      %dma_start3A_406 = tpu.memref_slice %arg6[%mul3A_403] : memref<16777216xf32, #tpu.memory_space<hbm>> -> memref<1024xf32, #tpu.memory_space<hbm>>
      %dma_start3A_407 = tpu.memref_slice %arg6[%mul3A_403] : memref<16777216xf32, #tpu.memory_space<hbm>> -> memref<1024xf32, #tpu.memory_space<hbm>>
      %dma_start3A_408 = arith.constant 2048 : i32
      %dma_start3A_409 = tpu.memref_slice %arg10[%dma_start3A_408] : memref<8192xf32, #tpu.memory_space<vmem>> -> memref<1024xf32, #tpu.memory_space<vmem>>
      tpu.enqueue_dma source(%dma_start3A_409 : memref<1024xf32, #tpu.memory_space<vmem>>) target(%dma_start3A_407 : memref<1024xf32, #tpu.memory_space<hbm>>) target_semaphore(%arg15 : memref<!tpu.dma_semaphore, #tpu.memory_space<semaphore_mem>>)
      %mul3A_410 = arith.constant 4 : i32
      %mul3A_411 = arith.muli %shift_right_logical3A_354, %mul3A_410 : i32
      %add3A_412 = arith.constant 1 : i32
      %add3A_413 = arith.addi %mul3A_411, %add3A_412 : i32
      %mul3A_414 = arith.constant 4 : i32
      %mul3A_415 = arith.muli %add3A_413, %mul3A_414 : i32
      %add3A_416 = arith.addi %mul3A_415, %and3A_358 : i32
      %add3A_417 = arith.constant 1 : i32
      %add3A_418 = arith.addi %add3A_416, %add3A_417 : i32
      %mul3A_419 = arith.constant 1024 : i32
      %mul3A_420 = arith.muli %add3A_418, %mul3A_419 : i32
      %dma_start3A_421 = arith.constant 3072 : i32
      %dma_start3A_422 = tpu.memref_slice %arg10[%dma_start3A_421] : memref<8192xf32, #tpu.memory_space<vmem>> -> memref<1024xf32, #tpu.memory_space<vmem>>
      %dma_start3A_423 = tpu.memref_slice %arg6[%mul3A_420] : memref<16777216xf32, #tpu.memory_space<hbm>> -> memref<1024xf32, #tpu.memory_space<hbm>>
      %dma_start3A_424 = tpu.memref_slice %arg6[%mul3A_420] : memref<16777216xf32, #tpu.memory_space<hbm>> -> memref<1024xf32, #tpu.memory_space<hbm>>
      %dma_start3A_425 = arith.constant 3072 : i32
      %dma_start3A_426 = tpu.memref_slice %arg10[%dma_start3A_425] : memref<8192xf32, #tpu.memory_space<vmem>> -> memref<1024xf32, #tpu.memory_space<vmem>>
      tpu.enqueue_dma source(%dma_start3A_426 : memref<1024xf32, #tpu.memory_space<vmem>>) target(%dma_start3A_424 : memref<1024xf32, #tpu.memory_space<hbm>>) target_semaphore(%arg15 : memref<!tpu.dma_semaphore, #tpu.memory_space<semaphore_mem>>)
      %mul3A_427 = arith.constant 4 : i32
      %mul3A_428 = arith.muli %shift_right_logical3A_354, %mul3A_427 : i32
      %add3A_429 = arith.constant 2 : i32
      %add3A_430 = arith.addi %mul3A_428, %add3A_429 : i32
      %mul3A_431 = arith.constant 4 : i32
      %mul3A_432 = arith.muli %add3A_430, %mul3A_431 : i32
      %add3A_433 = arith.addi %mul3A_432, %and3A_358 : i32
      %add3A_434 = arith.constant 0 : i32
      %add3A_435 = arith.addi %add3A_433, %add3A_434 : i32
      %mul3A_436 = arith.constant 1024 : i32
      %mul3A_437 = arith.muli %add3A_435, %mul3A_436 : i32
      %dma_start3A_438 = arith.constant 4096 : i32
      %dma_start3A_439 = tpu.memref_slice %arg10[%dma_start3A_438] : memref<8192xf32, #tpu.memory_space<vmem>> -> memref<1024xf32, #tpu.memory_space<vmem>>
      %dma_start3A_440 = tpu.memref_slice %arg6[%mul3A_437] : memref<16777216xf32, #tpu.memory_space<hbm>> -> memref<1024xf32, #tpu.memory_space<hbm>>
      %dma_start3A_441 = tpu.memref_slice %arg6[%mul3A_437] : memref<16777216xf32, #tpu.memory_space<hbm>> -> memref<1024xf32, #tpu.memory_space<hbm>>
      %dma_start3A_442 = arith.constant 4096 : i32
      %dma_start3A_443 = tpu.memref_slice %arg10[%dma_start3A_442] : memref<8192xf32, #tpu.memory_space<vmem>> -> memref<1024xf32, #tpu.memory_space<vmem>>
      tpu.enqueue_dma source(%dma_start3A_443 : memref<1024xf32, #tpu.memory_space<vmem>>) target(%dma_start3A_441 : memref<1024xf32, #tpu.memory_space<hbm>>) target_semaphore(%arg15 : memref<!tpu.dma_semaphore, #tpu.memory_space<semaphore_mem>>)
      %mul3A_444 = arith.constant 4 : i32
      %mul3A_445 = arith.muli %shift_right_logical3A_354, %mul3A_444 : i32
      %add3A_446 = arith.constant 2 : i32
      %add3A_447 = arith.addi %mul3A_445, %add3A_446 : i32
      %mul3A_448 = arith.constant 4 : i32
      %mul3A_449 = arith.muli %add3A_447, %mul3A_448 : i32
      %add3A_450 = arith.addi %mul3A_449, %and3A_358 : i32
      %add3A_451 = arith.constant 1 : i32
      %add3A_452 = arith.addi %add3A_450, %add3A_451 : i32
      %mul3A_453 = arith.constant 1024 : i32
      %mul3A_454 = arith.muli %add3A_452, %mul3A_453 : i32
      %dma_start3A_455 = arith.constant 5120 : i32
      %dma_start3A_456 = tpu.memref_slice %arg10[%dma_start3A_455] : memref<8192xf32, #tpu.memory_space<vmem>> -> memref<1024xf32, #tpu.memory_space<vmem>>
      %dma_start3A_457 = tpu.memref_slice %arg6[%mul3A_454] : memref<16777216xf32, #tpu.memory_space<hbm>> -> memref<1024xf32, #tpu.memory_space<hbm>>
      %dma_start3A_458 = tpu.memref_slice %arg6[%mul3A_454] : memref<16777216xf32, #tpu.memory_space<hbm>> -> memref<1024xf32, #tpu.memory_space<hbm>>
      %dma_start3A_459 = arith.constant 5120 : i32
      %dma_start3A_460 = tpu.memref_slice %arg10[%dma_start3A_459] : memref<8192xf32, #tpu.memory_space<vmem>> -> memref<1024xf32, #tpu.memory_space<vmem>>
      tpu.enqueue_dma source(%dma_start3A_460 : memref<1024xf32, #tpu.memory_space<vmem>>) target(%dma_start3A_458 : memref<1024xf32, #tpu.memory_space<hbm>>) target_semaphore(%arg15 : memref<!tpu.dma_semaphore, #tpu.memory_space<semaphore_mem>>)
      %mul3A_461 = arith.constant 4 : i32
      %mul3A_462 = arith.muli %shift_right_logical3A_354, %mul3A_461 : i32
      %add3A_463 = arith.constant 3 : i32
      %add3A_464 = arith.addi %mul3A_462, %add3A_463 : i32
      %mul3A_465 = arith.constant 4 : i32
      %mul3A_466 = arith.muli %add3A_464, %mul3A_465 : i32
      %add3A_467 = arith.addi %mul3A_466, %and3A_358 : i32
      %add3A_468 = arith.constant 0 : i32
      %add3A_469 = arith.addi %add3A_467, %add3A_468 : i32
      %mul3A_470 = arith.constant 1024 : i32
      %mul3A_471 = arith.muli %add3A_469, %mul3A_470 : i32
      %dma_start3A_472 = arith.constant 6144 : i32
      %dma_start3A_473 = tpu.memref_slice %arg10[%dma_start3A_472] : memref<8192xf32, #tpu.memory_space<vmem>> -> memref<1024xf32, #tpu.memory_space<vmem>>
      %dma_start3A_474 = tpu.memref_slice %arg6[%mul3A_471] : memref<16777216xf32, #tpu.memory_space<hbm>> -> memref<1024xf32, #tpu.memory_space<hbm>>
      %dma_start3A_475 = tpu.memref_slice %arg6[%mul3A_471] : memref<16777216xf32, #tpu.memory_space<hbm>> -> memref<1024xf32, #tpu.memory_space<hbm>>
      %dma_start3A_476 = arith.constant 6144 : i32
      %dma_start3A_477 = tpu.memref_slice %arg10[%dma_start3A_476] : memref<8192xf32, #tpu.memory_space<vmem>> -> memref<1024xf32, #tpu.memory_space<vmem>>
      tpu.enqueue_dma source(%dma_start3A_477 : memref<1024xf32, #tpu.memory_space<vmem>>) target(%dma_start3A_475 : memref<1024xf32, #tpu.memory_space<hbm>>) target_semaphore(%arg15 : memref<!tpu.dma_semaphore, #tpu.memory_space<semaphore_mem>>)
      %mul3A_478 = arith.constant 4 : i32
      %mul3A_479 = arith.muli %shift_right_logical3A_354, %mul3A_478 : i32
      %add3A_480 = arith.constant 3 : i32
      %add3A_481 = arith.addi %mul3A_479, %add3A_480 : i32
      %mul3A_482 = arith.constant 4 : i32
      %mul3A_483 = arith.muli %add3A_481, %mul3A_482 : i32
      %add3A_484 = arith.addi %mul3A_483, %and3A_358 : i32
      %add3A_485 = arith.constant 1 : i32
      %add3A_486 = arith.addi %add3A_484, %add3A_485 : i32
      %mul3A_487 = arith.constant 1024 : i32
      %mul3A_488 = arith.muli %add3A_486, %mul3A_487 : i32
      %dma_start3A_489 = arith.constant 7168 : i32
      %dma_start3A_490 = tpu.memref_slice %arg10[%dma_start3A_489] : memref<8192xf32, #tpu.memory_space<vmem>> -> memref<1024xf32, #tpu.memory_space<vmem>>
      %dma_start3A_491 = tpu.memref_slice %arg6[%mul3A_488] : memref<16777216xf32, #tpu.memory_space<hbm>> -> memref<1024xf32, #tpu.memory_space<hbm>>
      %dma_start3A_492 = tpu.memref_slice %arg6[%mul3A_488] : memref<16777216xf32, #tpu.memory_space<hbm>> -> memref<1024xf32, #tpu.memory_space<hbm>>
      %dma_start3A_493 = arith.constant 7168 : i32
      %dma_start3A_494 = tpu.memref_slice %arg10[%dma_start3A_493] : memref<8192xf32, #tpu.memory_space<vmem>> -> memref<1024xf32, #tpu.memory_space<vmem>>
      tpu.enqueue_dma source(%dma_start3A_494 : memref<1024xf32, #tpu.memory_space<vmem>>) target(%dma_start3A_492 : memref<1024xf32, #tpu.memory_space<hbm>>) target_semaphore(%arg15 : memref<!tpu.dma_semaphore, #tpu.memory_space<semaphore_mem>>)
      %scan3A_495 = arith.constant 0 : i32
      scf.yield %scan3A_495 : i32
    }
    %scan3A_14 = arith.constant 64 : i32
    %add3A_15 = arith.constant 16128 : i32
    %add3A_16 = arith.addi %mul3A_2, %add3A_15 : i32
    %shift_right_logical3A = arith.constant 9 : i32
    %shift_right_logical3A_17 = arith.shrui %add3A_16, %shift_right_logical3A : i32
    %shift_right_logical3A_18 = arith.constant 7 : i32
    %shift_right_logical3A_19 = arith.shrui %add3A_16, %shift_right_logical3A_18 : i32
    %and3A = arith.constant 3 : i32
    %and3A_20 = arith.andi %shift_right_logical3A_19, %and3A : i32
    %mul3A_21 = arith.constant 4 : i32
    %mul3A_22 = arith.muli %shift_right_logical3A_17, %mul3A_21 : i32
    %add3A_23 = arith.constant 0 : i32
    %add3A_24 = arith.addi %mul3A_22, %add3A_23 : i32
    %mul3A_25 = arith.constant 4 : i32
    %mul3A_26 = arith.muli %add3A_24, %mul3A_25 : i32
    %add3A_27 = arith.addi %mul3A_26, %and3A_20 : i32
    %add3A_28 = arith.constant 0 : i32
    %add3A_29 = arith.addi %add3A_27, %add3A_28 : i32
    %mul3A_30 = arith.constant 1024 : i32
    %mul3A_31 = arith.muli %add3A_29, %mul3A_30 : i32
    %dma_wait3A = arith.constant 0 : i32
    %dma_wait3A_32 = tpu.memref_slice %arg10[%dma_wait3A] : memref<8192xf32, #tpu.memory_space<vmem>> -> memref<1024xf32, #tpu.memory_space<vmem>>
    %dma_wait3A_33 = tpu.memref_slice %arg6[%mul3A_31] : memref<16777216xf32, #tpu.memory_space<hbm>> -> memref<1024xf32, #tpu.memory_space<hbm>>
    %dma_wait3A_34 = tpu.memref_slice %arg6[%mul3A_31] : memref<16777216xf32, #tpu.memory_space<hbm>> -> memref<1024xf32, #tpu.memory_space<hbm>>
    %dma_wait3A_35 = arith.constant 0 : i32
    %dma_wait3A_36 = tpu.memref_slice %arg10[%dma_wait3A_35] : memref<8192xf32, #tpu.memory_space<vmem>> -> memref<1024xf32, #tpu.memory_space<vmem>>
    tpu.wait_dma2 semaphore(%arg15 : memref<!tpu.dma_semaphore, #tpu.memory_space<semaphore_mem>>) src(%dma_wait3A_36 : memref<1024xf32, #tpu.memory_space<vmem>>) dst(%dma_wait3A_34 : memref<1024xf32, #tpu.memory_space<hbm>>)
    %mul3A_37 = arith.constant 4 : i32
    %mul3A_38 = arith.muli %shift_right_logical3A_17, %mul3A_37 : i32
    %add3A_39 = arith.constant 0 : i32
    %add3A_40 = arith.addi %mul3A_38, %add3A_39 : i32
    %mul3A_41 = arith.constant 4 : i32
    %mul3A_42 = arith.muli %add3A_40, %mul3A_41 : i32
    %add3A_43 = arith.addi %mul3A_42, %and3A_20 : i32
    %add3A_44 = arith.constant 1 : i32
    %add3A_45 = arith.addi %add3A_43, %add3A_44 : i32
    %mul3A_46 = arith.constant 1024 : i32
    %mul3A_47 = arith.muli %add3A_45, %mul3A_46 : i32
    %dma_wait3A_48 = arith.constant 1024 : i32
    %dma_wait3A_49 = tpu.memref_slice %arg10[%dma_wait3A_48] : memref<8192xf32, #tpu.memory_space<vmem>> -> memref<1024xf32, #tpu.memory_space<vmem>>
    %dma_wait3A_50 = tpu.memref_slice %arg6[%mul3A_47] : memref<16777216xf32, #tpu.memory_space<hbm>> -> memref<1024xf32, #tpu.memory_space<hbm>>
    %dma_wait3A_51 = tpu.memref_slice %arg6[%mul3A_47] : memref<16777216xf32, #tpu.memory_space<hbm>> -> memref<1024xf32, #tpu.memory_space<hbm>>
    %dma_wait3A_52 = arith.constant 1024 : i32
    %dma_wait3A_53 = tpu.memref_slice %arg10[%dma_wait3A_52] : memref<8192xf32, #tpu.memory_space<vmem>> -> memref<1024xf32, #tpu.memory_space<vmem>>
    tpu.wait_dma2 semaphore(%arg15 : memref<!tpu.dma_semaphore, #tpu.memory_space<semaphore_mem>>) src(%dma_wait3A_53 : memref<1024xf32, #tpu.memory_space<vmem>>) dst(%dma_wait3A_51 : memref<1024xf32, #tpu.memory_space<hbm>>)
    %mul3A_54 = arith.constant 4 : i32
    %mul3A_55 = arith.muli %shift_right_logical3A_17, %mul3A_54 : i32
    %add3A_56 = arith.constant 1 : i32
    %add3A_57 = arith.addi %mul3A_55, %add3A_56 : i32
    %mul3A_58 = arith.constant 4 : i32
    %mul3A_59 = arith.muli %add3A_57, %mul3A_58 : i32
    %add3A_60 = arith.addi %mul3A_59, %and3A_20 : i32
    %add3A_61 = arith.constant 0 : i32
    %add3A_62 = arith.addi %add3A_60, %add3A_61 : i32
    %mul3A_63 = arith.constant 1024 : i32
    %mul3A_64 = arith.muli %add3A_62, %mul3A_63 : i32
    %dma_wait3A_65 = arith.constant 2048 : i32
    %dma_wait3A_66 = tpu.memref_slice %arg10[%dma_wait3A_65] : memref<8192xf32, #tpu.memory_space<vmem>> -> memref<1024xf32, #tpu.memory_space<vmem>>
    %dma_wait3A_67 = tpu.memref_slice %arg6[%mul3A_64] : memref<16777216xf32, #tpu.memory_space<hbm>> -> memref<1024xf32, #tpu.memory_space<hbm>>
    %dma_wait3A_68 = tpu.memref_slice %arg6[%mul3A_64] : memref<16777216xf32, #tpu.memory_space<hbm>> -> memref<1024xf32, #tpu.memory_space<hbm>>
    %dma_wait3A_69 = arith.constant 2048 : i32
    %dma_wait3A_70 = tpu.memref_slice %arg10[%dma_wait3A_69] : memref<8192xf32, #tpu.memory_space<vmem>> -> memref<1024xf32, #tpu.memory_space<vmem>>
    tpu.wait_dma2 semaphore(%arg15 : memref<!tpu.dma_semaphore, #tpu.memory_space<semaphore_mem>>) src(%dma_wait3A_70 : memref<1024xf32, #tpu.memory_space<vmem>>) dst(%dma_wait3A_68 : memref<1024xf32, #tpu.memory_space<hbm>>)
    %mul3A_71 = arith.constant 4 : i32
    %mul3A_72 = arith.muli %shift_right_logical3A_17, %mul3A_71 : i32
    %add3A_73 = arith.constant 1 : i32
    %add3A_74 = arith.addi %mul3A_72, %add3A_73 : i32
    %mul3A_75 = arith.constant 4 : i32
    %mul3A_76 = arith.muli %add3A_74, %mul3A_75 : i32
    %add3A_77 = arith.addi %mul3A_76, %and3A_20 : i32
    %add3A_78 = arith.constant 1 : i32
    %add3A_79 = arith.addi %add3A_77, %add3A_78 : i32
    %mul3A_80 = arith.constant 1024 : i32
    %mul3A_81 = arith.muli %add3A_79, %mul3A_80 : i32
    %dma_wait3A_82 = arith.constant 3072 : i32
    %dma_wait3A_83 = tpu.memref_slice %arg10[%dma_wait3A_82] : memref<8192xf32, #tpu.memory_space<vmem>> -> memref<1024xf32, #tpu.memory_space<vmem>>
    %dma_wait3A_84 = tpu.memref_slice %arg6[%mul3A_81] : memref<16777216xf32, #tpu.memory_space<hbm>> -> memref<1024xf32, #tpu.memory_space<hbm>>
    %dma_wait3A_85 = tpu.memref_slice %arg6[%mul3A_81] : memref<16777216xf32, #tpu.memory_space<hbm>> -> memref<1024xf32, #tpu.memory_space<hbm>>
    %dma_wait3A_86 = arith.constant 3072 : i32
    %dma_wait3A_87 = tpu.memref_slice %arg10[%dma_wait3A_86] : memref<8192xf32, #tpu.memory_space<vmem>> -> memref<1024xf32, #tpu.memory_space<vmem>>
    tpu.wait_dma2 semaphore(%arg15 : memref<!tpu.dma_semaphore, #tpu.memory_space<semaphore_mem>>) src(%dma_wait3A_87 : memref<1024xf32, #tpu.memory_space<vmem>>) dst(%dma_wait3A_85 : memref<1024xf32, #tpu.memory_space<hbm>>)
    %mul3A_88 = arith.constant 4 : i32
    %mul3A_89 = arith.muli %shift_right_logical3A_17, %mul3A_88 : i32
    %add3A_90 = arith.constant 2 : i32
    %add3A_91 = arith.addi %mul3A_89, %add3A_90 : i32
    %mul3A_92 = arith.constant 4 : i32
    %mul3A_93 = arith.muli %add3A_91, %mul3A_92 : i32
    %add3A_94 = arith.addi %mul3A_93, %and3A_20 : i32
    %add3A_95 = arith.constant 0 : i32
    %add3A_96 = arith.addi %add3A_94, %add3A_95 : i32
    %mul3A_97 = arith.constant 1024 : i32
    %mul3A_98 = arith.muli %add3A_96, %mul3A_97 : i32
    %dma_wait3A_99 = arith.constant 4096 : i32
    %dma_wait3A_100 = tpu.memref_slice %arg10[%dma_wait3A_99] : memref<8192xf32, #tpu.memory_space<vmem>> -> memref<1024xf32, #tpu.memory_space<vmem>>
    %dma_wait3A_101 = tpu.memref_slice %arg6[%mul3A_98] : memref<16777216xf32, #tpu.memory_space<hbm>> -> memref<1024xf32, #tpu.memory_space<hbm>>
    %dma_wait3A_102 = tpu.memref_slice %arg6[%mul3A_98] : memref<16777216xf32, #tpu.memory_space<hbm>> -> memref<1024xf32, #tpu.memory_space<hbm>>
    %dma_wait3A_103 = arith.constant 4096 : i32
    %dma_wait3A_104 = tpu.memref_slice %arg10[%dma_wait3A_103] : memref<8192xf32, #tpu.memory_space<vmem>> -> memref<1024xf32, #tpu.memory_space<vmem>>
    tpu.wait_dma2 semaphore(%arg15 : memref<!tpu.dma_semaphore, #tpu.memory_space<semaphore_mem>>) src(%dma_wait3A_104 : memref<1024xf32, #tpu.memory_space<vmem>>) dst(%dma_wait3A_102 : memref<1024xf32, #tpu.memory_space<hbm>>)
    %mul3A_105 = arith.constant 4 : i32
    %mul3A_106 = arith.muli %shift_right_logical3A_17, %mul3A_105 : i32
    %add3A_107 = arith.constant 2 : i32
    %add3A_108 = arith.addi %mul3A_106, %add3A_107 : i32
    %mul3A_109 = arith.constant 4 : i32
    %mul3A_110 = arith.muli %add3A_108, %mul3A_109 : i32
    %add3A_111 = arith.addi %mul3A_110, %and3A_20 : i32
    %add3A_112 = arith.constant 1 : i32
    %add3A_113 = arith.addi %add3A_111, %add3A_112 : i32
    %mul3A_114 = arith.constant 1024 : i32
    %mul3A_115 = arith.muli %add3A_113, %mul3A_114 : i32
    %dma_wait3A_116 = arith.constant 5120 : i32
    %dma_wait3A_117 = tpu.memref_slice %arg10[%dma_wait3A_116] : memref<8192xf32, #tpu.memory_space<vmem>> -> memref<1024xf32, #tpu.memory_space<vmem>>
    %dma_wait3A_118 = tpu.memref_slice %arg6[%mul3A_115] : memref<16777216xf32, #tpu.memory_space<hbm>> -> memref<1024xf32, #tpu.memory_space<hbm>>
    %dma_wait3A_119 = tpu.memref_slice %arg6[%mul3A_115] : memref<16777216xf32, #tpu.memory_space<hbm>> -> memref<1024xf32, #tpu.memory_space<hbm>>
    %dma_wait3A_120 = arith.constant 5120 : i32
    %dma_wait3A_121 = tpu.memref_slice %arg10[%dma_wait3A_120] : memref<8192xf32, #tpu.memory_space<vmem>> -> memref<1024xf32, #tpu.memory_space<vmem>>
    tpu.wait_dma2 semaphore(%arg15 : memref<!tpu.dma_semaphore, #tpu.memory_space<semaphore_mem>>) src(%dma_wait3A_121 : memref<1024xf32, #tpu.memory_space<vmem>>) dst(%dma_wait3A_119 : memref<1024xf32, #tpu.memory_space<hbm>>)
    %mul3A_122 = arith.constant 4 : i32
    %mul3A_123 = arith.muli %shift_right_logical3A_17, %mul3A_122 : i32
    %add3A_124 = arith.constant 3 : i32
    %add3A_125 = arith.addi %mul3A_123, %add3A_124 : i32
    %mul3A_126 = arith.constant 4 : i32
    %mul3A_127 = arith.muli %add3A_125, %mul3A_126 : i32
    %add3A_128 = arith.addi %mul3A_127, %and3A_20 : i32
    %add3A_129 = arith.constant 0 : i32
    %add3A_130 = arith.addi %add3A_128, %add3A_129 : i32
    %mul3A_131 = arith.constant 1024 : i32
    %mul3A_132 = arith.muli %add3A_130, %mul3A_131 : i32
    %dma_wait3A_133 = arith.constant 6144 : i32
    %dma_wait3A_134 = tpu.memref_slice %arg10[%dma_wait3A_133] : memref<8192xf32, #tpu.memory_space<vmem>> -> memref<1024xf32, #tpu.memory_space<vmem>>
    %dma_wait3A_135 = tpu.memref_slice %arg6[%mul3A_132] : memref<16777216xf32, #tpu.memory_space<hbm>> -> memref<1024xf32, #tpu.memory_space<hbm>>
    %dma_wait3A_136 = tpu.memref_slice %arg6[%mul3A_132] : memref<16777216xf32, #tpu.memory_space<hbm>> -> memref<1024xf32, #tpu.memory_space<hbm>>
    %dma_wait3A_137 = arith.constant 6144 : i32
    %dma_wait3A_138 = tpu.memref_slice %arg10[%dma_wait3A_137] : memref<8192xf32, #tpu.memory_space<vmem>> -> memref<1024xf32, #tpu.memory_space<vmem>>
    tpu.wait_dma2 semaphore(%arg15 : memref<!tpu.dma_semaphore, #tpu.memory_space<semaphore_mem>>) src(%dma_wait3A_138 : memref<1024xf32, #tpu.memory_space<vmem>>) dst(%dma_wait3A_136 : memref<1024xf32, #tpu.memory_space<hbm>>)
    %mul3A_139 = arith.constant 4 : i32
    %mul3A_140 = arith.muli %shift_right_logical3A_17, %mul3A_139 : i32
    %add3A_141 = arith.constant 3 : i32
    %add3A_142 = arith.addi %mul3A_140, %add3A_141 : i32
    %mul3A_143 = arith.constant 4 : i32
    %mul3A_144 = arith.muli %add3A_142, %mul3A_143 : i32
    %add3A_145 = arith.addi %mul3A_144, %and3A_20 : i32
    %add3A_146 = arith.constant 1 : i32
    %add3A_147 = arith.addi %add3A_145, %add3A_146 : i32
    %mul3A_148 = arith.constant 1024 : i32
    %mul3A_149 = arith.muli %add3A_147, %mul3A_148 : i32
    %dma_wait3A_150 = arith.constant 7168 : i32
    %dma_wait3A_151 = tpu.memref_slice %arg10[%dma_wait3A_150] : memref<8192xf32, #tpu.memory_space<vmem>> -> memref<1024xf32, #tpu.memory_space<vmem>>
    %dma_wait3A_152 = tpu.memref_slice %arg6[%mul3A_149] : memref<16777216xf32, #tpu.memory_space<hbm>> -> memref<1024xf32, #tpu.memory_space<hbm>>
    %dma_wait3A_153 = tpu.memref_slice %arg6[%mul3A_149] : memref<16777216xf32, #tpu.memory_space<hbm>> -> memref<1024xf32, #tpu.memory_space<hbm>>
    %dma_wait3A_154 = arith.constant 7168 : i32
    %dma_wait3A_155 = tpu.memref_slice %arg10[%dma_wait3A_154] : memref<8192xf32, #tpu.memory_space<vmem>> -> memref<1024xf32, #tpu.memory_space<vmem>>
    tpu.wait_dma2 semaphore(%arg15 : memref<!tpu.dma_semaphore, #tpu.memory_space<semaphore_mem>>) src(%dma_wait3A_155 : memref<1024xf32, #tpu.memory_space<vmem>>) dst(%dma_wait3A_153 : memref<1024xf32, #tpu.memory_space<hbm>>)
    return
  }
}

</mosaic_0001>

<sc_bundles>
// kernel: kernel.4.cloned.1.call-start
scs
__scs_entry_jumppad:
0x0: {  	(pc) =	sbr.rel $0x88, $3  }
0x1: {  	(tag) =	ssettag $0x0;
	lr =	simm.s32 $0x1  }
0x2: {  	[smem:$0x3F9F] =	sst lr;
	_ =	strace $0xD0000000  }
0x3: {  	_ = 	snop  }
0x4: {  	_ = 	snop  }
0x5: {  	_ = 	snop  }
0x6: {  	_ = 	snop  }
0x7: {  	_ = 	snop  }
__scs_overlays_trampoline_lowered:
0x8: {  	[smem:$0x3FAE] =	sst s0  }
0x9: {  	[smem:$0x3FAF] =	sst s1  }
0xa: {  	[smem:$0x3FB0] =	sst s2  }
0xb: {  	[smem:$0x3FB1] =	sst s3  }
0xc: {  	[smem:$0x3FB2] =	sst s4  }
0xd: {  	[smem:$0x3FB3] =	sst s5  }
0xe: {  	[smem:$0x3FB4] =	sst s6  }
0xf: {  	[smem:$0x3FB5] =	sst s7  }
0x10: {  	[smem:$0x3FB6] =	sst s8  }
0x11: {  	[smem:$0x3FB7] =	sst s9;
	s0 =	simm.s32 @!p0 $0x0  }
0x12: {  	s1 =	sld [smem:$0x3F9D];
	s0 =	simm.s32 @p0 $0x1  }
0x13: {  	[smem:$0x3FB8] =	sst s0;
	s0 =	simm.s32 @!p1 $0x0  }
0x14: {  	s2 =	sld [smem:$0x3F9C];
	s0 =	simm.s32 @p1 $0x1  }
0x15: {  	[smem:$0x3FB9] =	sst s0;
	s0 =	simm.s32 @!p2 $0x0  }
0x16: {  	s3 =	sld [smem:$0x3FDB];
	s0 =	simm.s32 @p2 $0x1  }
0x17: {  	s4 =	simm.s32 $0x1BF5;
	[smem:$0x3FBB] =	sst s0  }
0x18: {  	s0 =	sld [smem:$0x3F9E];
	_ =	swait.ge [sflag:s4], $0x0  }
0x19: {  	s7 =	sld [smem:$0x3F9F]  }
0x1a: {  	s8 =	sadd.s32 $0xFFFFE003, lr  }
0x1b: {  	s9 =	sadd.s32 $0xFFFFFEF7, lr;
	s5 =	simm.s32 $0xFFFFFFFF;
	p2 =	slt.u32 s8, $0xFFFFF086  }
0x1c: {  	p1 =	slt.u32 s9, $0xF7A;
	s5 =	simm.s32 @!p2 $0x0  }
0x1d: {  	s5 =	simm.s32 @p1 $0x1;
	p0 =	seq.s32 s7, s2  }
0x1e: {  	s7 =	smul.u32 @!p0 $0xF7A, s2;
	p2 =	seq.s32 @!p0 s5, $0x0  }
0x1f: {  	s9 =	smul.u32 $0xF7A, s1;
	s8 =	simm.s32 @!p0 $0x1BF5;
	p2 =	por !p2, p0  }
0x20: {  	[sflag:s8] =	ssyncset.s32 @!p0 $0xFFFFF086;
	s6 =	sadd.s32 @!p0 s3, s7;
	s7 =	simm.s32 @!p0 $0x108  }
0x21: {  	s3 =	sadd.s32 s3, s9;
	s6 =	sadd.s32 @!p0 $0x88, s6;
	s7 =	simm.s32 @p2 $0x1082  }
0x22: {  	[simem:s7], [sflag:s8] =	dma.local @!p0 [hbm:s6], $0xF7A  }
0x23: {  	s9 =	sor.u32 $0xD0000000, s2;
	s6 =	simm.s32 $0x108;
	_ =	swait.ge @!p0 [sflag:s8], $0x0  }
0x24: {  	s3 =	sadd.s32 $0x88, s3;
	s6 =	simm.s32 @!p1 $0x1082;
	[sflag:s4] =	ssyncset.s32 $0xFFFFF086  }
0x25: {  	[simem:s6], [sflag:s4] =	dma.local [hbm:s3], $0xF7A  }
0x26: {  	[smem:$0x3F9F] =	sst s1;
	(tag) =	ssettag s2;
	_ =	strace s9  }
0x27: {  	s1 =	sld [smem:$0x3FAF]  }
0x28: {  	s2 =	sld [smem:$0x3FB0]  }
0x29: {  	s4 =	sld [smem:$0x3FB2]  }
0x2a: {  	p0 =	seq.s32 s5, $0x0;
	s5 =	sld [smem:$0x3FB3]  }
0x2b: {  	s6 =	sld [smem:$0x3FB4]  }
0x2c: {  	s7 =	sld [smem:$0x3FB5]  }
0x2d: {  	s3 =	simm.s32 $0x108;
	s8 =	sld [smem:$0x3FB6]  }
0x2e: {  	s3 =	simm.s32 @!p0 $0x1082;
	s9 =	sld [smem:$0x3FB7]  }
0x2f: {  	lr =	sadd.s32 s0, s3;
	s0 =	sld [smem:$0x3FAE]  }
0x30: {  	s3 =	sld [smem:$0x3FB1]  }
0x31: {  	[smem:$0x3FBA] =	sst s10  }
0x32: {  	s10 =	sld [smem:$0x3FB8];
	_ =	sdelay $0x3  }
0x33: {  	p0 =	seq.s32 s10, $0x1;
	s10 =	sld [smem:$0x3FBA];
	_ =	sdelay $0x3  }
0x34: {  	[smem:$0x3FBA] =	sst s10  }
0x35: {  	s10 =	sld [smem:$0x3FB9];
	_ =	sdelay $0x3  }
0x36: {  	p1 =	seq.s32 s10, $0x1;
	s10 =	sld [smem:$0x3FBA];
	_ =	sdelay $0x3  }
0x37: {  	[smem:$0x3FBA] =	sst s10  }
0x38: {  	s10 =	sld [smem:$0x3FBB]  }
0x39: {  	_ = 	snop;
	(pc) =	sbr.ind lr, $3  }
0x3a: {  	_ = 	snop  }
0x3b: {  	_ = 	snop  }
0x3c: {  	p2 =	seq.s32 s10, $0x1;
	s10 =	sld [smem:$0x3FBA]  }
0x3d: {  	_ =	shalt  }
0x3e: {  	_ =	shalt  }
0x3f: {  	_ =	shalt  }
0x40: {  	_ =	shalt  }
0x41: {  	_ =	shalt  }
0x42: {  	_ =	shalt  }
0x43: {  	_ =	shalt  }
0x44: {  	_ =	shalt  }
0x45: {  	_ =	shalt  }
0x46: {  	_ =	shalt  }
0x47: {  	_ =	shalt  }
0x48: {  	_ =	shalt  }
0x49: {  	_ =	shalt  }
0x4a: {  	_ =	shalt  }
0x4b: {  	_ =	shalt  }
0x4c: {  	_ =	shalt  }
0x4d: {  	_ =	shalt  }
0x4e: {  	_ =	shalt  }
0x4f: {  	_ =	shalt  }
0x50: {  	_ =	shalt  }
0x51: {  	_ =	shalt  }
0x52: {  	_ =	shalt  }
0x53: {  	_ =	shalt  }
0x54: {  	_ =	shalt  }
0x55: {  	_ =	shalt  }
0x56: {  	_ =	shalt  }
0x57: {  	_ =	shalt  }
0x58: {  	_ =	shalt  }
0x59: {  	_ =	shalt  }
0x5a: {  	_ =	shalt  }
0x5b: {  	_ =	shalt  }
0x5c: {  	_ =	shalt  }
0x5d: {  	_ =	shalt  }
0x5e: {  	_ =	shalt  }
0x5f: {  	_ =	shalt  }
0x60: {  	_ =	shalt  }
0x61: {  	_ =	shalt  }
0x62: {  	_ =	shalt  }
0x63: {  	_ =	shalt  }
0x64: {  	_ =	shalt  }
0x65: {  	_ =	shalt  }
0x66: {  	_ =	shalt  }
0x67: {  	_ =	shalt  }
0x68: {  	_ =	shalt  }
0x69: {  	_ =	shalt  }
0x6a: {  	_ =	shalt  }
0x6b: {  	_ =	shalt  }
0x6c: {  	_ =	shalt  }
0x6d: {  	_ =	shalt  }
0x6e: {  	_ =	shalt  }
0x6f: {  	_ =	shalt  }
0x70: {  	_ =	shalt  }
0x71: {  	_ =	shalt  }
0x72: {  	_ =	shalt  }
0x73: {  	_ =	shalt  }
0x74: {  	_ =	shalt  }
0x75: {  	_ =	shalt  }
0x76: {  	_ =	shalt  }
0x77: {  	_ =	shalt  }
0x78: {  	_ =	shalt  }
0x79: {  	_ =	shalt  }
0x7a: {  	_ =	shalt  }
0x7b: {  	_ =	shalt  }
0x7c: {  	_ =	shalt  }
0x7d: {  	_ =	shalt  }
0x7e: {  	_ =	shalt  }
0x7f: {  	_ =	shalt  }
0x80: {  	_ =	shalt  }
0x81: {  	_ =	shalt  }
0x82: {  	_ =	shalt  }
0x83: {  	_ =	shalt  }
0x84: {  	_ =	shalt  }
0x85: {  	_ =	shalt  }
0x86: {  	_ =	shalt  }
0x87: {  	_ =	shalt  }
.Lfunc_end0:
.L_simem_size_0:
called_computation_lowered:
.L_overlay_start_0:
0x88: {  	s2 =	sld [smem:$0x3FD9]  }
0x89: {  	s3 =	sld [smem:$0x3FFE];
	_ =	sdelay $0x1  }
0x8a: {  	s1 =	srdreg.scid  }
0x8b: {  	s0 =	sand.u32 $0x1, s1  }
0x8c: {  	s17 =	sshll.u32 s0, $0xA;
	s2 =	sadd.s32 s3, s2  }
0x8d: {  	s2 =	sadd.s32 s2, s17  }
0x8e: {  	[smem:$0x3FC6] =	sst s2  }
0x8f: {  	_ = 	snop  }
0x90: {  	s2 =	sld [smem:$0x3FC8];
	(tm) =	ssettm $0x1  }
0x91: {  	s18 =	sld [smem:$0x3FFB];
	_ =	sdelay $0x3  }
0x92: {  	_ =	strace s18  }
0x93: {  	s3 =	sld [smem:$0x3FFC];
	_ =	sdelay $0x3  }
0x94: {  	_ =	strace s3  }
0x95: {  	s3 =	sld [smem:$0x3FFD];
	_ =	sdelay $0x3  }
0x96: {  	_ =	strace s3  }
0x97: {  	_ =	strace $0x8FFFFFFF  }
0x98: {  	s19 =	sld [smem:$0x3FDB];
	_ =	sdelay $0x1  }
0x99: {  	s4 =	simm.s32 $_scs_section_size  }
0x9a: {  	s5 =	simm.s32 $_size__tile_overlayer_lowered;
	s6 =	simm.s32 $_tile_overlayer_lowered  }
0x9b: {  	s22 =	simm.s32 $0x1BFF;
	s21 =	sshll.u32 s6, $0x1;
	s3 =	sadd.s32 s4, s19  }
0x9c: {  	s7 =	simm.s32 $0x0;
	s20 =	sshll.u32 s5, $0x1;
	s5 =	sadd.s32 s21, s3  }
0x9d: {  	[timem:s7], [sflag:s22] =	dma.local [hbm:s5], s20  }
0x9e: {  	_ =	swait.ge [sflag:s22], s20  }
0x9f: {  	s4 =	ssub.s32 $0x0, s20;
	[sflag:s22] =	ssyncset.done $0x0  }
0xa0: {  	[sflag:s22] =	ssyncadd.s32 s4;
	_ =	sdelay $0x1  }
0xa1: {  	s23 =	simm.s32 $0x1B8B  }
0xa2: {  	_ =	swait.ge [sflag:s23], $0x1  }
0xa3: {  	[sflag:s23] =	ssyncset.done $0x0  }
0xa4: {  	s25 =	simm.s32 $0x1B8E;
	s24 =	sld [smem:$0x3FFE];
	[sflag:s23] =	ssyncadd.s32 $0xFFFFFFFF  }
0xa5: {  	s26 =	simm.s32 $execute0_lowered;
	[smem:$0x3FD2] =	sst s25  }
0xa6: {  	s5 =	sshll.u32 s26, $0x1;
	_ =	strace $0x80000046;
	[dreg:$0x1] =	wrdreg $0xFFFFFFFF  }
0xa7: {  	s28 =	simm.s32 $_size_execute0_lowered;
	s3 =	sadd.s32 s3, s5;
	[dreg:$0x0] =	wrdreg $0x0  }
0xa8: {  	s5 =	sshll.u32 s28, $0x1;
	[dreg:$0x2] =	wrdreg s3  }
0xa9: {  	[dreg:$0x3] =	wrdreg s5  }
0xaa: {  	[dreg:$0x4] =	wrdreg $0xC0  }
0xab: {  	_ =	task [dreg:s7], $0x5FFFF  }
0xac: {  	[dreg:$0x1] =	wrdreg $0xFFFFFFFF  }
0xad: {  	[dreg:$0x0] =	wrdreg $0x60  }
0xae: {  	[dreg:$0x2] =	wrdreg s2  }
0xaf: {  	[dreg:$0x3] =	wrdreg s24  }
0xb0: {  	[dreg:$0x4] =	wrdreg $0x9  }
0xb1: {  	_ =	task.clear_ibuf [dreg:s7], $0x5FFFF;
	_ =	strace $0x90000046  }
0xb2: {  	s29 =	simm.s32 $0x9;
	_ =	strace $0x80000048  }
0xb3: {  	_ =	swait.ge [sflag:s29], $0x1  }
0xb4: {  	[sflag:s29] =	ssyncadd.s32 $0xFFFFFFFF  }
0xb5: {  	_ =	strace $0x90000048  }
0xb6: {  	_ =	sfence  }
0xb7: {  	s30 =	sld [smem:$0x0];
	_ =	sdelay $0x2  }
0xb8: {  	s31 =	sshll.u32 s1, $0xD;
	s1 =	sshrl.u32 s1, $0x2  }
0xb9: {  	s3 =	sand.u32 $0x4000, s31;
	s1 =	sadd.s32 s1, s30  }
0xba: {  	s0 =	sor.u32 s3, s0;
	s1 =	sshll.u32 s1, $0x11  }
0xbb: {  	s0 =	sor.u32 s1, s0  }
0xbc: {  	s0 =	sadd.s32 $0x8F2B, s0  }
0xbd: {  	[sflag:s0] =	ssyncadd.remote.s32 $0x1  }
0xbe: {  	_ =	sfence.sel $0xFFFF  }
0xbf: {  	[dreg:$0x0] =	wrdreg $0xFFFFFFFF;
	(pc) =	sbr.abs _section_cstart, $3  }
0xc0: {  	[dreg:$0x1] =	wrdreg $0xFFFFFFFF  }
0xc1: {  	_ =	task.clear_ibuf [dreg:s7], $0x2FFFF;
	_ =	strace $0x9FFFFFFF  }
0xc2: {  	(tm) =	ssettm $0x7FFFFFFF  }
0xc3: {  	_ =	shalt  }
tec
execute0_lowered:
.L_overlay_start_1:
0x0: {  	(tag) =	ssettag $0x1  }
0x1: {  	s1 =	rddreg [dreg:$0x0]  }
0x2: {  	s4 =	rddreg [dreg:$0x1];
	v0 =	vlaneseq.u32  }
0x3: {  	s3 =	srdreg.scid;
	s0 =	rddreg [dreg:$0x2];
	s2 =	simm.s32 $0x0;
	v1 =	vand.u32 $0x3, v0  }
0x4: {  	s8 =	simm.s32 $0x4000;
	s9 =	simm.s32 $0x0;
	s5 =	sand.u32 $0x1, s3;
	v0 =	vmul.u32 $0x2, v0;
	v9 =	vmul.u32 $0x2, v1  }
0x5: {  	[smem:$0x7FF] =	sst s2;
	s3 =	stileid.u32;
	s6 =	ssub.s32 $0x2, s5  }
0x6: {  	s4 =	sadd.s32 $0xC00, s4;
	_ =	strace $0x80000047;
	s7 =	sshrl.u32 s6, $0x1;
	v2 =	vor.u32 $0x1, v0;
	v1 =	vor.u32 $0xFFFFFF18, v9;
	v3 =	vor.u32 $0xFFFFFF38, v9  }
0x7: {  	s31 =	sshll.u32 s3, $0x11;
	s5 =	sshll.u32 s5, $0x10;
	s6 =	ssub.s32 s6, s7;
	v4 =	vor.u32 $0xFFFFFF58, v9;
	v5 =	vor.u32 $0xFFFFFF78, v9;
	v6 =	vor.u32 $0xFFFFFF98, v9  }
0x8: {  	s5 =	sor.u32 s5, s31;
	s7 =	simm.s32 $0x1;
	v7 =	vor.u32 $0xFFFFFFB8, v9;
	v8 =	vor.u32 $0xFFFFFFD8, v9;
	v9 =	vor.u32 $0xFFFFFFF8, v9;
	s6 =	smax.u32 s6, $0x1  }
.LBB2_1:
0x9: {  	s10 =	simm.s32 $0x0  }
.LBB2_2:
0xa: {  	s11 =	sshll.u32 s10, $0xB  }
0xb: {  	s11 =	sadd.s32 s5, s11  }
0xc: {  	s12 =	sadd.s32 s1, s11  }
0xd: {  	[tilespmem:s2], [sflag:$0x1] =	stream.linear.gather [hbm4b:s12+s2], $0x4000, $0x38;
	[tilespmem:$0x8000] =	vst v63  }
0xe: {  	_ =	swait.ge [sflag:s7], $0x4000  }
0xf: {  	s13 =	simm.s32 $0x0;
	[sflag:s7] =	ssyncset.done $0x0  }
0x10: {  	v10 =	vor.u32 s13, v0;
	s12 =	simm.s32 $0x80;
	[sflag:s7] =	ssyncadd.s32 $0xFFFFC000  }
0x11: {  	v10 =	vand.u32 v1, v10;
	v11 =	vld [tilespmem:s12+$0xFFFFFF80]  }
0x12: {  	v13 =	vor.u32 s13, v2;
	v12 =	vld [tilespmem:s12+$0x0];
	_ =	sdelay $0x3  }
0x13: {  	s25 =	simm.s32 $0x20;
	[tilespmem:v10+s8+$0x0] =	vst.idx.msk $0xffff, v11  }
0x14: {  	v10 =	vor.u32 s25, v0;
	[tilespmem:v13+s8+$0x0] =	vst.idx.msk $0xffff, v12  }
0x15: {  	v10 =	vand.u32 v3, v10;
	v11 =	vld [tilespmem:s12+$0xFFFFFF90]  }
0x16: {  	v57 =	vor.u32 s25, v2;
	v12 =	vld [tilespmem:s12+$0x10];
	_ =	sdelay $0x3  }
0x17: {  	s26 =	simm.s32 $0x40;
	[tilespmem:v10+s8+$0x0] =	vst.idx.msk $0xffff, v11  }
0x18: {  	v10 =	vor.u32 s26, v0;
	[tilespmem:v57+s8+$0x0] =	vst.idx.msk $0xffff, v12  }
0x19: {  	v10 =	vand.u32 v4, v10;
	v11 =	vld [tilespmem:s12+$0xFFFFFFA0]  }
0x1a: {  	v58 =	vor.u32 s26, v2;
	v12 =	vld [tilespmem:s12+$0x20];
	_ =	sdelay $0x3  }
0x1b: {  	s28 =	simm.s32 $0x60;
	[tilespmem:v10+s8+$0x0] =	vst.idx.msk $0xffff, v11  }
0x1c: {  	v10 =	vor.u32 s28, v0;
	[tilespmem:v58+s8+$0x0] =	vst.idx.msk $0xffff, v12  }
0x1d: {  	v10 =	vand.u32 v5, v10;
	v11 =	vld [tilespmem:s12+$0xFFFFFFB0]  }
0x1e: {  	v59 =	vor.u32 s28, v2;
	v12 =	vld [tilespmem:s12+$0x30];
	_ =	sdelay $0x3  }
0x1f: {  	s29 =	simm.s32 $0x80;
	[tilespmem:v10+s8+$0x0] =	vst.idx.msk $0xffff, v11  }
0x20: {  	v10 =	vor.u32 s29, v0;
	[tilespmem:v59+s8+$0x0] =	vst.idx.msk $0xffff, v12  }
0x21: {  	v10 =	vand.u32 v6, v10;
	v11 =	vld [tilespmem:s12+$0xFFFFFFC0]  }
0x22: {  	v60 =	vor.u32 s29, v2;
	v12 =	vld [tilespmem:s12+$0x40];
	_ =	sdelay $0x3  }
0x23: {  	s30 =	simm.s32 $0xA0;
	[tilespmem:v10+s8+$0x0] =	vst.idx.msk $0xffff, v11  }
0x24: {  	v10 =	vor.u32 s30, v0;
	[tilespmem:v60+s8+$0x0] =	vst.idx.msk $0xffff, v12  }
0x25: {  	v10 =	vand.u32 v7, v10;
	v11 =	vld [tilespmem:s12+$0xFFFFFFD0]  }
0x26: {  	v61 =	vor.u32 s30, v2;
	v12 =	vld [tilespmem:s12+$0x50];
	_ =	sdelay $0x3  }
0x27: {  	s31 =	simm.s32 $0xC0;
	[tilespmem:v10+s8+$0x0] =	vst.idx.msk $0xffff, v11  }
0x28: {  	v10 =	vor.u32 s31, v0;
	[tilespmem:v61+s8+$0x0] =	vst.idx.msk $0xffff, v12  }
0x29: {  	v10 =	vand.u32 v8, v10;
	v11 =	vld [tilespmem:s12+$0xFFFFFFE0]  }
0x2a: {  	v62 =	vor.u32 s31, v2;
	v12 =	vld [tilespmem:s12+$0x60];
	_ =	sdelay $0x3  }
0x2b: {  	s15 =	simm.s32 $0xE0;
	[tilespmem:v10+s8+$0x0] =	vst.idx.msk $0xffff, v11  }
0x2c: {  	v10 =	vor.u32 s15, v0;
	[tilespmem:v62+s8+$0x0] =	vst.idx.msk $0xffff, v12  }
0x2d: {  	v63 =	vand.u32 v9, v10;
	v12 =	vld [tilespmem:s12+$0xFFFFFFF0];
	_ =	sdelay $0x1  }
0x2e: {  	v11 =	vor.u32 s15, v2;
	v10 =	vld [tilespmem:s12+$0x70];
	_ =	sdelay $0x2  }
0x2f: {  	s14 =	simm.s32 $0x2E0;
	s16 =	simm.s32 $0x100;
	s13 =	simm.s32 $0x1E0;
	[tilespmem:v63+s8+$0x0] =	vst.idx.msk $0xffff, v12  }
.LBB2_3:
0x30: {  	p0 =	sne.s32 s14, $0x3FE0  }
0x31: {  	v12 =	vor.u32 s16, v0;
	[tilespmem:v11+s8+$0x0] =	vst.idx.msk $0xffff, v10;
	s12 =	sadd.s32 $0x100, s12;
	s15 =	smov.u32 s14;
	s14 =	sadd.s32 $0x100, s14  }
0x32: {  	v10 =	vld [tilespmem:s12+$0xFFFFFF80];
	v11 =	vand.u32 v1, v12  }
0x33: {  	v13 =	vor.u32 s16, v2;
	v12 =	vld [tilespmem:s12+$0x0];
	_ =	sdelay $0x3  }
0x34: {  	s16 =	sadd.s32 $0xFFFFFF40, s13;
	[tilespmem:v11+s8+$0x0] =	vst.idx.msk $0xffff, v10  }
0x35: {  	v10 =	vor.u32 s16, v0;
	[tilespmem:v13+s8+$0x0] =	vst.idx.msk $0xffff, v12  }
0x36: {  	v10 =	vand.u32 v3, v10;
	v11 =	vld [tilespmem:s12+$0xFFFFFF90]  }
0x37: {  	v13 =	vor.u32 s16, v2;
	v12 =	vld [tilespmem:s12+$0x10];
	_ =	sdelay $0x3  }
0x38: {  	s16 =	sadd.s32 $0xFFFFFF60, s13;
	[tilespmem:v10+s8+$0x0] =	vst.idx.msk $0xffff, v11  }
0x39: {  	v10 =	vor.u32 s16, v0;
	[tilespmem:v13+s8+$0x0] =	vst.idx.msk $0xffff, v12  }
0x3a: {  	v10 =	vand.u32 v4, v10;
	v11 =	vld [tilespmem:s12+$0xFFFFFFA0]  }
0x3b: {  	v13 =	vor.u32 s16, v2;
	v12 =	vld [tilespmem:s12+$0x20];
	_ =	sdelay $0x3  }
0x3c: {  	s16 =	sadd.s32 $0xFFFFFF80, s13;
	[tilespmem:v10+s8+$0x0] =	vst.idx.msk $0xffff, v11  }
0x3d: {  	v10 =	vor.u32 s16, v0;
	[tilespmem:v13+s8+$0x0] =	vst.idx.msk $0xffff, v12  }
0x3e: {  	v10 =	vand.u32 v5, v10;
	v11 =	vld [tilespmem:s12+$0xFFFFFFB0]  }
0x3f: {  	v13 =	vor.u32 s16, v2;
	v12 =	vld [tilespmem:s12+$0x30];
	_ =	sdelay $0x3  }
0x40: {  	s16 =	sadd.s32 $0xFFFFFFA0, s13;
	[tilespmem:v10+s8+$0x0] =	vst.idx.msk $0xffff, v11  }
0x41: {  	v10 =	vor.u32 s16, v0;
	[tilespmem:v13+s8+$0x0] =	vst.idx.msk $0xffff, v12  }
0x42: {  	v10 =	vand.u32 v6, v10;
	v11 =	vld [tilespmem:s12+$0xFFFFFFC0]  }
0x43: {  	v13 =	vor.u32 s16, v2;
	v12 =	vld [tilespmem:s12+$0x40];
	_ =	sdelay $0x3  }
0x44: {  	s16 =	sadd.s32 $0xFFFFFFC0, s13;
	[tilespmem:v10+s8+$0x0] =	vst.idx.msk $0xffff, v11  }
0x45: {  	v10 =	vor.u32 s16, v0;
	[tilespmem:v13+s8+$0x0] =	vst.idx.msk $0xffff, v12  }
0x46: {  	v10 =	vand.u32 v7, v10;
	v11 =	vld [tilespmem:s12+$0xFFFFFFD0]  }
0x47: {  	v13 =	vor.u32 s16, v2;
	v12 =	vld [tilespmem:s12+$0x50];
	_ =	sdelay $0x3  }
0x48: {  	s16 =	sadd.s32 $0xFFFFFFE0, s13;
	[tilespmem:v10+s8+$0x0] =	vst.idx.msk $0xffff, v11  }
0x49: {  	v10 =	vor.u32 s16, v0;
	[tilespmem:v13+s8+$0x0] =	vst.idx.msk $0xffff, v12  }
0x4a: {  	v10 =	vand.u32 v8, v10;
	v11 =	vld [tilespmem:s12+$0xFFFFFFE0]  }
0x4b: {  	v13 =	vor.u32 s16, v2;
	v12 =	vld [tilespmem:s12+$0x60];
	_ =	sdelay $0x3  }
0x4c: {  	[tilespmem:v10+s8+$0x0] =	vst.idx.msk $0xffff, v11  }
0x4d: {  	v10 =	vor.u32 s13, v0;
	[tilespmem:v13+s8+$0x0] =	vst.idx.msk $0xffff, v12  }
0x4e: {  	v13 =	vand.u32 v9, v10;
	v12 =	vld [tilespmem:s12+$0xFFFFFFF0]  }
.Ltmp0:
0x4f: {  	v11 =	vor.u32 s13, v2;
	s13 =	smov.u32 s15;
	v10 =	vld [tilespmem:s12+$0x70];
	(pc) =	sbr.rel @p0 .LBB2_3-.Ltmp0, $2  }
0x50: {  	_ =	sdelay $0x2  }
0x51: {  	s16 =	sadd.s32 $0xFFFFFF20, s13;
	[tilespmem:v13+s8+$0x0] =	vst.idx.msk $0xffff, v12  }
0x52: {  	_ =	sdelay $0x3  }
0x53: {  	v12 =	vor.u32 s16, v0;
	[tilespmem:v11+s8+$0x0] =	vst.idx.msk $0xffff, v10;
	s12 =	sadd.s32 $0x100, s12  }
0x54: {  	v10 =	vld [tilespmem:s12+$0xFFFFFF80];
	v11 =	vand.u32 v1, v12  }
0x55: {  	v13 =	vor.u32 s16, v2;
	v56 =	vld [tilespmem:s12+$0x0];
	_ =	sdelay $0x3  }
0x56: {  	s14 =	sadd.s32 $0xFFFFFF40, s13;
	[tilespmem:v11+s8+$0x0] =	vst.idx.msk $0xffff, v10  }
0x57: {  	v10 =	vor.u32 s14, v0;
	[tilespmem:v13+s8+$0x0] =	vst.idx.msk $0xffff, v56  }
0x58: {  	v10 =	vand.u32 v3, v10;
	v11 =	vld [tilespmem:s12+$0xFFFFFF90]  }
0x59: {  	v57 =	vor.u32 s14, v2;
	v12 =	vld [tilespmem:s12+$0x10];
	_ =	sdelay $0x3  }
0x5a: {  	s26 =	sadd.s32 $0xFFFFFF60, s13;
	[tilespmem:v10+s8+$0x0] =	vst.idx.msk $0xffff, v11  }
0x5b: {  	v10 =	vor.u32 s26, v0;
	[tilespmem:v57+s8+$0x0] =	vst.idx.msk $0xffff, v12  }
0x5c: {  	v10 =	vand.u32 v4, v10;
	v11 =	vld [tilespmem:s12+$0xFFFFFFA0]  }
0x5d: {  	v58 =	vor.u32 s26, v2;
	v12 =	vld [tilespmem:s12+$0x20];
	_ =	sdelay $0x3  }
0x5e: {  	s28 =	sadd.s32 $0xFFFFFF80, s13;
	[tilespmem:v10+s8+$0x0] =	vst.idx.msk $0xffff, v11  }
0x5f: {  	v10 =	vor.u32 s28, v0;
	[tilespmem:v58+s8+$0x0] =	vst.idx.msk $0xffff, v12  }
0x60: {  	v10 =	vand.u32 v5, v10;
	v11 =	vld [tilespmem:s12+$0xFFFFFFB0]  }
0x61: {  	v59 =	vor.u32 s28, v2;
	v12 =	vld [tilespmem:s12+$0x30];
	_ =	sdelay $0x3  }
0x62: {  	s29 =	sadd.s32 $0xFFFFFFA0, s13;
	[tilespmem:v10+s8+$0x0] =	vst.idx.msk $0xffff, v11  }
0x63: {  	v10 =	vor.u32 s29, v0;
	[tilespmem:v59+s8+$0x0] =	vst.idx.msk $0xffff, v12  }
0x64: {  	v10 =	vand.u32 v6, v10;
	v11 =	vld [tilespmem:s12+$0xFFFFFFC0]  }
0x65: {  	v60 =	vor.u32 s29, v2;
	v12 =	vld [tilespmem:s12+$0x40];
	_ =	sdelay $0x3  }
0x66: {  	s30 =	sadd.s32 $0xFFFFFFC0, s13;
	[tilespmem:v10+s8+$0x0] =	vst.idx.msk $0xffff, v11  }
0x67: {  	v10 =	vor.u32 s30, v0;
	[tilespmem:v60+s8+$0x0] =	vst.idx.msk $0xffff, v12  }
0x68: {  	v10 =	vand.u32 v7, v10;
	v11 =	vld [tilespmem:s12+$0xFFFFFFD0]  }
0x69: {  	v61 =	vor.u32 s30, v2;
	v12 =	vld [tilespmem:s12+$0x50];
	_ =	sdelay $0x3  }
0x6a: {  	s31 =	sadd.s32 $0xFFFFFFE0, s13;
	[tilespmem:v10+s8+$0x0] =	vst.idx.msk $0xffff, v11  }
0x6b: {  	v10 =	vor.u32 s31, v0;
	[tilespmem:v61+s8+$0x0] =	vst.idx.msk $0xffff, v12  }
0x6c: {  	v10 =	vand.u32 v8, v10;
	v11 =	vld [tilespmem:s12+$0xFFFFFFE0]  }
0x6d: {  	v62 =	vor.u32 s31, v2;
	v12 =	vld [tilespmem:s12+$0x60];
	_ =	sdelay $0x3  }
0x6e: {  	[tilespmem:v10+s8+$0x0] =	vst.idx.msk $0xffff, v11  }
0x6f: {  	v10 =	vor.u32 s13, v0;
	[tilespmem:v62+s8+$0x0] =	vst.idx.msk $0xffff, v12  }
0x70: {  	v10 =	vand.u32 v9, v10;
	v11 =	vld [tilespmem:s12+$0xFFFFFFF0]  }
0x71: {  	v63 =	vor.u32 s13, v2;
	v12 =	vld [tilespmem:s12+$0x70];
	_ =	sdelay $0x2  }
0x72: {  	s10 =	sadd.s32 $0x1, s10  }
0x73: {  	p0 =	sne.s32 s10, $0x20;
	[tilespmem:v10+s8+$0x0] =	vst.idx.msk $0xffff, v11  }
.Ltmp1:
0x74: {  	s11 =	sadd.s32 s4, s11;
	[tilespmem:v63+s8+$0x0] =	vst.idx.msk $0xffff, v12;
	(pc) =	sbr.rel @p0 .LBB2_2-.Ltmp1, $4  }
0x75: {  	[hbm4b:s11+s2] =	stream.linear.scatter [tilespmem:s8], [sflag:$0x1], $0x4000, $0x38;
	[tilespmem:$0x8000] =	vst v63  }
0x76: {  	_ =	swait.ge [sflag:s7], $0x4000  }
0x77: {  	[sflag:s7] =	ssyncset.done $0x0  }
0x78: {  	[sflag:s7] =	ssyncadd.s32 $0xFFFFC000  }
0x79: {  	s9 =	sadd.s32 $0x1, s9  }
0x7a: {  	p0 =	sne.s32 s9, s6  }
.Ltmp2:
0x7b: {  	_ = 	snop;
	(pc) =	sbr.rel @p0 .LBB2_1-.Ltmp2, $1  }
0x7c: {  	_ =	sdelay $0x3  }
0x7d: {  	_ =	sfence.sel $0x180000  }
0x7e: {  	[bflag:$0x0] =	sbarrier.arrive $0xFFFF  }
0x7f: {  	p0 =	sne.s32 s3, $0x0;
	_ =	strace $0x90000047  }
0x80: {  	s0 =	sadd.s32 @!p0 $0x100000, s0;
	[bflag:$0x2] =	sbarrier.arrive $0xFFFF  }
0x81: {  	[sflag:s0] =	ssyncadd.tile.s32 @!p0 $0x1;
	_ =	shalt  }
.Lfunc_end2:
_tile_overlayer_lowered:
.L_overlay_start_2:
0x82: {  	(tag) =	ssettag $0x2  }
0x83: {  	s0 =	rddreg [dreg:$0x0];
	s2 =	stileid.u32  }
0x84: {  	s1 =	rddreg [dreg:$0x1];
	p0 =	sne.s32 s2, $0x0  }
0x85: {  	s3 =	rddreg [dreg:$0x2];
	[bflag:$0x3] =	sbarrier.arrive $0xFFFF;
	s2 =	simm.s32 @!p0 $0x1C01  }
0x86: {  	[timem:s3], [sflag:s2] =	dma.local @!p0 [hbm:s0], s1  }
0x87: {  	s0 =	simm.s32 @!p0 $0x1  }
0x88: {  	_ =	swait.ge @!p0 [sflag:s0], s1  }
0x89: {  	s1 =	ssub.s32 @!p0 $0x0, s1;
	[sflag:s0] =	ssyncset.done @!p0 $0x0  }
0x8a: {  	[sflag:s0] =	ssyncadd.s32 @!p0 s1  }
0x8b: {  	[bflag:$0x3] =	sbarrier.arrive $0xFFFF  }
0x8c: {  	_ =	shalt  }

// kernel: kernel.7.cloned.1.call-start
scs
__scs_entry_jumppad:
0x0: {  	(pc) =	sbr.rel $0x88, $3  }
0x1: {  	(tag) =	ssettag $0x0;
	lr =	simm.s32 $0x1  }
0x2: {  	[smem:$0x3F9F] =	sst lr;
	_ =	strace $0xD0000000  }
0x3: {  	_ = 	snop  }
0x4: {  	_ = 	snop  }
0x5: {  	_ = 	snop  }
0x6: {  	_ = 	snop  }
0x7: {  	_ = 	snop  }
__scs_overlays_trampoline_lowered:
0x8: {  	[smem:$0x3FAE] =	sst s0  }
0x9: {  	[smem:$0x3FAF] =	sst s1  }
0xa: {  	[smem:$0x3FB0] =	sst s2  }
0xb: {  	[smem:$0x3FB1] =	sst s3  }
0xc: {  	[smem:$0x3FB2] =	sst s4  }
0xd: {  	[smem:$0x3FB3] =	sst s5  }
0xe: {  	[smem:$0x3FB4] =	sst s6  }
0xf: {  	[smem:$0x3FB5] =	sst s7  }
0x10: {  	[smem:$0x3FB6] =	sst s8  }
0x11: {  	[smem:$0x3FB7] =	sst s9;
	s0 =	simm.s32 @!p0 $0x0  }
0x12: {  	s1 =	sld [smem:$0x3F9D];
	s0 =	simm.s32 @p0 $0x1  }
0x13: {  	[smem:$0x3FB8] =	sst s0;
	s0 =	simm.s32 @!p1 $0x0  }
0x14: {  	s2 =	sld [smem:$0x3F9C];
	s0 =	simm.s32 @p1 $0x1  }
0x15: {  	[smem:$0x3FB9] =	sst s0;
	s0 =	simm.s32 @!p2 $0x0  }
0x16: {  	s3 =	sld [smem:$0x3FDB];
	s0 =	simm.s32 @p2 $0x1  }
0x17: {  	s4 =	simm.s32 $0x1BF5;
	[smem:$0x3FBB] =	sst s0  }
0x18: {  	s0 =	sld [smem:$0x3F9E];
	_ =	swait.ge [sflag:s4], $0x0  }
0x19: {  	s7 =	sld [smem:$0x3F9F]  }
0x1a: {  	s8 =	sadd.s32 $0xFFFFE003, lr  }
0x1b: {  	s9 =	sadd.s32 $0xFFFFFEF7, lr;
	s5 =	simm.s32 $0xFFFFFFFF;
	p2 =	slt.u32 s8, $0xFFFFF086  }
0x1c: {  	p1 =	slt.u32 s9, $0xF7A;
	s5 =	simm.s32 @!p2 $0x0  }
0x1d: {  	s5 =	simm.s32 @p1 $0x1;
	p0 =	seq.s32 s7, s2  }
0x1e: {  	s7 =	smul.u32 @!p0 $0xF7A, s2;
	p2 =	seq.s32 @!p0 s5, $0x0  }
0x1f: {  	s9 =	smul.u32 $0xF7A, s1;
	s8 =	simm.s32 @!p0 $0x1BF5;
	p2 =	por !p2, p0  }
0x20: {  	[sflag:s8] =	ssyncset.s32 @!p0 $0xFFFFF086;
	s6 =	sadd.s32 @!p0 s3, s7;
	s7 =	simm.s32 @!p0 $0x108  }
0x21: {  	s3 =	sadd.s32 s3, s9;
	s6 =	sadd.s32 @!p0 $0x88, s6;
	s7 =	simm.s32 @p2 $0x1082  }
0x22: {  	[simem:s7], [sflag:s8] =	dma.local @!p0 [hbm:s6], $0xF7A  }
0x23: {  	s9 =	sor.u32 $0xD0000000, s2;
	s6 =	simm.s32 $0x108;
	_ =	swait.ge @!p0 [sflag:s8], $0x0  }
0x24: {  	s3 =	sadd.s32 $0x88, s3;
	s6 =	simm.s32 @!p1 $0x1082;
	[sflag:s4] =	ssyncset.s32 $0xFFFFF086  }
0x25: {  	[simem:s6], [sflag:s4] =	dma.local [hbm:s3], $0xF7A  }
0x26: {  	[smem:$0x3F9F] =	sst s1;
	(tag) =	ssettag s2;
	_ =	strace s9  }
0x27: {  	s1 =	sld [smem:$0x3FAF]  }
0x28: {  	s2 =	sld [smem:$0x3FB0]  }
0x29: {  	s4 =	sld [smem:$0x3FB2]  }
0x2a: {  	p0 =	seq.s32 s5, $0x0;
	s5 =	sld [smem:$0x3FB3]  }
0x2b: {  	s6 =	sld [smem:$0x3FB4]  }
0x2c: {  	s7 =	sld [smem:$0x3FB5]  }
0x2d: {  	s3 =	simm.s32 $0x108;
	s8 =	sld [smem:$0x3FB6]  }
0x2e: {  	s3 =	simm.s32 @!p0 $0x1082;
	s9 =	sld [smem:$0x3FB7]  }
0x2f: {  	lr =	sadd.s32 s0, s3;
	s0 =	sld [smem:$0x3FAE]  }
0x30: {  	s3 =	sld [smem:$0x3FB1]  }
0x31: {  	[smem:$0x3FBA] =	sst s10  }
0x32: {  	s10 =	sld [smem:$0x3FB8];
	_ =	sdelay $0x3  }
0x33: {  	p0 =	seq.s32 s10, $0x1;
	s10 =	sld [smem:$0x3FBA];
	_ =	sdelay $0x3  }
0x34: {  	[smem:$0x3FBA] =	sst s10  }
0x35: {  	s10 =	sld [smem:$0x3FB9];
	_ =	sdelay $0x3  }
0x36: {  	p1 =	seq.s32 s10, $0x1;
	s10 =	sld [smem:$0x3FBA];
	_ =	sdelay $0x3  }
0x37: {  	[smem:$0x3FBA] =	sst s10  }
0x38: {  	s10 =	sld [smem:$0x3FBB]  }
0x39: {  	_ = 	snop;
	(pc) =	sbr.ind lr, $3  }
0x3a: {  	_ = 	snop  }
0x3b: {  	_ = 	snop  }
0x3c: {  	p2 =	seq.s32 s10, $0x1;
	s10 =	sld [smem:$0x3FBA]  }
0x3d: {  	_ =	shalt  }
0x3e: {  	_ =	shalt  }
0x3f: {  	_ =	shalt  }
0x40: {  	_ =	shalt  }
0x41: {  	_ =	shalt  }
0x42: {  	_ =	shalt  }
0x43: {  	_ =	shalt  }
0x44: {  	_ =	shalt  }
0x45: {  	_ =	shalt  }
0x46: {  	_ =	shalt  }
0x47: {  	_ =	shalt  }
0x48: {  	_ =	shalt  }
0x49: {  	_ =	shalt  }
0x4a: {  	_ =	shalt  }
0x4b: {  	_ =	shalt  }
0x4c: {  	_ =	shalt  }
0x4d: {  	_ =	shalt  }
0x4e: {  	_ =	shalt  }
0x4f: {  	_ =	shalt  }
0x50: {  	_ =	shalt  }
0x51: {  	_ =	shalt  }
0x52: {  	_ =	shalt  }
0x53: {  	_ =	shalt  }
0x54: {  	_ =	shalt  }
0x55: {  	_ =	shalt  }
0x56: {  	_ =	shalt  }
0x57: {  	_ =	shalt  }
0x58: {  	_ =	shalt  }
0x59: {  	_ =	shalt  }
0x5a: {  	_ =	shalt  }
0x5b: {  	_ =	shalt  }
0x5c: {  	_ =	shalt  }
0x5d: {  	_ =	shalt  }
0x5e: {  	_ =	shalt  }
0x5f: {  	_ =	shalt  }
0x60: {  	_ =	shalt  }
0x61: {  	_ =	shalt  }
0x62: {  	_ =	shalt  }
0x63: {  	_ =	shalt  }
0x64: {  	_ =	shalt  }
0x65: {  	_ =	shalt  }
0x66: {  	_ =	shalt  }
0x67: {  	_ =	shalt  }
0x68: {  	_ =	shalt  }
0x69: {  	_ =	shalt  }
0x6a: {  	_ =	shalt  }
0x6b: {  	_ =	shalt  }
0x6c: {  	_ =	shalt  }
0x6d: {  	_ =	shalt  }
0x6e: {  	_ =	shalt  }
0x6f: {  	_ =	shalt  }
0x70: {  	_ =	shalt  }
0x71: {  	_ =	shalt  }
0x72: {  	_ =	shalt  }
0x73: {  	_ =	shalt  }
0x74: {  	_ =	shalt  }
0x75: {  	_ =	shalt  }
0x76: {  	_ =	shalt  }
0x77: {  	_ =	shalt  }
0x78: {  	_ =	shalt  }
0x79: {  	_ =	shalt  }
0x7a: {  	_ =	shalt  }
0x7b: {  	_ =	shalt  }
0x7c: {  	_ =	shalt  }
0x7d: {  	_ =	shalt  }
0x7e: {  	_ =	shalt  }
0x7f: {  	_ =	shalt  }
0x80: {  	_ =	shalt  }
0x81: {  	_ =	shalt  }
0x82: {  	_ =	shalt  }
0x83: {  	_ =	shalt  }
0x84: {  	_ =	shalt  }
0x85: {  	_ =	shalt  }
0x86: {  	_ =	shalt  }
0x87: {  	_ =	shalt  }
.Lfunc_end0:
.L_simem_size_0:
called_computation.1_lowered:
.L_overlay_start_0:
0x88: {  	s2 =	sld [smem:$0x3FD9]  }
0x89: {  	s3 =	sld [smem:$0x3FFE];
	_ =	sdelay $0x1  }
0x8a: {  	s1 =	srdreg.scid  }
0x8b: {  	s0 =	sand.u32 $0x1, s1  }
0x8c: {  	s17 =	sshll.u32 s0, $0xA;
	s2 =	sadd.s32 s3, s2  }
0x8d: {  	s2 =	sadd.s32 s2, s17  }
0x8e: {  	[smem:$0x3FC6] =	sst s2  }
0x8f: {  	_ = 	snop  }
0x90: {  	s2 =	sld [smem:$0x3FC9]  }
0x91: {  	s18 =	sld [smem:$0x3FD0];
	(tm) =	ssettm $0x1  }
0x92: {  	s4 =	sld [smem:$0x3FFB];
	_ =	sdelay $0x3  }
0x93: {  	_ =	strace s4  }
0x94: {  	s4 =	sld [smem:$0x3FFC];
	_ =	sdelay $0x3  }
0x95: {  	_ =	strace s4  }
0x96: {  	s4 =	sld [smem:$0x3FFD];
	_ =	sdelay $0x3  }
0x97: {  	_ =	strace s4  }
0x98: {  	_ =	strace $0x8FFFFFFF  }
0x99: {  	s19 =	sld [smem:$0x3FDB];
	_ =	sdelay $0x1  }
0x9a: {  	s5 =	simm.s32 $_scs_section_size  }
0x9b: {  	s6 =	simm.s32 $_size__tile_overlayer_lowered;
	s7 =	simm.s32 $_tile_overlayer_lowered  }
0x9c: {  	s22 =	simm.s32 $0x1BFF;
	s21 =	sshll.u32 s7, $0x1;
	s4 =	sadd.s32 s5, s19  }
0x9d: {  	s8 =	simm.s32 $0x0;
	s20 =	sshll.u32 s6, $0x1;
	s6 =	sadd.s32 s21, s4  }
0x9e: {  	[timem:s8], [sflag:s22] =	dma.local [hbm:s6], s20  }
0x9f: {  	_ =	swait.ge [sflag:s22], s20  }
0xa0: {  	s5 =	ssub.s32 $0x0, s20;
	[sflag:s22] =	ssyncset.done $0x0  }
0xa1: {  	[sflag:s22] =	ssyncadd.s32 s5;
	_ =	sdelay $0x1  }
0xa2: {  	s23 =	simm.s32 $0x1B8B  }
0xa3: {  	_ =	swait.ge [sflag:s23], $0x1  }
0xa4: {  	[sflag:s23] =	ssyncset.done $0x0  }
0xa5: {  	s25 =	simm.s32 $0x1B8E;
	s24 =	sld [smem:$0x3FFE];
	[sflag:s23] =	ssyncadd.s32 $0xFFFFFFFF  }
0xa6: {  	s26 =	simm.s32 $execute0_lowered;
	[smem:$0x3FD2] =	sst s25  }
0xa7: {  	s6 =	sshll.u32 s26, $0x1;
	_ =	strace $0x80000049;
	[dreg:$0x1] =	wrdreg $0xFFFFFFFF  }
0xa8: {  	s28 =	simm.s32 $_size_execute0_lowered;
	s4 =	sadd.s32 s4, s6;
	[dreg:$0x0] =	wrdreg $0x0  }
0xa9: {  	s6 =	sshll.u32 s28, $0x1;
	[dreg:$0x2] =	wrdreg s4  }
0xaa: {  	[dreg:$0x3] =	wrdreg s6  }
0xab: {  	[dreg:$0x4] =	wrdreg $0xC0  }
0xac: {  	_ =	task [dreg:s8], $0x5FFFF  }
0xad: {  	[dreg:$0x1] =	wrdreg $0xFFFFFFFF  }
0xae: {  	[dreg:$0x0] =	wrdreg $0x60  }
0xaf: {  	[dreg:$0x2] =	wrdreg s2  }
0xb0: {  	[dreg:$0x3] =	wrdreg s24  }
0xb1: {  	[dreg:$0x4] =	wrdreg s18  }
0xb2: {  	[dreg:$0x5] =	wrdreg $0x9  }
0xb3: {  	_ =	task.clear_ibuf [dreg:s8], $0x6FFFF;
	_ =	strace $0x90000049  }
0xb4: {  	s29 =	simm.s32 $0x9;
	_ =	strace $0x8000004B  }
0xb5: {  	_ =	swait.ge [sflag:s29], $0x1  }
0xb6: {  	[sflag:s29] =	ssyncadd.s32 $0xFFFFFFFF  }
0xb7: {  	_ =	strace $0x9000004B  }
0xb8: {  	_ =	sfence  }
0xb9: {  	s30 =	sld [smem:$0x0];
	_ =	sdelay $0x2  }
0xba: {  	s31 =	sshll.u32 s1, $0xD;
	s1 =	sshrl.u32 s1, $0x2  }
0xbb: {  	s3 =	sand.u32 $0x4000, s31;
	s1 =	sadd.s32 s1, s30  }
0xbc: {  	s0 =	sor.u32 s3, s0;
	s1 =	sshll.u32 s1, $0x11  }
0xbd: {  	s0 =	sor.u32 s1, s0  }
0xbe: {  	s0 =	sadd.s32 $0x8F2B, s0  }
0xbf: {  	[sflag:s0] =	ssyncadd.remote.s32 $0x1  }
0xc0: {  	_ =	sfence.sel $0xFFFF  }
0xc1: {  	[dreg:$0x0] =	wrdreg $0xFFFFFFFF;
	(pc) =	sbr.abs _section_cstart, $3  }
0xc2: {  	[dreg:$0x1] =	wrdreg $0xFFFFFFFF  }
0xc3: {  	_ =	task.clear_ibuf [dreg:s8], $0x2FFFF;
	_ =	strace $0x9FFFFFFF  }
0xc4: {  	(tm) =	ssettm $0x7FFFFFFF  }
0xc5: {  	_ =	shalt  }
tec
execute0_lowered:
.L_overlay_start_1:
0x0: {  	(tag) =	ssettag $0x1  }
0x1: {  	s3 =	rddreg [dreg:$0x0]  }
0x2: {  	s0 =	rddreg [dreg:$0x1]  }
0x3: {  	s4 =	rddreg [dreg:$0x2];
	s1 =	simm.s32 $0x0  }
0x4: {  	s12 =	srdreg.scid;
	s6 =	stileid.u32;
	s28 =	simm.s32 $0x8500  }
0x5: {  	[smem:$0x7FF] =	sst s1;
	s5 =	sadd.s32 $0xC00, s0;
	s2 =	sadd.s32 $0x200C00, s0  }
0x6: {  	s0 =	sadd.s32 $0x200E00, s0;
	_ =	strace $0x8000004A;
	[dreg:$0x4] =	wrdreg s2  }
0x7: {  	s30 =	simm.s32 $0x9500;
	s16 =	sadd.s32 $0x10000, s3;
	[dreg:$0x5] =	wrdreg s0  }
0x8: {  	s9 =	simm.s32 $0xA500;
	s17 =	sadd.s32 $0x20000, s3;
	[dreg:$0x7] =	wrdreg s16  }
0x9: {  	s11 =	simm.s32 $0xB500;
	s18 =	sadd.s32 $0x80, s3;
	[dreg:$0x8] =	wrdreg s17  }
0xa: {  	s31 =	simm.s32 $0x11500;
	s19 =	sadd.s32 $0x10080, s3;
	[dreg:$0x9] =	wrdreg s18  }
0xb: {  	s7 =	simm.s32 $0x1;
	s20 =	sadd.s32 $0x20080, s3;
	[dreg:$0xa] =	wrdreg s19  }
0xc: {  	s10 =	simm.s32 $0x0;
	s21 =	sadd.s32 $0x80, s4;
	[dreg:$0xb] =	wrdreg s20  }
0xd: {  	s1 =	sand.u32 $0x1, s12;
	s22 =	sadd.s32 $0x200, s4;
	[dreg:$0xc] =	wrdreg s21  }
0xe: {  	s15 =	sshll.u32 s6, $0xF;
	s23 =	sadd.s32 $0x280, s4;
	[dreg:$0xd] =	wrdreg s22  }
0xf: {  	s24 =	sadd.s32 $0x400, s4;
	s25 =	sadd.s32 $0x480, s4;
	[dreg:$0xe] =	wrdreg s23  }
0x10: {  	s26 =	sadd.s32 $0x600, s4;
	s29 =	sadd.s32 $0x680, s4;
	[dreg:$0xf] =	wrdreg s24  }
0x11: {  	s6 =	simm.s32 $0x5500;
	s3 =	simm.s32 $0x10500;
	[dreg:$0x10] =	wrdreg s25  }
0x12: {  	s13 =	ssub.s32 $0x2, s1;
	s1 =	sshll.u32 s1, $0xE;
	[dreg:$0x11] =	wrdreg s26  }
0x13: {  	[dreg:$0x12] =	wrdreg s29;
	s25 =	simm.s32 $0x100;
	s22 =	simm.s32 $0x4500  }
0x14: {  	s21 =	simm.s32 $0x6500;
	s2 =	simm.s32 $0x7500;
	s17 =	simm.s32 $0xE500  }
0x15: {  	s19 =	simm.s32 $0xF500;
	s24 =	simm.s32 $0x12500;
	s14 =	sshrl.u32 s13, $0x1  }
0x16: {  	s1 =	sor.u32 s1, s15;
	s15 =	simm.s32 $0xD500;
	s0 =	ssub.s32 s13, s14  }
0x17: {  	v0 =	vlaneseq.u32;
	[dreg:$0x6] =	wrdreg s1;
	s13 =	simm.s32 $0xC500;
	s0 =	smax.u32 s0, $0x1  }
0x18: {  	v0 =	vmul.u32 $0x10, v0;
	s1 =	simm.s32 $0x2;
	[dreg:$0x13] =	wrdreg s0;
	s0 =	simm.s32 $0x3500  }
.LBB2_1:
0x19: {  	[dreg:$0x14] =	wrdreg s10;
	s4 =	simm.s32 $0x0  }
0x1a: {  	s8 =	rddreg [dreg:$0x4];
	s23 =	simm.s32 $0x2300;
	s26 =	simm.s32 $0x4  }
0x1b: {  	[tilespmem:s23], [sflag:$0x4] =	stream.linear.gather [hbm4b:s8+s4], $0x100, $0x38;
	[tilespmem:$0x15500] =	vst v63  }
0x1c: {  	_ =	swait.ge [sflag:s26], $0x100  }
0x1d: {  	[sflag:s26] =	ssyncset.done $0x0  }
0x1e: {  	s12 =	simm.s32 $0x2400;
	s29 =	rddreg [dreg:$0x5];
	[sflag:s26] =	ssyncadd.s32 $0xFFFFFF00  }
0x1f: {  	[tilespmem:s12], [sflag:$0x4] =	stream.linear.gather [hbm4b:s29+s4], $0x100, $0x38;
	[tilespmem:$0x15500] =	vst v63  }
0x20: {  	_ =	swait.ge [sflag:s26], $0x100  }
0x21: {  	[sflag:s26] =	ssyncset.done $0x0  }
0x22: {  	s18 =	simm.s32 $0x0;
	[sflag:s26] =	ssyncadd.s32 $0xFFFFFF00  }
.LBB2_2:
0x23: {  	s8 =	sshll.u32 s18, $0x8;
	s12 =	sshll.u32 s18, $0x1;
	s4 =	rddreg [dreg:$0x6]  }
0x24: {  	s10 =	sadd.s32 s4, s8;
	s16 =	sand.u32 $0x2, s12  }
0x25: {  	s20 =	sshll.u32 s16, $0xA;
	s23 =	sand.u32 $0x7F000, s10;
	s14 =	sshrl.u32 s10, $0x2  }
0x26: {  	s8 =	sor.u32 s20, s23;
	s26 =	sand.u32 $0x380, s14  }
0x27: {  	s29 =	rddreg [dreg:$0x0];
	s8 =	sor.u32 s8, s26  }
0x28: {  	[dreg:$0x16] =	wrdreg s16;
	s8 =	sshrl.u32 s8, $0x3  }
0x29: {  	s16 =	simm.s32 $0x4;
	s14 =	simm.s32 $0x0;
	s4 =	sadd.s32 s29, s8  }
0x2a: {  	[tilespmem:s14], [sflag:$0x4] =	stream.linear.gather [hbm4b:s4+s14], $0x80, $0x38;
	[tilespmem:$0x15500] =	vst v63  }
0x2b: {  	_ =	swait.ge [sflag:s16], $0x80  }
0x2c: {  	[sflag:s16] =	ssyncset.done $0x0;
	s12 =	rddreg [dreg:$0x7]  }
0x2d: {  	[sflag:s16] =	ssyncadd.s32 $0xFFFFFF80;
	s20 =	sadd.s32 s8, s12  }
0x2e: {  	[tilespmem:s25], [sflag:$0x4] =	stream.linear.gather [hbm4b:s20+s14], $0x80, $0x38;
	[tilespmem:$0x15500] =	vst v63  }
0x2f: {  	_ =	swait.ge [sflag:s16], $0x80  }
0x30: {  	[sflag:s16] =	ssyncset.done $0x0;
	s23 =	rddreg [dreg:$0x8]  }
0x31: {  	s29 =	simm.s32 $0x200;
	[sflag:s16] =	ssyncadd.s32 $0xFFFFFF80;
	s26 =	sadd.s32 s8, s23  }
0x32: {  	[tilespmem:s29], [sflag:$0x4] =	stream.linear.gather [hbm4b:s26+s14], $0x80, $0x38;
	[tilespmem:$0x15500] =	vst v63  }
0x33: {  	_ =	swait.ge [sflag:s16], $0x80  }
0x34: {  	[sflag:s16] =	ssyncset.done $0x0;
	s20 =	rddreg [dreg:$0x9]  }
0x35: {  	s26 =	simm.s32 $0x80;
	[sflag:s16] =	ssyncadd.s32 $0xFFFFFF80;
	s23 =	sadd.s32 s8, s20  }
0x36: {  	[tilespmem:s26], [sflag:$0x4] =	stream.linear.gather [hbm4b:s23+s14], $0x80, $0x38;
	[tilespmem:$0x15500] =	vst v63  }
0x37: {  	_ =	swait.ge [sflag:s16], $0x80  }
0x38: {  	[sflag:s16] =	ssyncset.done $0x0;
	s29 =	rddreg [dreg:$0xa]  }
0x39: {  	s20 =	simm.s32 $0x180;
	[sflag:s16] =	ssyncadd.s32 $0xFFFFFF80;
	s4 =	sadd.s32 s8, s29  }
0x3a: {  	[tilespmem:s20], [sflag:$0x4] =	stream.linear.gather [hbm4b:s4+s14], $0x80, $0x38;
	[tilespmem:$0x15500] =	vst v63  }
0x3b: {  	_ =	swait.ge [sflag:s16], $0x80  }
0x3c: {  	[sflag:s16] =	ssyncset.done $0x0;
	s23 =	rddreg [dreg:$0xb]  }
0x3d: {  	s26 =	simm.s32 $0x280;
	[sflag:s16] =	ssyncadd.s32 $0xFFFFFF80;
	s8 =	sadd.s32 s8, s23  }
0x3e: {  	[tilespmem:s26], [sflag:$0x4] =	stream.linear.gather [hbm4b:s8+s14], $0x80, $0x38;
	[tilespmem:$0x15500] =	vst v63  }
0x3f: {  	_ =	swait.ge [sflag:s16], $0x80  }
0x40: {  	[sflag:s16] =	ssyncset.done $0x0  }
0x41: {  	[sflag:s16] =	ssyncadd.s32 $0xFFFFFF80  }
0x42: {  	s8 =	simm.s32 $0x0;
	v2 =	vld [tilespmem:$0x2300]  }
0x43: {  	v1 =	vld [tilespmem:s8+$0x100]  }
0x44: {  	v3 =	vld [tilespmem:s8+$0x0];
	_ =	sdelay $0x2  }
0x45: {  	v4 =	vld [tilespmem:s8+$0x200]  }
0x46: {  	v1 =	vmul.f32 v1, v2  }
0x47: {  	v3 =	vmul.f32 v3, v2  }
0x48: {  	v5 =	vtrunc.f32 v1  }
0x49: {  	v6 =	vtrunc.f32 v3;
	v5 =	vcvt.f32.s32 v5  }
0x4a: {  	v4 =	vmul.f32 v4, v2;
	v6 =	vcvt.f32.s32 v6  }
0x4b: {  	v7 =	vcvt.s32.f32 v5  }
0x4c: {  	v8 =	vtrunc.f32 v4;
	v5 =	vmul.u32 $0x9E3779B1, v5;
	v9 =	vcvt.s32.f32 v6  }
0x4d: {  	v8 =	vcvt.f32.s32 v8;
	v7 =	vsub.f32 v1, v7;
	v1 =	vadd.s32 $0x1, v6  }
0x4e: {  	v10 =	vadd.s32 $0x9E3779B1, v5;
	v11 =	vxor.u32 v6, v5;
	v9 =	vsub.f32 v3, v9  }
0x4f: {  	v3 =	vcvt.s32.f32 v8;
	v8 =	vmul.u32 $0x30025795, v8;
	v6 =	vxor.u32 v6, v10  }
0x50: {  	v13 =	vxor.u32 v1, v10;
	v5 =	vxor.u32 v1, v5;
	v12 =	vsub.f32 $1.000000000e+00, v7  }
0x51: {  	v3 =	vsub.f32 v4, v3;
	v4 =	vsub.f32 $1.000000000e+00, v9;
	v14 =	vadd.s32 $0x30025795, v8  }
0x52: {  	v15 =	vxor.u32 v8, v6;
	v17 =	vxor.u32 v8, v13;
	v18 =	vxor.u32 v8, v11  }
0x53: {  	v8 =	vxor.u32 v8, v5;
	v6 =	vxor.u32 v14, v6;
	v11 =	vxor.u32 v11, v14  }
0x54: {  	v1 =	vld [tilespmem:$0x2400];
	v19 =	vxor.u32 v14, v13;
	v5 =	vxor.u32 v5, v14;
	v14 =	vmul.f32 v7, v9  }
0x55: {  	v10 =	vmul.f32 v12, v9;
	v20 =	vmul.f32 v12, v4  }
0x56: {  	v12 =	vand.u32 $0x7FFFF, v15;
	v21 =	vmul.f32 v7, v4;
	v4 =	vand.u32 $0x7FFFF, v6  }
0x57: {  	v13 =	vsub.f32 $1.000000000e+00, v3;
	v6 =	vand.u32 $0x7FFFF, v17;
	v15 =	vand.u32 $0x7FFFF, v19  }
0x58: {  	v17 =	vand.u32 $0x7FFFF, v18;
	v18 =	vand.u32 $0x7FFFF, v11;
	v19 =	vand.u32 $0x7FFFF, v8  }
0x59: {  	v5 =	vand.u32 $0x7FFFF, v5;
	v16 =	vmul.f32 v10, v3;
	v12 =	vadd.s32 v1, v12  }
0x5a: {  	v11 =	vadd.s32 v1, v4;
	v8 =	vadd.s32 v1, v6;
	v7 =	vadd.s32 v1, v15  }
0x5b: {  	v9 =	vadd.s32 v1, v17;
	v6 =	vadd.s32 v1, v18;
	v4 =	vadd.s32 v1, v19  }
0x5c: {  	s29 =	sshrl.u32 s10, $0x9;
	v18 =	vmul.f32 v13, v20;
	v17 =	vmul.f32 v20, v3;
	v5 =	vadd.s32 v1, v5  }
0x5d: {  	s12 =	simm.s32 $0x80;
	s10 =	simm.s32 $0x10;
	[dreg:$0x17] =	wrdreg s29;
	v19 =	vmul.f32 v13, v21;
	v15 =	vshll.u32 v12, $0x1;
	[tilespmem:s8+$0x13A00] =	vst v16;
	v16 =	vmul.f32 v3, v21  }
.LBB2_3:
0x5e: {  	p0 =	sne.s32 s12, $0x3C0;
	v20 =	vld [tilespmem:s10+$0x100];
	[tilespmem:s8+$0x13500] =	vst v18;
	v18 =	vshll.u32 v11, $0x1;
	v10 =	vmul.f32 v13, v10;
	v21 =	vshll.u32 v8, $0x1  }
0x5f: {  	v22 =	vshll.u32 v9, $0x1;
	v23 =	vshll.u32 v6, $0x1;
	[tilespmem:s8+$0x13600] =	vst v17;
	v17 =	vshll.u32 v7, $0x1  }
0x60: {  	v25 =	vshll.u32 v5, $0x1;
	v13 =	vmul.f32 v13, v14;
	v24 =	vld [tilespmem:s10+$0x0];
	[tilespmem:s8+$0x13700] =	vst v19;
	v19 =	vshll.u32 v4, $0x1  }
0x61: {  	v15 =	vand.u32 $0xE, v15;
	v14 =	vmul.f32 v3, v14;
	v18 =	vand.u32 $0xE, v18;
	[tilespmem:s8+$0x13800] =	vst v16  }
0x62: {  	v17 =	vand.u32 $0xE, v17;
	v16 =	vand.u32 $0xE, v22;
	v3 =	vld [tilespmem:s10+$0x200];
	[tilespmem:s8+$0x13900] =	vst v10;
	v10 =	vand.u32 $0xE, v21  }
0x63: {  	v12 =	vshrl.u32 v12, $0x3;
	v21 =	vand.u32 $0xE, v23;
	v20 =	vmul.f32 v20, v2;
	[tilespmem:s8+$0x14700] =	vst v15  }
0x64: {  	v11 =	vshrl.u32 v11, $0x3;
	v15 =	vand.u32 $0xE, v19;
	[tilespmem:s8+$0x14800] =	vst v18;
	v18 =	vand.u32 $0xE, v25  }
0x65: {  	v8 =	vshrl.u32 v8, $0x3;
	v19 =	vmul.f32 v24, v2;
	v22 =	vtrunc.f32 v20;
	[tilespmem:s8+$0x14B00] =	vst v10  }
0x66: {  	v9 =	vshrl.u32 v9, $0x3;
	v7 =	vshrl.u32 v7, $0x3;
	v10 =	vcvt.f32.s32 v22;
	[tilespmem:s8+$0x14C00] =	vst v17  }
0x67: {  	v6 =	vshrl.u32 v6, $0x3;
	v3 =	vmul.f32 v3, v2;
	v17 =	vtrunc.f32 v19;
	[tilespmem:s8+$0x14500] =	vst v16  }
0x68: {  	v16 =	vcvt.f32.s32 v17;
	v17 =	vcvt.s32.f32 v10;
	v22 =	vmul.u32 $0x9E3779B1, v10;
	[tilespmem:s8+$0x14600] =	vst v21  }
0x69: {  	v5 =	vshrl.u32 v5, $0x3;
	v4 =	vshrl.u32 v4, $0x3;
	v10 =	vtrunc.f32 v3;
	[tilespmem:s8+$0x2700] =	vst v12  }
0x6a: {  	v10 =	vcvt.f32.s32 v10;
	v12 =	vcvt.s32.f32 v16;
	v17 =	vsub.f32 v20, v17;
	[tilespmem:s8+$0x2800] =	vst v11  }
0x6b: {  	v11 =	vadd.s32 $0x1, v16;
	v20 =	vadd.s32 $0x9E3779B1, v22;
	v21 =	vxor.u32 v16, v22;
	[tilespmem:s8+$0x14900] =	vst v15  }
0x6c: {  	v15 =	vsub.f32 v19, v12;
	v12 =	vcvt.s32.f32 v10;
	v19 =	vsub.f32 $1.000000000e+00, v17;
	[tilespmem:s8+$0x14A00] =	vst v18  }
0x6d: {  	v16 =	vxor.u32 v16, v20;
	v20 =	vxor.u32 v11, v20;
	v18 =	vmul.u32 $0x30025795, v10;
	[tilespmem:s8+$0x2B00] =	vst v8  }
0x6e: {  	v3 =	vsub.f32 v3, v12;
	v8 =	vsub.f32 $1.000000000e+00, v15;
	v10 =	vmul.f32 v19, v15;
	[tilespmem:s8+$0x13B00] =	vst v13  }
0x6f: {  	v11 =	vxor.u32 v11, v22;
	v12 =	vadd.s32 $0x30025795, v18;
	v13 =	vxor.u32 v18, v16;
	[tilespmem:s8+$0x2C00] =	vst v7  }
0x70: {  	v22 =	vxor.u32 v18, v20;
	v7 =	vxor.u32 v12, v16;
	v16 =	vmul.f32 v10, v3;
	[tilespmem:s8+$0x13C00] =	vst v14  }
0x71: {  	v20 =	vxor.u32 v12, v20;
	v14 =	vxor.u32 v18, v21;
	v21 =	vxor.u32 v21, v12;
	[tilespmem:s8+$0x2500] =	vst v9  }
0x72: {  	v19 =	vmul.f32 v19, v8;
	v9 =	vxor.u32 v18, v11;
	v11 =	vxor.u32 v11, v12;
	[tilespmem:s10+$0x13A00] =	vst v16  }
0x73: {  	v7 =	vand.u32 $0x7FFFF, v7;
	v12 =	vand.u32 $0x7FFFF, v13;
	v16 =	vmul.f32 v17, v8;
	[tilespmem:s8+$0x2600] =	vst v6  }
0x74: {  	v13 =	vsub.f32 $1.000000000e+00, v3;
	v18 =	vand.u32 $0x7FFFF, v20;
	v6 =	vand.u32 $0x7FFFF, v22;
	[tilespmem:s8+$0x2900] =	vst v4  }
0x75: {  	v20 =	vand.u32 $0x7FFFF, v21;
	v21 =	vand.u32 $0x7FFFF, v9;
	v4 =	vand.u32 $0x7FFFF, v14;
	[tilespmem:s8+$0x2A00] =	vst v5;
	s8 =	smov.u32 s10  }
.Ltmp0:
0x76: {  	v12 =	vadd.s32 v1, v12;
	v14 =	vmul.f32 v17, v15;
	v5 =	vand.u32 $0x7FFFF, v11;
	(pc) =	sbr.rel @p0 .LBB2_3-.Ltmp0, $4  }
0x77: {  	v8 =	vadd.s32 v1, v6;
	v11 =	vadd.s32 v1, v7;
	v7 =	vadd.s32 v1, v18  }
0x78: {  	v6 =	vadd.s32 v1, v20;
	v9 =	vadd.s32 v1, v4;
	v4 =	vadd.s32 v1, v21  }
0x79: {  	v17 =	vmul.f32 v19, v3;
	v18 =	vmul.f32 v13, v19;
	v5 =	vadd.s32 v1, v5  }
0x7a: {  	v15 =	vshll.u32 v12, $0x1;
	s10 =	sshra.s32 s12, $0x2;
	s12 =	sadd.s32 $0x40, s12;
	v19 =	vmul.f32 v13, v16;
	v16 =	vmul.f32 v3, v16  }
0x7b: {  	v20 =	vld [tilespmem:s10+$0x100];
	[tilespmem:s8+$0x13500] =	vst v18  }
0x7c: {  	[tilespmem:s8+$0x13600] =	vst v17  }
0x7d: {  	v10 =	vmul.f32 v13, v10;
	v17 =	vld [tilespmem:s10+$0x0];
	[tilespmem:s8+$0x13700] =	vst v19  }
0x7e: {  	v18 =	vshll.u32 v11, $0x1;
	v21 =	vshll.u32 v6, $0x1;
	[tilespmem:s8+$0x13800] =	vst v16  }
0x7f: {  	v23 =	vshll.u32 v7, $0x1;
	v24 =	vshll.u32 v4, $0x1;
	v15 =	vand.u32 $0xE, v15;
	v22 =	vld [tilespmem:s10+$0x200];
	[tilespmem:s8+$0x13900] =	vst v10  }
0x80: {  	v13 =	vmul.f32 v13, v14;
	v18 =	vand.u32 $0xE, v18;
	[tilespmem:s8+$0x14700] =	vst v15;
	v20 =	vmul.f32 v20, v2  }
0x81: {  	v3 =	vmul.f32 v3, v14;
	v12 =	vshrl.u32 v12, $0x3;
	v16 =	vshll.u32 v8, $0x1;
	[tilespmem:s8+$0x14800] =	vst v18  }
0x82: {  	v14 =	vand.u32 $0xE, v16;
	[tilespmem:s8+$0x2700] =	vst v12;
	v16 =	vmul.f32 v17, v2;
	v17 =	vtrunc.f32 v20  }
0x83: {  	v19 =	vshll.u32 v9, $0x1;
	v15 =	vand.u32 $0xE, v23;
	[tilespmem:s8+$0x14B00] =	vst v14;
	v17 =	vcvt.f32.s32 v17  }
0x84: {  	v14 =	vand.u32 $0xE, v19;
	[tilespmem:s8+$0x14C00] =	vst v15;
	v2 =	vmul.f32 v22, v2;
	v15 =	vtrunc.f32 v16  }
0x85: {  	v11 =	vshrl.u32 v11, $0x3;
	[tilespmem:s8+$0x14500] =	vst v14;
	v14 =	vcvt.f32.s32 v15;
	v15 =	vcvt.s32.f32 v17  }
0x86: {  	v8 =	vshrl.u32 v8, $0x3;
	v18 =	vand.u32 $0xE, v21;
	[tilespmem:s8+$0x2800] =	vst v11;
	v19 =	vtrunc.f32 v2  }
0x87: {  	[tilespmem:s8+$0x2B00] =	vst v8;
	v12 =	vcvt.f32.s32 v19;
	v19 =	vcvt.s32.f32 v14;
	v15 =	vsub.f32 v20, v15  }
0x88: {  	v7 =	vshrl.u32 v7, $0x3;
	[tilespmem:s8+$0x14600] =	vst v18;
	v18 =	vand.u32 $0xE, v24  }
0x89: {  	[tilespmem:s8+$0x14900] =	vst v18;
	v11 =	vsub.f32 v16, v19;
	v16 =	vcvt.s32.f32 v12;
	v18 =	vsub.f32 $1.000000000e+00, v15  }
0x8a: {  	v6 =	vshrl.u32 v6, $0x3;
	v4 =	vshrl.u32 v4, $0x3;
	v10 =	vshll.u32 v5, $0x1;
	[tilespmem:s8+$0x13B00] =	vst v13  }
0x8b: {  	[tilespmem:s8+$0x2C00] =	vst v7;
	v10 =	vand.u32 $0xE, v10;
	v2 =	vsub.f32 v2, v16;
	v8 =	vmul.f32 v18, v11  }
0x8c: {  	v9 =	vshrl.u32 v9, $0x3;
	v5 =	vshrl.u32 v5, $0x3;
	[tilespmem:s8+$0x14A00] =	vst v10;
	v10 =	vmul.u32 $0x9E3779B1, v17  }
0x8d: {  	[tilespmem:s8+$0x13C00] =	vst v3;
	v13 =	vadd.s32 $0x1, v14;
	v17 =	vsub.f32 $1.000000000e+00, v11;
	v19 =	vmul.f32 v8, v2  }
0x8e: {  	[tilespmem:s8+$0x2500] =	vst v9;
	v7 =	vxor.u32 v14, v10;
	v12 =	vmul.u32 $0x30025795, v12;
	v16 =	vadd.s32 $0x9E3779B1, v10  }
0x8f: {  	v10 =	vxor.u32 v13, v10;
	v3 =	vxor.u32 v14, v16;
	v18 =	vmul.f32 v18, v17;
	[tilespmem:s10+$0x13A00] =	vst v19  }
0x90: {  	v14 =	vxor.u32 v13, v16;
	v16 =	vadd.s32 $0x30025795, v12;
	v19 =	vsub.f32 $1.000000000e+00, v2;
	[tilespmem:s8+$0x2600] =	vst v6  }
0x91: {  	v9 =	vxor.u32 v12, v3;
	v17 =	vmul.f32 v15, v17;
	[tilespmem:s8+$0x2A00] =	vst v5;
	v5 =	vmul.f32 v18, v2  }
0x92: {  	v3 =	vxor.u32 v16, v3;
	v13 =	vxor.u32 v12, v14;
	[tilespmem:s8+$0x2900] =	vst v4;
	v4 =	vmul.f32 v19, v18  }
0x93: {  	v14 =	vxor.u32 v16, v14;
	v6 =	vxor.u32 v12, v7;
	v18 =	vmul.f32 v19, v17;
	[tilespmem:s10+$0x13600] =	vst v5  }
0x94: {  	v9 =	vand.u32 $0x7FFFF, v9;
	v8 =	vmul.f32 v19, v8;
	v5 =	vand.u32 $0x7FFFF, v6;
	[tilespmem:s10+$0x13500] =	vst v4  }
0x95: {  	v6 =	vadd.s32 v1, v9;
	v4 =	vand.u32 $0x7FFFF, v13;
	v13 =	vand.u32 $0x7FFFF, v14;
	[tilespmem:s10+$0x13700] =	vst v18  }
0x96: {  	v14 =	vmul.f32 v2, v17;
	v9 =	vshll.u32 v6, $0x1;
	[tilespmem:s10+$0x13900] =	vst v8;
	v6 =	vshrl.u32 v6, $0x3  }
0x97: {  	v3 =	vand.u32 $0x7FFFF, v3;
	[tilespmem:s10+$0x2700] =	vst v6  }
0x98: {  	v3 =	vadd.s32 v1, v3;
	v7 =	vxor.u32 v7, v16;
	v9 =	vand.u32 $0xE, v9;
	[tilespmem:s10+$0x13800] =	vst v14  }
0x99: {  	v4 =	vadd.s32 v1, v4;
	v14 =	vshll.u32 v3, $0x1;
	[tilespmem:s10+$0x14700] =	vst v9;
	v3 =	vshrl.u32 v3, $0x3  }
0x9a: {  	v8 =	vadd.s32 v1, v13;
	v13 =	vshll.u32 v4, $0x1;
	v4 =	vshrl.u32 v4, $0x3;
	[tilespmem:s10+$0x2800] =	vst v3  }
0x9b: {  	v7 =	vand.u32 $0x7FFFF, v7;
	v6 =	vmul.f32 v15, v11;
	v14 =	vand.u32 $0xE, v14;
	[tilespmem:s10+$0x2B00] =	vst v4  }
0x9c: {  	v7 =	vadd.s32 v1, v7;
	v9 =	vshll.u32 v8, $0x1;
	v13 =	vand.u32 $0xE, v13;
	[tilespmem:s10+$0x14800] =	vst v14  }
0x9d: {  	v5 =	vadd.s32 v1, v5;
	v9 =	vand.u32 $0xE, v9;
	v2 =	vmul.f32 v2, v6;
	[tilespmem:s10+$0x14B00] =	vst v13  }
0x9e: {  	v12 =	vxor.u32 v12, v10;
	v14 =	vshll.u32 v5, $0x1;
	v13 =	vshll.u32 v7, $0x1;
	[tilespmem:s10+$0x14C00] =	vst v9  }
0x9f: {  	v9 =	vxor.u32 v10, v16;
	v10 =	vand.u32 $0x7FFFF, v12;
	v14 =	vand.u32 $0xE, v14;
	[tilespmem:s10+$0x13C00] =	vst v2  }
0xa0: {  	v12 =	vand.u32 $0xE, v13;
	v9 =	vand.u32 $0x7FFFF, v9;
	v10 =	vadd.s32 v1, v10;
	[tilespmem:s10+$0x14500] =	vst v14  }
0xa1: {  	v2 =	vshrl.u32 v7, $0x3;
	[tilespmem:s10+$0x14600] =	vst v12;
	v1 =	vadd.s32 v1, v9;
	v9 =	vshll.u32 v10, $0x1  }
0xa2: {  	[tilespmem:s10+$0x2600] =	vst v2;
	v9 =	vand.u32 $0xE, v9  }
0xa3: {  	v11 =	vshll.u32 v1, $0x1;
	v1 =	vshrl.u32 v1, $0x3;
	[tilespmem:s10+$0x14900] =	vst v9  }
0xa4: {  	v3 =	vand.u32 $0xE, v11;
	v9 =	vmul.f32 v19, v6;
	[tilespmem:s10+$0x2A00] =	vst v1  }
0xa5: {  	[tilespmem:s10+$0x14A00] =	vst v3  }
0xa6: {  	v3 =	vshrl.u32 v8, $0x3;
	[tilespmem:s10+$0x13B00] =	vst v9  }
0xa7: {  	[tilespmem:s10+$0x2C00] =	vst v3;
	v3 =	vshrl.u32 v5, $0x3  }
0xa8: {  	[tilespmem:s10+$0x2500] =	vst v3;
	v3 =	vshrl.u32 v10, $0x3  }
0xa9: {  	s4 =	simm.s32 $0x2500;
	[tilespmem:s10+$0x2900] =	vst v3  }
0xaa: {  	[tilespmem:s0], [sflag:$0x1] =	stream.indirect.gather [hbm4b:s5+s25], $0x10, s4, s25, $0xb8;
	[tilespmem:$0x15500] =	vst v63  }
0xab: {  	s12 =	simm.s32 $0x2600  }
0xac: {  	[tilespmem:s22], [sflag:$0x1] =	stream.indirect.gather [hbm4b:s5+s25], $0x10, s12, s25, $0xb8;
	[tilespmem:$0x15500] =	vst v63  }
0xad: {  	s14 =	simm.s32 $0x2700  }
0xae: {  	[tilespmem:s6], [sflag:$0x1] =	stream.indirect.gather [hbm4b:s5+s25], $0x10, s14, s25, $0xb8;
	[tilespmem:$0x15500] =	vst v63  }
0xaf: {  	s16 =	simm.s32 $0x2800  }
0xb0: {  	[tilespmem:s21], [sflag:$0x1] =	stream.indirect.gather [hbm4b:s5+s25], $0x10, s16, s25, $0xb8;
	[tilespmem:$0x15500] =	vst v63  }
0xb1: {  	s20 =	simm.s32 $0x2900  }
0xb2: {  	[tilespmem:s2], [sflag:$0x1] =	stream.indirect.gather [hbm4b:s5+s25], $0x10, s20, s25, $0xb8;
	[tilespmem:$0x15500] =	vst v63  }
0xb3: {  	s23 =	simm.s32 $0x2A00  }
0xb4: {  	[tilespmem:s28], [sflag:$0x1] =	stream.indirect.gather [hbm4b:s5+s25], $0x10, s23, s25, $0xb8;
	[tilespmem:$0x15500] =	vst v63  }
0xb5: {  	s26 =	simm.s32 $0x2B00  }
0xb6: {  	[tilespmem:s30], [sflag:$0x1] =	stream.indirect.gather [hbm4b:s5+s25], $0x10, s26, s25, $0xb8;
	[tilespmem:$0x15500] =	vst v63  }
0xb7: {  	s29 =	simm.s32 $0x2C00  }
0xb8: {  	[tilespmem:s9], [sflag:$0x1] =	stream.indirect.gather [hbm4b:s5+s25], $0x10, s29, s25, $0xb8;
	[tilespmem:$0x15500] =	vst v63  }
0xb9: {  	s8 =	simm.s32 $0x0;
	v2 =	vld [tilespmem:$0x2310]  }
0xba: {  	v1 =	vld [tilespmem:s8+$0x100]  }
0xbb: {  	v3 =	vld [tilespmem:s8+$0x0];
	_ =	sdelay $0x2  }
0xbc: {  	v4 =	vld [tilespmem:s8+$0x200]  }
0xbd: {  	v1 =	vmul.f32 v1, v2  }
0xbe: {  	v3 =	vmul.f32 v3, v2  }
0xbf: {  	v5 =	vtrunc.f32 v1  }
0xc0: {  	v6 =	vtrunc.f32 v3;
	v5 =	vcvt.f32.s32 v5  }
0xc1: {  	v4 =	vmul.f32 v4, v2;
	v6 =	vcvt.f32.s32 v6  }
0xc2: {  	v7 =	vcvt.s32.f32 v5  }
0xc3: {  	v8 =	vtrunc.f32 v4;
	v5 =	vmul.u32 $0x9E3779B1, v5;
	v9 =	vcvt.s32.f32 v6  }
0xc4: {  	v8 =	vcvt.f32.s32 v8;
	v7 =	vsub.f32 v1, v7;
	v1 =	vadd.s32 $0x1, v6  }
0xc5: {  	v10 =	vadd.s32 $0x9E3779B1, v5;
	v11 =	vxor.u32 v6, v5;
	v9 =	vsub.f32 v3, v9  }
0xc6: {  	v3 =	vcvt.s32.f32 v8;
	v8 =	vmul.u32 $0x30025795, v8;
	v6 =	vxor.u32 v6, v10  }
0xc7: {  	v13 =	vxor.u32 v1, v10;
	v5 =	vxor.u32 v1, v5;
	v12 =	vsub.f32 $1.000000000e+00, v7  }
0xc8: {  	v3 =	vsub.f32 v4, v3;
	v4 =	vsub.f32 $1.000000000e+00, v9;
	v14 =	vadd.s32 $0x30025795, v8  }
0xc9: {  	v15 =	vxor.u32 v8, v6;
	v17 =	vxor.u32 v8, v13;
	v18 =	vxor.u32 v8, v11  }
0xca: {  	v8 =	vxor.u32 v8, v5;
	v6 =	vxor.u32 v14, v6;
	v11 =	vxor.u32 v11, v14  }
0xcb: {  	v1 =	vld [tilespmem:$0x2410];
	v19 =	vxor.u32 v14, v13;
	v5 =	vxor.u32 v5, v14;
	v14 =	vmul.f32 v7, v9  }
0xcc: {  	v10 =	vmul.f32 v12, v9;
	v20 =	vmul.f32 v12, v4  }
0xcd: {  	v12 =	vand.u32 $0x7FFFF, v15;
	v63 =	vmul.f32 v7, v4;
	v4 =	vand.u32 $0x7FFFF, v6  }
0xce: {  	v13 =	vsub.f32 $1.000000000e+00, v3;
	v6 =	vand.u32 $0x7FFFF, v17;
	v15 =	vand.u32 $0x7FFFF, v19  }
0xcf: {  	v17 =	vand.u32 $0x7FFFF, v18;
	v18 =	vand.u32 $0x7FFFF, v11;
	v19 =	vand.u32 $0x7FFFF, v8  }
0xd0: {  	v5 =	vand.u32 $0x7FFFF, v5;
	v16 =	vmul.f32 v10, v3;
	v12 =	vadd.s32 v1, v12  }
0xd1: {  	v11 =	vadd.s32 v1, v4;
	v8 =	vadd.s32 v1, v6;
	v7 =	vadd.s32 v1, v15  }
0xd2: {  	v9 =	vadd.s32 v1, v17;
	v6 =	vadd.s32 v1, v18;
	v4 =	vadd.s32 v1, v19  }
0xd3: {  	v18 =	vmul.f32 v13, v20;
	v17 =	vmul.f32 v20, v3;
	v5 =	vadd.s32 v1, v5  }
0xd4: {  	s10 =	simm.s32 $0x10;
	s12 =	simm.s32 $0x80;
	v19 =	vmul.f32 v13, v63;
	v15 =	vshll.u32 v12, $0x1;
	[tilespmem:s8+$0x14200] =	vst v16;
	v16 =	vmul.f32 v3, v63  }
.LBB2_5:
0xd5: {  	p0 =	sne.s32 s12, $0x3C0;
	v20 =	vld [tilespmem:s10+$0x100];
	[tilespmem:s8+$0x13D00] =	vst v18;
	v18 =	vshll.u32 v11, $0x1;
	v10 =	vmul.f32 v13, v10;
	v21 =	vshll.u32 v8, $0x1  }
0xd6: {  	v22 =	vshll.u32 v9, $0x1;
	v23 =	vshll.u32 v6, $0x1;
	[tilespmem:s8+$0x13E00] =	vst v17;
	v17 =	vshll.u32 v7, $0x1  }
0xd7: {  	v25 =	vshll.u32 v5, $0x1;
	v13 =	vmul.f32 v13, v14;
	v24 =	vld [tilespmem:s10+$0x0];
	[tilespmem:s8+$0x13F00] =	vst v19;
	v19 =	vshll.u32 v4, $0x1  }
0xd8: {  	v15 =	vand.u32 $0xE, v15;
	v14 =	vmul.f32 v3, v14;
	v18 =	vand.u32 $0xE, v18;
	[tilespmem:s8+$0x14000] =	vst v16  }
0xd9: {  	v17 =	vand.u32 $0xE, v17;
	v16 =	vand.u32 $0xE, v22;
	v3 =	vld [tilespmem:s10+$0x200];
	[tilespmem:s8+$0x14100] =	vst v10;
	v10 =	vand.u32 $0xE, v21  }
0xda: {  	v12 =	vshrl.u32 v12, $0x3;
	v21 =	vand.u32 $0xE, v23;
	v20 =	vmul.f32 v20, v2;
	[tilespmem:s8+$0x14F00] =	vst v15  }
0xdb: {  	v11 =	vshrl.u32 v11, $0x3;
	v15 =	vand.u32 $0xE, v19;
	[tilespmem:s8+$0x15000] =	vst v18;
	v18 =	vand.u32 $0xE, v25  }
0xdc: {  	v8 =	vshrl.u32 v8, $0x3;
	v19 =	vmul.f32 v24, v2;
	v22 =	vtrunc.f32 v20;
	[tilespmem:s8+$0x15300] =	vst v10  }
0xdd: {  	v9 =	vshrl.u32 v9, $0x3;
	v7 =	vshrl.u32 v7, $0x3;
	v10 =	vcvt.f32.s32 v22;
	[tilespmem:s8+$0x15400] =	vst v17  }
0xde: {  	v6 =	vshrl.u32 v6, $0x3;
	v3 =	vmul.f32 v3, v2;
	v17 =	vtrunc.f32 v19;
	[tilespmem:s8+$0x14D00] =	vst v16  }
0xdf: {  	v16 =	vcvt.f32.s32 v17;
	v17 =	vcvt.s32.f32 v10;
	v22 =	vmul.u32 $0x9E3779B1, v10;
	[tilespmem:s8+$0x14E00] =	vst v21  }
0xe0: {  	v5 =	vshrl.u32 v5, $0x3;
	v4 =	vshrl.u32 v4, $0x3;
	v10 =	vtrunc.f32 v3;
	[tilespmem:s8+$0x2F00] =	vst v12  }
0xe1: {  	v10 =	vcvt.f32.s32 v10;
	v12 =	vcvt.s32.f32 v16;
	v17 =	vsub.f32 v20, v17;
	[tilespmem:s8+$0x3000] =	vst v11  }
0xe2: {  	v11 =	vadd.s32 $0x1, v16;
	v20 =	vadd.s32 $0x9E3779B1, v22;
	v21 =	vxor.u32 v16, v22;
	[tilespmem:s8+$0x15100] =	vst v15  }
0xe3: {  	v15 =	vsub.f32 v19, v12;
	v12 =	vcvt.s32.f32 v10;
	v19 =	vsub.f32 $1.000000000e+00, v17;
	[tilespmem:s8+$0x15200] =	vst v18  }
0xe4: {  	v16 =	vxor.u32 v16, v20;
	v20 =	vxor.u32 v11, v20;
	v18 =	vmul.u32 $0x30025795, v10;
	[tilespmem:s8+$0x3300] =	vst v8  }
0xe5: {  	v3 =	vsub.f32 v3, v12;
	v8 =	vsub.f32 $1.000000000e+00, v15;
	v10 =	vmul.f32 v19, v15;
	[tilespmem:s8+$0x14300] =	vst v13  }
0xe6: {  	v11 =	vxor.u32 v11, v22;
	v12 =	vadd.s32 $0x30025795, v18;
	v13 =	vxor.u32 v18, v16;
	[tilespmem:s8+$0x3400] =	vst v7  }
0xe7: {  	v22 =	vxor.u32 v18, v20;
	v7 =	vxor.u32 v12, v16;
	v16 =	vmul.f32 v10, v3;
	[tilespmem:s8+$0x14400] =	vst v14  }
0xe8: {  	v20 =	vxor.u32 v12, v20;
	v14 =	vxor.u32 v18, v21;
	v21 =	vxor.u32 v21, v12;
	[tilespmem:s8+$0x2D00] =	vst v9  }
0xe9: {  	v19 =	vmul.f32 v19, v8;
	v9 =	vxor.u32 v18, v11;
	v11 =	vxor.u32 v11, v12;
	[tilespmem:s10+$0x14200] =	vst v16  }
0xea: {  	v7 =	vand.u32 $0x7FFFF, v7;
	v12 =	vand.u32 $0x7FFFF, v13;
	v16 =	vmul.f32 v17, v8;
	[tilespmem:s8+$0x2E00] =	vst v6  }
0xeb: {  	v13 =	vsub.f32 $1.000000000e+00, v3;
	v18 =	vand.u32 $0x7FFFF, v20;
	v6 =	vand.u32 $0x7FFFF, v22;
	[tilespmem:s8+$0x3100] =	vst v4  }
0xec: {  	v20 =	vand.u32 $0x7FFFF, v21;
	v21 =	vand.u32 $0x7FFFF, v9;
	v4 =	vand.u32 $0x7FFFF, v14;
	[tilespmem:s8+$0x3200] =	vst v5;
	s8 =	smov.u32 s10  }
.Ltmp1:
0xed: {  	v12 =	vadd.s32 v1, v12;
	v14 =	vmul.f32 v17, v15;
	v5 =	vand.u32 $0x7FFFF, v11;
	(pc) =	sbr.rel @p0 .LBB2_5-.Ltmp1, $4  }
0xee: {  	v8 =	vadd.s32 v1, v6;
	v11 =	vadd.s32 v1, v7;
	v7 =	vadd.s32 v1, v18  }
0xef: {  	v6 =	vadd.s32 v1, v20;
	v9 =	vadd.s32 v1, v4;
	v4 =	vadd.s32 v1, v21  }
0xf0: {  	v17 =	vmul.f32 v19, v3;
	v18 =	vmul.f32 v13, v19;
	v5 =	vadd.s32 v1, v5  }
0xf1: {  	v15 =	vshll.u32 v12, $0x1;
	s10 =	sshra.s32 s12, $0x2;
	s12 =	sadd.s32 $0x40, s12;
	v19 =	vmul.f32 v13, v16;
	v16 =	vmul.f32 v3, v16  }
0xf2: {  	v20 =	vld [tilespmem:s10+$0x100];
	[tilespmem:s8+$0x13D00] =	vst v18  }
0xf3: {  	[tilespmem:s8+$0x13E00] =	vst v17  }
0xf4: {  	v10 =	vmul.f32 v13, v10;
	v17 =	vld [tilespmem:s10+$0x0];
	[tilespmem:s8+$0x13F00] =	vst v19  }
0xf5: {  	v45 =	vshll.u32 v11, $0x1;
	[tilespmem:s8+$0x14000] =	vst v16  }
0xf6: {  	v46 =	vshll.u32 v8, $0x1;
	v47 =	vshll.u32 v9, $0x1;
	v15 =	vand.u32 $0xE, v15;
	v22 =	vld [tilespmem:s10+$0x200];
	[tilespmem:s8+$0x14100] =	vst v10  }
0xf7: {  	v21 =	vshll.u32 v6, $0x1;
	v18 =	vand.u32 $0xE, v45;
	[tilespmem:s8+$0x14F00] =	vst v15;
	v20 =	vmul.f32 v20, v2  }
0xf8: {  	v23 =	vshll.u32 v7, $0x1;
	v24 =	vshll.u32 v4, $0x1;
	v50 =	vand.u32 $0xE, v46;
	[tilespmem:s8+$0x15000] =	vst v18  }
0xf9: {  	v51 =	vand.u32 $0xE, v23;
	[tilespmem:s8+$0x15300] =	vst v50;
	v52 =	vmul.f32 v17, v2;
	v53 =	vtrunc.f32 v20  }
0xfa: {  	v48 =	vshll.u32 v5, $0x1;
	v54 =	vand.u32 $0xE, v47;
	[tilespmem:s8+$0x15400] =	vst v51;
	v17 =	vcvt.f32.s32 v53  }
0xfb: {  	v55 =	vand.u32 $0xE, v21;
	[tilespmem:s8+$0x14D00] =	vst v54;
	v2 =	vmul.f32 v22, v2;
	v56 =	vtrunc.f32 v52  }
0xfc: {  	v12 =	vshrl.u32 v12, $0x3;
	[tilespmem:s8+$0x14E00] =	vst v55;
	v58 =	vcvt.f32.s32 v56;
	v59 =	vcvt.s32.f32 v17  }
0xfd: {  	v57 =	vshrl.u32 v11, $0x3;
	v60 =	vand.u32 $0xE, v24;
	[tilespmem:s8+$0x2F00] =	vst v12;
	v61 =	vtrunc.f32 v2  }
0xfe: {  	[tilespmem:s8+$0x3000] =	vst v57;
	v62 =	vcvt.f32.s32 v61;
	v63 =	vcvt.s32.f32 v58;
	v15 =	vsub.f32 v20, v59  }
0xff: {  	v49 =	vmul.f32 v13, v14;
	v3 =	vmul.f32 v3, v14;
	v21 =	vshrl.u32 v8, $0x3;
	[tilespmem:s8+$0x15100] =	vst v60  }
0x100: {  	[tilespmem:s8+$0x3300] =	vst v21;
	v25 =	vcvt.s32.f32 v62;
	v24 =	vsub.f32 v52, v63;
	v26 =	vsub.f32 $1.000000000e+00, v15  }
0x101: {  	v27 =	vshrl.u32 v6, $0x3;
	v29 =	vshrl.u32 v4, $0x3;
	v23 =	vshrl.u32 v7, $0x3;
	[tilespmem:s8+$0x14300] =	vst v49  }
0x102: {  	v30 =	vshrl.u32 v5, $0x3;
	[tilespmem:s8+$0x3400] =	vst v23;
	v2 =	vsub.f32 v2, v25;
	v31 =	vmul.f32 v26, v24  }
0x103: {  	v10 =	vand.u32 $0xE, v48;
	[tilespmem:s8+$0x14400] =	vst v3;
	v22 =	vshrl.u32 v9, $0x3;
	v28 =	vmul.u32 $0x9E3779B1, v17  }
0x104: {  	[tilespmem:s8+$0x15200] =	vst v10;
	v32 =	vadd.s32 $0x1, v58;
	v35 =	vsub.f32 $1.000000000e+00, v24;
	v36 =	vmul.f32 v31, v2  }
0x105: {  	[tilespmem:s8+$0x2D00] =	vst v22;
	v33 =	vadd.s32 $0x9E3779B1, v28;
	v12 =	vmul.u32 $0x30025795, v62;
	v34 =	vxor.u32 v58, v28  }
0x106: {  	v3 =	vxor.u32 v58, v33;
	v40 =	vsub.f32 $1.000000000e+00, v2;
	v18 =	vmul.f32 v26, v35;
	[tilespmem:s10+$0x14200] =	vst v36  }
0x107: {  	v37 =	vxor.u32 v32, v33;
	v38 =	vadd.s32 $0x30025795, v12;
	v39 =	vxor.u32 v12, v3;
	[tilespmem:s8+$0x2E00] =	vst v27  }
0x108: {  	v41 =	vxor.u32 v12, v37;
	v17 =	vmul.f32 v15, v35;
	v43 =	vmul.f32 v40, v18;
	[tilespmem:s8+$0x3100] =	vst v29  }
0x109: {  	v3 =	vxor.u32 v38, v3;
	v7 =	vxor.u32 v34, v38;
	v44 =	vmul.f32 v18, v2;
	[tilespmem:s8+$0x3200] =	vst v30  }
0x10a: {  	v14 =	vxor.u32 v38, v37;
	v9 =	vand.u32 $0x7FFFF, v39;
	v45 =	vmul.f32 v40, v17;
	[tilespmem:s10+$0x13D00] =	vst v43  }
0x10b: {  	v46 =	vand.u32 $0x7FFFF, v41;
	v3 =	vand.u32 $0x7FFFF, v3;
	v48 =	vmul.f32 v2, v17;
	[tilespmem:s10+$0x13E00] =	vst v44  }
0x10c: {  	v47 =	vand.u32 $0x7FFFF, v14;
	v50 =	vadd.s32 v1, v9;
	v8 =	vmul.f32 v40, v31;
	[tilespmem:s10+$0x13F00] =	vst v45  }
0x10d: {  	v7 =	vand.u32 $0x7FFFF, v7;
	v3 =	vadd.s32 v1, v3;
	v9 =	vshll.u32 v50, $0x1;
	[tilespmem:s10+$0x14000] =	vst v48  }
0x10e: {  	v4 =	vadd.s32 v1, v46;
	v51 =	vshll.u32 v3, $0x1;
	v9 =	vand.u32 $0xE, v9;
	[tilespmem:s10+$0x14100] =	vst v8  }
0x10f: {  	v53 =	vshll.u32 v4, $0x1;
	v7 =	vadd.s32 v1, v7;
	v14 =	vand.u32 $0xE, v51;
	[tilespmem:s10+$0x14F00] =	vst v9  }
0x110: {  	v13 =	vand.u32 $0xE, v53;
	v56 =	vshll.u32 v7, $0x1;
	[tilespmem:s10+$0x15000] =	vst v14  }
0x111: {  	v59 =	vand.u32 $0xE, v56;
	[tilespmem:s10+$0x15300] =	vst v13  }
0x112: {  	v61 =	vmul.f32 v15, v24;
	v6 =	vshrl.u32 v50, $0x3;
	[tilespmem:s10+$0x14E00] =	vst v59  }
0x113: {  	v10 =	vxor.u32 v32, v28;
	v3 =	vshrl.u32 v3, $0x3;
	[tilespmem:s10+$0x2F00] =	vst v6  }
0x114: {  	v42 =	vxor.u32 v12, v34;
	v4 =	vshrl.u32 v4, $0x3;
	v63 =	vmul.f32 v40, v61;
	[tilespmem:s10+$0x3000] =	vst v3  }
0x115: {  	v49 =	vand.u32 $0x7FFFF, v42;
	v52 =	vadd.s32 v1, v47;
	v2 =	vmul.f32 v2, v61;
	[tilespmem:s10+$0x3300] =	vst v4  }
0x116: {  	v12 =	vxor.u32 v12, v10;
	v5 =	vadd.s32 v1, v49;
	v54 =	vshll.u32 v52, $0x1;
	[tilespmem:s10+$0x14300] =	vst v63  }
0x117: {  	v58 =	vand.u32 $0x7FFFF, v12;
	v55 =	vshll.u32 v5, $0x1;
	v9 =	vand.u32 $0xE, v54;
	[tilespmem:s10+$0x14400] =	vst v2  }
0x118: {  	v57 =	vxor.u32 v10, v38;
	v10 =	vadd.s32 v1, v58;
	v14 =	vand.u32 $0xE, v55;
	[tilespmem:s10+$0x15400] =	vst v9  }
0x119: {  	v60 =	vshll.u32 v10, $0x1;
	v2 =	vshrl.u32 v7, $0x3;
	[tilespmem:s10+$0x14D00] =	vst v14;
	v9 =	vand.u32 $0x7FFFF, v57  }
0x11a: {  	[tilespmem:s10+$0x2E00] =	vst v2;
	v1 =	vadd.s32 v1, v9;
	v9 =	vand.u32 $0xE, v60  }
0x11b: {  	v62 =	vshll.u32 v1, $0x1;
	[tilespmem:s10+$0x15100] =	vst v9;
	v1 =	vshrl.u32 v1, $0x3  }
0x11c: {  	v3 =	vand.u32 $0xE, v62;
	[tilespmem:s10+$0x3200] =	vst v1  }
0x11d: {  	[tilespmem:s10+$0x15200] =	vst v3;
	v3 =	vshrl.u32 v52, $0x3  }
0x11e: {  	[tilespmem:s10+$0x3400] =	vst v3;
	v3 =	vshrl.u32 v5, $0x3  }
0x11f: {  	[tilespmem:s10+$0x2D00] =	vst v3;
	v3 =	vshrl.u32 v10, $0x3  }
0x120: {  	s4 =	simm.s32 $0x2D00;
	[tilespmem:s10+$0x3100] =	vst v3  }
0x121: {  	[tilespmem:s11], [sflag:$0x2] =	stream.indirect.gather [hbm4b:s5+s25], $0x10, s4, s25, $0xb8;
	[tilespmem:$0x15500] =	vst v63  }
0x122: {  	s10 =	simm.s32 $0x2E00  }
0x123: {  	[tilespmem:s13], [sflag:$0x2] =	stream.indirect.gather [hbm4b:s5+s25], $0x10, s10, s25, $0xb8;
	[tilespmem:$0x15500] =	vst v63  }
0x124: {  	s12 =	simm.s32 $0x2F00  }
0x125: {  	[tilespmem:s15], [sflag:$0x2] =	stream.indirect.gather [hbm4b:s5+s25], $0x10, s12, s25, $0xb8;
	[tilespmem:$0x15500] =	vst v63  }
0x126: {  	s14 =	simm.s32 $0x3000  }
0x127: {  	[tilespmem:s17], [sflag:$0x2] =	stream.indirect.gather [hbm4b:s5+s25], $0x10, s14, s25, $0xb8;
	[tilespmem:$0x15500] =	vst v63  }
0x128: {  	s16 =	simm.s32 $0x3100  }
0x129: {  	[tilespmem:s19], [sflag:$0x2] =	stream.indirect.gather [hbm4b:s5+s25], $0x10, s16, s25, $0xb8;
	[tilespmem:$0x15500] =	vst v63  }
0x12a: {  	s20 =	simm.s32 $0x3200  }
0x12b: {  	[tilespmem:s3], [sflag:$0x2] =	stream.indirect.gather [hbm4b:s5+s25], $0x10, s20, s25, $0xb8;
	[tilespmem:$0x15500] =	vst v63  }
0x12c: {  	s23 =	simm.s32 $0x3300;
	p0 =	seq.s32 s18, $0x0  }
0x12d: {  	[tilespmem:s31], [sflag:$0x2] =	stream.indirect.gather [hbm4b:s5+s25], $0x10, s23, s25, $0xb8;
	[tilespmem:$0x15500] =	vst v63  }
0x12e: {  	s26 =	simm.s32 $0x3400;
	[dreg:$0x15] =	wrdreg s18;
	s8 =	simm.s32 @!p0 $0x3  }
0x12f: {  	[tilespmem:s24], [sflag:$0x2] =	stream.indirect.gather [hbm4b:s5+s25], $0x10, s26, s25, $0xb8;
	[tilespmem:$0x15500] =	vst v63  }
0x130: {  	_ =	swait.ge @!p0 [sflag:s8], $0x400  }
0x131: {  	[sflag:s8] =	ssyncset.done @!p0 $0x0  }
0x132: {  	[sflag:s8] =	ssyncadd.s32 @!p0 $0xFFFFFC00  }
0x133: {  	_ =	swait.ge @!p0 [sflag:s8], $0x400  }
0x134: {  	[sflag:s8] =	ssyncset.done @!p0 $0x0  }
0x135: {  	[sflag:s8] =	ssyncadd.s32 @!p0 $0xFFFFFC00  }
0x136: {  	_ =	swait.ge @!p0 [sflag:s8], $0x400  }
0x137: {  	[sflag:s8] =	ssyncset.done @!p0 $0x0  }
0x138: {  	[sflag:s8] =	ssyncadd.s32 @!p0 $0xFFFFFC00  }
0x139: {  	_ =	swait.ge @!p0 [sflag:s8], $0x400  }
0x13a: {  	[sflag:s8] =	ssyncset.done @!p0 $0x0  }
0x13b: {  	[sflag:s8] =	ssyncadd.s32 @!p0 $0xFFFFFC00  }
0x13c: {  	_ =	swait.ge @!p0 [sflag:s8], $0x400  }
0x13d: {  	[sflag:s8] =	ssyncset.done @!p0 $0x0  }
0x13e: {  	[sflag:s8] =	ssyncadd.s32 @!p0 $0xFFFFFC00  }
0x13f: {  	_ =	swait.ge @!p0 [sflag:s8], $0x400  }
0x140: {  	[sflag:s8] =	ssyncset.done @!p0 $0x0  }
0x141: {  	[sflag:s8] =	ssyncadd.s32 @!p0 $0xFFFFFC00  }
0x142: {  	_ =	swait.ge @!p0 [sflag:s8], $0x400  }
0x143: {  	[sflag:s8] =	ssyncset.done @!p0 $0x0  }
0x144: {  	[sflag:s8] =	ssyncadd.s32 @!p0 $0xFFFFFC00  }
0x145: {  	_ =	swait.ge @!p0 [sflag:s8], $0x400  }
0x146: {  	[sflag:s8] =	ssyncset.done @!p0 $0x0  }
0x147: {  	s29 =	simm.s32 $0x0;
	[sflag:s8] =	ssyncadd.s32 @!p0 $0xFFFFFC00  }
.LBB2_7:
0x148: {  	_ =	swait.ge [sflag:s7], $0x1000  }
0x149: {  	[sflag:s7] =	ssyncset.done $0x0  }
0x14a: {  	[sflag:s7] =	ssyncadd.s32 $0xFFFFF000  }
0x14b: {  	_ =	swait.ge [sflag:s7], $0x1000  }
0x14c: {  	[sflag:s7] =	ssyncset.done $0x0  }
0x14d: {  	[sflag:s7] =	ssyncadd.s32 $0xFFFFF000  }
0x14e: {  	_ =	swait.ge [sflag:s7], $0x1000  }
0x14f: {  	[sflag:s7] =	ssyncset.done $0x0  }
0x150: {  	[sflag:s7] =	ssyncadd.s32 $0xFFFFF000  }
0x151: {  	_ =	swait.ge [sflag:s7], $0x1000  }
0x152: {  	[sflag:s7] =	ssyncset.done $0x0  }
0x153: {  	[sflag:s7] =	ssyncadd.s32 $0xFFFFF000  }
0x154: {  	_ =	swait.ge [sflag:s7], $0x1000  }
0x155: {  	[sflag:s7] =	ssyncset.done $0x0  }
0x156: {  	[sflag:s7] =	ssyncadd.s32 $0xFFFFF000  }
0x157: {  	_ =	swait.ge [sflag:s7], $0x1000  }
0x158: {  	[sflag:s7] =	ssyncset.done $0x0  }
0x159: {  	[sflag:s7] =	ssyncadd.s32 $0xFFFFF000  }
0x15a: {  	_ =	swait.ge [sflag:s7], $0x1000  }
0x15b: {  	[sflag:s7] =	ssyncset.done $0x0  }
0x15c: {  	[sflag:s7] =	ssyncadd.s32 $0xFFFFF000  }
0x15d: {  	_ =	swait.ge [sflag:s7], $0x1000  }
0x15e: {  	[sflag:s7] =	ssyncset.done $0x0  }
0x15f: {  	s10 =	simm.s32 $0x14900;
	[sflag:s7] =	ssyncadd.s32 $0xFFFFF000  }
0x160: {  	v1 =	vld [tilespmem:s10+$0xFFFFFD00]  }
0x161: {  	v2 =	vld [tilespmem:s10+$0xFFFFFC00]  }
0x162: {  	s4 =	simm.s32 $0x0;
	v4 =	vld [tilespmem:s10+$0xFFFFFE00]  }
0x163: {  	v3 =	vmov s4;
	v5 =	vld [tilespmem:s10+$0xFFFFFF00]  }
0x164: {  	v3 =	vshll.u32 v3, $0x4  }
0x165: {  	v6 =	vor.u32 v0, v3;
	v11 =	vld [tilespmem:s10+$0x0]  }
0x166: {  	v3 =	vand.u32 $0x7, v1;
	v7 =	vand.u32 $0x7, v2;
	v8 =	vand.u32 $0xFFFFFFF8, v1  }
0x167: {  	v1 =	vadd.s32 $0x1, v1;
	v9 =	vadd.s32 $0x1, v2;
	v10 =	vand.u32 $0xFFFFFFF8, v2  }
0x168: {  	v14 =	vand.u32 $0x7, v4;
	v15 =	vadd.s32 $0x1, v5;
	v16 =	vand.u32 $0xFFFFFFF8, v4  }
0x169: {  	v17 =	vand.u32 $0xFFFFFFF8, v5;
	v19 =	vand.u32 $0x7, v5;
	v5 =	vadd.s32 $0x1, v4  }
0x16a: {  	s12 =	simm.s32 $0x13900;
	v21 =	vadd.s32 $0x1, v11;
	v22 =	vand.u32 $0xFFFFFFF8, v11;
	v11 =	vand.u32 $0x7, v11  }
0x16b: {  	v18 =	vld [tilespmem:s12+$0xFFFFFC00];
	v2 =	vadd.s32 v6, v8;
	v8 =	vand.u32 $0x7, v9;
	v52 =	vand.u32 $0xFFFFFFF8, v5  }
0x16c: {  	v23 =	vld [tilespmem:s12+$0xFFFFFD00];
	v24 =	vand.u32 $0x7, v5;
	v16 =	vadd.s32 v6, v16;
	v12 =	vor.u32 v3, v2  }
0x16d: {  	v54 =	vld [tilespmem:s12+$0xFFFFFE00];
	v2 =	vand.u32 $0xFFFFFFF8, v1;
	v3 =	vand.u32 $0xFFFFFFF8, v9;
	v1 =	vand.u32 $0x7, v1  }
0x16e: {  	v4 =	vld [tilespmem:s12+$0x0];
	v14 =	vor.u32 v14, v16;
	v13 =	vadd.s32 v6, v3;
	v3 =	vadd.s32 v6, v10  }
0x16f: {  	v16 =	vld [tilespmem:s10+$0x300];
	v9 =	vadd.s32 v6, v2;
	v7 =	vor.u32 v7, v3;
	v3 =	vand.u32 $0xFFFFFFF8, v15  }
0x170: {  	v10 =	vld [tilespmem:s10+$0x100];
	v1 =	vor.u32 v1, v9;
	v9 =	vand.u32 $0x7, v15;
	v15 =	vand.u32 $0xFFFFFFF8, v21  }
0x171: {  	v5 =	vld [tilespmem:s12+$0xFFFFFF00];
	v8 =	vor.u32 v8, v13;
	v13 =	vand.u32 $0x7, v21;
	v15 =	vadd.s32 v6, v15  }
0x172: {  	v17 =	vadd.s32 v6, v17;
	v22 =	vadd.s32 v6, v22;
	v13 =	vor.u32 v13, v15;
	v15 =	vld [tilespmem:s10+$0x200]  }
0x173: {  	v17 =	vor.u32 v19, v17;
	v2 =	vld [tilespmem:s12+$0x200];
	v21 =	vadd.s32 v6, v52;
	v20 =	vadd.s32 v6, v3  }
0x174: {  	v11 =	vor.u32 v11, v22;
	v53 =	vor.u32 v24, v21;
	v9 =	vor.u32 v9, v20;
	v12 =	vld.idx.msk [tilespmem:v12+s22+$0x0], $0xffff  }
0x175: {  	v14 =	vld.idx.msk [tilespmem:v14+s6+$0x0], $0xffff;
	v59 =	vadd.s32 $0x1, v16;
	v19 =	vand.u32 $0xFFFFFFF8, v10;
	v55 =	vand.u32 $0x7, v10  }
0x176: {  	v10 =	vadd.s32 $0x1, v10;
	v60 =	vand.u32 $0x7, v59;
	v19 =	vadd.s32 v6, v19;
	v7 =	vld.idx.msk [tilespmem:v7+s0+$0x0], $0xffff  }
0x177: {  	v57 =	vld.idx.msk [tilespmem:v8+s0+$0x0], $0xffff;
	v56 =	vand.u32 $0x7, v15;
	v8 =	vand.u32 $0xFFFFFFF8, v15;
	v15 =	vadd.s32 $0x1, v15  }
0x178: {  	v1 =	vld.idx.msk [tilespmem:v1+s22+$0x0], $0xffff;
	v58 =	vand.u32 $0xFFFFFFF8, v10;
	v19 =	vor.u32 v55, v19;
	v25 =	vand.u32 $0xFFFFFFF8, v15  }
0x179: {  	v26 =	vld.idx.msk [tilespmem:v9+s21+$0x0], $0xffff;
	v8 =	vadd.s32 v6, v8;
	v9 =	vand.u32 $0x7, v15;
	v15 =	vadd.s32 v6, v25  }
0x17a: {  	v20 =	vld.idx.msk [tilespmem:v53+s6+$0x0], $0xffff;
	v12 =	vmul.f32 v23, v12;
	v22 =	vor.u32 v56, v8;
	v15 =	vor.u32 v9, v15  }
0x17b: {  	v3 =	vld [tilespmem:s12+$0x100];
	v9 =	vand.u32 $0x7, v10;
	v10 =	vadd.s32 v6, v58;
	v7 =	vmul.f32 v18, v7  }
0x17c: {  	v8 =	vld.idx.msk [tilespmem:v13+s2+$0x0], $0xffff;
	v18 =	vmul.f32 v18, v57;
	v13 =	vor.u32 v9, v10;
	v10 =	vand.u32 $0xFFFFFFF8, v59  }
0x17d: {  	v63 =	vmul.f32 v54, v14;
	v1 =	vmul.f32 v23, v1;
	v9 =	vld.idx.msk [tilespmem:v11+s2+$0x0], $0xffff;
	v61 =	vadd.s32 v6, v10  }
0x17e: {  	v11 =	vld.idx.msk [tilespmem:v17+s21+$0x0], $0xffff;
	v10 =	vadd.f32 $0.0e+00, v7;
	v17 =	vadd.f32 $0.0e+00, v18;
	v18 =	vand.u32 $0xFFFFFFF8, v16  }
0x17f: {  	s8 =	sshll.u32 s29, $0xA;
	v16 =	vand.u32 $0x7, v16;
	v14 =	vadd.s32 v6, v18;
	v18 =	vmul.f32 v54, v20;
	v7 =	vld.idx.msk [tilespmem:v22+s30+$0x0], $0xffff  }
0x180: {  	s23 =	sshll.u32 s29, $0x9;
	s14 =	sand.u32 $0x1800, s8;
	v62 =	vadd.f32 v12, v10;
	v17 =	vadd.f32 v1, v17;
	v12 =	vor.u32 v60, v61;
	v10 =	vld.idx.msk [tilespmem:v15+s30+$0x0], $0xffff  }
0x181: {  	s16 =	simm.s32 $0x10;
	s26 =	sand.u32 $0x400, s4;
	s18 =	sand.u32 $0x70, s4;
	v1 =	vmov s14;
	v14 =	vor.u32 v16, v14;
	v6 =	vld.idx.msk [tilespmem:v13+s28+$0x0], $0xffff  }
0x182: {  	s8 =	sand.u32 $0x200, s23;
	s14 =	sor.u32 s26, s18;
	s18 =	simm.s32 $0x0;
	v15 =	vadd.f32 v63, v62;
	v13 =	vld.idx.msk [tilespmem:v19+s28+$0x0], $0xffff;
	v16 =	vadd.f32 v18, v17;
	v17 =	vmul.f32 v5, v26  }
.LBB2_8:
0x183: {  	s18 =	sadd.s32 $0x80, s18  }
0x184: {  	v5 =	vmul.f32 v5, v11;
	v11 =	vld [tilespmem:s12+$0x300];
	s10 =	sadd.s32 $0x10, s10;
	s12 =	sadd.s32 $0x10, s12;
	s20 =	smov.u32 s16  }
0x185: {  	p0 =	sne.s32 s16, $0xF0;
	s16 =	sadd.s32 $0x10, s16;
	v8 =	vmul.f32 v4, v8;
	s23 =	sand.u32 $0x400, s18;
	v16 =	vadd.f32 v17, v16;
	v12 =	vld.idx.msk [tilespmem:v12+s9+$0x0], $0xffff  }
0x186: {  	v4 =	vmul.f32 v4, v9;
	s4 =	sand.u32 $0x70, s20;
	v5 =	vadd.f32 v5, v15;
	v9 =	vld.idx.msk [tilespmem:v14+s9+$0x0], $0xffff  }
0x187: {  	s4 =	sor.u32 s23, s4;
	v6 =	vmul.f32 v3, v6;
	v8 =	vadd.f32 v8, v16  }
0x188: {  	v3 =	vmul.f32 v3, v13;
	v4 =	vadd.f32 v4, v5  }
0x189: {  	v5 =	vadd.f32 v6, v8;
	v6 =	vmul.f32 v2, v10  }
0x18a: {  	v2 =	vmul.f32 v2, v7;
	v3 =	vadd.f32 v3, v4  }
0x18b: {  	v4 =	vmov s20;
	v7 =	vmul.f32 v11, v12;
	v5 =	vadd.f32 v6, v5  }
0x18c: {  	v4 =	vshll.u32 v4, $0x4;
	v2 =	vadd.f32 v2, v3;
	v3 =	vmul.f32 v11, v9  }
0x18d: {  	v6 =	vor.u32 v0, v4;
	v4 =	vadd.f32 v7, v5  }
0x18e: {  	s20 =	sadd.s32 s14, s8;
	s14 =	smov.u32 s4;
	v2 =	vadd.f32 v3, v2  }
0x18f: {  	[tilespmem:v1+s20+$0x380 ss:$0x1] =	vst.idx.msk $0xffff, v4  }
0x190: {  	[tilespmem:v1+s20+$0x300 ss:$0x1] =	vst.idx.msk $0xffff, v2  }
0x191: {  	v3 =	vld [tilespmem:s10+$0xFFFFFD00]  }
0x192: {  	v4 =	vld [tilespmem:s10+$0xFFFFFC00]  }
0x193: {  	v5 =	vld [tilespmem:s10+$0xFFFFFE00]  }
0x194: {  	v2 =	vld [tilespmem:s12+$0x200];
	_ =	sdelay $0x1  }
0x195: {  	v7 =	vand.u32 $0x7, v3;
	v8 =	vld [tilespmem:s10+$0xFFFFFF00]  }
0x196: {  	v10 =	vand.u32 $0xFFFFFFF8, v3;
	v3 =	vadd.s32 $0x1, v3;
	v9 =	vand.u32 $0x7, v4  }
0x197: {  	v11 =	vand.u32 $0xFFFFFFF8, v4;
	v4 =	vadd.s32 $0x1, v4;
	v10 =	vadd.s32 v6, v10;
	v12 =	vld [tilespmem:s10+$0x0]  }
0x198: {  	v13 =	vand.u32 $0x7, v4;
	v7 =	vor.u32 v7, v10;
	v10 =	vand.u32 $0xFFFFFFF8, v3  }
0x199: {  	v14 =	vand.u32 $0x7, v3;
	v4 =	vand.u32 $0xFFFFFFF8, v4;
	v10 =	vadd.s32 v6, v10;
	v15 =	vld [tilespmem:s10+$0x100]  }
0x19a: {  	v18 =	vand.u32 $0x7, v5;
	v16 =	vadd.s32 v6, v4;
	v17 =	vld [tilespmem:s12+$0xFFFFFC00];
	v4 =	vadd.s32 $0x1, v8  }
0x19b: {  	v3 =	vadd.s32 v6, v11;
	v11 =	vand.u32 $0xFFFFFFF8, v5;
	v19 =	vand.u32 $0xFFFFFFF8, v8  }
0x19c: {  	v9 =	vor.u32 v9, v3;
	v8 =	vand.u32 $0x7, v8;
	v3 =	vand.u32 $0xFFFFFFF8, v4  }
0x19d: {  	v20 =	vadd.s32 $0x1, v5;
	v21 =	vadd.s32 v6, v3;
	v5 =	vadd.s32 $0x1, v12;
	v3 =	vld [tilespmem:s12+$0x100]  }
0x19e: {  	v10 =	vor.u32 v14, v10;
	v14 =	vand.u32 $0x7, v4;
	v22 =	vand.u32 $0xFFFFFFF8, v5;
	v4 =	vld [tilespmem:s12+$0x0]  }
0x19f: {  	v13 =	vor.u32 v13, v16;
	v5 =	vand.u32 $0x7, v5;
	v16 =	vadd.s32 v6, v22;
	v7 =	vld.idx.msk [tilespmem:v7+s22+$0x0], $0xffff  }
0x1a0: {  	v23 =	vand.u32 $0xFFFFFFF8, v12;
	v22 =	vand.u32 $0xFFFFFFF8, v20;
	v16 =	vor.u32 v5, v16;
	v24 =	vld [tilespmem:s10+$0x200]  }
0x1a1: {  	v19 =	vadd.s32 v6, v19;
	v23 =	vadd.s32 v6, v23;
	v22 =	vadd.s32 v6, v22;
	v5 =	vld [tilespmem:s12+$0xFFFFFF00]  }
0x1a2: {  	v12 =	vand.u32 $0x7, v12;
	v14 =	vor.u32 v14, v21;
	v20 =	vand.u32 $0x7, v20;
	v25 =	vld [tilespmem:s12+$0xFFFFFD00]  }
0x1a3: {  	v11 =	vadd.s32 v6, v11;
	v19 =	vor.u32 v8, v19;
	v20 =	vor.u32 v20, v22;
	v21 =	vld [tilespmem:s12+$0xFFFFFE00]  }
0x1a4: {  	v8 =	vor.u32 v18, v11;
	v11 =	vor.u32 v12, v23;
	v12 =	vand.u32 $0xFFFFFFF8, v15;
	v18 =	vld [tilespmem:s10+$0x300]  }
0x1a5: {  	v12 =	vadd.s32 v6, v12;
	v22 =	vand.u32 $0x7, v15;
	v9 =	vld.idx.msk [tilespmem:v9+s0+$0x0], $0xffff;
	v23 =	vand.u32 $0x7, v24  }
0x1a6: {  	v22 =	vor.u32 v22, v12;
	v12 =	vand.u32 $0xFFFFFFF8, v24;
	v24 =	vadd.s32 $0x1, v24;
	v13 =	vld.idx.msk [tilespmem:v13+s0+$0x0], $0xffff  }
0x1a7: {  	v10 =	vld.idx.msk [tilespmem:v10+s22+$0x0], $0xffff;
	v26 =	vmul.f32 v25, v7;
	v7 =	vadd.s32 $0x1, v15;
	v15 =	vand.u32 $0xFFFFFFF8, v24  }
0x1a8: {  	v12 =	vadd.s32 v6, v12;
	v27 =	vld.idx.msk [tilespmem:v14+s21+$0x0], $0xffff;
	v14 =	vand.u32 $0x7, v24;
	v15 =	vadd.s32 v6, v15  }
0x1a9: {  	v23 =	vor.u32 v23, v12;
	v24 =	vld.idx.msk [tilespmem:v8+s6+$0x0], $0xffff;
	v8 =	vand.u32 $0xFFFFFFF8, v7;
	v14 =	vor.u32 v14, v15  }
0x1aa: {  	v7 =	vand.u32 $0x7, v7;
	v15 =	vld.idx.msk [tilespmem:v20+s6+$0x0], $0xffff;
	v12 =	vadd.s32 v6, v8;
	v20 =	vadd.s32 $0x1, v18  }
0x1ab: {  	v28 =	vmul.f32 v17, v9;
	v8 =	vld.idx.msk [tilespmem:v16+s2+$0x0], $0xffff;
	v16 =	vor.u32 v7, v12;
	v7 =	vand.u32 $0xFFFFFFF8, v20  }
0x1ac: {  	v13 =	vmul.f32 v17, v13;
	v12 =	vand.u32 $0x7, v20;
	v9 =	vld.idx.msk [tilespmem:v11+s2+$0x0], $0xffff;
	v7 =	vadd.s32 v6, v7  }
0x1ad: {  	v17 =	vadd.f32 $0.0e+00, v28;
	v20 =	vmul.f32 v25, v10;
	v11 =	vld.idx.msk [tilespmem:v19+s21+$0x0], $0xffff;
	v12 =	vor.u32 v12, v7  }
.Ltmp2:
0x1ae: {  	v13 =	vadd.f32 $0.0e+00, v13;
	v19 =	vand.u32 $0xFFFFFFF8, v18;
	v18 =	vand.u32 $0x7, v18;
	v7 =	vld.idx.msk [tilespmem:v23+s30+$0x0], $0xffff;
	(pc) =	sbr.rel @p0 .LBB2_8-.Ltmp2, $4  }
0x1af: {  	v17 =	vadd.f32 v26, v17;
	v23 =	vmul.f32 v21, v24;
	v10 =	vld.idx.msk [tilespmem:v14+s30+$0x0], $0xffff;
	v14 =	vadd.s32 v6, v19  }
0x1b0: {  	v19 =	vadd.f32 v20, v13;
	v20 =	vmul.f32 v21, v15;
	v6 =	vld.idx.msk [tilespmem:v16+s28+$0x0], $0xffff;
	v14 =	vor.u32 v18, v14  }
0x1b1: {  	v15 =	vadd.f32 v23, v17;
	v13 =	vld.idx.msk [tilespmem:v22+s28+$0x0], $0xffff  }
0x1b2: {  	v17 =	vmul.f32 v5, v27;
	v16 =	vadd.f32 v20, v19  }
0x1b3: {  	_ =	sdelay $0x1  }
0x1b4: {  	v5 =	vmul.f32 v5, v11  }
0x1b5: {  	v11 =	vld [tilespmem:s12+$0x300];
	v8 =	vmul.f32 v4, v8;
	v16 =	vadd.f32 v17, v16  }
0x1b6: {  	v12 =	vld.idx.msk [tilespmem:v12+s9+$0x0], $0xffff;
	v4 =	vmul.f32 v4, v9;
	v5 =	vadd.f32 v5, v15  }
0x1b7: {  	v9 =	vld.idx.msk [tilespmem:v14+s9+$0x0], $0xffff;
	v6 =	vmul.f32 v3, v6;
	v8 =	vadd.f32 v8, v16  }
0x1b8: {  	v3 =	vmul.f32 v3, v13;
	v4 =	vadd.f32 v4, v5  }
0x1b9: {  	v5 =	vadd.f32 v6, v8;
	v6 =	vmul.f32 v2, v10  }
0x1ba: {  	v2 =	vmul.f32 v2, v7;
	v3 =	vadd.f32 v3, v4  }
0x1bb: {  	v4 =	vadd.f32 v6, v5;
	v5 =	vmul.f32 v11, v12  }
0x1bc: {  	v2 =	vadd.f32 v2, v3;
	v3 =	vmul.f32 v11, v9  }
0x1bd: {  	v4 =	vadd.f32 v5, v4  }
0x1be: {  	s4 =	sadd.s32 s14, s8;
	v2 =	vadd.f32 v3, v2  }
0x1bf: {  	[tilespmem:v1+s4+$0x380 ss:$0x1] =	vst.idx.msk $0xffff, v4  }
0x1c0: {  	s10 =	sshll.u32 s29, $0x5;
	[tilespmem:v1+s4+$0x300 ss:$0x1] =	vst.idx.msk $0xffff, v2  }
0x1c1: {  	s12 =	simm.s32 $0x0;
	v3 =	vld [tilespmem:s10+$0x2320]  }
0x1c2: {  	v2 =	vld [tilespmem:s12+$0x100]  }
0x1c3: {  	v4 =	vld [tilespmem:s12+$0x0];
	_ =	sdelay $0x2  }
0x1c4: {  	v5 =	vld [tilespmem:s12+$0x200]  }
0x1c5: {  	v2 =	vmul.f32 v2, v3  }
0x1c6: {  	v4 =	vmul.f32 v4, v3  }
0x1c7: {  	v6 =	vtrunc.f32 v2  }
0x1c8: {  	v7 =	vtrunc.f32 v4;
	v6 =	vcvt.f32.s32 v6  }
0x1c9: {  	v5 =	vmul.f32 v5, v3;
	v7 =	vcvt.f32.s32 v7  }
0x1ca: {  	v8 =	vcvt.s32.f32 v6  }
0x1cb: {  	v9 =	vtrunc.f32 v5;
	v6 =	vmul.u32 $0x9E3779B1, v6;
	v10 =	vcvt.s32.f32 v7  }
0x1cc: {  	v9 =	vcvt.f32.s32 v9;
	v8 =	vsub.f32 v2, v8;
	v2 =	vadd.s32 $0x1, v7  }
0x1cd: {  	v11 =	vadd.s32 $0x9E3779B1, v6;
	v12 =	vxor.u32 v7, v6;
	v10 =	vsub.f32 v4, v10  }
0x1ce: {  	v4 =	vcvt.s32.f32 v9;
	v9 =	vmul.u32 $0x30025795, v9;
	v7 =	vxor.u32 v7, v11  }
0x1cf: {  	v14 =	vxor.u32 v2, v11;
	v6 =	vxor.u32 v2, v6;
	v13 =	vsub.f32 $1.000000000e+00, v8  }
0x1d0: {  	v4 =	vsub.f32 v5, v4;
	v5 =	vsub.f32 $1.000000000e+00, v10;
	v15 =	vadd.s32 $0x30025795, v9  }
0x1d1: {  	v16 =	vxor.u32 v9, v7;
	v18 =	vxor.u32 v9, v14;
	v19 =	vxor.u32 v9, v12  }
0x1d2: {  	v9 =	vxor.u32 v9, v6;
	v7 =	vxor.u32 v15, v7;
	v12 =	vxor.u32 v12, v15  }
0x1d3: {  	v2 =	vld [tilespmem:s10+$0x2420];
	v20 =	vxor.u32 v15, v14;
	v6 =	vxor.u32 v6, v15;
	v15 =	vmul.f32 v8, v10  }
0x1d4: {  	v11 =	vmul.f32 v13, v10;
	v21 =	vmul.f32 v13, v5  }
0x1d5: {  	v13 =	vand.u32 $0x7FFFF, v16;
	v22 =	vmul.f32 v8, v5;
	v5 =	vand.u32 $0x7FFFF, v7  }
0x1d6: {  	v14 =	vsub.f32 $1.000000000e+00, v4;
	v7 =	vand.u32 $0x7FFFF, v18;
	v16 =	vand.u32 $0x7FFFF, v20  }
0x1d7: {  	v18 =	vand.u32 $0x7FFFF, v19;
	v19 =	vand.u32 $0x7FFFF, v12;
	v20 =	vand.u32 $0x7FFFF, v9  }
0x1d8: {  	v6 =	vand.u32 $0x7FFFF, v6;
	v17 =	vmul.f32 v11, v4;
	v13 =	vadd.s32 v2, v13  }
0x1d9: {  	v12 =	vadd.s32 v2, v5;
	v9 =	vadd.s32 v2, v7;
	v8 =	vadd.s32 v2, v16  }
0x1da: {  	v10 =	vadd.s32 v2, v18;
	v7 =	vadd.s32 v2, v19;
	v5 =	vadd.s32 v2, v20  }
0x1db: {  	v19 =	vmul.f32 v14, v21;
	v18 =	vmul.f32 v21, v4;
	v6 =	vadd.s32 v2, v6  }
0x1dc: {  	s14 =	simm.s32 $0x10;
	s16 =	simm.s32 $0x80;
	v20 =	vmul.f32 v14, v22;
	v16 =	vshll.u32 v13, $0x1;
	[tilespmem:s12+$0x13A00] =	vst v17;
	v17 =	vmul.f32 v4, v22  }
.LBB2_10:
0x1dd: {  	p0 =	sne.s32 s16, $0x3C0;
	v21 =	vld [tilespmem:s14+$0x100];
	[tilespmem:s12+$0x13500] =	vst v19;
	v19 =	vshll.u32 v12, $0x1;
	v11 =	vmul.f32 v14, v11;
	v22 =	vshll.u32 v9, $0x1  }
0x1de: {  	v23 =	vshll.u32 v10, $0x1;
	v24 =	vshll.u32 v7, $0x1;
	[tilespmem:s12+$0x13600] =	vst v18;
	v18 =	vshll.u32 v8, $0x1  }
0x1df: {  	v26 =	vshll.u32 v6, $0x1;
	v14 =	vmul.f32 v14, v15;
	v25 =	vld [tilespmem:s14+$0x0];
	[tilespmem:s12+$0x13700] =	vst v20;
	v20 =	vshll.u32 v5, $0x1  }
0x1e0: {  	v16 =	vand.u32 $0xE, v16;
	v15 =	vmul.f32 v4, v15;
	v19 =	vand.u32 $0xE, v19;
	[tilespmem:s12+$0x13800] =	vst v17  }
0x1e1: {  	v18 =	vand.u32 $0xE, v18;
	v17 =	vand.u32 $0xE, v23;
	v4 =	vld [tilespmem:s14+$0x200];
	[tilespmem:s12+$0x13900] =	vst v11;
	v11 =	vand.u32 $0xE, v22  }
0x1e2: {  	v13 =	vshrl.u32 v13, $0x3;
	v22 =	vand.u32 $0xE, v24;
	v21 =	vmul.f32 v21, v3;
	[tilespmem:s12+$0x14700] =	vst v16  }
0x1e3: {  	v12 =	vshrl.u32 v12, $0x3;
	v16 =	vand.u32 $0xE, v20;
	[tilespmem:s12+$0x14800] =	vst v19;
	v19 =	vand.u32 $0xE, v26  }
0x1e4: {  	v9 =	vshrl.u32 v9, $0x3;
	v20 =	vmul.f32 v25, v3;
	v23 =	vtrunc.f32 v21;
	[tilespmem:s12+$0x14B00] =	vst v11  }
0x1e5: {  	v10 =	vshrl.u32 v10, $0x3;
	v8 =	vshrl.u32 v8, $0x3;
	v11 =	vcvt.f32.s32 v23;
	[tilespmem:s12+$0x14C00] =	vst v18  }
0x1e6: {  	v7 =	vshrl.u32 v7, $0x3;
	v4 =	vmul.f32 v4, v3;
	v18 =	vtrunc.f32 v20;
	[tilespmem:s12+$0x14500] =	vst v17  }
0x1e7: {  	v17 =	vcvt.f32.s32 v18;
	v18 =	vcvt.s32.f32 v11;
	v23 =	vmul.u32 $0x9E3779B1, v11;
	[tilespmem:s12+$0x14600] =	vst v22  }
0x1e8: {  	v6 =	vshrl.u32 v6, $0x3;
	v5 =	vshrl.u32 v5, $0x3;
	v11 =	vtrunc.f32 v4;
	[tilespmem:s12+$0x2700] =	vst v13  }
0x1e9: {  	v11 =	vcvt.f32.s32 v11;
	v13 =	vcvt.s32.f32 v17;
	v18 =	vsub.f32 v21, v18;
	[tilespmem:s12+$0x2800] =	vst v12  }
0x1ea: {  	v12 =	vadd.s32 $0x1, v17;
	v21 =	vadd.s32 $0x9E3779B1, v23;
	v22 =	vxor.u32 v17, v23;
	[tilespmem:s12+$0x14900] =	vst v16  }
0x1eb: {  	v16 =	vsub.f32 v20, v13;
	v13 =	vcvt.s32.f32 v11;
	v20 =	vsub.f32 $1.000000000e+00, v18;
	[tilespmem:s12+$0x14A00] =	vst v19  }
0x1ec: {  	v17 =	vxor.u32 v17, v21;
	v21 =	vxor.u32 v12, v21;
	v19 =	vmul.u32 $0x30025795, v11;
	[tilespmem:s12+$0x2B00] =	vst v9  }
0x1ed: {  	v4 =	vsub.f32 v4, v13;
	v9 =	vsub.f32 $1.000000000e+00, v16;
	v11 =	vmul.f32 v20, v16;
	[tilespmem:s12+$0x13B00] =	vst v14  }
0x1ee: {  	v12 =	vxor.u32 v12, v23;
	v13 =	vadd.s32 $0x30025795, v19;
	v14 =	vxor.u32 v19, v17;
	[tilespmem:s12+$0x2C00] =	vst v8  }
0x1ef: {  	v23 =	vxor.u32 v19, v21;
	v8 =	vxor.u32 v13, v17;
	v17 =	vmul.f32 v11, v4;
	[tilespmem:s12+$0x13C00] =	vst v15  }
0x1f0: {  	v21 =	vxor.u32 v13, v21;
	v15 =	vxor.u32 v19, v22;
	v22 =	vxor.u32 v22, v13;
	[tilespmem:s12+$0x2500] =	vst v10  }
0x1f1: {  	v20 =	vmul.f32 v20, v9;
	v10 =	vxor.u32 v19, v12;
	v12 =	vxor.u32 v12, v13;
	[tilespmem:s14+$0x13A00] =	vst v17  }
0x1f2: {  	v8 =	vand.u32 $0x7FFFF, v8;
	v13 =	vand.u32 $0x7FFFF, v14;
	v17 =	vmul.f32 v18, v9;
	[tilespmem:s12+$0x2600] =	vst v7  }
0x1f3: {  	v14 =	vsub.f32 $1.000000000e+00, v4;
	v19 =	vand.u32 $0x7FFFF, v21;
	v7 =	vand.u32 $0x7FFFF, v23;
	[tilespmem:s12+$0x2900] =	vst v5  }
0x1f4: {  	v21 =	vand.u32 $0x7FFFF, v22;
	v22 =	vand.u32 $0x7FFFF, v10;
	v5 =	vand.u32 $0x7FFFF, v15;
	[tilespmem:s12+$0x2A00] =	vst v6;
	s12 =	smov.u32 s14  }
.Ltmp3:
0x1f5: {  	v13 =	vadd.s32 v2, v13;
	v15 =	vmul.f32 v18, v16;
	v6 =	vand.u32 $0x7FFFF, v12;
	(pc) =	sbr.rel @p0 .LBB2_10-.Ltmp3, $4  }
0x1f6: {  	v9 =	vadd.s32 v2, v7;
	v12 =	vadd.s32 v2, v8;
	v8 =	vadd.s32 v2, v19  }
0x1f7: {  	v7 =	vadd.s32 v2, v21;
	v10 =	vadd.s32 v2, v5;
	v5 =	vadd.s32 v2, v22  }
0x1f8: {  	v18 =	vmul.f32 v20, v4;
	v19 =	vmul.f32 v14, v20;
	v6 =	vadd.s32 v2, v6  }
0x1f9: {  	v16 =	vshll.u32 v13, $0x1;
	s14 =	sshra.s32 s16, $0x2;
	s16 =	sadd.s32 $0x40, s16;
	v20 =	vmul.f32 v14, v17;
	v17 =	vmul.f32 v4, v17  }
0x1fa: {  	v21 =	vld [tilespmem:s14+$0x100];
	[tilespmem:s12+$0x13500] =	vst v19  }
0x1fb: {  	[tilespmem:s12+$0x13600] =	vst v18  }
0x1fc: {  	v11 =	vmul.f32 v14, v11;
	v18 =	vld [tilespmem:s14+$0x0];
	[tilespmem:s12+$0x13700] =	vst v20  }
0x1fd: {  	v19 =	vshll.u32 v12, $0x1;
	v37 =	vshll.u32 v10, $0x1;
	[tilespmem:s12+$0x13800] =	vst v17  }
0x1fe: {  	v22 =	vshll.u32 v7, $0x1;
	v24 =	vshll.u32 v8, $0x1;
	v16 =	vand.u32 $0xE, v16;
	v23 =	vld [tilespmem:s14+$0x200];
	[tilespmem:s12+$0x13900] =	vst v11  }
0x1ff: {  	v14 =	vmul.f32 v14, v15;
	v19 =	vand.u32 $0xE, v19;
	[tilespmem:s12+$0x14700] =	vst v16;
	v21 =	vmul.f32 v21, v3  }
0x200: {  	v4 =	vmul.f32 v4, v15;
	v13 =	vshrl.u32 v13, $0x3;
	v17 =	vshll.u32 v9, $0x1;
	[tilespmem:s12+$0x14800] =	vst v19  }
0x201: {  	v15 =	vand.u32 $0xE, v17;
	[tilespmem:s12+$0x2700] =	vst v13;
	v17 =	vmul.f32 v18, v3;
	v18 =	vtrunc.f32 v21  }
0x202: {  	v25 =	vshll.u32 v5, $0x1;
	v16 =	vand.u32 $0xE, v24;
	[tilespmem:s12+$0x14B00] =	vst v15;
	v18 =	vcvt.f32.s32 v18  }
0x203: {  	v15 =	vand.u32 $0xE, v37;
	[tilespmem:s12+$0x14C00] =	vst v16;
	v3 =	vmul.f32 v23, v3;
	v16 =	vtrunc.f32 v17  }
0x204: {  	v12 =	vshrl.u32 v12, $0x3;
	[tilespmem:s12+$0x14500] =	vst v15;
	v15 =	vcvt.f32.s32 v16;
	v16 =	vcvt.s32.f32 v18  }
0x205: {  	v9 =	vshrl.u32 v9, $0x3;
	v19 =	vand.u32 $0xE, v22;
	[tilespmem:s12+$0x2800] =	vst v12;
	v38 =	vtrunc.f32 v3  }
0x206: {  	[tilespmem:s12+$0x2B00] =	vst v9;
	v13 =	vcvt.f32.s32 v38;
	v39 =	vcvt.s32.f32 v15;
	v16 =	vsub.f32 v21, v16  }
0x207: {  	[tilespmem:s12+$0x14600] =	vst v19;
	v19 =	vand.u32 $0xE, v25  }
0x208: {  	[tilespmem:s12+$0x14900] =	vst v19;
	v12 =	vsub.f32 v17, v39;
	v17 =	vcvt.s32.f32 v13;
	v19 =	vsub.f32 $1.000000000e+00, v16  }
0x209: {  	v10 =	vshrl.u32 v10, $0x3;
	v8 =	vshrl.u32 v8, $0x3;
	v11 =	vshll.u32 v6, $0x1;
	[tilespmem:s12+$0x13B00] =	vst v14  }
0x20a: {  	[tilespmem:s12+$0x2C00] =	vst v8;
	v11 =	vand.u32 $0xE, v11;
	v3 =	vsub.f32 v3, v17;
	v9 =	vmul.f32 v19, v12  }
0x20b: {  	v7 =	vshrl.u32 v7, $0x3;
	v5 =	vshrl.u32 v5, $0x3;
	[tilespmem:s12+$0x14A00] =	vst v11;
	v11 =	vmul.u32 $0x9E3779B1, v18  }
0x20c: {  	v6 =	vshrl.u32 v6, $0x3;
	[tilespmem:s12+$0x13C00] =	vst v4;
	v14 =	vadd.s32 $0x1, v15;
	v40 =	vmul.f32 v9, v3  }
0x20d: {  	[tilespmem:s12+$0x2500] =	vst v10;
	v8 =	vxor.u32 v15, v11;
	v13 =	vmul.u32 $0x30025795, v13;
	v18 =	vsub.f32 $1.000000000e+00, v12  }
0x20e: {  	v17 =	vadd.s32 $0x9E3779B1, v11;
	v11 =	vxor.u32 v14, v11;
	v41 =	vsub.f32 $1.000000000e+00, v3;
	[tilespmem:s14+$0x13A00] =	vst v40  }
0x20f: {  	v4 =	vxor.u32 v15, v17;
	v15 =	vxor.u32 v14, v17;
	v19 =	vmul.f32 v19, v18;
	[tilespmem:s12+$0x2600] =	vst v7  }
0x210: {  	v17 =	vadd.s32 $0x30025795, v13;
	v10 =	vxor.u32 v13, v4;
	v9 =	vmul.f32 v41, v9;
	[tilespmem:s12+$0x2900] =	vst v5  }
0x211: {  	v4 =	vxor.u32 v17, v4;
	v18 =	vmul.f32 v16, v18;
	v5 =	vmul.f32 v41, v19;
	[tilespmem:s12+$0x2A00] =	vst v6  }
0x212: {  	v14 =	vxor.u32 v13, v15;
	v15 =	vxor.u32 v17, v15;
	v6 =	vmul.f32 v19, v3;
	[tilespmem:s14+$0x13900] =	vst v9  }
0x213: {  	v10 =	vand.u32 $0x7FFFF, v10;
	v7 =	vxor.u32 v13, v8;
	v19 =	vmul.f32 v41, v18;
	[tilespmem:s14+$0x13500] =	vst v5  }
0x214: {  	v5 =	vand.u32 $0x7FFFF, v14;
	v14 =	vand.u32 $0x7FFFF, v15;
	v15 =	vmul.f32 v3, v18;
	[tilespmem:s14+$0x13600] =	vst v6  }
0x215: {  	v4 =	vand.u32 $0x7FFFF, v4;
	v6 =	vand.u32 $0x7FFFF, v7;
	v7 =	vadd.s32 v2, v10;
	[tilespmem:s14+$0x13700] =	vst v19  }
0x216: {  	v4 =	vadd.s32 v2, v4;
	v10 =	vshll.u32 v7, $0x1;
	v7 =	vshrl.u32 v7, $0x3;
	[tilespmem:s14+$0x13800] =	vst v15  }
0x217: {  	v8 =	vxor.u32 v8, v17;
	v13 =	vxor.u32 v13, v11;
	v10 =	vand.u32 $0xE, v10;
	[tilespmem:s14+$0x2700] =	vst v7  }
0x218: {  	v5 =	vadd.s32 v2, v5;
	v15 =	vshll.u32 v4, $0x1;
	v4 =	vshrl.u32 v4, $0x3;
	[tilespmem:s14+$0x14700] =	vst v10  }
0x219: {  	v9 =	vadd.s32 v2, v14;
	v14 =	vshll.u32 v5, $0x1;
	v5 =	vshrl.u32 v5, $0x3;
	[tilespmem:s14+$0x2800] =	vst v4  }
0x21a: {  	v8 =	vand.u32 $0x7FFFF, v8;
	v6 =	vadd.s32 v2, v6;
	v15 =	vand.u32 $0xE, v15;
	[tilespmem:s14+$0x2B00] =	vst v5  }
0x21b: {  	v7 =	vmul.f32 v16, v12;
	v10 =	vshll.u32 v9, $0x1;
	v14 =	vand.u32 $0xE, v14;
	[tilespmem:s14+$0x14800] =	vst v15  }
0x21c: {  	v8 =	vadd.s32 v2, v8;
	v15 =	vshll.u32 v6, $0x1;
	v10 =	vand.u32 $0xE, v10;
	[tilespmem:s14+$0x14B00] =	vst v14  }
0x21d: {  	v14 =	vshll.u32 v8, $0x1;
	v3 =	vmul.f32 v3, v7;
	v15 =	vand.u32 $0xE, v15;
	[tilespmem:s14+$0x14C00] =	vst v10  }
0x21e: {  	v10 =	vxor.u32 v11, v17;
	v11 =	vand.u32 $0x7FFFF, v13;
	v13 =	vand.u32 $0xE, v14;
	[tilespmem:s14+$0x14500] =	vst v15  }
0x21f: {  	v10 =	vand.u32 $0x7FFFF, v10;
	v11 =	vadd.s32 v2, v11;
	[tilespmem:s14+$0x14600] =	vst v13  }
0x220: {  	[tilespmem:s14+$0x13C00] =	vst v3;
	v3 =	vshrl.u32 v8, $0x3;
	v2 =	vadd.s32 v2, v10;
	v10 =	vshll.u32 v11, $0x1  }
0x221: {  	[tilespmem:s14+$0x2600] =	vst v3;
	v10 =	vand.u32 $0xE, v10  }
0x222: {  	v12 =	vshll.u32 v2, $0x1;
	v2 =	vshrl.u32 v2, $0x3;
	[tilespmem:s14+$0x14900] =	vst v10  }
0x223: {  	v4 =	vand.u32 $0xE, v12;
	v10 =	vmul.f32 v41, v7;
	[tilespmem:s14+$0x2A00] =	vst v2  }
0x224: {  	[tilespmem:s14+$0x14A00] =	vst v4  }
0x225: {  	v4 =	vshrl.u32 v9, $0x3;
	[tilespmem:s14+$0x13B00] =	vst v10  }
0x226: {  	[tilespmem:s14+$0x2C00] =	vst v4;
	v4 =	vshrl.u32 v6, $0x3  }
0x227: {  	[tilespmem:s14+$0x2500] =	vst v4;
	v4 =	vshrl.u32 v11, $0x3  }
0x228: {  	s4 =	simm.s32 $0x2500;
	[tilespmem:s14+$0x2900] =	vst v4  }
0x229: {  	[tilespmem:s0], [sflag:$0x1] =	stream.indirect.gather [hbm4b:s5+s25], $0x10, s4, s25, $0xb8;
	[tilespmem:$0x15500] =	vst v63  }
0x22a: {  	s26 =	simm.s32 $0x2600  }
0x22b: {  	[tilespmem:s22], [sflag:$0x1] =	stream.indirect.gather [hbm4b:s5+s25], $0x10, s26, s25, $0xb8;
	[tilespmem:$0x15500] =	vst v63  }
0x22c: {  	s12 =	simm.s32 $0x2700  }
0x22d: {  	[tilespmem:s6], [sflag:$0x1] =	stream.indirect.gather [hbm4b:s5+s25], $0x10, s12, s25, $0xb8;
	[tilespmem:$0x15500] =	vst v63  }
0x22e: {  	s14 =	simm.s32 $0x2800  }
0x22f: {  	[tilespmem:s21], [sflag:$0x1] =	stream.indirect.gather [hbm4b:s5+s25], $0x10, s14, s25, $0xb8;
	[tilespmem:$0x15500] =	vst v63  }
0x230: {  	s16 =	simm.s32 $0x2900  }
0x231: {  	[tilespmem:s2], [sflag:$0x1] =	stream.indirect.gather [hbm4b:s5+s25], $0x10, s16, s25, $0xb8;
	[tilespmem:$0x15500] =	vst v63  }
0x232: {  	s18 =	simm.s32 $0x2A00  }
0x233: {  	[tilespmem:s28], [sflag:$0x1] =	stream.indirect.gather [hbm4b:s5+s25], $0x10, s18, s25, $0xb8;
	[tilespmem:$0x15500] =	vst v63  }
0x234: {  	s20 =	simm.s32 $0x2B00  }
0x235: {  	[tilespmem:s30], [sflag:$0x1] =	stream.indirect.gather [hbm4b:s5+s25], $0x10, s20, s25, $0xb8;
	[tilespmem:$0x15500] =	vst v63  }
0x236: {  	s23 =	simm.s32 $0x2C00  }
0x237: {  	[tilespmem:s9], [sflag:$0x1] =	stream.indirect.gather [hbm4b:s5+s25], $0x10, s23, s25, $0xb8;
	[tilespmem:$0x15500] =	vst v63  }
0x238: {  	_ =	swait.ge [sflag:s1], $0x1000  }
0x239: {  	[sflag:s1] =	ssyncset.done $0x0  }
0x23a: {  	[sflag:s1] =	ssyncadd.s32 $0xFFFFF000  }
0x23b: {  	_ =	swait.ge [sflag:s1], $0x1000  }
0x23c: {  	[sflag:s1] =	ssyncset.done $0x0  }
0x23d: {  	[sflag:s1] =	ssyncadd.s32 $0xFFFFF000  }
0x23e: {  	_ =	swait.ge [sflag:s1], $0x1000  }
0x23f: {  	[sflag:s1] =	ssyncset.done $0x0  }
0x240: {  	[sflag:s1] =	ssyncadd.s32 $0xFFFFF000  }
0x241: {  	_ =	swait.ge [sflag:s1], $0x1000  }
0x242: {  	[sflag:s1] =	ssyncset.done $0x0  }
0x243: {  	[sflag:s1] =	ssyncadd.s32 $0xFFFFF000  }
0x244: {  	_ =	swait.ge [sflag:s1], $0x1000  }
0x245: {  	[sflag:s1] =	ssyncset.done $0x0  }
0x246: {  	[sflag:s1] =	ssyncadd.s32 $0xFFFFF000  }
0x247: {  	_ =	swait.ge [sflag:s1], $0x1000  }
0x248: {  	[sflag:s1] =	ssyncset.done $0x0  }
0x249: {  	[sflag:s1] =	ssyncadd.s32 $0xFFFFF000  }
0x24a: {  	_ =	swait.ge [sflag:s1], $0x1000  }
0x24b: {  	[sflag:s1] =	ssyncset.done $0x0  }
0x24c: {  	[sflag:s1] =	ssyncadd.s32 $0xFFFFF000  }
0x24d: {  	_ =	swait.ge [sflag:s1], $0x1000  }
0x24e: {  	[sflag:s1] =	ssyncset.done $0x0  }
0x24f: {  	s12 =	simm.s32 $0x15100;
	[sflag:s1] =	ssyncadd.s32 $0xFFFFF000  }
0x250: {  	v2 =	vld [tilespmem:s12+$0xFFFFFD00]  }
0x251: {  	v3 =	vld [tilespmem:s12+$0xFFFFFC00]  }
0x252: {  	s14 =	simm.s32 $0x0;
	v5 =	vld [tilespmem:s12+$0xFFFFFE00]  }
0x253: {  	v4 =	vmov s14;
	v7 =	vld [tilespmem:s12+$0xFFFFFF00]  }
0x254: {  	v4 =	vshll.u32 v4, $0x4;
	v12 =	vld [tilespmem:s12+$0x0]  }
0x255: {  	v6 =	vor.u32 v0, v4;
	v16 =	vld [tilespmem:s12+$0x100]  }
0x256: {  	v48 =	vld [tilespmem:s12+$0x200];
	v4 =	vand.u32 $0x7, v2;
	v8 =	vand.u32 $0x7, v3;
	v9 =	vand.u32 $0xFFFFFFF8, v2  }
0x257: {  	v2 =	vadd.s32 $0x1, v2;
	v10 =	vadd.s32 $0x1, v3;
	v3 =	vand.u32 $0xFFFFFFF8, v3  }
0x258: {  	v14 =	vand.u32 $0x7, v5;
	v15 =	vadd.s32 $0x1, v7;
	v17 =	vand.u32 $0xFFFFFFF8, v5  }
0x259: {  	v18 =	vand.u32 $0xFFFFFFF8, v7;
	v7 =	vand.u32 $0x7, v7;
	v5 =	vadd.s32 $0x1, v5  }
0x25a: {  	v43 =	vadd.s32 $0x1, v12;
	v47 =	vand.u32 $0xFFFFFFF8, v12;
	v12 =	vand.u32 $0x7, v12  }
0x25b: {  	v53 =	vand.u32 $0x7, v16;
	v54 =	vand.u32 $0x7, v48;
	v55 =	vand.u32 $0xFFFFFFF8, v48  }
0x25c: {  	s16 =	simm.s32 $0x14100;
	v21 =	vadd.s32 $0x1, v48;
	v9 =	vadd.s32 v6, v9;
	v11 =	vand.u32 $0x7, v10  }
0x25d: {  	v19 =	vld [tilespmem:s16+$0xFFFFFC00];
	v10 =	vand.u32 $0xFFFFFFF8, v10;
	v13 =	vand.u32 $0x7, v2;
	v3 =	vadd.s32 v6, v3  }
0x25e: {  	v49 =	vld [tilespmem:s16+$0xFFFFFD00];
	v44 =	vand.u32 $0xFFFFFFF8, v43;
	v46 =	vand.u32 $0xFFFFFFF8, v5;
	v18 =	vadd.s32 v6, v18  }
0x25f: {  	v52 =	vld [tilespmem:s16+$0xFFFFFE00];
	v23 =	vadd.s32 v6, v47;
	v50 =	vand.u32 $0x7, v5;
	v9 =	vor.u32 v4, v9  }
0x260: {  	v5 =	vld [tilespmem:s16+$0xFFFFFF00];
	v17 =	vadd.s32 v6, v17;
	v4 =	vand.u32 $0xFFFFFFF8, v2;
	v8 =	vor.u32 v8, v3  }
0x261: {  	v10 =	vadd.s32 v6, v10;
	v2 =	vld [tilespmem:s16+$0x200];
	v3 =	vand.u32 $0xFFFFFFF8, v15;
	v14 =	vor.u32 v14, v17  }
0x262: {  	v15 =	vand.u32 $0x7, v15;
	v17 =	vld [tilespmem:s12+$0x300];
	v4 =	vadd.s32 v6, v4;
	v10 =	vor.u32 v11, v10  }
0x263: {  	v45 =	vadd.s32 v6, v44;
	v42 =	vadd.s32 v6, v3;
	v3 =	vld [tilespmem:s16+$0x100];
	v13 =	vor.u32 v13, v4  }
0x264: {  	v22 =	vadd.s32 v6, v46;
	v11 =	vand.u32 $0x7, v43;
	v15 =	vor.u32 v15, v42;
	v9 =	vld.idx.msk [tilespmem:v9+s13+$0x0], $0xffff  }
0x265: {  	v7 =	vor.u32 v7, v18;
	v18 =	vand.u32 $0xFFFFFFF8, v16;
	v11 =	vor.u32 v11, v45;
	v8 =	vld.idx.msk [tilespmem:v8+s11+$0x0], $0xffff  }
0x266: {  	v25 =	vadd.s32 v6, v55;
	v51 =	vor.u32 v50, v22;
	v18 =	vadd.s32 v6, v18;
	v14 =	vld.idx.msk [tilespmem:v14+s15+$0x0], $0xffff  }
0x267: {  	v12 =	vor.u32 v12, v23;
	v23 =	vor.u32 v54, v25;
	v18 =	vor.u32 v53, v18;
	v10 =	vld.idx.msk [tilespmem:v10+s11+$0x0], $0xffff  }
0x268: {  	v58 =	vadd.s32 $0x1, v17;
	v62 =	vand.u32 $0xFFFFFFF8, v17;
	v17 =	vand.u32 $0x7, v17;
	v13 =	vld.idx.msk [tilespmem:v13+s13+$0x0], $0xffff  }
0x269: {  	v27 =	vld.idx.msk [tilespmem:v15+s17+$0x0], $0xffff;
	v26 =	vmul.f32 v49, v9;
	v9 =	vadd.s32 $0x1, v16;
	v16 =	vand.u32 $0xFFFFFFF8, v21  }
0x26a: {  	v15 =	vand.u32 $0x7, v21;
	v59 =	vmul.f32 v19, v8;
	v8 =	vld.idx.msk [tilespmem:v11+s19+$0x0], $0xffff;
	v16 =	vadd.s32 v6, v16  }
0x26b: {  	v11 =	vand.u32 $0xFFFFFFF8, v58;
	v56 =	vand.u32 $0xFFFFFFF8, v9;
	v15 =	vor.u32 v15, v16;
	v16 =	vld.idx.msk [tilespmem:v51+s15+$0x0], $0xffff  }
0x26c: {  	v4 =	vld [tilespmem:s16+$0x0];
	v9 =	vand.u32 $0x7, v9;
	v10 =	vmul.f32 v19, v10;
	v57 =	vadd.s32 v6, v56  }
0x26d: {  	v19 =	vand.u32 $0x7, v58;
	v11 =	vadd.s32 v6, v11;
	v20 =	vor.u32 v9, v57;
	v9 =	vld.idx.msk [tilespmem:v12+s19+$0x0], $0xffff  }
0x26e: {  	v60 =	vadd.f32 $0.0e+00, v59;
	v13 =	vmul.f32 v49, v13;
	v12 =	vld.idx.msk [tilespmem:v7+s17+$0x0], $0xffff;
	v61 =	vadd.f32 $0.0e+00, v10  }
0x26f: {  	v63 =	vmul.f32 v52, v14;
	v14 =	vadd.s32 v6, v62;
	v11 =	vor.u32 v19, v11;
	v7 =	vld.idx.msk [tilespmem:v23+s31+$0x0], $0xffff  }
0x270: {  	v21 =	vadd.f32 v26, v60;
	v24 =	vadd.f32 v13, v61;
	v13 =	vld.idx.msk [tilespmem:v18+s3+$0x0], $0xffff;
	v16 =	vmul.f32 v52, v16  }
0x271: {  	s26 =	sand.u32 $0x400, s14;
	s18 =	sand.u32 $0x70, s14;
	v14 =	vor.u32 v17, v14;
	v10 =	vld.idx.msk [tilespmem:v15+s31+$0x0], $0xffff  }
0x272: {  	s18 =	sor.u32 s26, s18;
	s20 =	simm.s32 $0x10;
	v17 =	vmul.f32 v5, v27;
	v15 =	vadd.f32 v63, v21;
	v6 =	vld.idx.msk [tilespmem:v20+s3+$0x0], $0xffff;
	v16 =	vadd.f32 v16, v24  }
.LBB2_12:
0x273: {  	s14 =	sadd.s32 $0x80, s14  }
0x274: {  	v5 =	vmul.f32 v5, v12;
	v12 =	vld [tilespmem:s16+$0x300];
	s12 =	sadd.s32 $0x10, s12;
	s16 =	sadd.s32 $0x10, s16;
	s4 =	smov.u32 s20  }
0x275: {  	p0 =	sne.s32 s20, $0xF0;
	s20 =	sadd.s32 $0x10, s20;
	v8 =	vmul.f32 v4, v8;
	s23 =	sand.u32 $0x400, s14;
	v16 =	vadd.f32 v17, v16;
	v11 =	vld.idx.msk [tilespmem:v11+s24+$0x0], $0xffff  }
0x276: {  	v4 =	vmul.f32 v4, v9;
	s26 =	sand.u32 $0x70, s4;
	v5 =	vadd.f32 v5, v15;
	v9 =	vld.idx.msk [tilespmem:v14+s24+$0x0], $0xffff  }
0x277: {  	s23 =	sor.u32 s23, s26;
	v6 =	vmul.f32 v3, v6;
	v8 =	vadd.f32 v8, v16  }
0x278: {  	v3 =	vmul.f32 v3, v13;
	v4 =	vadd.f32 v4, v5  }
0x279: {  	v5 =	vadd.f32 v6, v8;
	v6 =	vmul.f32 v2, v10  }
0x27a: {  	v2 =	vmul.f32 v2, v7;
	v3 =	vadd.f32 v3, v4  }
0x27b: {  	v4 =	vmov s4;
	v7 =	vmul.f32 v12, v11;
	v5 =	vadd.f32 v6, v5  }
0x27c: {  	v4 =	vshll.u32 v4, $0x4;
	v2 =	vadd.f32 v2, v3;
	v3 =	vmul.f32 v12, v9  }
0x27d: {  	v6 =	vor.u32 v0, v4;
	v4 =	vadd.f32 v7, v5  }
0x27e: {  	s4 =	sadd.s32 s18, s8;
	s18 =	smov.u32 s23;
	v2 =	vadd.f32 v3, v2  }
0x27f: {  	[tilespmem:v1+s4+$0x480 ss:$0x1] =	vst.idx.msk $0xffff, v4  }
0x280: {  	[tilespmem:v1+s4+$0x400 ss:$0x1] =	vst.idx.msk $0xffff, v2  }
0x281: {  	v3 =	vld [tilespmem:s12+$0xFFFFFD00]  }
0x282: {  	v4 =	vld [tilespmem:s12+$0xFFFFFC00]  }
0x283: {  	v5 =	vld [tilespmem:s12+$0xFFFFFE00]  }
0x284: {  	v2 =	vld [tilespmem:s16+$0x200];
	_ =	sdelay $0x1  }
0x285: {  	v7 =	vand.u32 $0x7, v3;
	v8 =	vld [tilespmem:s12+$0xFFFFFF00]  }
0x286: {  	v10 =	vand.u32 $0xFFFFFFF8, v3;
	v3 =	vadd.s32 $0x1, v3;
	v9 =	vand.u32 $0x7, v4  }
0x287: {  	v11 =	vand.u32 $0xFFFFFFF8, v4;
	v4 =	vadd.s32 $0x1, v4;
	v10 =	vadd.s32 v6, v10;
	v12 =	vld [tilespmem:s12+$0x0]  }
0x288: {  	v13 =	vand.u32 $0x7, v4;
	v7 =	vor.u32 v7, v10;
	v10 =	vand.u32 $0xFFFFFFF8, v3  }
0x289: {  	v14 =	vand.u32 $0x7, v3;
	v4 =	vand.u32 $0xFFFFFFF8, v4;
	v10 =	vadd.s32 v6, v10;
	v15 =	vld [tilespmem:s12+$0x100]  }
0x28a: {  	v18 =	vand.u32 $0x7, v5;
	v16 =	vadd.s32 v6, v4;
	v17 =	vld [tilespmem:s16+$0xFFFFFC00];
	v4 =	vadd.s32 $0x1, v8  }
0x28b: {  	v3 =	vadd.s32 v6, v11;
	v11 =	vand.u32 $0xFFFFFFF8, v5;
	v19 =	vand.u32 $0xFFFFFFF8, v8  }
0x28c: {  	v9 =	vor.u32 v9, v3;
	v8 =	vand.u32 $0x7, v8;
	v3 =	vand.u32 $0xFFFFFFF8, v4  }
0x28d: {  	v20 =	vadd.s32 $0x1, v5;
	v21 =	vadd.s32 v6, v3;
	v5 =	vadd.s32 $0x1, v12;
	v3 =	vld [tilespmem:s16+$0x100]  }
0x28e: {  	v10 =	vor.u32 v14, v10;
	v14 =	vand.u32 $0x7, v4;
	v22 =	vand.u32 $0xFFFFFFF8, v5;
	v4 =	vld [tilespmem:s16+$0x0]  }
0x28f: {  	v13 =	vor.u32 v13, v16;
	v5 =	vand.u32 $0x7, v5;
	v16 =	vadd.s32 v6, v22;
	v7 =	vld.idx.msk [tilespmem:v7+s13+$0x0], $0xffff  }
0x290: {  	v23 =	vand.u32 $0xFFFFFFF8, v12;
	v22 =	vand.u32 $0xFFFFFFF8, v20;
	v16 =	vor.u32 v5, v16;
	v24 =	vld [tilespmem:s12+$0x200]  }
0x291: {  	v19 =	vadd.s32 v6, v19;
	v23 =	vadd.s32 v6, v23;
	v22 =	vadd.s32 v6, v22;
	v5 =	vld [tilespmem:s16+$0xFFFFFF00]  }
0x292: {  	v12 =	vand.u32 $0x7, v12;
	v14 =	vor.u32 v14, v21;
	v20 =	vand.u32 $0x7, v20;
	v25 =	vld [tilespmem:s16+$0xFFFFFD00]  }
0x293: {  	v11 =	vadd.s32 v6, v11;
	v19 =	vor.u32 v8, v19;
	v20 =	vor.u32 v20, v22;
	v21 =	vld [tilespmem:s16+$0xFFFFFE00]  }
0x294: {  	v8 =	vor.u32 v18, v11;
	v11 =	vor.u32 v12, v23;
	v12 =	vand.u32 $0xFFFFFFF8, v15;
	v18 =	vld [tilespmem:s12+$0x300]  }
0x295: {  	v12 =	vadd.s32 v6, v12;
	v22 =	vand.u32 $0x7, v15;
	v9 =	vld.idx.msk [tilespmem:v9+s11+$0x0], $0xffff;
	v23 =	vand.u32 $0x7, v24  }
0x296: {  	v22 =	vor.u32 v22, v12;
	v12 =	vand.u32 $0xFFFFFFF8, v24;
	v24 =	vadd.s32 $0x1, v24;
	v13 =	vld.idx.msk [tilespmem:v13+s11+$0x0], $0xffff  }
0x297: {  	v10 =	vld.idx.msk [tilespmem:v10+s13+$0x0], $0xffff;
	v26 =	vmul.f32 v25, v7;
	v7 =	vadd.s32 $0x1, v15;
	v15 =	vand.u32 $0xFFFFFFF8, v24  }
0x298: {  	v12 =	vadd.s32 v6, v12;
	v27 =	vld.idx.msk [tilespmem:v14+s17+$0x0], $0xffff;
	v14 =	vand.u32 $0x7, v24;
	v15 =	vadd.s32 v6, v15  }
0x299: {  	v23 =	vor.u32 v23, v12;
	v24 =	vld.idx.msk [tilespmem:v8+s15+$0x0], $0xffff;
	v8 =	vand.u32 $0xFFFFFFF8, v7;
	v14 =	vor.u32 v14, v15  }
0x29a: {  	v7 =	vand.u32 $0x7, v7;
	v15 =	vld.idx.msk [tilespmem:v20+s15+$0x0], $0xffff;
	v12 =	vadd.s32 v6, v8;
	v20 =	vadd.s32 $0x1, v18  }
0x29b: {  	v28 =	vmul.f32 v17, v9;
	v8 =	vld.idx.msk [tilespmem:v16+s19+$0x0], $0xffff;
	v16 =	vor.u32 v7, v12;
	v7 =	vand.u32 $0xFFFFFFF8, v20  }
0x29c: {  	v13 =	vmul.f32 v17, v13;
	v9 =	vld.idx.msk [tilespmem:v11+s19+$0x0], $0xffff;
	v11 =	vand.u32 $0x7, v20;
	v7 =	vadd.s32 v6, v7  }
0x29d: {  	v17 =	vadd.f32 $0.0e+00, v28;
	v20 =	vmul.f32 v25, v10;
	v12 =	vld.idx.msk [tilespmem:v19+s17+$0x0], $0xffff;
	v11 =	vor.u32 v11, v7  }
.Ltmp4:
0x29e: {  	v13 =	vadd.f32 $0.0e+00, v13;
	v19 =	vand.u32 $0xFFFFFFF8, v18;
	v18 =	vand.u32 $0x7, v18;
	v7 =	vld.idx.msk [tilespmem:v23+s31+$0x0], $0xffff;
	(pc) =	sbr.rel @p0 .LBB2_12-.Ltmp4, $4  }
0x29f: {  	v17 =	vadd.f32 v26, v17;
	v23 =	vmul.f32 v21, v24;
	v10 =	vld.idx.msk [tilespmem:v14+s31+$0x0], $0xffff;
	v14 =	vadd.s32 v6, v19  }
0x2a0: {  	v19 =	vadd.f32 v20, v13;
	v20 =	vmul.f32 v21, v15;
	v6 =	vld.idx.msk [tilespmem:v16+s3+$0x0], $0xffff;
	v14 =	vor.u32 v18, v14  }
0x2a1: {  	v15 =	vadd.f32 v23, v17;
	v13 =	vld.idx.msk [tilespmem:v22+s3+$0x0], $0xffff  }
0x2a2: {  	v17 =	vmul.f32 v5, v27;
	v16 =	vadd.f32 v20, v19  }
0x2a3: {  	_ =	sdelay $0x1  }
0x2a4: {  	v5 =	vmul.f32 v5, v12  }
0x2a5: {  	v12 =	vld [tilespmem:s16+$0x300];
	v8 =	vmul.f32 v4, v8;
	v16 =	vadd.f32 v17, v16  }
0x2a6: {  	v11 =	vld.idx.msk [tilespmem:v11+s24+$0x0], $0xffff;
	v4 =	vmul.f32 v4, v9;
	v5 =	vadd.f32 v5, v15  }
0x2a7: {  	v9 =	vld.idx.msk [tilespmem:v14+s24+$0x0], $0xffff;
	v6 =	vmul.f32 v3, v6;
	v8 =	vadd.f32 v8, v16  }
0x2a8: {  	v3 =	vmul.f32 v3, v13;
	v4 =	vadd.f32 v4, v5  }
0x2a9: {  	v5 =	vadd.f32 v6, v8;
	v6 =	vmul.f32 v2, v10  }
0x2aa: {  	v2 =	vmul.f32 v2, v7;
	v3 =	vadd.f32 v3, v4  }
0x2ab: {  	v4 =	vadd.f32 v6, v5;
	v5 =	vmul.f32 v12, v11  }
0x2ac: {  	v2 =	vadd.f32 v2, v3;
	v3 =	vmul.f32 v12, v9  }
0x2ad: {  	v4 =	vadd.f32 v5, v4  }
0x2ae: {  	s4 =	sadd.s32 s18, s8;
	v2 =	vadd.f32 v3, v2  }
0x2af: {  	[tilespmem:v1+s4+$0x480 ss:$0x1] =	vst.idx.msk $0xffff, v4  }
0x2b0: {  	[tilespmem:v1+s4+$0x400 ss:$0x1] =	vst.idx.msk $0xffff, v2  }
0x2b1: {  	s8 =	simm.s32 $0x0;
	v2 =	vld [tilespmem:s10+$0x2330]  }
0x2b2: {  	v1 =	vld [tilespmem:s8+$0x100]  }
0x2b3: {  	v3 =	vld [tilespmem:s8+$0x0];
	_ =	sdelay $0x2  }
0x2b4: {  	v4 =	vld [tilespmem:s8+$0x200]  }
0x2b5: {  	v1 =	vmul.f32 v1, v2  }
0x2b6: {  	v3 =	vmul.f32 v3, v2  }
0x2b7: {  	v5 =	vtrunc.f32 v1  }
0x2b8: {  	v6 =	vtrunc.f32 v3;
	v5 =	vcvt.f32.s32 v5  }
0x2b9: {  	v4 =	vmul.f32 v4, v2;
	v6 =	vcvt.f32.s32 v6  }
0x2ba: {  	v7 =	vcvt.s32.f32 v5  }
0x2bb: {  	v8 =	vtrunc.f32 v4;
	v5 =	vmul.u32 $0x9E3779B1, v5;
	v9 =	vcvt.s32.f32 v6  }
0x2bc: {  	v8 =	vcvt.f32.s32 v8;
	v7 =	vsub.f32 v1, v7;
	v1 =	vadd.s32 $0x1, v6  }
0x2bd: {  	v10 =	vadd.s32 $0x9E3779B1, v5;
	v11 =	vxor.u32 v6, v5;
	v9 =	vsub.f32 v3, v9  }
0x2be: {  	v3 =	vcvt.s32.f32 v8;
	v8 =	vmul.u32 $0x30025795, v8;
	v6 =	vxor.u32 v6, v10  }
0x2bf: {  	v13 =	vxor.u32 v1, v10;
	v5 =	vxor.u32 v1, v5;
	v12 =	vsub.f32 $1.000000000e+00, v7  }
0x2c0: {  	v3 =	vsub.f32 v4, v3;
	v4 =	vsub.f32 $1.000000000e+00, v9;
	v14 =	vadd.s32 $0x30025795, v8  }
0x2c1: {  	v15 =	vxor.u32 v8, v6;
	v17 =	vxor.u32 v8, v13;
	v18 =	vxor.u32 v8, v11  }
0x2c2: {  	v8 =	vxor.u32 v8, v5;
	v6 =	vxor.u32 v14, v6;
	v11 =	vxor.u32 v11, v14  }
0x2c3: {  	v1 =	vld [tilespmem:s10+$0x2430];
	v19 =	vxor.u32 v14, v13;
	v5 =	vxor.u32 v5, v14;
	v14 =	vmul.f32 v7, v9  }
0x2c4: {  	v10 =	vmul.f32 v12, v9;
	v20 =	vmul.f32 v12, v4  }
0x2c5: {  	v12 =	vand.u32 $0x7FFFF, v15;
	v21 =	vmul.f32 v7, v4;
	v4 =	vand.u32 $0x7FFFF, v6  }
0x2c6: {  	v13 =	vsub.f32 $1.000000000e+00, v3;
	v6 =	vand.u32 $0x7FFFF, v17;
	v15 =	vand.u32 $0x7FFFF, v19  }
0x2c7: {  	v17 =	vand.u32 $0x7FFFF, v18;
	v18 =	vand.u32 $0x7FFFF, v11;
	v19 =	vand.u32 $0x7FFFF, v8  }
0x2c8: {  	v5 =	vand.u32 $0x7FFFF, v5;
	v16 =	vmul.f32 v10, v3;
	v12 =	vadd.s32 v1, v12  }
0x2c9: {  	v11 =	vadd.s32 v1, v4;
	v8 =	vadd.s32 v1, v6;
	v7 =	vadd.s32 v1, v15  }
0x2ca: {  	v9 =	vadd.s32 v1, v17;
	v6 =	vadd.s32 v1, v18;
	v4 =	vadd.s32 v1, v19  }
0x2cb: {  	v18 =	vmul.f32 v13, v20;
	v17 =	vmul.f32 v20, v3;
	v5 =	vadd.s32 v1, v5  }
0x2cc: {  	s12 =	simm.s32 $0x80;
	s10 =	simm.s32 $0x10;
	v19 =	vmul.f32 v13, v21;
	v15 =	vshll.u32 v12, $0x1;
	[tilespmem:s8+$0x14200] =	vst v16;
	v16 =	vmul.f32 v3, v21  }
.LBB2_14:
0x2cd: {  	p0 =	sne.s32 s12, $0x3C0;
	v20 =	vld [tilespmem:s10+$0x100];
	[tilespmem:s8+$0x13D00] =	vst v18;
	v18 =	vshll.u32 v11, $0x1;
	v10 =	vmul.f32 v13, v10;
	v21 =	vshll.u32 v8, $0x1  }
0x2ce: {  	v22 =	vshll.u32 v9, $0x1;
	v23 =	vshll.u32 v6, $0x1;
	[tilespmem:s8+$0x13E00] =	vst v17;
	v17 =	vshll.u32 v7, $0x1  }
0x2cf: {  	v25 =	vshll.u32 v5, $0x1;
	v13 =	vmul.f32 v13, v14;
	v24 =	vld [tilespmem:s10+$0x0];
	[tilespmem:s8+$0x13F00] =	vst v19;
	v19 =	vshll.u32 v4, $0x1  }
0x2d0: {  	v15 =	vand.u32 $0xE, v15;
	v14 =	vmul.f32 v3, v14;
	v18 =	vand.u32 $0xE, v18;
	[tilespmem:s8+$0x14000] =	vst v16  }
0x2d1: {  	v17 =	vand.u32 $0xE, v17;
	v16 =	vand.u32 $0xE, v22;
	v3 =	vld [tilespmem:s10+$0x200];
	[tilespmem:s8+$0x14100] =	vst v10;
	v10 =	vand.u32 $0xE, v21  }
0x2d2: {  	v12 =	vshrl.u32 v12, $0x3;
	v21 =	vand.u32 $0xE, v23;
	v20 =	vmul.f32 v20, v2;
	[tilespmem:s8+$0x14F00] =	vst v15  }
0x2d3: {  	v11 =	vshrl.u32 v11, $0x3;
	v15 =	vand.u32 $0xE, v19;
	[tilespmem:s8+$0x15000] =	vst v18;
	v18 =	vand.u32 $0xE, v25  }
0x2d4: {  	v8 =	vshrl.u32 v8, $0x3;
	v19 =	vmul.f32 v24, v2;
	v22 =	vtrunc.f32 v20;
	[tilespmem:s8+$0x15300] =	vst v10  }
0x2d5: {  	v9 =	vshrl.u32 v9, $0x3;
	v7 =	vshrl.u32 v7, $0x3;
	v10 =	vcvt.f32.s32 v22;
	[tilespmem:s8+$0x15400] =	vst v17  }
0x2d6: {  	v6 =	vshrl.u32 v6, $0x3;
	v3 =	vmul.f32 v3, v2;
	v17 =	vtrunc.f32 v19;
	[tilespmem:s8+$0x14D00] =	vst v16  }
0x2d7: {  	v16 =	vcvt.f32.s32 v17;
	v17 =	vcvt.s32.f32 v10;
	v22 =	vmul.u32 $0x9E3779B1, v10;
	[tilespmem:s8+$0x14E00] =	vst v21  }
0x2d8: {  	v5 =	vshrl.u32 v5, $0x3;
	v4 =	vshrl.u32 v4, $0x3;
	v10 =	vtrunc.f32 v3;
	[tilespmem:s8+$0x2F00] =	vst v12  }
0x2d9: {  	v10 =	vcvt.f32.s32 v10;
	v12 =	vcvt.s32.f32 v16;
	v17 =	vsub.f32 v20, v17;
	[tilespmem:s8+$0x3000] =	vst v11  }
0x2da: {  	v11 =	vadd.s32 $0x1, v16;
	v20 =	vadd.s32 $0x9E3779B1, v22;
	v21 =	vxor.u32 v16, v22;
	[tilespmem:s8+$0x15100] =	vst v15  }
0x2db: {  	v15 =	vsub.f32 v19, v12;
	v12 =	vcvt.s32.f32 v10;
	v19 =	vsub.f32 $1.000000000e+00, v17;
	[tilespmem:s8+$0x15200] =	vst v18  }
0x2dc: {  	v16 =	vxor.u32 v16, v20;
	v20 =	vxor.u32 v11, v20;
	v18 =	vmul.u32 $0x30025795, v10;
	[tilespmem:s8+$0x3300] =	vst v8  }
0x2dd: {  	v3 =	vsub.f32 v3, v12;
	v8 =	vsub.f32 $1.000000000e+00, v15;
	v10 =	vmul.f32 v19, v15;
	[tilespmem:s8+$0x14300] =	vst v13  }
0x2de: {  	v11 =	vxor.u32 v11, v22;
	v12 =	vadd.s32 $0x30025795, v18;
	v13 =	vxor.u32 v18, v16;
	[tilespmem:s8+$0x3400] =	vst v7  }
0x2df: {  	v22 =	vxor.u32 v18, v20;
	v7 =	vxor.u32 v12, v16;
	v16 =	vmul.f32 v10, v3;
	[tilespmem:s8+$0x14400] =	vst v14  }
0x2e0: {  	v20 =	vxor.u32 v12, v20;
	v14 =	vxor.u32 v18, v21;
	v21 =	vxor.u32 v21, v12;
	[tilespmem:s8+$0x2D00] =	vst v9  }
0x2e1: {  	v19 =	vmul.f32 v19, v8;
	v9 =	vxor.u32 v18, v11;
	v11 =	vxor.u32 v11, v12;
	[tilespmem:s10+$0x14200] =	vst v16  }
0x2e2: {  	v7 =	vand.u32 $0x7FFFF, v7;
	v12 =	vand.u32 $0x7FFFF, v13;
	v16 =	vmul.f32 v17, v8;
	[tilespmem:s8+$0x2E00] =	vst v6  }
0x2e3: {  	v13 =	vsub.f32 $1.000000000e+00, v3;
	v18 =	vand.u32 $0x7FFFF, v20;
	v6 =	vand.u32 $0x7FFFF, v22;
	[tilespmem:s8+$0x3100] =	vst v4  }
0x2e4: {  	v20 =	vand.u32 $0x7FFFF, v21;
	v21 =	vand.u32 $0x7FFFF, v9;
	v4 =	vand.u32 $0x7FFFF, v14;
	[tilespmem:s8+$0x3200] =	vst v5;
	s8 =	smov.u32 s10  }
.Ltmp5:
0x2e5: {  	v12 =	vadd.s32 v1, v12;
	v14 =	vmul.f32 v17, v15;
	v5 =	vand.u32 $0x7FFFF, v11;
	(pc) =	sbr.rel @p0 .LBB2_14-.Ltmp5, $4  }
0x2e6: {  	v8 =	vadd.s32 v1, v6;
	v11 =	vadd.s32 v1, v7;
	v7 =	vadd.s32 v1, v18  }
0x2e7: {  	v6 =	vadd.s32 v1, v20;
	v9 =	vadd.s32 v1, v4;
	v4 =	vadd.s32 v1, v21  }
0x2e8: {  	v17 =	vmul.f32 v19, v3;
	v18 =	vmul.f32 v13, v19;
	v5 =	vadd.s32 v1, v5  }
0x2e9: {  	v15 =	vshll.u32 v12, $0x1;
	s10 =	sshra.s32 s12, $0x2;
	s12 =	sadd.s32 $0x40, s12;
	v19 =	vmul.f32 v13, v16;
	v16 =	vmul.f32 v3, v16  }
0x2ea: {  	v20 =	vld [tilespmem:s10+$0x100];
	[tilespmem:s8+$0x13D00] =	vst v18  }
0x2eb: {  	[tilespmem:s8+$0x13E00] =	vst v17  }
0x2ec: {  	v10 =	vmul.f32 v13, v10;
	v17 =	vld [tilespmem:s10+$0x0];
	[tilespmem:s8+$0x13F00] =	vst v19  }
0x2ed: {  	v45 =	vshll.u32 v11, $0x1;
	[tilespmem:s8+$0x14000] =	vst v16  }
0x2ee: {  	v46 =	vshll.u32 v8, $0x1;
	v47 =	vshll.u32 v9, $0x1;
	v15 =	vand.u32 $0xE, v15;
	v22 =	vld [tilespmem:s10+$0x200];
	[tilespmem:s8+$0x14100] =	vst v10  }
0x2ef: {  	v21 =	vshll.u32 v6, $0x1;
	v18 =	vand.u32 $0xE, v45;
	[tilespmem:s8+$0x14F00] =	vst v15;
	v20 =	vmul.f32 v20, v2  }
0x2f0: {  	v23 =	vshll.u32 v7, $0x1;
	v24 =	vshll.u32 v4, $0x1;
	v50 =	vand.u32 $0xE, v46;
	[tilespmem:s8+$0x15000] =	vst v18  }
0x2f1: {  	v51 =	vand.u32 $0xE, v23;
	[tilespmem:s8+$0x15300] =	vst v50;
	v52 =	vmul.f32 v17, v2;
	v53 =	vtrunc.f32 v20  }
0x2f2: {  	v48 =	vshll.u32 v5, $0x1;
	v54 =	vand.u32 $0xE, v47;
	[tilespmem:s8+$0x15400] =	vst v51;
	v17 =	vcvt.f32.s32 v53  }
0x2f3: {  	v55 =	vand.u32 $0xE, v21;
	[tilespmem:s8+$0x14D00] =	vst v54;
	v2 =	vmul.f32 v22, v2;
	v56 =	vtrunc.f32 v52  }
0x2f4: {  	v12 =	vshrl.u32 v12, $0x3;
	[tilespmem:s8+$0x14E00] =	vst v55;
	v58 =	vcvt.f32.s32 v56;
	v59 =	vcvt.s32.f32 v17  }
0x2f5: {  	v57 =	vshrl.u32 v11, $0x3;
	v60 =	vand.u32 $0xE, v24;
	[tilespmem:s8+$0x2F00] =	vst v12;
	v61 =	vtrunc.f32 v2  }
0x2f6: {  	[tilespmem:s8+$0x3000] =	vst v57;
	v62 =	vcvt.f32.s32 v61;
	v63 =	vcvt.s32.f32 v58;
	v15 =	vsub.f32 v20, v59  }
0x2f7: {  	v49 =	vmul.f32 v13, v14;
	v3 =	vmul.f32 v3, v14;
	v21 =	vshrl.u32 v8, $0x3;
	[tilespmem:s8+$0x15100] =	vst v60  }
0x2f8: {  	[tilespmem:s8+$0x3300] =	vst v21;
	v25 =	vcvt.s32.f32 v62;
	v24 =	vsub.f32 v52, v63;
	v26 =	vsub.f32 $1.000000000e+00, v15  }
0x2f9: {  	v27 =	vshrl.u32 v6, $0x3;
	v29 =	vshrl.u32 v4, $0x3;
	v23 =	vshrl.u32 v7, $0x3;
	[tilespmem:s8+$0x14300] =	vst v49  }
0x2fa: {  	v30 =	vshrl.u32 v5, $0x3;
	[tilespmem:s8+$0x3400] =	vst v23;
	v2 =	vsub.f32 v2, v25;
	v31 =	vmul.f32 v26, v24  }
0x2fb: {  	v10 =	vand.u32 $0xE, v48;
	[tilespmem:s8+$0x14400] =	vst v3;
	v22 =	vshrl.u32 v9, $0x3;
	v28 =	vmul.u32 $0x9E3779B1, v17  }
0x2fc: {  	[tilespmem:s8+$0x15200] =	vst v10;
	v32 =	vadd.s32 $0x1, v58;
	v35 =	vsub.f32 $1.000000000e+00, v24;
	v36 =	vmul.f32 v31, v2  }
0x2fd: {  	[tilespmem:s8+$0x2D00] =	vst v22;
	v33 =	vadd.s32 $0x9E3779B1, v28;
	v12 =	vmul.u32 $0x30025795, v62;
	v34 =	vxor.u32 v58, v28  }
0x2fe: {  	v3 =	vxor.u32 v58, v33;
	v40 =	vsub.f32 $1.000000000e+00, v2;
	v18 =	vmul.f32 v26, v35;
	[tilespmem:s10+$0x14200] =	vst v36  }
0x2ff: {  	v37 =	vxor.u32 v32, v33;
	v38 =	vadd.s32 $0x30025795, v12;
	v39 =	vxor.u32 v12, v3;
	[tilespmem:s8+$0x2E00] =	vst v27  }
0x300: {  	v41 =	vxor.u32 v12, v37;
	v17 =	vmul.f32 v15, v35;
	v43 =	vmul.f32 v40, v18;
	[tilespmem:s8+$0x3100] =	vst v29  }
0x301: {  	v3 =	vxor.u32 v38, v3;
	v7 =	vxor.u32 v34, v38;
	v44 =	vmul.f32 v18, v2;
	[tilespmem:s8+$0x3200] =	vst v30  }
0x302: {  	v14 =	vxor.u32 v38, v37;
	v9 =	vand.u32 $0x7FFFF, v39;
	v45 =	vmul.f32 v40, v17;
	[tilespmem:s10+$0x13D00] =	vst v43  }
0x303: {  	v46 =	vand.u32 $0x7FFFF, v41;
	v3 =	vand.u32 $0x7FFFF, v3;
	v48 =	vmul.f32 v2, v17;
	[tilespmem:s10+$0x13E00] =	vst v44  }
0x304: {  	v47 =	vand.u32 $0x7FFFF, v14;
	v50 =	vadd.s32 v1, v9;
	v8 =	vmul.f32 v40, v31;
	[tilespmem:s10+$0x13F00] =	vst v45  }
0x305: {  	v7 =	vand.u32 $0x7FFFF, v7;
	v3 =	vadd.s32 v1, v3;
	v9 =	vshll.u32 v50, $0x1;
	[tilespmem:s10+$0x14000] =	vst v48  }
0x306: {  	v4 =	vadd.s32 v1, v46;
	v51 =	vshll.u32 v3, $0x1;
	v9 =	vand.u32 $0xE, v9;
	[tilespmem:s10+$0x14100] =	vst v8  }
0x307: {  	v53 =	vshll.u32 v4, $0x1;
	v7 =	vadd.s32 v1, v7;
	v14 =	vand.u32 $0xE, v51;
	[tilespmem:s10+$0x14F00] =	vst v9  }
0x308: {  	v13 =	vand.u32 $0xE, v53;
	v56 =	vshll.u32 v7, $0x1;
	[tilespmem:s10+$0x15000] =	vst v14  }
0x309: {  	v59 =	vand.u32 $0xE, v56;
	[tilespmem:s10+$0x15300] =	vst v13  }
0x30a: {  	v61 =	vmul.f32 v15, v24;
	v6 =	vshrl.u32 v50, $0x3;
	[tilespmem:s10+$0x14E00] =	vst v59  }
0x30b: {  	v10 =	vxor.u32 v32, v28;
	v3 =	vshrl.u32 v3, $0x3;
	[tilespmem:s10+$0x2F00] =	vst v6  }
0x30c: {  	v42 =	vxor.u32 v12, v34;
	v4 =	vshrl.u32 v4, $0x3;
	v63 =	vmul.f32 v40, v61;
	[tilespmem:s10+$0x3000] =	vst v3  }
0x30d: {  	v49 =	vand.u32 $0x7FFFF, v42;
	v52 =	vadd.s32 v1, v47;
	v2 =	vmul.f32 v2, v61;
	[tilespmem:s10+$0x3300] =	vst v4  }
0x30e: {  	v12 =	vxor.u32 v12, v10;
	v5 =	vadd.s32 v1, v49;
	v54 =	vshll.u32 v52, $0x1;
	[tilespmem:s10+$0x14300] =	vst v63  }
0x30f: {  	v58 =	vand.u32 $0x7FFFF, v12;
	v55 =	vshll.u32 v5, $0x1;
	v9 =	vand.u32 $0xE, v54;
	[tilespmem:s10+$0x14400] =	vst v2  }
0x310: {  	v57 =	vxor.u32 v10, v38;
	v10 =	vadd.s32 v1, v58;
	v14 =	vand.u32 $0xE, v55;
	[tilespmem:s10+$0x15400] =	vst v9  }
0x311: {  	v60 =	vshll.u32 v10, $0x1;
	v2 =	vshrl.u32 v7, $0x3;
	[tilespmem:s10+$0x14D00] =	vst v14;
	v9 =	vand.u32 $0x7FFFF, v57  }
0x312: {  	[tilespmem:s10+$0x2E00] =	vst v2;
	v1 =	vadd.s32 v1, v9;
	v9 =	vand.u32 $0xE, v60  }
0x313: {  	v62 =	vshll.u32 v1, $0x1;
	[tilespmem:s10+$0x15100] =	vst v9;
	v1 =	vshrl.u32 v1, $0x3  }
0x314: {  	v3 =	vand.u32 $0xE, v62;
	[tilespmem:s10+$0x3200] =	vst v1  }
0x315: {  	[tilespmem:s10+$0x15200] =	vst v3;
	v3 =	vshrl.u32 v52, $0x3  }
0x316: {  	[tilespmem:s10+$0x3400] =	vst v3;
	v3 =	vshrl.u32 v5, $0x3  }
0x317: {  	[tilespmem:s10+$0x2D00] =	vst v3;
	v3 =	vshrl.u32 v10, $0x3  }
0x318: {  	s4 =	simm.s32 $0x2D00;
	[tilespmem:s10+$0x3100] =	vst v3  }
0x319: {  	[tilespmem:s11], [sflag:$0x2] =	stream.indirect.gather [hbm4b:s5+s25], $0x10, s4, s25, $0xb8;
	[tilespmem:$0x15500] =	vst v63  }
0x31a: {  	s12 =	simm.s32 $0x2E00  }
0x31b: {  	[tilespmem:s13], [sflag:$0x2] =	stream.indirect.gather [hbm4b:s5+s25], $0x10, s12, s25, $0xb8;
	[tilespmem:$0x15500] =	vst v63  }
0x31c: {  	s14 =	simm.s32 $0x2F00  }
0x31d: {  	[tilespmem:s15], [sflag:$0x2] =	stream.indirect.gather [hbm4b:s5+s25], $0x10, s14, s25, $0xb8;
	[tilespmem:$0x15500] =	vst v63  }
0x31e: {  	s16 =	simm.s32 $0x3000  }
0x31f: {  	[tilespmem:s17], [sflag:$0x2] =	stream.indirect.gather [hbm4b:s5+s25], $0x10, s16, s25, $0xb8;
	[tilespmem:$0x15500] =	vst v63  }
0x320: {  	s18 =	simm.s32 $0x3100;
	s29 =	sadd.s32 $0x1, s29  }
0x321: {  	[tilespmem:s19], [sflag:$0x2] =	stream.indirect.gather [hbm4b:s5+s25], $0x10, s18, s25, $0xb8;
	[tilespmem:$0x15500] =	vst v63  }
0x322: {  	s20 =	simm.s32 $0x3200;
	p0 =	sne.s32 s29, $0x7  }
0x323: {  	[tilespmem:s3], [sflag:$0x2] =	stream.indirect.gather [hbm4b:s5+s25], $0x10, s20, s25, $0xb8;
	[tilespmem:$0x15500] =	vst v63  }
.Ltmp6:
0x324: {  	_ = 	snop;
	(pc) =	sbr.rel @p0 .LBB2_7-.Ltmp6, $4  }
0x325: {  	s23 =	simm.s32 $0x3300  }
0x326: {  	[tilespmem:s31], [sflag:$0x2] =	stream.indirect.gather [hbm4b:s5+s25], $0x10, s23, s25, $0xb8;
	[tilespmem:$0x15500] =	vst v63  }
0x327: {  	s26 =	simm.s32 $0x3400  }
0x328: {  	[tilespmem:s24], [sflag:$0x2] =	stream.indirect.gather [hbm4b:s5+s25], $0x10, s26, s25, $0xb8;
	[tilespmem:$0x15500] =	vst v63  }
0x329: {  	_ =	swait.ge [sflag:s7], $0x1000  }
0x32a: {  	[sflag:s7] =	ssyncset.done $0x0  }
0x32b: {  	[sflag:s7] =	ssyncadd.s32 $0xFFFFF000  }
0x32c: {  	_ =	swait.ge [sflag:s7], $0x1000  }
0x32d: {  	[sflag:s7] =	ssyncset.done $0x0  }
0x32e: {  	[sflag:s7] =	ssyncadd.s32 $0xFFFFF000  }
0x32f: {  	_ =	swait.ge [sflag:s7], $0x1000  }
0x330: {  	[sflag:s7] =	ssyncset.done $0x0  }
0x331: {  	[sflag:s7] =	ssyncadd.s32 $0xFFFFF000  }
0x332: {  	_ =	swait.ge [sflag:s7], $0x1000  }
0x333: {  	[sflag:s7] =	ssyncset.done $0x0  }
0x334: {  	[sflag:s7] =	ssyncadd.s32 $0xFFFFF000  }
0x335: {  	_ =	swait.ge [sflag:s7], $0x1000  }
0x336: {  	[sflag:s7] =	ssyncset.done $0x0  }
0x337: {  	[sflag:s7] =	ssyncadd.s32 $0xFFFFF000  }
0x338: {  	_ =	swait.ge [sflag:s7], $0x1000  }
0x339: {  	[sflag:s7] =	ssyncset.done $0x0  }
0x33a: {  	[sflag:s7] =	ssyncadd.s32 $0xFFFFF000  }
0x33b: {  	_ =	swait.ge [sflag:s7], $0x1000  }
0x33c: {  	[sflag:s7] =	ssyncset.done $0x0  }
0x33d: {  	[sflag:s7] =	ssyncadd.s32 $0xFFFFF000  }
0x33e: {  	_ =	swait.ge [sflag:s7], $0x1000  }
0x33f: {  	[sflag:s7] =	ssyncset.done $0x0  }
0x340: {  	s8 =	simm.s32 $0x14900;
	[sflag:s7] =	ssyncadd.s32 $0xFFFFF000  }
0x341: {  	v1 =	vld [tilespmem:s8+$0xFFFFFC00]  }
0x342: {  	v2 =	vld [tilespmem:s8+$0xFFFFFD00]  }
0x343: {  	s10 =	simm.s32 $0x0;
	v4 =	vld [tilespmem:s8+$0xFFFFFE00]  }
0x344: {  	v3 =	vmov s10;
	v8 =	vld [tilespmem:s8+$0xFFFFFF00]  }
0x345: {  	v3 =	vshll.u32 v3, $0x4  }
0x346: {  	v9 =	vor.u32 v0, v3;
	v3 =	vand.u32 $0xFFFFFFF8, v1;
	v5 =	vand.u32 $0x7, v1  }
0x347: {  	v1 =	vadd.s32 $0x1, v1;
	v7 =	vand.u32 $0x7, v2;
	v10 =	vand.u32 $0xFFFFFFF8, v2  }
0x348: {  	v2 =	vadd.s32 $0x1, v2;
	v11 =	vand.u32 $0xFFFFFFF8, v4;
	v12 =	vand.u32 $0x7, v4  }
0x349: {  	v13 =	vadd.s32 $0x1, v8;
	v4 =	vadd.s32 $0x1, v4;
	v14 =	vand.u32 $0xFFFFFFF8, v8  }
0x34a: {  	s12 =	simm.s32 $0x13900;
	v57 =	vld [tilespmem:s8+$0x100];
	v3 =	vadd.s32 v9, v3;
	v6 =	vand.u32 $0x7, v1;
	v1 =	vand.u32 $0xFFFFFFF8, v1  }
0x34b: {  	v18 =	vld [tilespmem:s12+$0xFFFFFD00];
	v15 =	vand.u32 $0xFFFFFFF8, v4;
	v3 =	vor.u32 v5, v3;
	v5 =	vadd.s32 v9, v10  }
0x34c: {  	v4 =	vand.u32 $0x7, v4;
	v1 =	vadd.s32 v9, v1;
	v10 =	vld [tilespmem:s8+$0x0];
	v5 =	vor.u32 v7, v5  }
0x34d: {  	v15 =	vadd.s32 v9, v15;
	v7 =	vand.u32 $0xFFFFFFF8, v2;
	v1 =	vor.u32 v6, v1;
	v6 =	vld [tilespmem:s8+$0x300]  }
0x34e: {  	v2 =	vand.u32 $0x7, v2;
	v4 =	vor.u32 v4, v15;
	v15 =	vld [tilespmem:s12+$0xFFFFFE00];
	v7 =	vadd.s32 v9, v7  }
0x34f: {  	v8 =	vand.u32 $0x7, v8;
	v24 =	vadd.s32 $0x1, v57;
	v2 =	vor.u32 v2, v7;
	v7 =	vld [tilespmem:s12+$0xFFFFFC00]  }
0x350: {  	v11 =	vadd.s32 v9, v11;
	v16 =	vand.u32 $0xFFFFFFF8, v13;
	v13 =	vand.u32 $0x7, v13;
	v3 =	vld.idx.msk [tilespmem:v3+s0+$0x0], $0xffff  }
0x351: {  	v14 =	vadd.s32 v9, v14;
	v16 =	vadd.s32 v9, v16;
	v17 =	vadd.s32 $0x1, v10;
	v5 =	vld.idx.msk [tilespmem:v5+s22+$0x0], $0xffff  }
0x352: {  	v8 =	vor.u32 v8, v14;
	v22 =	vand.u32 $0x7, v10;
	v20 =	vand.u32 $0xFFFFFFF8, v17;
	v1 =	vld.idx.msk [tilespmem:v1+s0+$0x0], $0xffff  }
0x353: {  	v10 =	vand.u32 $0xFFFFFFF8, v10;
	v17 =	vand.u32 $0x7, v17;
	v4 =	vld.idx.msk [tilespmem:v4+s6+$0x0], $0xffff;
	v20 =	vadd.s32 v9, v20  }
0x354: {  	v11 =	vor.u32 v12, v11;
	v10 =	vadd.s32 v9, v10;
	v17 =	vor.u32 v17, v20  }
0x355: {  	v21 =	vand.u32 $0x7, v6;
	v26 =	vand.u32 $0xFFFFFFF8, v6;
	v10 =	vor.u32 v22, v10;
	v2 =	vld.idx.msk [tilespmem:v2+s22+$0x0], $0xffff  }
0x356: {  	v3 =	vmul.f32 v7, v3;
	v14 =	vmul.f32 v18, v5;
	v5 =	vor.u32 v13, v16;
	v13 =	vld [tilespmem:s8+$0x200]  }
0x357: {  	v19 =	vld [tilespmem:s12+$0x0];
	v20 =	vand.u32 $0x7, v57;
	v16 =	vadd.s32 $0x1, v6;
	v1 =	vmul.f32 v7, v1  }
0x358: {  	v23 =	vld [tilespmem:s12+$0xFFFFFF00];
	v27 =	vmul.f32 v15, v4;
	v58 =	vadd.f32 $0.0e+00, v3;
	v3 =	vand.u32 $0xFFFFFFF8, v16  }
0x359: {  	v16 =	vand.u32 $0x7, v16;
	v7 =	vld.idx.msk [tilespmem:v17+s2+$0x0], $0xffff;
	v17 =	vand.u32 $0xFFFFFFF8, v57;
	v1 =	vadd.f32 $0.0e+00, v1  }
0x35a: {  	v10 =	vld.idx.msk [tilespmem:v10+s2+$0x0], $0xffff;
	v12 =	vadd.s32 v9, v17;
	v17 =	vand.u32 $0x7, v24;
	v24 =	vand.u32 $0xFFFFFFF8, v24  }
0x35b: {  	v8 =	vld.idx.msk [tilespmem:v8+s21+$0x0], $0xffff;
	v2 =	vmul.f32 v18, v2;
	v59 =	vadd.s32 v9, v24;
	v60 =	vadd.s32 $0x1, v13  }
0x35c: {  	v63 =	vadd.s32 v9, v3;
	v17 =	vor.u32 v17, v59;
	v61 =	vld.idx.msk [tilespmem:v5+s21+$0x0], $0xffff;
	v5 =	vand.u32 $0xFFFFFFF8, v60  }
0x35d: {  	v25 =	vld.idx.msk [tilespmem:v11+s6+$0x0], $0xffff;
	v12 =	vor.u32 v20, v12;
	v62 =	vand.u32 $0x7, v60;
	v3 =	vadd.s32 v9, v5  }
0x35e: {  	v2 =	vadd.f32 v2, v1;
	v1 =	vld [tilespmem:s12+$0x200];
	v11 =	vand.u32 $0xFFFFFFF8, v13;
	v20 =	vor.u32 v62, v3  }
0x35f: {  	v13 =	vand.u32 $0x7, v13;
	v11 =	vadd.s32 v9, v11;
	v4 =	vmul.f32 v19, v10;
	v5 =	vld [tilespmem:s12+$0x100]  }
0x360: {  	v10 =	vor.u32 v13, v11;
	v13 =	vadd.f32 v27, v2;
	v9 =	vadd.s32 v9, v26;
	v2 =	vld [tilespmem:s12+$0x300]  }
0x361: {  	v11 =	vor.u32 v16, v63;
	v3 =	vmul.f32 v19, v7;
	v7 =	vld.idx.msk [tilespmem:v17+s28+$0x0], $0xffff;
	v17 =	vmul.f32 v23, v61  }
0x362: {  	v6 =	vmul.f32 v23, v8;
	v8 =	vld.idx.msk [tilespmem:v12+s28+$0x0], $0xffff;
	v12 =	vor.u32 v21, v9  }
0x363: {  	s18 =	simm.s32 $0x10;
	s16 =	simm.s32 $0x0;
	s14 =	sand.u32 $0x400, s10;
	v15 =	vmul.f32 v15, v25;
	v14 =	vadd.f32 v14, v58;
	v13 =	vadd.f32 v17, v13;
	v9 =	vld.idx.msk [tilespmem:v20+s30+$0x0], $0xffff  }
.LBB2_17:
0x364: {  	s10 =	sadd.s32 $0x80, s10  }
0x365: {  	v14 =	vadd.f32 v15, v14;
	v10 =	vld.idx.msk [tilespmem:v10+s30+$0x0], $0xffff;
	s8 =	sadd.s32 $0x10, s8;
	s12 =	sadd.s32 $0x10, s12;
	s4 =	smov.u32 s18  }
0x366: {  	p0 =	sne.s32 s18, $0xF0;
	s18 =	sadd.s32 $0x10, s18;
	v7 =	vmul.f32 v5, v7;
	s20 =	sand.u32 $0x400, s10;
	v11 =	vld.idx.msk [tilespmem:v11+s9+$0x0], $0xffff  }
0x367: {  	v5 =	vmul.f32 v5, v8;
	v6 =	vadd.f32 v6, v14;
	v8 =	vld.idx.msk [tilespmem:v12+s9+$0x0], $0xffff  }
0x368: {  	v3 =	vadd.f32 v3, v13  }
0x369: {  	v4 =	vadd.f32 v4, v6  }
0x36a: {  	v3 =	vadd.f32 v7, v3;
	v6 =	vmul.f32 v1, v9  }
0x36b: {  	v1 =	vmul.f32 v1, v10;
	v4 =	vadd.f32 v5, v4  }
0x36c: {  	v5 =	vmov s4;
	v3 =	vadd.f32 v6, v3;
	v6 =	vmul.f32 v2, v11  }
0x36d: {  	v5 =	vshll.u32 v5, $0x4;
	v1 =	vadd.f32 v1, v4;
	v4 =	vmul.f32 v2, v8  }
0x36e: {  	s23 =	sand.u32 $0x70, s16;
	s16 =	smov.u32 s4;
	v2 =	vor.u32 v0, v5;
	v3 =	vadd.f32 v6, v3  }
0x36f: {  	s4 =	sor.u32 s14, s23;
	s14 =	smov.u32 s20;
	v1 =	vadd.f32 v4, v1  }
0x370: {  	[tilespmem:s4+$0x1D80] =	vst v3  }
0x371: {  	[tilespmem:s4+$0x1D00] =	vst v1  }
0x372: {  	v3 =	vld [tilespmem:s8+$0xFFFFFC00]  }
0x373: {  	v4 =	vld [tilespmem:s8+$0xFFFFFD00]  }
0x374: {  	v1 =	vld [tilespmem:s12+$0x200]  }
0x375: {  	v5 =	vld [tilespmem:s8+$0xFFFFFE00];
	_ =	sdelay $0x1  }
0x376: {  	v6 =	vand.u32 $0xFFFFFFF8, v3;
	v7 =	vand.u32 $0x7, v3;
	v3 =	vadd.s32 $0x1, v3  }
0x377: {  	v6 =	vadd.s32 v2, v6;
	v8 =	vand.u32 $0x7, v3;
	v9 =	vand.u32 $0x7, v4;
	v10 =	vld [tilespmem:s8+$0xFFFFFF00]  }
0x378: {  	v3 =	vand.u32 $0xFFFFFFF8, v3;
	v11 =	vand.u32 $0xFFFFFFF8, v4;
	v4 =	vadd.s32 $0x1, v4  }
0x379: {  	v6 =	vor.u32 v7, v6;
	v3 =	vadd.s32 v2, v3;
	v7 =	vadd.s32 v2, v11;
	v11 =	vld [tilespmem:s8+$0x0]  }
0x37a: {  	v7 =	vor.u32 v9, v7;
	v9 =	vand.u32 $0xFFFFFFF8, v4;
	v12 =	vand.u32 $0xFFFFFFF8, v5  }
0x37b: {  	v3 =	vor.u32 v8, v3;
	v4 =	vand.u32 $0x7, v4;
	v8 =	vadd.s32 v2, v9;
	v9 =	vld [tilespmem:s8+$0x300]  }
0x37c: {  	v4 =	vor.u32 v4, v8;
	v8 =	vand.u32 $0x7, v5;
	v13 =	vld [tilespmem:s12+$0xFFFFFC00];
	v14 =	vadd.s32 $0x1, v10  }
0x37d: {  	v12 =	vadd.s32 v2, v12;
	v5 =	vadd.s32 $0x1, v5;
	v15 =	vand.u32 $0xFFFFFFF8, v10;
	v16 =	vld [tilespmem:s12+$0x0]  }
0x37e: {  	v17 =	vand.u32 $0xFFFFFFF8, v5;
	v10 =	vand.u32 $0x7, v10;
	v18 =	vand.u32 $0xFFFFFFF8, v14;
	v6 =	vld.idx.msk [tilespmem:v6+s0+$0x0], $0xffff  }
0x37f: {  	v17 =	vadd.s32 v2, v17;
	v18 =	vadd.s32 v2, v18;
	v19 =	vadd.s32 $0x1, v11;
	v7 =	vld.idx.msk [tilespmem:v7+s22+$0x0], $0xffff  }
0x380: {  	v14 =	vand.u32 $0x7, v14;
	v21 =	vand.u32 $0xFFFFFFF8, v19;
	v20 =	vld [tilespmem:s12+$0xFFFFFD00];
	v22 =	vand.u32 $0x7, v9  }
0x381: {  	v23 =	vand.u32 $0x7, v11;
	v19 =	vand.u32 $0x7, v19;
	v21 =	vadd.s32 v2, v21;
	v3 =	vld.idx.msk [tilespmem:v3+s0+$0x0], $0xffff  }
0x382: {  	v5 =	vand.u32 $0x7, v5;
	v11 =	vand.u32 $0xFFFFFFF8, v11;
	v19 =	vor.u32 v19, v21;
	v21 =	vld [tilespmem:s8+$0x100]  }
0x383: {  	v15 =	vadd.s32 v2, v15;
	v5 =	vor.u32 v5, v17;
	v11 =	vadd.s32 v2, v11;
	v4 =	vld.idx.msk [tilespmem:v4+s22+$0x0], $0xffff  }
0x384: {  	v10 =	vor.u32 v10, v15;
	v11 =	vor.u32 v23, v11;
	v6 =	vmul.f32 v13, v6;
	v17 =	vld [tilespmem:s12+$0xFFFFFE00]  }
0x385: {  	v15 =	vmul.f32 v20, v7;
	v7 =	vor.u32 v14, v18;
	v14 =	vld [tilespmem:s8+$0x200];
	v18 =	vadd.s32 $0x1, v9  }
0x386: {  	v23 =	vadd.f32 $0.0e+00, v6;
	v24 =	vld [tilespmem:s12+$0xFFFFFF00];
	v6 =	vand.u32 $0xFFFFFFF8, v18;
	v18 =	vand.u32 $0x7, v18  }
0x387: {  	v3 =	vmul.f32 v13, v3;
	v13 =	vld.idx.msk [tilespmem:v19+s2+$0x0], $0xffff;
	v19 =	vand.u32 $0xFFFFFFF8, v21;
	v25 =	vadd.s32 $0x1, v21  }
0x388: {  	v8 =	vor.u32 v8, v12;
	v5 =	vld.idx.msk [tilespmem:v5+s6+$0x0], $0xffff;
	v12 =	vadd.s32 v2, v19;
	v19 =	vand.u32 $0x7, v25  }
0x389: {  	v3 =	vadd.f32 $0.0e+00, v3;
	v4 =	vmul.f32 v20, v4;
	v20 =	vand.u32 $0xFFFFFFF8, v25;
	v11 =	vld.idx.msk [tilespmem:v11+s2+$0x0], $0xffff  }
0x38a: {  	v21 =	vand.u32 $0x7, v21;
	v20 =	vadd.s32 v2, v20;
	v10 =	vld.idx.msk [tilespmem:v10+s21+$0x0], $0xffff;
	v25 =	vadd.s32 $0x1, v14  }
0x38b: {  	v12 =	vor.u32 v21, v12;
	v26 =	vadd.f32 v4, v3;
	v27 =	vld.idx.msk [tilespmem:v7+s21+$0x0], $0xffff;
	v7 =	vor.u32 v19, v20  }
0x38c: {  	v3 =	vand.u32 $0xFFFFFFF8, v25;
	v19 =	vand.u32 $0x7, v25;
	v20 =	vadd.s32 v2, v6  }
0x38d: {  	v4 =	vand.u32 $0xFFFFFFF8, v14;
	v6 =	vadd.s32 v2, v3;
	v21 =	vld.idx.msk [tilespmem:v8+s6+$0x0], $0xffff;
	v8 =	vand.u32 $0xFFFFFFF8, v9  }
0x38e: {  	v3 =	vmul.f32 v16, v13;
	v13 =	vadd.s32 v2, v4;
	v9 =	vand.u32 $0x7, v14  }
0x38f: {  	v14 =	vmul.f32 v17, v5;
	v4 =	vmul.f32 v16, v11;
	v16 =	vor.u32 v19, v6;
	v5 =	vld [tilespmem:s12+$0x100]  }
.Ltmp7:
0x390: {  	v2 =	vadd.s32 v2, v8;
	v6 =	vmul.f32 v24, v10;
	v10 =	vor.u32 v9, v13;
	v7 =	vld.idx.msk [tilespmem:v7+s28+$0x0], $0xffff;
	(pc) =	sbr.rel @p0 .LBB2_17-.Ltmp7, $4  }
0x391: {  	v11 =	vor.u32 v18, v20;
	v9 =	vadd.f32 v14, v26;
	v13 =	vmul.f32 v24, v27;
	v8 =	vld.idx.msk [tilespmem:v12+s28+$0x0], $0xffff  }
0x392: {  	v14 =	vadd.f32 v15, v23;
	v12 =	vor.u32 v22, v2  }
0x393: {  	v15 =	vmul.f32 v17, v21;
	v13 =	vadd.f32 v13, v9;
	v2 =	vld [tilespmem:s12+$0x300]  }
0x394: {  	v9 =	vld.idx.msk [tilespmem:v16+s30+$0x0], $0xffff  }
0x395: {  	_ =	sdelay $0x2  }
0x396: {  	v14 =	vadd.f32 v15, v14  }
0x397: {  	v10 =	vld.idx.msk [tilespmem:v10+s30+$0x0], $0xffff  }
0x398: {  	v11 =	vld.idx.msk [tilespmem:v11+s9+$0x0], $0xffff;
	v6 =	vadd.f32 v6, v14  }
0x399: {  	v7 =	vmul.f32 v5, v7;
	v12 =	vld.idx.msk [tilespmem:v12+s9+$0x0], $0xffff;
	v3 =	vadd.f32 v3, v13  }
0x39a: {  	v5 =	vmul.f32 v5, v8;
	v4 =	vadd.f32 v4, v6  }
0x39b: {  	v3 =	vadd.f32 v7, v3;
	v6 =	vmul.f32 v1, v9  }
0x39c: {  	v1 =	vmul.f32 v1, v10;
	v4 =	vadd.f32 v5, v4  }
0x39d: {  	v3 =	vadd.f32 v6, v3;
	v5 =	vmul.f32 v2, v11  }
0x39e: {  	v2 =	vmul.f32 v2, v12;
	v1 =	vadd.f32 v1, v4  }
0x39f: {  	s4 =	sand.u32 $0x70, s16;
	v3 =	vadd.f32 v5, v3  }
0x3a0: {  	s4 =	sor.u32 s14, s4;
	v1 =	vadd.f32 v2, v1  }
0x3a1: {  	[tilespmem:s4+$0x1D80] =	vst v3  }
0x3a2: {  	[tilespmem:s4+$0x1D00] =	vst v1  }
0x3a3: {  	_ =	swait.ge [sflag:s1], $0x1000  }
0x3a4: {  	[sflag:s1] =	ssyncset.done $0x0  }
0x3a5: {  	[sflag:s1] =	ssyncadd.s32 $0xFFFFF000  }
0x3a6: {  	_ =	swait.ge [sflag:s1], $0x1000  }
0x3a7: {  	[sflag:s1] =	ssyncset.done $0x0  }
0x3a8: {  	[sflag:s1] =	ssyncadd.s32 $0xFFFFF000  }
0x3a9: {  	_ =	swait.ge [sflag:s1], $0x1000  }
0x3aa: {  	[sflag:s1] =	ssyncset.done $0x0  }
0x3ab: {  	[sflag:s1] =	ssyncadd.s32 $0xFFFFF000  }
0x3ac: {  	_ =	swait.ge [sflag:s1], $0x1000  }
0x3ad: {  	[sflag:s1] =	ssyncset.done $0x0  }
0x3ae: {  	[sflag:s1] =	ssyncadd.s32 $0xFFFFF000  }
0x3af: {  	_ =	swait.ge [sflag:s1], $0x1000  }
0x3b0: {  	[sflag:s1] =	ssyncset.done $0x0  }
0x3b1: {  	[sflag:s1] =	ssyncadd.s32 $0xFFFFF000  }
0x3b2: {  	_ =	swait.ge [sflag:s1], $0x1000  }
0x3b3: {  	[sflag:s1] =	ssyncset.done $0x0  }
0x3b4: {  	[sflag:s1] =	ssyncadd.s32 $0xFFFFF000  }
0x3b5: {  	_ =	swait.ge [sflag:s1], $0x1000  }
0x3b6: {  	[sflag:s1] =	ssyncset.done $0x0  }
0x3b7: {  	[sflag:s1] =	ssyncadd.s32 $0xFFFFF000  }
0x3b8: {  	_ =	swait.ge [sflag:s1], $0x1000  }
0x3b9: {  	[sflag:s1] =	ssyncset.done $0x0  }
0x3ba: {  	s8 =	simm.s32 $0x15100;
	[sflag:s1] =	ssyncadd.s32 $0xFFFFF000  }
0x3bb: {  	v1 =	vld [tilespmem:s8+$0xFFFFFC00]  }
0x3bc: {  	v2 =	vld [tilespmem:s8+$0xFFFFFD00]  }
0x3bd: {  	s10 =	simm.s32 $0x0;
	v4 =	vld [tilespmem:s8+$0xFFFFFE00]  }
0x3be: {  	v3 =	vmov s10;
	v8 =	vld [tilespmem:s8+$0xFFFFFF00]  }
0x3bf: {  	v3 =	vshll.u32 v3, $0x4  }
0x3c0: {  	v9 =	vor.u32 v0, v3;
	v3 =	vand.u32 $0xFFFFFFF8, v1;
	v5 =	vand.u32 $0x7, v1  }
0x3c1: {  	v1 =	vadd.s32 $0x1, v1;
	v7 =	vand.u32 $0x7, v2;
	v10 =	vand.u32 $0xFFFFFFF8, v2  }
0x3c2: {  	v2 =	vadd.s32 $0x1, v2;
	v11 =	vand.u32 $0xFFFFFFF8, v4;
	v12 =	vand.u32 $0x7, v4  }
0x3c3: {  	v13 =	vadd.s32 $0x1, v8;
	v4 =	vadd.s32 $0x1, v4;
	v14 =	vand.u32 $0xFFFFFFF8, v8  }
0x3c4: {  	s12 =	simm.s32 $0x14100;
	v57 =	vld [tilespmem:s8+$0x100];
	v3 =	vadd.s32 v9, v3;
	v6 =	vand.u32 $0x7, v1;
	v1 =	vand.u32 $0xFFFFFFF8, v1  }
0x3c5: {  	v18 =	vld [tilespmem:s12+$0xFFFFFD00];
	v15 =	vand.u32 $0xFFFFFFF8, v4;
	v3 =	vor.u32 v5, v3;
	v5 =	vadd.s32 v9, v10  }
0x3c6: {  	v4 =	vand.u32 $0x7, v4;
	v1 =	vadd.s32 v9, v1;
	v10 =	vld [tilespmem:s8+$0x0];
	v5 =	vor.u32 v7, v5  }
0x3c7: {  	v15 =	vadd.s32 v9, v15;
	v7 =	vand.u32 $0xFFFFFFF8, v2;
	v1 =	vor.u32 v6, v1;
	v6 =	vld [tilespmem:s8+$0x300]  }
0x3c8: {  	v2 =	vand.u32 $0x7, v2;
	v4 =	vor.u32 v4, v15;
	v15 =	vld [tilespmem:s12+$0xFFFFFE00];
	v7 =	vadd.s32 v9, v7  }
0x3c9: {  	v8 =	vand.u32 $0x7, v8;
	v24 =	vadd.s32 $0x1, v57;
	v2 =	vor.u32 v2, v7;
	v7 =	vld [tilespmem:s12+$0xFFFFFC00]  }
0x3ca: {  	v11 =	vadd.s32 v9, v11;
	v16 =	vand.u32 $0xFFFFFFF8, v13;
	v13 =	vand.u32 $0x7, v13;
	v3 =	vld.idx.msk [tilespmem:v3+s11+$0x0], $0xffff  }
0x3cb: {  	v14 =	vadd.s32 v9, v14;
	v16 =	vadd.s32 v9, v16;
	v17 =	vadd.s32 $0x1, v10;
	v5 =	vld.idx.msk [tilespmem:v5+s13+$0x0], $0xffff  }
0x3cc: {  	v8 =	vor.u32 v8, v14;
	v22 =	vand.u32 $0x7, v10;
	v20 =	vand.u32 $0xFFFFFFF8, v17;
	v1 =	vld.idx.msk [tilespmem:v1+s11+$0x0], $0xffff  }
0x3cd: {  	v10 =	vand.u32 $0xFFFFFFF8, v10;
	v17 =	vand.u32 $0x7, v17;
	v4 =	vld.idx.msk [tilespmem:v4+s15+$0x0], $0xffff;
	v20 =	vadd.s32 v9, v20  }
0x3ce: {  	v11 =	vor.u32 v12, v11;
	v10 =	vadd.s32 v9, v10;
	v17 =	vor.u32 v17, v20  }
0x3cf: {  	v21 =	vand.u32 $0x7, v6;
	v26 =	vand.u32 $0xFFFFFFF8, v6;
	v10 =	vor.u32 v22, v10;
	v2 =	vld.idx.msk [tilespmem:v2+s13+$0x0], $0xffff  }
0x3d0: {  	v3 =	vmul.f32 v7, v3;
	v14 =	vmul.f32 v18, v5;
	v5 =	vor.u32 v13, v16;
	v13 =	vld [tilespmem:s8+$0x200]  }
0x3d1: {  	v19 =	vld [tilespmem:s12+$0x0];
	v20 =	vand.u32 $0x7, v57;
	v16 =	vadd.s32 $0x1, v6;
	v1 =	vmul.f32 v7, v1  }
0x3d2: {  	v23 =	vld [tilespmem:s12+$0xFFFFFF00];
	v27 =	vmul.f32 v15, v4;
	v58 =	vadd.f32 $0.0e+00, v3;
	v3 =	vand.u32 $0xFFFFFFF8, v16  }
0x3d3: {  	v16 =	vand.u32 $0x7, v16;
	v7 =	vld.idx.msk [tilespmem:v17+s19+$0x0], $0xffff;
	v17 =	vand.u32 $0xFFFFFFF8, v57;
	v1 =	vadd.f32 $0.0e+00, v1  }
0x3d4: {  	v10 =	vld.idx.msk [tilespmem:v10+s19+$0x0], $0xffff;
	v12 =	vadd.s32 v9, v17;
	v17 =	vand.u32 $0x7, v24;
	v24 =	vand.u32 $0xFFFFFFF8, v24  }
0x3d5: {  	v8 =	vld.idx.msk [tilespmem:v8+s17+$0x0], $0xffff;
	v2 =	vmul.f32 v18, v2;
	v59 =	vadd.s32 v9, v24;
	v60 =	vadd.s32 $0x1, v13  }
0x3d6: {  	v63 =	vadd.s32 v9, v3;
	v17 =	vor.u32 v17, v59;
	v61 =	vld.idx.msk [tilespmem:v5+s17+$0x0], $0xffff;
	v5 =	vand.u32 $0xFFFFFFF8, v60  }
0x3d7: {  	v25 =	vld.idx.msk [tilespmem:v11+s15+$0x0], $0xffff;
	v12 =	vor.u32 v20, v12;
	v62 =	vand.u32 $0x7, v60;
	v3 =	vadd.s32 v9, v5  }
0x3d8: {  	v2 =	vadd.f32 v2, v1;
	v1 =	vld [tilespmem:s12+$0x200];
	v11 =	vand.u32 $0xFFFFFFF8, v13;
	v20 =	vor.u32 v62, v3  }
0x3d9: {  	v13 =	vand.u32 $0x7, v13;
	v11 =	vadd.s32 v9, v11;
	v4 =	vmul.f32 v19, v10;
	v5 =	vld [tilespmem:s12+$0x100]  }
0x3da: {  	v10 =	vor.u32 v13, v11;
	v13 =	vadd.f32 v27, v2;
	v9 =	vadd.s32 v9, v26;
	v2 =	vld [tilespmem:s12+$0x300]  }
0x3db: {  	v11 =	vor.u32 v16, v63;
	v3 =	vmul.f32 v19, v7;
	v7 =	vld.idx.msk [tilespmem:v17+s3+$0x0], $0xffff;
	v17 =	vmul.f32 v23, v61  }
0x3dc: {  	v6 =	vmul.f32 v23, v8;
	v8 =	vld.idx.msk [tilespmem:v12+s3+$0x0], $0xffff;
	v12 =	vor.u32 v21, v9  }
0x3dd: {  	s18 =	simm.s32 $0x10;
	s16 =	simm.s32 $0x0;
	s14 =	sand.u32 $0x400, s10;
	v15 =	vmul.f32 v15, v25;
	v14 =	vadd.f32 v14, v58;
	v13 =	vadd.f32 v17, v13;
	v9 =	vld.idx.msk [tilespmem:v20+s31+$0x0], $0xffff  }
.LBB2_19:
0x3de: {  	s10 =	sadd.s32 $0x80, s10  }
0x3df: {  	v14 =	vadd.f32 v15, v14;
	v10 =	vld.idx.msk [tilespmem:v10+s31+$0x0], $0xffff;
	s8 =	sadd.s32 $0x10, s8;
	s12 =	sadd.s32 $0x10, s12;
	s4 =	smov.u32 s18  }
0x3e0: {  	p0 =	sne.s32 s18, $0xF0;
	s18 =	sadd.s32 $0x10, s18;
	v7 =	vmul.f32 v5, v7;
	s20 =	sand.u32 $0x400, s10;
	v11 =	vld.idx.msk [tilespmem:v11+s24+$0x0], $0xffff  }
0x3e1: {  	v5 =	vmul.f32 v5, v8;
	v6 =	vadd.f32 v6, v14;
	v8 =	vld.idx.msk [tilespmem:v12+s24+$0x0], $0xffff  }
0x3e2: {  	v3 =	vadd.f32 v3, v13  }
0x3e3: {  	v4 =	vadd.f32 v4, v6  }
0x3e4: {  	v3 =	vadd.f32 v7, v3;
	v6 =	vmul.f32 v1, v9  }
0x3e5: {  	v1 =	vmul.f32 v1, v10;
	v4 =	vadd.f32 v5, v4  }
0x3e6: {  	v5 =	vmov s4;
	v3 =	vadd.f32 v6, v3;
	v6 =	vmul.f32 v2, v11  }
0x3e7: {  	v5 =	vshll.u32 v5, $0x4;
	v1 =	vadd.f32 v1, v4;
	v4 =	vmul.f32 v2, v8  }
0x3e8: {  	s23 =	sand.u32 $0x70, s16;
	s16 =	smov.u32 s4;
	v2 =	vor.u32 v0, v5;
	v3 =	vadd.f32 v6, v3  }
0x3e9: {  	s4 =	sor.u32 s14, s23;
	s14 =	smov.u32 s20;
	v1 =	vadd.f32 v4, v1  }
0x3ea: {  	[tilespmem:s4+$0x1E80] =	vst v3  }
0x3eb: {  	[tilespmem:s4+$0x1E00] =	vst v1  }
0x3ec: {  	v3 =	vld [tilespmem:s8+$0xFFFFFC00]  }
0x3ed: {  	v4 =	vld [tilespmem:s8+$0xFFFFFD00]  }
0x3ee: {  	v1 =	vld [tilespmem:s12+$0x200]  }
0x3ef: {  	v5 =	vld [tilespmem:s8+$0xFFFFFE00];
	_ =	sdelay $0x1  }
0x3f0: {  	v6 =	vand.u32 $0xFFFFFFF8, v3;
	v7 =	vand.u32 $0x7, v3;
	v3 =	vadd.s32 $0x1, v3  }
0x3f1: {  	v6 =	vadd.s32 v2, v6;
	v8 =	vand.u32 $0x7, v3;
	v9 =	vand.u32 $0x7, v4;
	v10 =	vld [tilespmem:s8+$0xFFFFFF00]  }
0x3f2: {  	v3 =	vand.u32 $0xFFFFFFF8, v3;
	v11 =	vand.u32 $0xFFFFFFF8, v4;
	v4 =	vadd.s32 $0x1, v4  }
0x3f3: {  	v6 =	vor.u32 v7, v6;
	v3 =	vadd.s32 v2, v3;
	v7 =	vadd.s32 v2, v11;
	v11 =	vld [tilespmem:s8+$0x0]  }
0x3f4: {  	v7 =	vor.u32 v9, v7;
	v9 =	vand.u32 $0xFFFFFFF8, v4;
	v12 =	vand.u32 $0xFFFFFFF8, v5  }
0x3f5: {  	v3 =	vor.u32 v8, v3;
	v4 =	vand.u32 $0x7, v4;
	v8 =	vadd.s32 v2, v9;
	v9 =	vld [tilespmem:s8+$0x300]  }
0x3f6: {  	v4 =	vor.u32 v4, v8;
	v8 =	vand.u32 $0x7, v5;
	v13 =	vld [tilespmem:s12+$0xFFFFFC00];
	v14 =	vadd.s32 $0x1, v10  }
0x3f7: {  	v12 =	vadd.s32 v2, v12;
	v5 =	vadd.s32 $0x1, v5;
	v15 =	vand.u32 $0xFFFFFFF8, v10;
	v16 =	vld [tilespmem:s12+$0x0]  }
0x3f8: {  	v17 =	vand.u32 $0xFFFFFFF8, v5;
	v10 =	vand.u32 $0x7, v10;
	v18 =	vand.u32 $0xFFFFFFF8, v14;
	v6 =	vld.idx.msk [tilespmem:v6+s11+$0x0], $0xffff  }
0x3f9: {  	v17 =	vadd.s32 v2, v17;
	v18 =	vadd.s32 v2, v18;
	v19 =	vadd.s32 $0x1, v11;
	v7 =	vld.idx.msk [tilespmem:v7+s13+$0x0], $0xffff  }
0x3fa: {  	v14 =	vand.u32 $0x7, v14;
	v21 =	vand.u32 $0xFFFFFFF8, v19;
	v20 =	vld [tilespmem:s12+$0xFFFFFD00];
	v22 =	vand.u32 $0x7, v9  }
0x3fb: {  	v23 =	vand.u32 $0x7, v11;
	v19 =	vand.u32 $0x7, v19;
	v21 =	vadd.s32 v2, v21;
	v3 =	vld.idx.msk [tilespmem:v3+s11+$0x0], $0xffff  }
0x3fc: {  	v5 =	vand.u32 $0x7, v5;
	v11 =	vand.u32 $0xFFFFFFF8, v11;
	v19 =	vor.u32 v19, v21;
	v21 =	vld [tilespmem:s8+$0x100]  }
0x3fd: {  	v15 =	vadd.s32 v2, v15;
	v5 =	vor.u32 v5, v17;
	v11 =	vadd.s32 v2, v11;
	v4 =	vld.idx.msk [tilespmem:v4+s13+$0x0], $0xffff  }
0x3fe: {  	v10 =	vor.u32 v10, v15;
	v11 =	vor.u32 v23, v11;
	v6 =	vmul.f32 v13, v6;
	v17 =	vld [tilespmem:s12+$0xFFFFFE00]  }
0x3ff: {  	v15 =	vmul.f32 v20, v7;
	v7 =	vor.u32 v14, v18;
	v14 =	vld [tilespmem:s8+$0x200];
	v18 =	vadd.s32 $0x1, v9  }
0x400: {  	v23 =	vadd.f32 $0.0e+00, v6;
	v24 =	vld [tilespmem:s12+$0xFFFFFF00];
	v6 =	vand.u32 $0xFFFFFFF8, v18;
	v18 =	vand.u32 $0x7, v18  }
0x401: {  	v3 =	vmul.f32 v13, v3;
	v13 =	vld.idx.msk [tilespmem:v19+s19+$0x0], $0xffff;
	v19 =	vand.u32 $0xFFFFFFF8, v21;
	v25 =	vadd.s32 $0x1, v21  }
0x402: {  	v8 =	vor.u32 v8, v12;
	v5 =	vld.idx.msk [tilespmem:v5+s15+$0x0], $0xffff;
	v12 =	vadd.s32 v2, v19;
	v19 =	vand.u32 $0x7, v25  }
0x403: {  	v3 =	vadd.f32 $0.0e+00, v3;
	v4 =	vmul.f32 v20, v4;
	v20 =	vand.u32 $0xFFFFFFF8, v25;
	v11 =	vld.idx.msk [tilespmem:v11+s19+$0x0], $0xffff  }
0x404: {  	v21 =	vand.u32 $0x7, v21;
	v20 =	vadd.s32 v2, v20;
	v10 =	vld.idx.msk [tilespmem:v10+s17+$0x0], $0xffff;
	v25 =	vadd.s32 $0x1, v14  }
0x405: {  	v12 =	vor.u32 v21, v12;
	v26 =	vadd.f32 v4, v3;
	v27 =	vld.idx.msk [tilespmem:v7+s17+$0x0], $0xffff;
	v7 =	vor.u32 v19, v20  }
0x406: {  	v3 =	vand.u32 $0xFFFFFFF8, v25;
	v19 =	vand.u32 $0x7, v25;
	v20 =	vadd.s32 v2, v6  }
0x407: {  	v4 =	vand.u32 $0xFFFFFFF8, v14;
	v6 =	vadd.s32 v2, v3;
	v21 =	vld.idx.msk [tilespmem:v8+s15+$0x0], $0xffff;
	v8 =	vand.u32 $0xFFFFFFF8, v9  }
0x408: {  	v3 =	vmul.f32 v16, v13;
	v13 =	vadd.s32 v2, v4;
	v9 =	vand.u32 $0x7, v14  }
0x409: {  	v14 =	vmul.f32 v17, v5;
	v4 =	vmul.f32 v16, v11;
	v16 =	vor.u32 v19, v6;
	v5 =	vld [tilespmem:s12+$0x100]  }
.Ltmp8:
0x40a: {  	v2 =	vadd.s32 v2, v8;
	v6 =	vmul.f32 v24, v10;
	v10 =	vor.u32 v9, v13;
	v7 =	vld.idx.msk [tilespmem:v7+s3+$0x0], $0xffff;
	(pc) =	sbr.rel @p0 .LBB2_19-.Ltmp8, $4  }
0x40b: {  	v11 =	vor.u32 v18, v20;
	v9 =	vadd.f32 v14, v26;
	v13 =	vmul.f32 v24, v27;
	v8 =	vld.idx.msk [tilespmem:v12+s3+$0x0], $0xffff  }
0x40c: {  	v14 =	vadd.f32 v15, v23;
	v12 =	vor.u32 v22, v2  }
0x40d: {  	v15 =	vmul.f32 v17, v21;
	v13 =	vadd.f32 v13, v9;
	v2 =	vld [tilespmem:s12+$0x300]  }
0x40e: {  	v9 =	vld.idx.msk [tilespmem:v16+s31+$0x0], $0xffff  }
0x40f: {  	_ =	sdelay $0x2  }
0x410: {  	v14 =	vadd.f32 v15, v14  }
0x411: {  	v10 =	vld.idx.msk [tilespmem:v10+s31+$0x0], $0xffff  }
0x412: {  	v11 =	vld.idx.msk [tilespmem:v11+s24+$0x0], $0xffff;
	v6 =	vadd.f32 v6, v14  }
0x413: {  	v7 =	vmul.f32 v5, v7;
	v12 =	vld.idx.msk [tilespmem:v12+s24+$0x0], $0xffff;
	v3 =	vadd.f32 v3, v13  }
0x414: {  	v61 =	vmul.f32 v5, v8;
	v4 =	vadd.f32 v4, v6  }
0x415: {  	v3 =	vadd.f32 v7, v3;
	v62 =	vmul.f32 v1, v9  }
0x416: {  	v1 =	vmul.f32 v1, v10;
	v4 =	vadd.f32 v61, v4  }
0x417: {  	v63 =	vmul.f32 v2, v11;
	v3 =	vadd.f32 v62, v3  }
0x418: {  	s8 =	rddreg [dreg:$0x17];
	v2 =	vmul.f32 v2, v12;
	v1 =	vadd.f32 v1, v4  }
0x419: {  	s4 =	sand.u32 $0x70, s16;
	s10 =	rddreg [dreg:$0x16];
	v3 =	vadd.f32 v63, v3  }
0x41a: {  	s4 =	sor.u32 s14, s4;
	s8 =	sshll.u32 s8, $0xB;
	s10 =	sshll.u32 s10, $0x7;
	v1 =	vadd.f32 v2, v1  }
0x41b: {  	s12 =	simm.s32 $0x300;
	s14 =	rddreg [dreg:$0x2];
	s8 =	sor.u32 s10, s8;
	[tilespmem:s4+$0x1E80] =	vst v3  }
0x41c: {  	s16 =	rddreg [dreg:$0xc];
	s10 =	simm.s32 $0x0;
	[tilespmem:s4+$0x1E00] =	vst v1;
	s4 =	sadd.s32 s14, s8  }
0x41d: {  	[hbm4b:s4+s10] =	stream.linear.scatter [tilespmem:s12], [sflag:$0x3], $0x400, $0x38;
	[tilespmem:$0x15500] =	vst v63  }
0x41e: {  	s18 =	simm.s32 $0x700;
	s20 =	rddreg [dreg:$0xd];
	s4 =	sadd.s32 s8, s16  }
0x41f: {  	[hbm4b:s4+s10] =	stream.linear.scatter [tilespmem:s18], [sflag:$0x3], $0x400, $0x38;
	[tilespmem:$0x15500] =	vst v63  }
0x420: {  	s23 =	simm.s32 $0xB00;
	s26 =	rddreg [dreg:$0xe];
	s4 =	sadd.s32 s8, s20  }
0x421: {  	[hbm4b:s4+s10] =	stream.linear.scatter [tilespmem:s23], [sflag:$0x3], $0x400, $0x38;
	[tilespmem:$0x15500] =	vst v63  }
0x422: {  	s29 =	simm.s32 $0xF00;
	s12 =	rddreg [dreg:$0xf];
	s4 =	sadd.s32 s8, s26  }
0x423: {  	[hbm4b:s4+s10] =	stream.linear.scatter [tilespmem:s29], [sflag:$0x3], $0x400, $0x38;
	[tilespmem:$0x15500] =	vst v63  }
0x424: {  	s14 =	simm.s32 $0x1300;
	s16 =	rddreg [dreg:$0x10];
	s4 =	sadd.s32 s8, s12  }
0x425: {  	[hbm4b:s4+s10] =	stream.linear.scatter [tilespmem:s14], [sflag:$0x3], $0x400, $0x38;
	[tilespmem:$0x15500] =	vst v63  }
0x426: {  	s18 =	simm.s32 $0x1700;
	s4 =	sadd.s32 s8, s16  }
0x427: {  	[hbm4b:s4+s10] =	stream.linear.scatter [tilespmem:s18], [sflag:$0x3], $0x400, $0x38;
	[tilespmem:$0x15500] =	vst v63  }
0x428: {  	s18 =	rddreg [dreg:$0x15]  }
0x429: {  	s18 =	sadd.s32 $0x1, s18  }
0x42a: {  	p0 =	sne.s32 s18, $0x40  }
.Ltmp9:
0x42b: {  	s20 =	rddreg [dreg:$0x11];
	(pc) =	sbr.rel @p0 .LBB2_2-.Ltmp9, $4  }
0x42c: {  	s23 =	simm.s32 $0x1B00;
	s26 =	rddreg [dreg:$0x12];
	s4 =	sadd.s32 s8, s20  }
0x42d: {  	[hbm4b:s4+s10] =	stream.linear.scatter [tilespmem:s23], [sflag:$0x3], $0x400, $0x38;
	[tilespmem:$0x15500] =	vst v63  }
0x42e: {  	s29 =	simm.s32 $0x1F00;
	s4 =	sadd.s32 s8, s26  }
0x42f: {  	[hbm4b:s4+s10] =	stream.linear.scatter [tilespmem:s29], [sflag:$0x3], $0x400, $0x38;
	[tilespmem:$0x15500] =	vst v63  }
0x430: {  	s8 =	simm.s32 $0x3  }
0x431: {  	_ =	swait.ge [sflag:s8], $0x400  }
0x432: {  	[sflag:s8] =	ssyncset.done $0x0  }
0x433: {  	[sflag:s8] =	ssyncadd.s32 $0xFFFFFC00  }
0x434: {  	_ =	swait.ge [sflag:s8], $0x400  }
0x435: {  	[sflag:s8] =	ssyncset.done $0x0  }
0x436: {  	[sflag:s8] =	ssyncadd.s32 $0xFFFFFC00  }
0x437: {  	_ =	swait.ge [sflag:s8], $0x400  }
0x438: {  	[sflag:s8] =	ssyncset.done $0x0  }
0x439: {  	[sflag:s8] =	ssyncadd.s32 $0xFFFFFC00  }
0x43a: {  	_ =	swait.ge [sflag:s8], $0x400  }
0x43b: {  	[sflag:s8] =	ssyncset.done $0x0  }
0x43c: {  	[sflag:s8] =	ssyncadd.s32 $0xFFFFFC00  }
0x43d: {  	_ =	swait.ge [sflag:s8], $0x400  }
0x43e: {  	[sflag:s8] =	ssyncset.done $0x0  }
0x43f: {  	[sflag:s8] =	ssyncadd.s32 $0xFFFFFC00  }
0x440: {  	_ =	swait.ge [sflag:s8], $0x400  }
0x441: {  	[sflag:s8] =	ssyncset.done $0x0  }
0x442: {  	[sflag:s8] =	ssyncadd.s32 $0xFFFFFC00  }
0x443: {  	_ =	swait.ge [sflag:s8], $0x400  }
0x444: {  	[sflag:s8] =	ssyncset.done $0x0  }
0x445: {  	[sflag:s8] =	ssyncadd.s32 $0xFFFFFC00  }
0x446: {  	_ =	swait.ge [sflag:s8], $0x400  }
0x447: {  	s10 =	rddreg [dreg:$0x14]  }
0x448: {  	s4 =	rddreg [dreg:$0x13];
	s10 =	sadd.s32 $0x1, s10  }
0x449: {  	p0 =	sne.s32 s10, s4  }
.Ltmp10:
0x44a: {  	_ = 	snop;
	(pc) =	sbr.rel @p0 .LBB2_1-.Ltmp10, $3  }
0x44b: {  	_ =	sdelay $0x1  }
0x44c: {  	[sflag:s8] =	ssyncset.done $0x0  }
0x44d: {  	[sflag:s8] =	ssyncadd.s32 $0xFFFFFC00  }
0x44e: {  	_ =	sfence.sel $0x180000  }
0x44f: {  	[bflag:$0x0] =	sbarrier.arrive $0xFFFF  }
0x450: {  	_ =	strace $0x9000004A  }
0x451: {  	s0 =	stileid.u32;
	[bflag:$0x2] =	sbarrier.arrive $0xFFFF  }
0x452: {  	p0 =	sne.s32 s0, $0x0;
	s0 =	rddreg [dreg:$0x3]  }
0x453: {  	s0 =	sadd.s32 @!p0 $0x100000, s0  }
0x454: {  	[sflag:s0] =	ssyncadd.tile.s32 @!p0 $0x1;
	_ =	shalt  }
.Lfunc_end2:
_tile_overlayer_lowered:
.L_overlay_start_2:
0x455: {  	(tag) =	ssettag $0x2  }
0x456: {  	s0 =	rddreg [dreg:$0x0];
	s2 =	stileid.u32  }
0x457: {  	s1 =	rddreg [dreg:$0x1];
	p0 =	sne.s32 s2, $0x0  }
0x458: {  	s3 =	rddreg [dreg:$0x2];
	[bflag:$0x3] =	sbarrier.arrive $0xFFFF;
	s2 =	simm.s32 @!p0 $0x1C04  }
0x459: {  	[timem:s3], [sflag:s2] =	dma.local @!p0 [hbm:s0], s1  }
0x45a: {  	s0 =	simm.s32 @!p0 $0x4  }
0x45b: {  	_ =	swait.ge @!p0 [sflag:s0], s1  }
0x45c: {  	s1 =	ssub.s32 @!p0 $0x0, s1;
	[sflag:s0] =	ssyncset.done @!p0 $0x0  }
0x45d: {  	[sflag:s0] =	ssyncadd.s32 @!p0 s1  }
0x45e: {  	[bflag:$0x3] =	sbarrier.arrive $0xFFFF  }
0x45f: {  	_ =	shalt  }

</sc_bundles>
